<compile_context>
chip_gen: v7x
topology: tpu7x:2x2x1
jax: 0.10.2.dev20260603
libtpu: 0.0.44.dev20260713+nightly
codegen_flags: <defaults>
</compile_context>

<pallas_src>
import dataclasses
import functools

import jax
import jax.numpy as jnp
from jax import lax
from jax.experimental import pallas as pl
from jax.experimental.pallas import tpu as pltpu
from jax.experimental.pallas import tpu_sc as plsc

ALIGNED_H = 7
ALIGNED_W = 7
SPATIAL_SCALE = 0.25

_NC = 2
_NS = 16
_L = 16
_NW = _NC * _NS


@functools.cache
def _make_sc_blend(S, C2, G, W_IMG):
    ROWS = 4 * G
    WPW = S // (_NW * G)
    assert WPW % 2 == 0 and WPW >= 6
    mesh = plsc.VectorSubcoreMesh(core_axis_name="c", subcore_axis_name="s")
    cp = pltpu.CompilerParams()
    if "needs_layout_passes" in pltpu.CompilerParams.__dataclass_fields__:
        cp = dataclasses.replace(cp, needs_layout_passes=False)

    @functools.partial(
        pl.kernel,
        out_type=jax.ShapeDtypeStruct((S, C2), jnp.int32),
        mesh=mesh,
        compiler_params=cp,
        scratch_types=[
            pltpu.VMEM((2, G), jnp.int32),
            pltpu.VMEM((2, ROWS), jnp.int32),
            pltpu.VMEM((2, ROWS, C2), jnp.int32),
            pltpu.VMEM((2, 4, G), jnp.int32),
            pltpu.VMEM((2, G, C2), jnp.int32),
        ] + [pltpu.SemaphoreType.DMA] * 8,
    )
    def sc_blend(table_hbm, idx_hbm, w_hbm, out_hbm,
                 tl_v, idx_v, rows_v, w_v, out_v, *sems):
        isem, wsem, gsem, osem = sems[0:2], sems[2:4], sems[4:6], sems[6:8]
        wid = lax.axis_index("s") * _NC + lax.axis_index("c")

        def idx_copy(u, s):
            return pltpu.make_async_copy(
                idx_hbm.at[pl.ds((wid * WPW + u) * G, G)], tl_v.at[s], isem[s])

        def w_copy(u, s):
            return pltpu.make_async_copy(
                w_hbm.at[wid * WPW + u], w_v.at[s], wsem[s])

        def g_copy(isl, rsl):
            return pltpu.make_async_copy(
                table_hbm.at[idx_v.at[isl]], rows_v.at[rsl], gsem[rsl])

        def o_copy(u, s):
            return pltpu.make_async_copy(
                out_v.at[s], out_hbm.at[pl.ds((wid * WPW + u) * G, G)], osem[s])

        iv = lax.broadcasted_iota(jnp.int32, (_L,), 0)
        zv = iv * 0
        OFF = (0, 1, W_IMG, W_IMG + 1)

        def expand_idx(s):
            tlc = tl_v[s, pl.ds(0, _L)]
            for j in range(4):
                plsc.store_scatter(idx_v.at[s], [iv * 4 + j], tlc + OFF[j])

        def blend(rsl, wsl):
            @plsc.parallel_loop(0, G, step=1, unroll=2)
            def _samp(i):
                r = i * 4
                ws = [plsc.bitcast(
                          plsc.load_gather(w_v.at[wsl], [zv + j, zv + i]),
                          jnp.bfloat16)
                      for j in range(4)]
                for cc in range(C2 // _L):
                    sl = pl.ds(cc * _L, _L)
                    a = (plsc.bitcast(rows_v[rsl, r, sl], jnp.bfloat16) * ws[0]
                         + plsc.bitcast(rows_v[rsl, r + 1, sl], jnp.bfloat16) * ws[1])
                    b = (plsc.bitcast(rows_v[rsl, r + 2, sl], jnp.bfloat16) * ws[2]
                         + plsc.bitcast(rows_v[rsl, r + 3, sl], jnp.bfloat16) * ws[3])
                    out_v[rsl, i, sl] = plsc.bitcast(a + b, jnp.int32)

        for h in range(2):
            idx_copy(h, h).start()
            w_copy(h, h).start()
        idx_copy(0, 0).wait()
        expand_idx(0)
        g_copy(0, 0).start()

        @pl.loop(0, WPW, step=2)
        def _win(t):
            for h in range(2):
                u = t + h
                o = h ^ 1
                g_copy(h, h).wait()
                @pl.when(u + 2 < WPW)
                def _():
                    idx_copy(u + 2, h).start()
                if h == 1:
                    @pl.when(t + 2 < WPW)
                    def _():
                        idx_copy(0, o).wait()
                        expand_idx(o)
                        g_copy(o, o).start()
                else:
                    idx_copy(0, o).wait()
                    expand_idx(o)
                    g_copy(o, o).start()
                w_copy(0, h).wait()
                @pl.when(u >= 2)
                def _():
                    o_copy(0, h).wait()
                blend(h, h)
                o_copy(u, h).start()
                @pl.when(u + 2 < WPW)
                def _():
                    w_copy(u + 2, h).start()

        o_copy(0, 0).wait()
        o_copy(0, 1).wait()

    return sc_blend


def _prep(features, rois):
    B, C, H, W = features.shape
    N = rois.shape[0]
    AH, AW = ALIGNED_H, ALIGNED_W
    batch_idx = rois[:, 0].astype(jnp.int32)
    x1 = rois[:, 1] * SPATIAL_SCALE
    y1 = rois[:, 2] * SPATIAL_SCALE
    x2 = rois[:, 3] * SPATIAL_SCALE
    y2 = rois[:, 4] * SPATIAL_SCALE
    roi_w = jnp.maximum(x2 - x1, 0.0)
    roi_h = jnp.maximum(y2 - y1, 0.0)
    bin_w = roi_w / float(AW - 1)
    bin_h = roi_h / float(AH - 1)
    ph = jnp.arange(AH, dtype=jnp.float32)
    pw = jnp.arange(AW, dtype=jnp.float32)
    h = y1[:, None] + ph[None, :] * bin_h[:, None]
    w = x1[:, None] + pw[None, :] * bin_w[:, None]
    valid_h = (h >= 0) & (h < H)
    valid_w = (w >= 0) & (w < W)
    hs = jnp.minimum(jnp.floor(h), H - 2)
    ws = jnp.minimum(jnp.floor(w), W - 2)
    hs_i = jnp.clip(hs.astype(jnp.int32), 0, H - 2)
    ws_i = jnp.clip(ws.astype(jnp.int32), 0, W - 2)
    h_ratio = h - hs_i.astype(jnp.float32)
    w_ratio = w - ws_i.astype(jnp.float32)

    S = N * AH * AW
    valid = (valid_h[:, :, None] & valid_w[:, None, :]).astype(jnp.float32)
    hr = h_ratio[:, :, None]
    wr = w_ratio[:, None, :]
    w_pl = jnp.stack(
        [((1.0 - hr) * (1.0 - wr) * valid).reshape(S),
         ((1.0 - hr) * wr * valid).reshape(S),
         (hr * (1.0 - wr) * valid).reshape(S),
         (hr * wr * valid).reshape(S)],
        axis=0,
    )
    tl = (batch_idx[:, None, None] * (H * W)
          + hs_i[:, :, None] * W + ws_i[:, None, :])
    return tl.reshape(S).astype(jnp.int32), w_pl


def _to_bf16_bits(x):
    u = lax.bitcast_convert_type(x, jnp.uint32)
    return (u + 0x7FFF + ((u >> 16) & 1)) >> 16


def kernel(features, rois):
    B, C, H, W = features.shape
    N = rois.shape[0]
    AH, AW = ALIGNED_H, ALIGNED_W
    S = N * AH * AW
    G = 16
    NCHUNK = 2
    assert S % (NCHUNK * _NW * G * 2) == 0 and N % NCHUNK == 0

    t = jnp.transpose(features, (0, 2, 3, 1)).reshape(B * H * W, C)
    lo = _to_bf16_bits(t[:, :C // 2])
    hi = _to_bf16_bits(t[:, C // 2:])
    table = ((hi << 16) | lo).astype(jnp.int32)

    tl, w_pl = _prep(features, rois)
    wr = _to_bf16_bits(w_pl)
    wi = ((wr << 16) | wr).astype(jnp.int32)
    wib = wi.reshape(4, S // G, G).transpose(1, 0, 2)

    Sc, Nc = S // NCHUNK, N // NCHUNK
    parts = []
    for k in range(NCHUNK):
        out = _make_sc_blend(Sc, C // 2, G, W)(
            table,
            lax.slice_in_dim(tl, k * Sc, (k + 1) * Sc),
            lax.slice_in_dim(wib, k * (Sc // G), (k + 1) * (Sc // G)))
        ou = lax.bitcast_convert_type(out, jnp.uint32)
        f_lo = lax.bitcast_convert_type(ou << 16, jnp.float32)
        f_hi = lax.bitcast_convert_type(ou & jnp.uint32(0xFFFF0000),
                                        jnp.float32)
        res = jnp.concatenate([f_lo, f_hi], axis=-1)
        res = res.reshape(Nc, AH, AW, C)
        parts.append(jnp.transpose(res, (0, 3, 1, 2)))
    return jnp.concatenate(parts, axis=0)

# --- scband reference (transcript-rebuilt; emitter-appended) ---
"""Pipeline reference for scband-ro-ialign-3882650435973 (READ-ONLY COPY).

The authoritative reference and input builder live on the scoring server;
editing this copy changes nothing except your own understanding.
"""

import jax, jax.numpy as jnp
import numpy as np

ALIGNED_H = 7
ALIGNED_W = 7
SPATIAL_SCALE = 0.25


def setup_inputs(seed: int = 0):
    key = jax.random.key(seed)
    k1, k2, k3, k4, k5, k6 = jax.random.split(key, 6)
    B, C, H, W = 2, 256, 200, 200
    N = 2048
    features = jax.random.normal(k1, (B, C, H, W), dtype=jnp.float32)
    img_w = (W - 1) / SPATIAL_SCALE
    img_h = (H - 1) / SPATIAL_SCALE
    batch_idx = jax.random.randint(k2, (N,), 0, B).astype(jnp.float32)
    x1 = jax.random.uniform(k3, (N,), dtype=jnp.float32) * (img_w * 0.7)
    y1 = jax.random.uniform(k4, (N,), dtype=jnp.float32) * (img_h * 0.7)
    bw = jax.random.uniform(k5, (N,), dtype=jnp.float32) * (img_w * 0.29) + 4.0
    bh = jax.random.uniform(k6, (N,), dtype=jnp.float32) * (img_h * 0.29) + 4.0
    x2 = jnp.minimum(x1 + bw, img_w - 1.0)
    y2 = jnp.minimum(y1 + bh, img_h - 1.0)
    rois = jnp.stack([batch_idx, x1, y1, x2, y2], axis=1)
    return {"features": features, "rois": rois}


def _roi_align(features, rois):
    # Faithful port of the longcw-style roi_align CUDA kernel used by this module.
    # Module forward normalizes rois by (dim-1)/spatial_scale; the kernel then
    # multiplies by (dim-1), so the net transform is coord * spatial_scale.
    B, C, H, W = features.shape
    batch_idx = rois[:, 0].astype(jnp.int32)
    x1 = rois[:, 1] * SPATIAL_SCALE
    y1 = rois[:, 2] * SPATIAL_SCALE
    x2 = rois[:, 3] * SPATIAL_SCALE
    y2 = rois[:, 4] * SPATIAL_SCALE
    roi_w = jnp.maximum(x2 - x1, 0.0)
    roi_h = jnp.maximum(y2 - y1, 0.0)
    bin_w = roi_w / float(ALIGNED_W - 1)
    bin_h = roi_h / float(ALIGNED_H - 1)
    ph = jnp.arange(ALIGNED_H, dtype=jnp.float32)
    pw = jnp.arange(ALIGNED_W, dtype=jnp.float32)
    h = y1[:, None] + ph[None, :] * bin_h[:, None]   # [N, AH]
    w = x1[:, None] + pw[None, :] * bin_w[:, None]   # [N, AW]
    valid_h = (h >= 0) & (h < H)
    valid_w = (w >= 0) & (w < W)
    hs = jnp.minimum(jnp.floor(h), H - 2)
    ws = jnp.minimum(jnp.floor(w), W - 2)
    hs_i = jnp.clip(hs.astype(jnp.int32), 0, H - 2)
    ws_i = jnp.clip(ws.astype(jnp.int32), 0, W - 2)
    h_ratio = h - hs_i.astype(jnp.float32)   # [N, AH]
    w_ratio = w - ws_i.astype(jnp.float32)   # [N, AW]
    b = batch_idx[:, None, None]             # [N,1,1] -> broadcast [N,AH,AW]
    hh = hs_i[:, :, None]                    # [N,AH,1]
    ww = ws_i[:, None, :]                    # [N,1,AW]
    tl = features[b, :, hh, ww]              # [N, AH, AW, C]
    tr = features[b, :, hh, ww + 1]
    bl = features[b, :, hh + 1, ww]
    br = features[b, :, hh + 1, ww + 1]
    hr = h_ratio[:, :, None, None]
    wr = w_ratio[:, None, :, None]
    val = (tl * (1.0 - hr) * (1.0 - wr)
           + tr * (1.0 - hr) * wr
           + bl * hr * (1.0 - wr)
           + br * hr * wr)
    valid = (valid_h[:, :, None] & valid_w[:, None, :])[:, :, :, None]
    val = jnp.where(valid, val, 0.0)
    return jnp.transpose(val, (0, 3, 1, 2))  # [N, C, AH, AW]


def reference(features, rois):
    return _roi_align(features, rois)

if __name__ == "__main__":
    import jax
    _d = setup_inputs()
    print(jax.jit(kernel)(*tuple(_d.values())))

</pallas_src>

<mosaic_0001>
#map = affine_map<(d0, d1) -> (0, 0)>
#map1 = affine_map<(d0, d1) -> (0)>
#map2 = affine_map<(d0, d1) -> (0, 0, 0)>
module attributes {stable_mosaic.version = 14 : i64} {
  func.func @sc_blend(%arg0: i32, %arg1: i32, %arg2: memref<80000x128xi32, #tpu.memory_space<hbm>>, %arg3: memref<50176xi32, #tpu.memory_space<hbm>>, %arg4: memref<3136x4x16xi32, #tpu.memory_space<hbm>>, %arg5: memref<50176x128xi32, #tpu.memory_space<hbm>>, %arg6: memref<2x16xi32, #tpu.memory_space<vmem>>, %arg7: memref<2x64xi32, #tpu.memory_space<vmem>>, %arg8: memref<2x64x128xi32, #tpu.memory_space<vmem>>, %arg9: memref<2x4x16xi32, #tpu.memory_space<vmem>>, %arg10: memref<2x16x128xi32, #tpu.memory_space<vmem>>, %arg11: memref<!tpu.dma_semaphore, #tpu.memory_space<semaphore_mem>>, %arg12: memref<!tpu.dma_semaphore, #tpu.memory_space<semaphore_mem>>, %arg13: memref<!tpu.dma_semaphore, #tpu.memory_space<semaphore_mem>>, %arg14: memref<!tpu.dma_semaphore, #tpu.memory_space<semaphore_mem>>, %arg15: memref<!tpu.dma_semaphore, #tpu.memory_space<semaphore_mem>>, %arg16: memref<!tpu.dma_semaphore, #tpu.memory_space<semaphore_mem>>, %arg17: memref<!tpu.dma_semaphore, #tpu.memory_space<semaphore_mem>>, %arg18: memref<!tpu.dma_semaphore, #tpu.memory_space<semaphore_mem>>) attributes {dimension_semantics = [#tpu.dimension_semantics<core_parallel>, #tpu.dimension_semantics<subcore_parallel>], iteration_bounds = array<i64: 2, 16>, scalar_prefetch = 0 : i64, scratch_operands = 13 : i64, tpu.core_type = #tpu.core_type<sc_vector_subcore>, window_params = [{transform_indices = #map}, {transform_indices = #map1}, {transform_indices = #map2}, {transform_indices = #map}]} {
    %mul3A = arith.constant 2 : i32
    %mul3A_0 = arith.muli %arg1, %mul3A : i32
    %add3A = arith.addi %mul3A_0, %arg0 : i32
    %iota3A = tpu.iota {dimensions = array<i32: 0>} : vector<16xi32>
    %mul3A_1 = arith.constant 0 : i32
    %mul3A_2 = vector.broadcast %mul3A_1 : i32 to vector<16xi32>
    %mul3A_3 = arith.muli %iota3A, %mul3A_2 : vector<16xi32>
    %mul3A_4 = arith.constant 98 : i32
    %mul3A_5 = arith.muli %add3A, %mul3A_4 : i32
    %add3A_6 = arith.constant 0 : i32
    %add3A_7 = arith.addi %mul3A_5, %add3A_6 : i32
    %mul3A_8 = arith.constant 16 : i32
    %mul3A_9 = arith.muli %add3A_7, %mul3A_8 : i32
    %dma_start3A = arith.constant 0 : i32
    %dma_start3A_10 = arith.constant 0 : i32
    %dma_start3A_11 = tpu.memref_slice %arg6[%dma_start3A, %dma_start3A_10] : memref<2x16xi32, #tpu.memory_space<vmem>> -> memref<1x16xi32, #tpu.memory_space<vmem>>
    %dma_start3A_12 = tpu.memref_squeeze %dma_start3A_11 : memref<1x16xi32, #tpu.memory_space<vmem>> -> memref<16xi32, #tpu.memory_space<vmem>>
    %dma_start3A_13 = tpu.memref_slice %arg3[%mul3A_9] : memref<50176xi32, #tpu.memory_space<hbm>> -> memref<16xi32, #tpu.memory_space<hbm>>
    %dma_start3A_14 = arith.constant 0 : i32
    %dma_start3A_15 = tpu.memref_slice %arg6[%dma_start3A, %dma_start3A_14] : memref<2x16xi32, #tpu.memory_space<vmem>> -> memref<1x16xi32, #tpu.memory_space<vmem>>
    %dma_start3A_16 = tpu.memref_squeeze %dma_start3A_15 : memref<1x16xi32, #tpu.memory_space<vmem>> -> memref<16xi32, #tpu.memory_space<vmem>>
    %dma_start3A_17 = tpu.memref_slice %arg3[%mul3A_9] : memref<50176xi32, #tpu.memory_space<hbm>> -> memref<16xi32, #tpu.memory_space<hbm>>
    tpu.enqueue_dma source(%dma_start3A_17 : memref<16xi32, #tpu.memory_space<hbm>>) target(%dma_start3A_16 : memref<16xi32, #tpu.memory_space<vmem>>) target_semaphore(%arg11 : memref<!tpu.dma_semaphore, #tpu.memory_space<semaphore_mem>>)
    %mul3A_18 = arith.constant 98 : i32
    %mul3A_19 = arith.muli %add3A, %mul3A_18 : i32
    %add3A_20 = arith.constant 0 : i32
    %add3A_21 = arith.addi %mul3A_19, %add3A_20 : i32
    %dma_start3A_22 = arith.constant 0 : i32
    %dma_start3A_23 = arith.constant 0 : i32
    %dma_start3A_24 = arith.constant 0 : i32
    %dma_start3A_25 = tpu.memref_slice %arg9[%dma_start3A_22, %dma_start3A_23, %dma_start3A_24] : memref<2x4x16xi32, #tpu.memory_space<vmem>> -> memref<1x4x16xi32, #tpu.memory_space<vmem>>
    %dma_start3A_26 = tpu.memref_squeeze %dma_start3A_25 : memref<1x4x16xi32, #tpu.memory_space<vmem>> -> memref<4x16xi32, #tpu.memory_space<vmem>>
    %dma_start3A_27 = arith.constant 0 : i32
    %dma_start3A_28 = arith.constant 0 : i32
    %dma_start3A_29 = tpu.memref_slice %arg4[%add3A_21, %dma_start3A_27, %dma_start3A_28] : memref<3136x4x16xi32, #tpu.memory_space<hbm>> -> memref<1x4x16xi32, #tpu.memory_space<hbm>>
    %dma_start3A_30 = tpu.memref_squeeze %dma_start3A_29 : memref<1x4x16xi32, #tpu.memory_space<hbm>> -> memref<4x16xi32, #tpu.memory_space<hbm>>
    %dma_start3A_31 = arith.constant 0 : i32
    %dma_start3A_32 = arith.constant 0 : i32
    %dma_start3A_33 = tpu.memref_slice %arg9[%dma_start3A_22, %dma_start3A_31, %dma_start3A_32] : memref<2x4x16xi32, #tpu.memory_space<vmem>> -> memref<1x4x16xi32, #tpu.memory_space<vmem>>
    %dma_start3A_34 = tpu.memref_squeeze %dma_start3A_33 : memref<1x4x16xi32, #tpu.memory_space<vmem>> -> memref<4x16xi32, #tpu.memory_space<vmem>>
    %dma_start3A_35 = arith.constant 0 : i32
    %dma_start3A_36 = arith.constant 0 : i32
    %dma_start3A_37 = tpu.memref_slice %arg4[%add3A_21, %dma_start3A_35, %dma_start3A_36] : memref<3136x4x16xi32, #tpu.memory_space<hbm>> -> memref<1x4x16xi32, #tpu.memory_space<hbm>>
    %dma_start3A_38 = tpu.memref_squeeze %dma_start3A_37 : memref<1x4x16xi32, #tpu.memory_space<hbm>> -> memref<4x16xi32, #tpu.memory_space<hbm>>
    tpu.enqueue_dma source(%dma_start3A_38 : memref<4x16xi32, #tpu.memory_space<hbm>>) target(%dma_start3A_34 : memref<4x16xi32, #tpu.memory_space<vmem>>) target_semaphore(%arg13 : memref<!tpu.dma_semaphore, #tpu.memory_space<semaphore_mem>>)
    %mul3A_39 = arith.constant 98 : i32
    %mul3A_40 = arith.muli %add3A, %mul3A_39 : i32
    %add3A_41 = arith.constant 1 : i32
    %add3A_42 = arith.addi %mul3A_40, %add3A_41 : i32
    %mul3A_43 = arith.constant 16 : i32
    %mul3A_44 = arith.muli %add3A_42, %mul3A_43 : i32
    %dma_start3A_45 = arith.constant 1 : i32
    %dma_start3A_46 = arith.constant 0 : i32
    %dma_start3A_47 = tpu.memref_slice %arg6[%dma_start3A_45, %dma_start3A_46] : memref<2x16xi32, #tpu.memory_space<vmem>> -> memref<1x16xi32, #tpu.memory_space<vmem>>
    %dma_start3A_48 = tpu.memref_squeeze %dma_start3A_47 : memref<1x16xi32, #tpu.memory_space<vmem>> -> memref<16xi32, #tpu.memory_space<vmem>>
    %dma_start3A_49 = tpu.memref_slice %arg3[%mul3A_44] : memref<50176xi32, #tpu.memory_space<hbm>> -> memref<16xi32, #tpu.memory_space<hbm>>
    %dma_start3A_50 = arith.constant 0 : i32
    %dma_start3A_51 = tpu.memref_slice %arg6[%dma_start3A_45, %dma_start3A_50] : memref<2x16xi32, #tpu.memory_space<vmem>> -> memref<1x16xi32, #tpu.memory_space<vmem>>
    %dma_start3A_52 = tpu.memref_squeeze %dma_start3A_51 : memref<1x16xi32, #tpu.memory_space<vmem>> -> memref<16xi32, #tpu.memory_space<vmem>>
    %dma_start3A_53 = tpu.memref_slice %arg3[%mul3A_44] : memref<50176xi32, #tpu.memory_space<hbm>> -> memref<16xi32, #tpu.memory_space<hbm>>
    tpu.enqueue_dma source(%dma_start3A_53 : memref<16xi32, #tpu.memory_space<hbm>>) target(%dma_start3A_52 : memref<16xi32, #tpu.memory_space<vmem>>) target_semaphore(%arg12 : memref<!tpu.dma_semaphore, #tpu.memory_space<semaphore_mem>>)
    %mul3A_54 = arith.constant 98 : i32
    %mul3A_55 = arith.muli %add3A, %mul3A_54 : i32
    %add3A_56 = arith.constant 1 : i32
    %add3A_57 = arith.addi %mul3A_55, %add3A_56 : i32
    %dma_start3A_58 = arith.constant 1 : i32
    %dma_start3A_59 = arith.constant 0 : i32
    %dma_start3A_60 = arith.constant 0 : i32
    %dma_start3A_61 = tpu.memref_slice %arg9[%dma_start3A_58, %dma_start3A_59, %dma_start3A_60] : memref<2x4x16xi32, #tpu.memory_space<vmem>> -> memref<1x4x16xi32, #tpu.memory_space<vmem>>
    %dma_start3A_62 = tpu.memref_squeeze %dma_start3A_61 : memref<1x4x16xi32, #tpu.memory_space<vmem>> -> memref<4x16xi32, #tpu.memory_space<vmem>>
    %dma_start3A_63 = arith.constant 0 : i32
    %dma_start3A_64 = arith.constant 0 : i32
    %dma_start3A_65 = tpu.memref_slice %arg4[%add3A_57, %dma_start3A_63, %dma_start3A_64] : memref<3136x4x16xi32, #tpu.memory_space<hbm>> -> memref<1x4x16xi32, #tpu.memory_space<hbm>>
    %dma_start3A_66 = tpu.memref_squeeze %dma_start3A_65 : memref<1x4x16xi32, #tpu.memory_space<hbm>> -> memref<4x16xi32, #tpu.memory_space<hbm>>
    %dma_start3A_67 = arith.constant 0 : i32
    %dma_start3A_68 = arith.constant 0 : i32
    %dma_start3A_69 = tpu.memref_slice %arg9[%dma_start3A_58, %dma_start3A_67, %dma_start3A_68] : memref<2x4x16xi32, #tpu.memory_space<vmem>> -> memref<1x4x16xi32, #tpu.memory_space<vmem>>
    %dma_start3A_70 = tpu.memref_squeeze %dma_start3A_69 : memref<1x4x16xi32, #tpu.memory_space<vmem>> -> memref<4x16xi32, #tpu.memory_space<vmem>>
    %dma_start3A_71 = arith.constant 0 : i32
    %dma_start3A_72 = arith.constant 0 : i32
    %dma_start3A_73 = tpu.memref_slice %arg4[%add3A_57, %dma_start3A_71, %dma_start3A_72] : memref<3136x4x16xi32, #tpu.memory_space<hbm>> -> memref<1x4x16xi32, #tpu.memory_space<hbm>>
    %dma_start3A_74 = tpu.memref_squeeze %dma_start3A_73 : memref<1x4x16xi32, #tpu.memory_space<hbm>> -> memref<4x16xi32, #tpu.memory_space<hbm>>
    tpu.enqueue_dma source(%dma_start3A_74 : memref<4x16xi32, #tpu.memory_space<hbm>>) target(%dma_start3A_70 : memref<4x16xi32, #tpu.memory_space<vmem>>) target_semaphore(%arg14 : memref<!tpu.dma_semaphore, #tpu.memory_space<semaphore_mem>>)
    %mul3A_75 = arith.constant 98 : i32
    %mul3A_76 = arith.muli %add3A, %mul3A_75 : i32
    %add3A_77 = arith.constant 0 : i32
    %add3A_78 = arith.addi %mul3A_76, %add3A_77 : i32
    %mul3A_79 = arith.constant 16 : i32
    %mul3A_80 = arith.muli %add3A_78, %mul3A_79 : i32
    %dma_wait3A = arith.constant 0 : i32
    %dma_wait3A_81 = arith.constant 0 : i32
    %dma_wait3A_82 = tpu.memref_slice %arg6[%dma_wait3A, %dma_wait3A_81] : memref<2x16xi32, #tpu.memory_space<vmem>> -> memref<1x16xi32, #tpu.memory_space<vmem>>
    %dma_wait3A_83 = tpu.memref_squeeze %dma_wait3A_82 : memref<1x16xi32, #tpu.memory_space<vmem>> -> memref<16xi32, #tpu.memory_space<vmem>>
    %dma_wait3A_84 = tpu.memref_slice %arg3[%mul3A_80] : memref<50176xi32, #tpu.memory_space<hbm>> -> memref<16xi32, #tpu.memory_space<hbm>>
    %dma_wait3A_85 = arith.constant 0 : i32
    %dma_wait3A_86 = tpu.memref_slice %arg6[%dma_wait3A, %dma_wait3A_85] : memref<2x16xi32, #tpu.memory_space<vmem>> -> memref<1x16xi32, #tpu.memory_space<vmem>>
    %dma_wait3A_87 = tpu.memref_squeeze %dma_wait3A_86 : memref<1x16xi32, #tpu.memory_space<vmem>> -> memref<16xi32, #tpu.memory_space<vmem>>
    %dma_wait3A_88 = tpu.memref_slice %arg3[%mul3A_80] : memref<50176xi32, #tpu.memory_space<hbm>> -> memref<16xi32, #tpu.memory_space<hbm>>
    tpu.wait_dma2 semaphore(%arg11 : memref<!tpu.dma_semaphore, #tpu.memory_space<semaphore_mem>>) src(%dma_wait3A_88 : memref<16xi32, #tpu.memory_space<hbm>>) dst(%dma_wait3A_87 : memref<16xi32, #tpu.memory_space<vmem>>)
    %get3A = arith.constant 0 : i32
    %get3A_89 = arith.index_cast %get3A : i32 to index
    %get3A_90 = arith.constant 0 : index
    %get3A_91 = tpu.vector_load %arg6[%get3A_89, %get3A_90] {strides = array<i32>} : memref<2x16xi32, #tpu.memory_space<vmem>>, vector<16xi32>,
    %mul3A_92 = arith.constant 4 : i32
    %mul3A_93 = vector.broadcast %mul3A_92 : i32 to vector<16xi32>
    %mul3A_94 = arith.muli %iota3A, %mul3A_93 : vector<16xi32>
    %add3A_95 = arith.constant 0 : i32
    %add3A_96 = vector.broadcast %add3A_95 : i32 to vector<16xi32>
    %add3A_97 = arith.addi %mul3A_94, %add3A_96 : vector<16xi32>
    %add3A_98 = arith.constant 0 : i32
    %add3A_99 = vector.broadcast %add3A_98 : i32 to vector<16xi32>
    %add3A_100 = arith.addi %get3A_91, %add3A_99 : vector<16xi32>
    %scatter3A = arith.constant 0 : i32
    %scatter3A_101 = arith.constant 0 : i32
    %scatter3A_102 = tpu.memref_slice %arg7[%scatter3A, %scatter3A_101] : memref<2x64xi32, #tpu.memory_space<vmem>> -> memref<1x64xi32, #tpu.memory_space<vmem>>
    %scatter3A_103 = tpu.memref_squeeze %scatter3A_102 : memref<1x64xi32, #tpu.memory_space<vmem>> -> memref<64xi32, #tpu.memory_space<vmem>>
    tpu.vector_store_idx %scatter3A_103[%add3A_97], %add3A_100 : memref<64xi32, #tpu.memory_space<vmem>>[vector<16xi32>], vector<16xi32>,
    %mul3A_104 = arith.constant 4 : i32
    %mul3A_105 = vector.broadcast %mul3A_104 : i32 to vector<16xi32>
    %mul3A_106 = arith.muli %iota3A, %mul3A_105 : vector<16xi32>
    %add3A_107 = arith.constant 1 : i32
    %add3A_108 = vector.broadcast %add3A_107 : i32 to vector<16xi32>
    %add3A_109 = arith.addi %mul3A_106, %add3A_108 : vector<16xi32>
    %add3A_110 = arith.constant 1 : i32
    %add3A_111 = vector.broadcast %add3A_110 : i32 to vector<16xi32>
    %add3A_112 = arith.addi %get3A_91, %add3A_111 : vector<16xi32>
    %scatter3A_113 = arith.constant 0 : i32
    %scatter3A_114 = arith.constant 0 : i32
    %scatter3A_115 = tpu.memref_slice %arg7[%scatter3A_113, %scatter3A_114] : memref<2x64xi32, #tpu.memory_space<vmem>> -> memref<1x64xi32, #tpu.memory_space<vmem>>
    %scatter3A_116 = tpu.memref_squeeze %scatter3A_115 : memref<1x64xi32, #tpu.memory_space<vmem>> -> memref<64xi32, #tpu.memory_space<vmem>>
    tpu.vector_store_idx %scatter3A_116[%add3A_109], %add3A_112 : memref<64xi32, #tpu.memory_space<vmem>>[vector<16xi32>], vector<16xi32>,
    %mul3A_117 = arith.constant 4 : i32
    %mul3A_118 = vector.broadcast %mul3A_117 : i32 to vector<16xi32>
    %mul3A_119 = arith.muli %iota3A, %mul3A_118 : vector<16xi32>
    %add3A_120 = arith.constant 2 : i32
    %add3A_121 = vector.broadcast %add3A_120 : i32 to vector<16xi32>
    %add3A_122 = arith.addi %mul3A_119, %add3A_121 : vector<16xi32>
    %add3A_123 = arith.constant 200 : i32
    %add3A_124 = vector.broadcast %add3A_123 : i32 to vector<16xi32>
    %add3A_125 = arith.addi %get3A_91, %add3A_124 : vector<16xi32>
    %scatter3A_126 = arith.constant 0 : i32
    %scatter3A_127 = arith.constant 0 : i32
    %scatter3A_128 = tpu.memref_slice %arg7[%scatter3A_126, %scatter3A_127] : memref<2x64xi32, #tpu.memory_space<vmem>> -> memref<1x64xi32, #tpu.memory_space<vmem>>
    %scatter3A_129 = tpu.memref_squeeze %scatter3A_128 : memref<1x64xi32, #tpu.memory_space<vmem>> -> memref<64xi32, #tpu.memory_space<vmem>>
    tpu.vector_store_idx %scatter3A_129[%add3A_122], %add3A_125 : memref<64xi32, #tpu.memory_space<vmem>>[vector<16xi32>], vector<16xi32>,
    %mul3A_130 = arith.constant 4 : i32
    %mul3A_131 = vector.broadcast %mul3A_130 : i32 to vector<16xi32>
    %mul3A_132 = arith.muli %iota3A, %mul3A_131 : vector<16xi32>
    %add3A_133 = arith.constant 3 : i32
    %add3A_134 = vector.broadcast %add3A_133 : i32 to vector<16xi32>
    %add3A_135 = arith.addi %mul3A_132, %add3A_134 : vector<16xi32>
    %add3A_136 = arith.constant 201 : i32
    %add3A_137 = vector.broadcast %add3A_136 : i32 to vector<16xi32>
    %add3A_138 = arith.addi %get3A_91, %add3A_137 : vector<16xi32>
    %scatter3A_139 = arith.constant 0 : i32
    %scatter3A_140 = arith.constant 0 : i32
    %scatter3A_141 = tpu.memref_slice %arg7[%scatter3A_139, %scatter3A_140] : memref<2x64xi32, #tpu.memory_space<vmem>> -> memref<1x64xi32, #tpu.memory_space<vmem>>
    %scatter3A_142 = tpu.memref_squeeze %scatter3A_141 : memref<1x64xi32, #tpu.memory_space<vmem>> -> memref<64xi32, #tpu.memory_space<vmem>>
    tpu.vector_store_idx %scatter3A_142[%add3A_135], %add3A_138 : memref<64xi32, #tpu.memory_space<vmem>>[vector<16xi32>], vector<16xi32>,
    %dma_start3A_143 = arith.constant 0 : i32
    %dma_start3A_144 = arith.constant 0 : i32
    %dma_start3A_145 = arith.constant 0 : i32
    %dma_start3A_146 = arith.constant 0 : i32
    %dma_start3A_147 = tpu.memref_slice %arg8[%dma_start3A_144, %dma_start3A_145, %dma_start3A_146] : memref<2x64x128xi32, #tpu.memory_space<vmem>> -> memref<1x64x128xi32, #tpu.memory_space<vmem>>
    %dma_start3A_148 = tpu.memref_squeeze %dma_start3A_147 : memref<1x64x128xi32, #tpu.memory_space<vmem>> -> memref<64x128xi32, #tpu.memory_space<vmem>>
    %dma_start3A_149 = arith.constant 0 : i32
    %dma_start3A_150 = tpu.memref_slice %arg7[%dma_start3A_143, %dma_start3A_149] : memref<2x64xi32, #tpu.memory_space<vmem>> -> memref<1x64xi32, #tpu.memory_space<vmem>>
    %dma_start3A_151 = tpu.memref_squeeze %dma_start3A_150 : memref<1x64xi32, #tpu.memory_space<vmem>> -> memref<64xi32, #tpu.memory_space<vmem>>
    %dma_start3A_152 = arith.constant 0 : i32
    %dma_start3A_153 = arith.constant 0 : i32
    %dma_start3A_154 = tpu.memref_slice %arg2[%dma_start3A_152, %dma_start3A_153] : memref<80000x128xi32, #tpu.memory_space<hbm>> -> memref<80000x128xi32, #tpu.memory_space<hbm>>
    tpu.enqueue_indirect_dma source(%dma_start3A_154 : memref<80000x128xi32, #tpu.memory_space<hbm>>) target(%dma_start3A_148 : memref<64x128xi32, #tpu.memory_space<vmem>>) offsets(%dma_start3A_151 : memref<64xi32, #tpu.memory_space<vmem>>) semaphore(%arg15 : memref<!tpu.dma_semaphore, #tpu.memory_space<semaphore_mem>>)
    %scan3A = arith.constant 0 : i32
    %scan3A_155 = arith.constant 49 : i32
    %scan3A_156 = arith.addi %scan3A, %scan3A_155 : i32
    %scan3A_157 = arith.constant 1 : i32
    scf.for %scan3A_197 = %scan3A to %scan3A_156 step %scan3A_157  : i32 {
      %mul3A_198 = arith.constant 2 : i32
      %mul3A_199 = arith.muli %scan3A_197, %mul3A_198 : i32
      %add3A_200 = arith.constant 0 : i32
      %add3A_201 = arith.addi %add3A_200, %mul3A_199 : i32
      %add3A_202 = arith.constant 0 : i32
      %add3A_203 = arith.addi %add3A_201, %add3A_202 : i32
      %dma_wait3A_204 = arith.constant 0 : i32
      %dma_wait3A_205 = arith.constant 0 : i32
      %dma_wait3A_206 = arith.constant 0 : i32
      %dma_wait3A_207 = arith.constant 0 : i32
      %dma_wait3A_208 = tpu.memref_slice %arg8[%dma_wait3A_205, %dma_wait3A_206, %dma_wait3A_207] : memref<2x64x128xi32, #tpu.memory_space<vmem>> -> memref<1x64x128xi32, #tpu.memory_space<vmem>>
      %dma_wait3A_209 = tpu.memref_squeeze %dma_wait3A_208 : memref<1x64x128xi32, #tpu.memory_space<vmem>> -> memref<64x128xi32, #tpu.memory_space<vmem>>
      %dma_wait3A_210 = arith.constant 0 : i32
      %dma_wait3A_211 = tpu.memref_slice %arg7[%dma_wait3A_204, %dma_wait3A_210] : memref<2x64xi32, #tpu.memory_space<vmem>> -> memref<1x64xi32, #tpu.memory_space<vmem>>
      %dma_wait3A_212 = tpu.memref_squeeze %dma_wait3A_211 : memref<1x64xi32, #tpu.memory_space<vmem>> -> memref<64xi32, #tpu.memory_space<vmem>>
      %dma_wait3A_213 = arith.constant 0 : i32
      %dma_wait3A_214 = arith.constant 0 : i32
      %dma_wait3A_215 = tpu.memref_slice %arg2[%dma_wait3A_213, %dma_wait3A_214] : memref<80000x128xi32, #tpu.memory_space<hbm>> -> memref<80000x128xi32, #tpu.memory_space<hbm>>
      tpu.wait_indirect_dma semaphore(%arg15 : memref<!tpu.dma_semaphore, #tpu.memory_space<semaphore_mem>>) src(%dma_wait3A_215 : memref<80000x128xi32, #tpu.memory_space<hbm>>) dst(%dma_wait3A_209 : memref<64x128xi32, #tpu.memory_space<vmem>>)
      %add3A_216 = arith.constant 2 : i32
      %add3A_217 = arith.addi %add3A_203, %add3A_216 : i32
      %lt3A = arith.constant 98 : i32
      %lt3A_218 = arith.cmpi slt, %add3A_217, %lt3A : i32
      %convert_element_type3A = arith.extui %lt3A_218 : i1 to i32
      %cond3A = arith.constant 0 : i32
      %cond3A_219 = arith.cmpi ne, %convert_element_type3A, %cond3A : i32
      scf.if %cond3A_219 {
        %add3A_437 = arith.constant 2 : i32
        %add3A_438 = arith.addi %add3A_203, %add3A_437 : i32
        %mul3A_439 = arith.constant 98 : i32
        %mul3A_440 = arith.muli %add3A, %mul3A_439 : i32
        %add3A_441 = arith.addi %mul3A_440, %add3A_438 : i32
        %mul3A_442 = arith.constant 16 : i32
        %mul3A_443 = arith.muli %add3A_441, %mul3A_442 : i32
        %dma_start3A_444 = arith.constant 0 : i32
        %dma_start3A_445 = arith.constant 0 : i32
        %dma_start3A_446 = tpu.memref_slice %arg6[%dma_start3A_444, %dma_start3A_445] : memref<2x16xi32, #tpu.memory_space<vmem>> -> memref<1x16xi32, #tpu.memory_space<vmem>>
        %dma_start3A_447 = tpu.memref_squeeze %dma_start3A_446 : memref<1x16xi32, #tpu.memory_space<vmem>> -> memref<16xi32, #tpu.memory_space<vmem>>
        %dma_start3A_448 = tpu.memref_slice %arg3[%mul3A_443] : memref<50176xi32, #tpu.memory_space<hbm>> -> memref<16xi32, #tpu.memory_space<hbm>>
        %dma_start3A_449 = arith.constant 0 : i32
        %dma_start3A_450 = tpu.memref_slice %arg6[%dma_start3A_444, %dma_start3A_449] : memref<2x16xi32, #tpu.memory_space<vmem>> -> memref<1x16xi32, #tpu.memory_space<vmem>>
        %dma_start3A_451 = tpu.memref_squeeze %dma_start3A_450 : memref<1x16xi32, #tpu.memory_space<vmem>> -> memref<16xi32, #tpu.memory_space<vmem>>
        %dma_start3A_452 = tpu.memref_slice %arg3[%mul3A_443] : memref<50176xi32, #tpu.memory_space<hbm>> -> memref<16xi32, #tpu.memory_space<hbm>>
        tpu.enqueue_dma source(%dma_start3A_452 : memref<16xi32, #tpu.memory_space<hbm>>) target(%dma_start3A_451 : memref<16xi32, #tpu.memory_space<vmem>>) target_semaphore(%arg11 : memref<!tpu.dma_semaphore, #tpu.memory_space<semaphore_mem>>)
      } else {
      }
      %mul3A_220 = arith.constant 98 : i32
      %mul3A_221 = arith.muli %add3A, %mul3A_220 : i32
      %add3A_222 = arith.constant 0 : i32
      %add3A_223 = arith.addi %mul3A_221, %add3A_222 : i32
      %mul3A_224 = arith.constant 16 : i32
      %mul3A_225 = arith.muli %add3A_223, %mul3A_224 : i32
      %dma_wait3A_226 = arith.constant 1 : i32
      %dma_wait3A_227 = arith.constant 0 : i32
      %dma_wait3A_228 = tpu.memref_slice %arg6[%dma_wait3A_226, %dma_wait3A_227] : memref<2x16xi32, #tpu.memory_space<vmem>> -> memref<1x16xi32, #tpu.memory_space<vmem>>
      %dma_wait3A_229 = tpu.memref_squeeze %dma_wait3A_228 : memref<1x16xi32, #tpu.memory_space<vmem>> -> memref<16xi32, #tpu.memory_space<vmem>>
      %dma_wait3A_230 = tpu.memref_slice %arg3[%mul3A_225] : memref<50176xi32, #tpu.memory_space<hbm>> -> memref<16xi32, #tpu.memory_space<hbm>>
      %dma_wait3A_231 = arith.constant 0 : i32
      %dma_wait3A_232 = tpu.memref_slice %arg6[%dma_wait3A_226, %dma_wait3A_231] : memref<2x16xi32, #tpu.memory_space<vmem>> -> memref<1x16xi32, #tpu.memory_space<vmem>>
      %dma_wait3A_233 = tpu.memref_squeeze %dma_wait3A_232 : memref<1x16xi32, #tpu.memory_space<vmem>> -> memref<16xi32, #tpu.memory_space<vmem>>
      %dma_wait3A_234 = tpu.memref_slice %arg3[%mul3A_225] : memref<50176xi32, #tpu.memory_space<hbm>> -> memref<16xi32, #tpu.memory_space<hbm>>
      tpu.wait_dma2 semaphore(%arg12 : memref<!tpu.dma_semaphore, #tpu.memory_space<semaphore_mem>>) src(%dma_wait3A_234 : memref<16xi32, #tpu.memory_space<hbm>>) dst(%dma_wait3A_233 : memref<16xi32, #tpu.memory_space<vmem>>)
      %get3A_235 = arith.constant 1 : i32
      %get3A_236 = arith.index_cast %get3A_235 : i32 to index
      %get3A_237 = arith.constant 0 : index
      %get3A_238 = tpu.vector_load %arg6[%get3A_236, %get3A_237] {strides = array<i32>} : memref<2x16xi32, #tpu.memory_space<vmem>>, vector<16xi32>,
      %mul3A_239 = arith.constant 4 : i32
      %mul3A_240 = vector.broadcast %mul3A_239 : i32 to vector<16xi32>
      %mul3A_241 = arith.muli %iota3A, %mul3A_240 : vector<16xi32>
      %add3A_242 = arith.constant 0 : i32
      %add3A_243 = vector.broadcast %add3A_242 : i32 to vector<16xi32>
      %add3A_244 = arith.addi %mul3A_241, %add3A_243 : vector<16xi32>
      %add3A_245 = arith.constant 0 : i32
      %add3A_246 = vector.broadcast %add3A_245 : i32 to vector<16xi32>
      %add3A_247 = arith.addi %get3A_238, %add3A_246 : vector<16xi32>
      %scatter3A_248 = arith.constant 1 : i32
      %scatter3A_249 = arith.constant 0 : i32
      %scatter3A_250 = tpu.memref_slice %arg7[%scatter3A_248, %scatter3A_249] : memref<2x64xi32, #tpu.memory_space<vmem>> -> memref<1x64xi32, #tpu.memory_space<vmem>>
      %scatter3A_251 = tpu.memref_squeeze %scatter3A_250 : memref<1x64xi32, #tpu.memory_space<vmem>> -> memref<64xi32, #tpu.memory_space<vmem>>
      tpu.vector_store_idx %scatter3A_251[%add3A_244], %add3A_247 : memref<64xi32, #tpu.memory_space<vmem>>[vector<16xi32>], vector<16xi32>,
      %mul3A_252 = arith.constant 4 : i32
      %mul3A_253 = vector.broadcast %mul3A_252 : i32 to vector<16xi32>
      %mul3A_254 = arith.muli %iota3A, %mul3A_253 : vector<16xi32>
      %add3A_255 = arith.constant 1 : i32
      %add3A_256 = vector.broadcast %add3A_255 : i32 to vector<16xi32>
      %add3A_257 = arith.addi %mul3A_254, %add3A_256 : vector<16xi32>
      %add3A_258 = arith.constant 1 : i32
      %add3A_259 = vector.broadcast %add3A_258 : i32 to vector<16xi32>
      %add3A_260 = arith.addi %get3A_238, %add3A_259 : vector<16xi32>
      %scatter3A_261 = arith.constant 1 : i32
      %scatter3A_262 = arith.constant 0 : i32
      %scatter3A_263 = tpu.memref_slice %arg7[%scatter3A_261, %scatter3A_262] : memref<2x64xi32, #tpu.memory_space<vmem>> -> memref<1x64xi32, #tpu.memory_space<vmem>>
      %scatter3A_264 = tpu.memref_squeeze %scatter3A_263 : memref<1x64xi32, #tpu.memory_space<vmem>> -> memref<64xi32, #tpu.memory_space<vmem>>
      tpu.vector_store_idx %scatter3A_264[%add3A_257], %add3A_260 : memref<64xi32, #tpu.memory_space<vmem>>[vector<16xi32>], vector<16xi32>,
      %mul3A_265 = arith.constant 4 : i32
      %mul3A_266 = vector.broadcast %mul3A_265 : i32 to vector<16xi32>
      %mul3A_267 = arith.muli %iota3A, %mul3A_266 : vector<16xi32>
      %add3A_268 = arith.constant 2 : i32
      %add3A_269 = vector.broadcast %add3A_268 : i32 to vector<16xi32>
      %add3A_270 = arith.addi %mul3A_267, %add3A_269 : vector<16xi32>
      %add3A_271 = arith.constant 200 : i32
      %add3A_272 = vector.broadcast %add3A_271 : i32 to vector<16xi32>
      %add3A_273 = arith.addi %get3A_238, %add3A_272 : vector<16xi32>
      %scatter3A_274 = arith.constant 1 : i32
      %scatter3A_275 = arith.constant 0 : i32
      %scatter3A_276 = tpu.memref_slice %arg7[%scatter3A_274, %scatter3A_275] : memref<2x64xi32, #tpu.memory_space<vmem>> -> memref<1x64xi32, #tpu.memory_space<vmem>>
      %scatter3A_277 = tpu.memref_squeeze %scatter3A_276 : memref<1x64xi32, #tpu.memory_space<vmem>> -> memref<64xi32, #tpu.memory_space<vmem>>
      tpu.vector_store_idx %scatter3A_277[%add3A_270], %add3A_273 : memref<64xi32, #tpu.memory_space<vmem>>[vector<16xi32>], vector<16xi32>,
      %mul3A_278 = arith.constant 4 : i32
      %mul3A_279 = vector.broadcast %mul3A_278 : i32 to vector<16xi32>
      %mul3A_280 = arith.muli %iota3A, %mul3A_279 : vector<16xi32>
      %add3A_281 = arith.constant 3 : i32
      %add3A_282 = vector.broadcast %add3A_281 : i32 to vector<16xi32>
      %add3A_283 = arith.addi %mul3A_280, %add3A_282 : vector<16xi32>
      %add3A_284 = arith.constant 201 : i32
      %add3A_285 = vector.broadcast %add3A_284 : i32 to vector<16xi32>
      %add3A_286 = arith.addi %get3A_238, %add3A_285 : vector<16xi32>
      %scatter3A_287 = arith.constant 1 : i32
      %scatter3A_288 = arith.constant 0 : i32
      %scatter3A_289 = tpu.memref_slice %arg7[%scatter3A_287, %scatter3A_288] : memref<2x64xi32, #tpu.memory_space<vmem>> -> memref<1x64xi32, #tpu.memory_space<vmem>>
      %scatter3A_290 = tpu.memref_squeeze %scatter3A_289 : memref<1x64xi32, #tpu.memory_space<vmem>> -> memref<64xi32, #tpu.memory_space<vmem>>
      tpu.vector_store_idx %scatter3A_290[%add3A_283], %add3A_286 : memref<64xi32, #tpu.memory_space<vmem>>[vector<16xi32>], vector<16xi32>,
      %dma_start3A_291 = arith.constant 1 : i32
      %dma_start3A_292 = arith.constant 1 : i32
      %dma_start3A_293 = arith.constant 0 : i32
      %dma_start3A_294 = arith.constant 0 : i32
      %dma_start3A_295 = tpu.memref_slice %arg8[%dma_start3A_292, %dma_start3A_293, %dma_start3A_294] : memref<2x64x128xi32, #tpu.memory_space<vmem>> -> memref<1x64x128xi32, #tpu.memory_space<vmem>>
      %dma_start3A_296 = tpu.memref_squeeze %dma_start3A_295 : memref<1x64x128xi32, #tpu.memory_space<vmem>> -> memref<64x128xi32, #tpu.memory_space<vmem>>
      %dma_start3A_297 = arith.constant 0 : i32
      %dma_start3A_298 = tpu.memref_slice %arg7[%dma_start3A_291, %dma_start3A_297] : memref<2x64xi32, #tpu.memory_space<vmem>> -> memref<1x64xi32, #tpu.memory_space<vmem>>
      %dma_start3A_299 = tpu.memref_squeeze %dma_start3A_298 : memref<1x64xi32, #tpu.memory_space<vmem>> -> memref<64xi32, #tpu.memory_space<vmem>>
      %dma_start3A_300 = arith.constant 0 : i32
      %dma_start3A_301 = arith.constant 0 : i32
      %dma_start3A_302 = tpu.memref_slice %arg2[%dma_start3A_300, %dma_start3A_301] : memref<80000x128xi32, #tpu.memory_space<hbm>> -> memref<80000x128xi32, #tpu.memory_space<hbm>>
      tpu.enqueue_indirect_dma source(%dma_start3A_302 : memref<80000x128xi32, #tpu.memory_space<hbm>>) target(%dma_start3A_296 : memref<64x128xi32, #tpu.memory_space<vmem>>) offsets(%dma_start3A_299 : memref<64xi32, #tpu.memory_space<vmem>>) semaphore(%arg16 : memref<!tpu.dma_semaphore, #tpu.memory_space<semaphore_mem>>)
      %mul3A_303 = arith.constant 98 : i32
      %mul3A_304 = arith.muli %add3A, %mul3A_303 : i32
      %add3A_305 = arith.constant 0 : i32
      %add3A_306 = arith.addi %mul3A_304, %add3A_305 : i32
      %dma_wait3A_307 = arith.constant 0 : i32
      %dma_wait3A_308 = arith.constant 0 : i32
      %dma_wait3A_309 = arith.constant 0 : i32
      %dma_wait3A_310 = tpu.memref_slice %arg9[%dma_wait3A_307, %dma_wait3A_308, %dma_wait3A_309] : memref<2x4x16xi32, #tpu.memory_space<vmem>> -> memref<1x4x16xi32, #tpu.memory_space<vmem>>
      %dma_wait3A_311 = tpu.memref_squeeze %dma_wait3A_310 : memref<1x4x16xi32, #tpu.memory_space<vmem>> -> memref<4x16xi32, #tpu.memory_space<vmem>>
      %dma_wait3A_312 = arith.constant 0 : i32
      %dma_wait3A_313 = arith.constant 0 : i32
      %dma_wait3A_314 = tpu.memref_slice %arg4[%add3A_306, %dma_wait3A_312, %dma_wait3A_313] : memref<3136x4x16xi32, #tpu.memory_space<hbm>> -> memref<1x4x16xi32, #tpu.memory_space<hbm>>
      %dma_wait3A_315 = tpu.memref_squeeze %dma_wait3A_314 : memref<1x4x16xi32, #tpu.memory_space<hbm>> -> memref<4x16xi32, #tpu.memory_space<hbm>>
      %dma_wait3A_316 = arith.constant 0 : i32
      %dma_wait3A_317 = arith.constant 0 : i32
      %dma_wait3A_318 = tpu.memref_slice %arg9[%dma_wait3A_307, %dma_wait3A_316, %dma_wait3A_317] : memref<2x4x16xi32, #tpu.memory_space<vmem>> -> memref<1x4x16xi32, #tpu.memory_space<vmem>>
      %dma_wait3A_319 = tpu.memref_squeeze %dma_wait3A_318 : memref<1x4x16xi32, #tpu.memory_space<vmem>> -> memref<4x16xi32, #tpu.memory_space<vmem>>
      %dma_wait3A_320 = arith.constant 0 : i32
      %dma_wait3A_321 = arith.constant 0 : i32
      %dma_wait3A_322 = tpu.memref_slice %arg4[%add3A_306, %dma_wait3A_320, %dma_wait3A_321] : memref<3136x4x16xi32, #tpu.memory_space<hbm>> -> memref<1x4x16xi32, #tpu.memory_space<hbm>>
      %dma_wait3A_323 = tpu.memref_squeeze %dma_wait3A_322 : memref<1x4x16xi32, #tpu.memory_space<hbm>> -> memref<4x16xi32, #tpu.memory_space<hbm>>
      tpu.wait_dma2 semaphore(%arg13 : memref<!tpu.dma_semaphore, #tpu.memory_space<semaphore_mem>>) src(%dma_wait3A_323 : memref<4x16xi32, #tpu.memory_space<hbm>>) dst(%dma_wait3A_319 : memref<4x16xi32, #tpu.memory_space<vmem>>)
      %ge3A = arith.constant 2 : i32
      %ge3A_324 = arith.cmpi sge, %add3A_203, %ge3A : i32
      %convert_element_type3A_325 = arith.extui %ge3A_324 : i1 to i32
      %cond3A_326 = arith.constant 0 : i32
      %cond3A_327 = arith.cmpi ne, %convert_element_type3A_325, %cond3A_326 : i32
      scf.if %cond3A_327 {
        %mul3A_437 = arith.constant 98 : i32
        %mul3A_438 = arith.muli %add3A, %mul3A_437 : i32
        %add3A_439 = arith.constant 0 : i32
        %add3A_440 = arith.addi %mul3A_438, %add3A_439 : i32
        %mul3A_441 = arith.constant 16 : i32
        %mul3A_442 = arith.muli %add3A_440, %mul3A_441 : i32
        %dma_wait3A_443 = arith.constant 0 : i32
        %dma_wait3A_444 = arith.constant 0 : i32
        %dma_wait3A_445 = arith.constant 0 : i32
        %dma_wait3A_446 = tpu.memref_slice %arg10[%dma_wait3A_443, %dma_wait3A_444, %dma_wait3A_445] : memref<2x16x128xi32, #tpu.memory_space<vmem>> -> memref<1x16x128xi32, #tpu.memory_space<vmem>>
        %dma_wait3A_447 = tpu.memref_squeeze %dma_wait3A_446 : memref<1x16x128xi32, #tpu.memory_space<vmem>> -> memref<16x128xi32, #tpu.memory_space<vmem>>
        %dma_wait3A_448 = arith.constant 0 : i32
        %dma_wait3A_449 = tpu.memref_slice %arg5[%mul3A_442, %dma_wait3A_448] : memref<50176x128xi32, #tpu.memory_space<hbm>> -> memref<16x128xi32, #tpu.memory_space<hbm>>
        %dma_wait3A_450 = arith.constant 0 : i32
        %dma_wait3A_451 = tpu.memref_slice %arg5[%mul3A_442, %dma_wait3A_450] : memref<50176x128xi32, #tpu.memory_space<hbm>> -> memref<16x128xi32, #tpu.memory_space<hbm>>
        %dma_wait3A_452 = arith.constant 0 : i32
        %dma_wait3A_453 = arith.constant 0 : i32
        %dma_wait3A_454 = tpu.memref_slice %arg10[%dma_wait3A_443, %dma_wait3A_452, %dma_wait3A_453] : memref<2x16x128xi32, #tpu.memory_space<vmem>> -> memref<1x16x128xi32, #tpu.memory_space<vmem>>
        %dma_wait3A_455 = tpu.memref_squeeze %dma_wait3A_454 : memref<1x16x128xi32, #tpu.memory_space<vmem>> -> memref<16x128xi32, #tpu.memory_space<vmem>>
        tpu.wait_dma2 semaphore(%arg17 : memref<!tpu.dma_semaphore, #tpu.memory_space<semaphore_mem>>) src(%dma_wait3A_455 : memref<16x128xi32, #tpu.memory_space<vmem>>) dst(%dma_wait3A_451 : memref<16x128xi32, #tpu.memory_space<hbm>>)
      } else {
      }
      %parallel_loop3A = arith.constant 0 : i32
      %parallel_loop3A_328 = arith.constant 16 : i32
      %parallel_loop3A_329 = arith.constant 1 : i32
      scf.for %parallel_loop3A_437 = %parallel_loop3A to %parallel_loop3A_328 step %parallel_loop3A_329  : i32 {
        %parallel_loop3A_438 = arith.constant 4 : i32
        %parallel_loop3A_439 = arith.muli %parallel_loop3A_437, %parallel_loop3A_438 : i32
        %parallel_loop3A_440 = arith.constant 0 : i32
        %parallel_loop3A_441 = vector.broadcast %parallel_loop3A_440 : i32 to vector<16xi32>
        %parallel_loop3A_442 = arith.addi %mul3A_3, %parallel_loop3A_441 : vector<16xi32>
        %parallel_loop3A_443 = vector.broadcast %parallel_loop3A_437 : i32 to vector<16xi32>
        %parallel_loop3A_444 = arith.addi %mul3A_3, %parallel_loop3A_443 : vector<16xi32>
        %parallel_loop3A_445 = arith.constant 0 : i32
        %parallel_loop3A_446 = arith.constant 0 : i32
        %parallel_loop3A_447 = arith.constant 0 : i32
        %parallel_loop3A_448 = tpu.memref_slice %arg9[%parallel_loop3A_445, %parallel_loop3A_446, %parallel_loop3A_447] : memref<2x4x16xi32, #tpu.memory_space<vmem>> -> memref<1x4x16xi32, #tpu.memory_space<vmem>>
        %parallel_loop3A_449 = tpu.memref_squeeze %parallel_loop3A_448 : memref<1x4x16xi32, #tpu.memory_space<vmem>> -> memref<4x16xi32, #tpu.memory_space<vmem>>
        %parallel_loop3A_450 = tpu.vector_load_idx %parallel_loop3A_449[%parallel_loop3A_442, %parallel_loop3A_444] : memref<4x16xi32, #tpu.memory_space<vmem>>[vector<16xi32>, vector<16xi32>], vector<16xi32>,
        %parallel_loop3A_451 = vector.bitcast %parallel_loop3A_450 : vector<16xi32> to vector<32xbf16>
        %parallel_loop3A_452 = arith.constant 1 : i32
        %parallel_loop3A_453 = vector.broadcast %parallel_loop3A_452 : i32 to vector<16xi32>
        %parallel_loop3A_454 = arith.addi %mul3A_3, %parallel_loop3A_453 : vector<16xi32>
        %parallel_loop3A_455 = vector.broadcast %parallel_loop3A_437 : i32 to vector<16xi32>
        %parallel_loop3A_456 = arith.addi %mul3A_3, %parallel_loop3A_455 : vector<16xi32>
        %parallel_loop3A_457 = arith.constant 0 : i32
        %parallel_loop3A_458 = arith.constant 0 : i32
        %parallel_loop3A_459 = arith.constant 0 : i32
        %parallel_loop3A_460 = tpu.memref_slice %arg9[%parallel_loop3A_457, %parallel_loop3A_458, %parallel_loop3A_459] : memref<2x4x16xi32, #tpu.memory_space<vmem>> -> memref<1x4x16xi32, #tpu.memory_space<vmem>>
        %parallel_loop3A_461 = tpu.memref_squeeze %parallel_loop3A_460 : memref<1x4x16xi32, #tpu.memory_space<vmem>> -> memref<4x16xi32, #tpu.memory_space<vmem>>
        %parallel_loop3A_462 = tpu.vector_load_idx %parallel_loop3A_461[%parallel_loop3A_454, %parallel_loop3A_456] : memref<4x16xi32, #tpu.memory_space<vmem>>[vector<16xi32>, vector<16xi32>], vector<16xi32>,
        %parallel_loop3A_463 = vector.bitcast %parallel_loop3A_462 : vector<16xi32> to vector<32xbf16>
        %parallel_loop3A_464 = arith.constant 2 : i32
        %parallel_loop3A_465 = vector.broadcast %parallel_loop3A_464 : i32 to vector<16xi32>
        %parallel_loop3A_466 = arith.addi %mul3A_3, %parallel_loop3A_465 : vector<16xi32>
        %parallel_loop3A_467 = vector.broadcast %parallel_loop3A_437 : i32 to vector<16xi32>
        %parallel_loop3A_468 = arith.addi %mul3A_3, %parallel_loop3A_467 : vector<16xi32>
        %parallel_loop3A_469 = arith.constant 0 : i32
        %parallel_loop3A_470 = arith.constant 0 : i32
        %parallel_loop3A_471 = arith.constant 0 : i32
        %parallel_loop3A_472 = tpu.memref_slice %arg9[%parallel_loop3A_469, %parallel_loop3A_470, %parallel_loop3A_471] : memref<2x4x16xi32, #tpu.memory_space<vmem>> -> memref<1x4x16xi32, #tpu.memory_space<vmem>>
        %parallel_loop3A_473 = tpu.memref_squeeze %parallel_loop3A_472 : memref<1x4x16xi32, #tpu.memory_space<vmem>> -> memref<4x16xi32, #tpu.memory_space<vmem>>
        %parallel_loop3A_474 = tpu.vector_load_idx %parallel_loop3A_473[%parallel_loop3A_466, %parallel_loop3A_468] : memref<4x16xi32, #tpu.memory_space<vmem>>[vector<16xi32>, vector<16xi32>], vector<16xi32>,
        %parallel_loop3A_475 = vector.bitcast %parallel_loop3A_474 : vector<16xi32> to vector<32xbf16>
        %parallel_loop3A_476 = arith.constant 3 : i32
        %parallel_loop3A_477 = vector.broadcast %parallel_loop3A_476 : i32 to vector<16xi32>
        %parallel_loop3A_478 = arith.addi %mul3A_3, %parallel_loop3A_477 : vector<16xi32>
        %parallel_loop3A_479 = vector.broadcast %parallel_loop3A_437 : i32 to vector<16xi32>
        %parallel_loop3A_480 = arith.addi %mul3A_3, %parallel_loop3A_479 : vector<16xi32>
        %parallel_loop3A_481 = arith.constant 0 : i32
        %parallel_loop3A_482 = arith.constant 0 : i32
        %parallel_loop3A_483 = arith.constant 0 : i32
        %parallel_loop3A_484 = tpu.memref_slice %arg9[%parallel_loop3A_481, %parallel_loop3A_482, %parallel_loop3A_483] : memref<2x4x16xi32, #tpu.memory_space<vmem>> -> memref<1x4x16xi32, #tpu.memory_space<vmem>>
        %parallel_loop3A_485 = tpu.memref_squeeze %parallel_loop3A_484 : memref<1x4x16xi32, #tpu.memory_space<vmem>> -> memref<4x16xi32, #tpu.memory_space<vmem>>
        %parallel_loop3A_486 = tpu.vector_load_idx %parallel_loop3A_485[%parallel_loop3A_478, %parallel_loop3A_480] : memref<4x16xi32, #tpu.memory_space<vmem>>[vector<16xi32>, vector<16xi32>], vector<16xi32>,
        %parallel_loop3A_487 = vector.bitcast %parallel_loop3A_486 : vector<16xi32> to vector<32xbf16>
        %parallel_loop3A_488 = arith.constant 0 : i32
        %parallel_loop3A_489 = arith.index_cast %parallel_loop3A_488 : i32 to index
        %parallel_loop3A_490 = arith.index_cast %parallel_loop3A_439 : i32 to index
        %parallel_loop3A_491 = arith.constant 0 : index
        %parallel_loop3A_492 = tpu.vector_load %arg8[%parallel_loop3A_489, %parallel_loop3A_490, %parallel_loop3A_491] {strides = array<i32>} : memref<2x64x128xi32, #tpu.memory_space<vmem>>, vector<16xi32>,
        %parallel_loop3A_493 = vector.bitcast %parallel_loop3A_492 : vector<16xi32> to vector<32xbf16>
        %parallel_loop3A_494 = arith.mulf %parallel_loop3A_493, %parallel_loop3A_451 : vector<32xbf16>
        %parallel_loop3A_495 = arith.constant 1 : i32
        %parallel_loop3A_496 = arith.addi %parallel_loop3A_439, %parallel_loop3A_495 : i32
        %parallel_loop3A_497 = arith.constant 0 : i32
        %parallel_loop3A_498 = arith.index_cast %parallel_loop3A_497 : i32 to index
        %parallel_loop3A_499 = arith.index_cast %parallel_loop3A_496 : i32 to index
        %parallel_loop3A_500 = arith.constant 0 : index
        %parallel_loop3A_501 = tpu.vector_load %arg8[%parallel_loop3A_498, %parallel_loop3A_499, %parallel_loop3A_500] {strides = array<i32>} : memref<2x64x128xi32, #tpu.memory_space<vmem>>, vector<16xi32>,
        %parallel_loop3A_502 = vector.bitcast %parallel_loop3A_501 : vector<16xi32> to vector<32xbf16>
        %parallel_loop3A_503 = arith.mulf %parallel_loop3A_502, %parallel_loop3A_463 : vector<32xbf16>
        %parallel_loop3A_504 = arith.addf %parallel_loop3A_494, %parallel_loop3A_503 : vector<32xbf16>
        %parallel_loop3A_505 = arith.constant 2 : i32
        %parallel_loop3A_506 = arith.addi %parallel_loop3A_439, %parallel_loop3A_505 : i32
        %parallel_loop3A_507 = arith.constant 0 : i32
        %parallel_loop3A_508 = arith.index_cast %parallel_loop3A_507 : i32 to index
        %parallel_loop3A_509 = arith.index_cast %parallel_loop3A_506 : i32 to index
        %parallel_loop3A_510 = arith.constant 0 : index
        %parallel_loop3A_511 = tpu.vector_load %arg8[%parallel_loop3A_508, %parallel_loop3A_509, %parallel_loop3A_510] {strides = array<i32>} : memref<2x64x128xi32, #tpu.memory_space<vmem>>, vector<16xi32>,
        %parallel_loop3A_512 = vector.bitcast %parallel_loop3A_511 : vector<16xi32> to vector<32xbf16>
        %parallel_loop3A_513 = arith.mulf %parallel_loop3A_512, %parallel_loop3A_475 : vector<32xbf16>
        %parallel_loop3A_514 = arith.constant 3 : i32
        %parallel_loop3A_515 = arith.addi %parallel_loop3A_439, %parallel_loop3A_514 : i32
        %parallel_loop3A_516 = arith.constant 0 : i32
        %parallel_loop3A_517 = arith.index_cast %parallel_loop3A_516 : i32 to index
        %parallel_loop3A_518 = arith.index_cast %parallel_loop3A_515 : i32 to index
        %parallel_loop3A_519 = arith.constant 0 : index
        %parallel_loop3A_520 = tpu.vector_load %arg8[%parallel_loop3A_517, %parallel_loop3A_518, %parallel_loop3A_519] {strides = array<i32>} : memref<2x64x128xi32, #tpu.memory_space<vmem>>, vector<16xi32>,
        %parallel_loop3A_521 = vector.bitcast %parallel_loop3A_520 : vector<16xi32> to vector<32xbf16>
        %parallel_loop3A_522 = arith.mulf %parallel_loop3A_521, %parallel_loop3A_487 : vector<32xbf16>
        %parallel_loop3A_523 = arith.addf %parallel_loop3A_513, %parallel_loop3A_522 : vector<32xbf16>
        %parallel_loop3A_524 = arith.addf %parallel_loop3A_504, %parallel_loop3A_523 : vector<32xbf16>
        %parallel_loop3A_525 = vector.bitcast %parallel_loop3A_524 : vector<32xbf16> to vector<16xi32>
        %parallel_loop3A_526 = arith.constant 0 : i32
        %parallel_loop3A_527 = arith.index_cast %parallel_loop3A_526 : i32 to index
        %parallel_loop3A_528 = arith.index_cast %parallel_loop3A_437 : i32 to index
        %parallel_loop3A_529 = arith.constant 0 : index
        %parallel_loop3A_530 = tpu.vector_load %arg10[%parallel_loop3A_527, %parallel_loop3A_528, %parallel_loop3A_529] {strides = array<i32>} : memref<2x16x128xi32, #tpu.memory_space<vmem>>, vector<16xi32>,
        tpu.vector_store %arg10[%parallel_loop3A_527, %parallel_loop3A_528, %parallel_loop3A_529], %parallel_loop3A_525 {strides = array<i32>} : memref<2x16x128xi32, #tpu.memory_space<vmem>>, vector<16xi32>,
        %parallel_loop3A_531 = arith.constant 0 : i32
        %parallel_loop3A_532 = arith.index_cast %parallel_loop3A_531 : i32 to index
        %parallel_loop3A_533 = arith.index_cast %parallel_loop3A_439 : i32 to index
        %parallel_loop3A_534 = arith.constant 16 : index
        %parallel_loop3A_535 = tpu.vector_load %arg8[%parallel_loop3A_532, %parallel_loop3A_533, %parallel_loop3A_534] {strides = array<i32>} : memref<2x64x128xi32, #tpu.memory_space<vmem>>, vector<16xi32>,
        %parallel_loop3A_536 = vector.bitcast %parallel_loop3A_535 : vector<16xi32> to vector<32xbf16>
        %parallel_loop3A_537 = arith.mulf %parallel_loop3A_536, %parallel_loop3A_451 : vector<32xbf16>
        %parallel_loop3A_538 = arith.constant 1 : i32
        %parallel_loop3A_539 = arith.addi %parallel_loop3A_439, %parallel_loop3A_538 : i32
        %parallel_loop3A_540 = arith.constant 0 : i32
        %parallel_loop3A_541 = arith.index_cast %parallel_loop3A_540 : i32 to index
        %parallel_loop3A_542 = arith.index_cast %parallel_loop3A_539 : i32 to index
        %parallel_loop3A_543 = arith.constant 16 : index
        %parallel_loop3A_544 = tpu.vector_load %arg8[%parallel_loop3A_541, %parallel_loop3A_542, %parallel_loop3A_543] {strides = array<i32>} : memref<2x64x128xi32, #tpu.memory_space<vmem>>, vector<16xi32>,
        %parallel_loop3A_545 = vector.bitcast %parallel_loop3A_544 : vector<16xi32> to vector<32xbf16>
        %parallel_loop3A_546 = arith.mulf %parallel_loop3A_545, %parallel_loop3A_463 : vector<32xbf16>
        %parallel_loop3A_547 = arith.addf %parallel_loop3A_537, %parallel_loop3A_546 : vector<32xbf16>
        %parallel_loop3A_548 = arith.constant 2 : i32
        %parallel_loop3A_549 = arith.addi %parallel_loop3A_439, %parallel_loop3A_548 : i32
        %parallel_loop3A_550 = arith.constant 0 : i32
        %parallel_loop3A_551 = arith.index_cast %parallel_loop3A_550 : i32 to index
        %parallel_loop3A_552 = arith.index_cast %parallel_loop3A_549 : i32 to index
        %parallel_loop3A_553 = arith.constant 16 : index
        %parallel_loop3A_554 = tpu.vector_load %arg8[%parallel_loop3A_551, %parallel_loop3A_552, %parallel_loop3A_553] {strides = array<i32>} : memref<2x64x128xi32, #tpu.memory_space<vmem>>, vector<16xi32>,
        %parallel_loop3A_555 = vector.bitcast %parallel_loop3A_554 : vector<16xi32> to vector<32xbf16>
        %parallel_loop3A_556 = arith.mulf %parallel_loop3A_555, %parallel_loop3A_475 : vector<32xbf16>
        %parallel_loop3A_557 = arith.constant 3 : i32
        %parallel_loop3A_558 = arith.addi %parallel_loop3A_439, %parallel_loop3A_557 : i32
        %parallel_loop3A_559 = arith.constant 0 : i32
        %parallel_loop3A_560 = arith.index_cast %parallel_loop3A_559 : i32 to index
        %parallel_loop3A_561 = arith.index_cast %parallel_loop3A_558 : i32 to index
        %parallel_loop3A_562 = arith.constant 16 : index
        %parallel_loop3A_563 = tpu.vector_load %arg8[%parallel_loop3A_560, %parallel_loop3A_561, %parallel_loop3A_562] {strides = array<i32>} : memref<2x64x128xi32, #tpu.memory_space<vmem>>, vector<16xi32>,
        %parallel_loop3A_564 = vector.bitcast %parallel_loop3A_563 : vector<16xi32> to vector<32xbf16>
        %parallel_loop3A_565 = arith.mulf %parallel_loop3A_564, %parallel_loop3A_487 : vector<32xbf16>
        %parallel_loop3A_566 = arith.addf %parallel_loop3A_556, %parallel_loop3A_565 : vector<32xbf16>
        %parallel_loop3A_567 = arith.addf %parallel_loop3A_547, %parallel_loop3A_566 : vector<32xbf16>
        %parallel_loop3A_568 = vector.bitcast %parallel_loop3A_567 : vector<32xbf16> to vector<16xi32>
        %parallel_loop3A_569 = arith.constant 0 : i32
        %parallel_loop3A_570 = arith.index_cast %parallel_loop3A_569 : i32 to index
        %parallel_loop3A_571 = arith.index_cast %parallel_loop3A_437 : i32 to index
        %parallel_loop3A_572 = arith.constant 16 : index
        %parallel_loop3A_573 = tpu.vector_load %arg10[%parallel_loop3A_570, %parallel_loop3A_571, %parallel_loop3A_572] {strides = array<i32>} : memref<2x16x128xi32, #tpu.memory_space<vmem>>, vector<16xi32>,
        tpu.vector_store %arg10[%parallel_loop3A_570, %parallel_loop3A_571, %parallel_loop3A_572], %parallel_loop3A_568 {strides = array<i32>} : memref<2x16x128xi32, #tpu.memory_space<vmem>>, vector<16xi32>,
        %parallel_loop3A_574 = arith.constant 0 : i32
        %parallel_loop3A_575 = arith.index_cast %parallel_loop3A_574 : i32 to index
        %parallel_loop3A_576 = arith.index_cast %parallel_loop3A_439 : i32 to index
        %parallel_loop3A_577 = arith.constant 32 : index
        %parallel_loop3A_578 = tpu.vector_load %arg8[%parallel_loop3A_575, %parallel_loop3A_576, %parallel_loop3A_577] {strides = array<i32>} : memref<2x64x128xi32, #tpu.memory_space<vmem>>, vector<16xi32>,
        %parallel_loop3A_579 = vector.bitcast %parallel_loop3A_578 : vector<16xi32> to vector<32xbf16>
        %parallel_loop3A_580 = arith.mulf %parallel_loop3A_579, %parallel_loop3A_451 : vector<32xbf16>
        %parallel_loop3A_581 = arith.constant 1 : i32
        %parallel_loop3A_582 = arith.addi %parallel_loop3A_439, %parallel_loop3A_581 : i32
        %parallel_loop3A_583 = arith.constant 0 : i32
        %parallel_loop3A_584 = arith.index_cast %parallel_loop3A_583 : i32 to index
        %parallel_loop3A_585 = arith.index_cast %parallel_loop3A_582 : i32 to index
        %parallel_loop3A_586 = arith.constant 32 : index
        %parallel_loop3A_587 = tpu.vector_load %arg8[%parallel_loop3A_584, %parallel_loop3A_585, %parallel_loop3A_586] {strides = array<i32>} : memref<2x64x128xi32, #tpu.memory_space<vmem>>, vector<16xi32>,
        %parallel_loop3A_588 = vector.bitcast %parallel_loop3A_587 : vector<16xi32> to vector<32xbf16>
        %parallel_loop3A_589 = arith.mulf %parallel_loop3A_588, %parallel_loop3A_463 : vector<32xbf16>
        %parallel_loop3A_590 = arith.addf %parallel_loop3A_580, %parallel_loop3A_589 : vector<32xbf16>
        %parallel_loop3A_591 = arith.constant 2 : i32
        %parallel_loop3A_592 = arith.addi %parallel_loop3A_439, %parallel_loop3A_591 : i32
        %parallel_loop3A_593 = arith.constant 0 : i32
        %parallel_loop3A_594 = arith.index_cast %parallel_loop3A_593 : i32 to index
        %parallel_loop3A_595 = arith.index_cast %parallel_loop3A_592 : i32 to index
        %parallel_loop3A_596 = arith.constant 32 : index
        %parallel_loop3A_597 = tpu.vector_load %arg8[%parallel_loop3A_594, %parallel_loop3A_595, %parallel_loop3A_596] {strides = array<i32>} : memref<2x64x128xi32, #tpu.memory_space<vmem>>, vector<16xi32>,
        %parallel_loop3A_598 = vector.bitcast %parallel_loop3A_597 : vector<16xi32> to vector<32xbf16>
        %parallel_loop3A_599 = arith.mulf %parallel_loop3A_598, %parallel_loop3A_475 : vector<32xbf16>
        %parallel_loop3A_600 = arith.constant 3 : i32
        %parallel_loop3A_601 = arith.addi %parallel_loop3A_439, %parallel_loop3A_600 : i32
        %parallel_loop3A_602 = arith.constant 0 : i32
        %parallel_loop3A_603 = arith.index_cast %parallel_loop3A_602 : i32 to index
        %parallel_loop3A_604 = arith.index_cast %parallel_loop3A_601 : i32 to index
        %parallel_loop3A_605 = arith.constant 32 : index
        %parallel_loop3A_606 = tpu.vector_load %arg8[%parallel_loop3A_603, %parallel_loop3A_604, %parallel_loop3A_605] {strides = array<i32>} : memref<2x64x128xi32, #tpu.memory_space<vmem>>, vector<16xi32>,
        %parallel_loop3A_607 = vector.bitcast %parallel_loop3A_606 : vector<16xi32> to vector<32xbf16>
        %parallel_loop3A_608 = arith.mulf %parallel_loop3A_607, %parallel_loop3A_487 : vector<32xbf16>
        %parallel_loop3A_609 = arith.addf %parallel_loop3A_599, %parallel_loop3A_608 : vector<32xbf16>
        %parallel_loop3A_610 = arith.addf %parallel_loop3A_590, %parallel_loop3A_609 : vector<32xbf16>
        %parallel_loop3A_611 = vector.bitcast %parallel_loop3A_610 : vector<32xbf16> to vector<16xi32>
        %parallel_loop3A_612 = arith.constant 0 : i32
        %parallel_loop3A_613 = arith.index_cast %parallel_loop3A_612 : i32 to index
        %parallel_loop3A_614 = arith.index_cast %parallel_loop3A_437 : i32 to index
        %parallel_loop3A_615 = arith.constant 32 : index
        %parallel_loop3A_616 = tpu.vector_load %arg10[%parallel_loop3A_613, %parallel_loop3A_614, %parallel_loop3A_615] {strides = array<i32>} : memref<2x16x128xi32, #tpu.memory_space<vmem>>, vector<16xi32>,
        tpu.vector_store %arg10[%parallel_loop3A_613, %parallel_loop3A_614, %parallel_loop3A_615], %parallel_loop3A_611 {strides = array<i32>} : memref<2x16x128xi32, #tpu.memory_space<vmem>>, vector<16xi32>,
        %parallel_loop3A_617 = arith.constant 0 : i32
        %parallel_loop3A_618 = arith.index_cast %parallel_loop3A_617 : i32 to index
        %parallel_loop3A_619 = arith.index_cast %parallel_loop3A_439 : i32 to index
        %parallel_loop3A_620 = arith.constant 48 : index
        %parallel_loop3A_621 = tpu.vector_load %arg8[%parallel_loop3A_618, %parallel_loop3A_619, %parallel_loop3A_620] {strides = array<i32>} : memref<2x64x128xi32, #tpu.memory_space<vmem>>, vector<16xi32>,
        %parallel_loop3A_622 = vector.bitcast %parallel_loop3A_621 : vector<16xi32> to vector<32xbf16>
        %parallel_loop3A_623 = arith.mulf %parallel_loop3A_622, %parallel_loop3A_451 : vector<32xbf16>
        %parallel_loop3A_624 = arith.constant 1 : i32
        %parallel_loop3A_625 = arith.addi %parallel_loop3A_439, %parallel_loop3A_624 : i32
        %parallel_loop3A_626 = arith.constant 0 : i32
        %parallel_loop3A_627 = arith.index_cast %parallel_loop3A_626 : i32 to index
        %parallel_loop3A_628 = arith.index_cast %parallel_loop3A_625 : i32 to index
        %parallel_loop3A_629 = arith.constant 48 : index
        %parallel_loop3A_630 = tpu.vector_load %arg8[%parallel_loop3A_627, %parallel_loop3A_628, %parallel_loop3A_629] {strides = array<i32>} : memref<2x64x128xi32, #tpu.memory_space<vmem>>, vector<16xi32>,
        %parallel_loop3A_631 = vector.bitcast %parallel_loop3A_630 : vector<16xi32> to vector<32xbf16>
        %parallel_loop3A_632 = arith.mulf %parallel_loop3A_631, %parallel_loop3A_463 : vector<32xbf16>
        %parallel_loop3A_633 = arith.addf %parallel_loop3A_623, %parallel_loop3A_632 : vector<32xbf16>
        %parallel_loop3A_634 = arith.constant 2 : i32
        %parallel_loop3A_635 = arith.addi %parallel_loop3A_439, %parallel_loop3A_634 : i32
        %parallel_loop3A_636 = arith.constant 0 : i32
        %parallel_loop3A_637 = arith.index_cast %parallel_loop3A_636 : i32 to index
        %parallel_loop3A_638 = arith.index_cast %parallel_loop3A_635 : i32 to index
        %parallel_loop3A_639 = arith.constant 48 : index
        %parallel_loop3A_640 = tpu.vector_load %arg8[%parallel_loop3A_637, %parallel_loop3A_638, %parallel_loop3A_639] {strides = array<i32>} : memref<2x64x128xi32, #tpu.memory_space<vmem>>, vector<16xi32>,
        %parallel_loop3A_641 = vector.bitcast %parallel_loop3A_640 : vector<16xi32> to vector<32xbf16>
        %parallel_loop3A_642 = arith.mulf %parallel_loop3A_641, %parallel_loop3A_475 : vector<32xbf16>
        %parallel_loop3A_643 = arith.constant 3 : i32
        %parallel_loop3A_644 = arith.addi %parallel_loop3A_439, %parallel_loop3A_643 : i32
        %parallel_loop3A_645 = arith.constant 0 : i32
        %parallel_loop3A_646 = arith.index_cast %parallel_loop3A_645 : i32 to index
        %parallel_loop3A_647 = arith.index_cast %parallel_loop3A_644 : i32 to index
        %parallel_loop3A_648 = arith.constant 48 : index
        %parallel_loop3A_649 = tpu.vector_load %arg8[%parallel_loop3A_646, %parallel_loop3A_647, %parallel_loop3A_648] {strides = array<i32>} : memref<2x64x128xi32, #tpu.memory_space<vmem>>, vector<16xi32>,
        %parallel_loop3A_650 = vector.bitcast %parallel_loop3A_649 : vector<16xi32> to vector<32xbf16>
        %parallel_loop3A_651 = arith.mulf %parallel_loop3A_650, %parallel_loop3A_487 : vector<32xbf16>
        %parallel_loop3A_652 = arith.addf %parallel_loop3A_642, %parallel_loop3A_651 : vector<32xbf16>
        %parallel_loop3A_653 = arith.addf %parallel_loop3A_633, %parallel_loop3A_652 : vector<32xbf16>
        %parallel_loop3A_654 = vector.bitcast %parallel_loop3A_653 : vector<32xbf16> to vector<16xi32>
        %parallel_loop3A_655 = arith.constant 0 : i32
        %parallel_loop3A_656 = arith.index_cast %parallel_loop3A_655 : i32 to index
        %parallel_loop3A_657 = arith.index_cast %parallel_loop3A_437 : i32 to index
        %parallel_loop3A_658 = arith.constant 48 : index
        %parallel_loop3A_659 = tpu.vector_load %arg10[%parallel_loop3A_656, %parallel_loop3A_657, %parallel_loop3A_658] {strides = array<i32>} : memref<2x16x128xi32, #tpu.memory_space<vmem>>, vector<16xi32>,
        tpu.vector_store %arg10[%parallel_loop3A_656, %parallel_loop3A_657, %parallel_loop3A_658], %parallel_loop3A_654 {strides = array<i32>} : memref<2x16x128xi32, #tpu.memory_space<vmem>>, vector<16xi32>,
        %parallel_loop3A_660 = arith.constant 0 : i32
        %parallel_loop3A_661 = arith.index_cast %parallel_loop3A_660 : i32 to index
        %parallel_loop3A_662 = arith.index_cast %parallel_loop3A_439 : i32 to index
        %parallel_loop3A_663 = arith.constant 64 : index
        %parallel_loop3A_664 = tpu.vector_load %arg8[%parallel_loop3A_661, %parallel_loop3A_662, %parallel_loop3A_663] {strides = array<i32>} : memref<2x64x128xi32, #tpu.memory_space<vmem>>, vector<16xi32>,
        %parallel_loop3A_665 = vector.bitcast %parallel_loop3A_664 : vector<16xi32> to vector<32xbf16>
        %parallel_loop3A_666 = arith.mulf %parallel_loop3A_665, %parallel_loop3A_451 : vector<32xbf16>
        %parallel_loop3A_667 = arith.constant 1 : i32
        %parallel_loop3A_668 = arith.addi %parallel_loop3A_439, %parallel_loop3A_667 : i32
        %parallel_loop3A_669 = arith.constant 0 : i32
        %parallel_loop3A_670 = arith.index_cast %parallel_loop3A_669 : i32 to index
        %parallel_loop3A_671 = arith.index_cast %parallel_loop3A_668 : i32 to index
        %parallel_loop3A_672 = arith.constant 64 : index
        %parallel_loop3A_673 = tpu.vector_load %arg8[%parallel_loop3A_670, %parallel_loop3A_671, %parallel_loop3A_672] {strides = array<i32>} : memref<2x64x128xi32, #tpu.memory_space<vmem>>, vector<16xi32>,
        %parallel_loop3A_674 = vector.bitcast %parallel_loop3A_673 : vector<16xi32> to vector<32xbf16>
        %parallel_loop3A_675 = arith.mulf %parallel_loop3A_674, %parallel_loop3A_463 : vector<32xbf16>
        %parallel_loop3A_676 = arith.addf %parallel_loop3A_666, %parallel_loop3A_675 : vector<32xbf16>
        %parallel_loop3A_677 = arith.constant 2 : i32
        %parallel_loop3A_678 = arith.addi %parallel_loop3A_439, %parallel_loop3A_677 : i32
        %parallel_loop3A_679 = arith.constant 0 : i32
        %parallel_loop3A_680 = arith.index_cast %parallel_loop3A_679 : i32 to index
        %parallel_loop3A_681 = arith.index_cast %parallel_loop3A_678 : i32 to index
        %parallel_loop3A_682 = arith.constant 64 : index
        %parallel_loop3A_683 = tpu.vector_load %arg8[%parallel_loop3A_680, %parallel_loop3A_681, %parallel_loop3A_682] {strides = array<i32>} : memref<2x64x128xi32, #tpu.memory_space<vmem>>, vector<16xi32>,
        %parallel_loop3A_684 = vector.bitcast %parallel_loop3A_683 : vector<16xi32> to vector<32xbf16>
        %parallel_loop3A_685 = arith.mulf %parallel_loop3A_684, %parallel_loop3A_475 : vector<32xbf16>
        %parallel_loop3A_686 = arith.constant 3 : i32
        %parallel_loop3A_687 = arith.addi %parallel_loop3A_439, %parallel_loop3A_686 : i32
        %parallel_loop3A_688 = arith.constant 0 : i32
        %parallel_loop3A_689 = arith.index_cast %parallel_loop3A_688 : i32 to index
        %parallel_loop3A_690 = arith.index_cast %parallel_loop3A_687 : i32 to index
        %parallel_loop3A_691 = arith.constant 64 : index
        %parallel_loop3A_692 = tpu.vector_load %arg8[%parallel_loop3A_689, %parallel_loop3A_690, %parallel_loop3A_691] {strides = array<i32>} : memref<2x64x128xi32, #tpu.memory_space<vmem>>, vector<16xi32>,
        %parallel_loop3A_693 = vector.bitcast %parallel_loop3A_692 : vector<16xi32> to vector<32xbf16>
        %parallel_loop3A_694 = arith.mulf %parallel_loop3A_693, %parallel_loop3A_487 : vector<32xbf16>
        %parallel_loop3A_695 = arith.addf %parallel_loop3A_685, %parallel_loop3A_694 : vector<32xbf16>
        %parallel_loop3A_696 = arith.addf %parallel_loop3A_676, %parallel_loop3A_695 : vector<32xbf16>
        %parallel_loop3A_697 = vector.bitcast %parallel_loop3A_696 : vector<32xbf16> to vector<16xi32>
        %parallel_loop3A_698 = arith.constant 0 : i32
        %parallel_loop3A_699 = arith.index_cast %parallel_loop3A_698 : i32 to index
        %parallel_loop3A_700 = arith.index_cast %parallel_loop3A_437 : i32 to index
        %parallel_loop3A_701 = arith.constant 64 : index
        %parallel_loop3A_702 = tpu.vector_load %arg10[%parallel_loop3A_699, %parallel_loop3A_700, %parallel_loop3A_701] {strides = array<i32>} : memref<2x16x128xi32, #tpu.memory_space<vmem>>, vector<16xi32>,
        tpu.vector_store %arg10[%parallel_loop3A_699, %parallel_loop3A_700, %parallel_loop3A_701], %parallel_loop3A_697 {strides = array<i32>} : memref<2x16x128xi32, #tpu.memory_space<vmem>>, vector<16xi32>,
        %parallel_loop3A_703 = arith.constant 0 : i32
        %parallel_loop3A_704 = arith.index_cast %parallel_loop3A_703 : i32 to index
        %parallel_loop3A_705 = arith.index_cast %parallel_loop3A_439 : i32 to index
        %parallel_loop3A_706 = arith.constant 80 : index
        %parallel_loop3A_707 = tpu.vector_load %arg8[%parallel_loop3A_704, %parallel_loop3A_705, %parallel_loop3A_706] {strides = array<i32>} : memref<2x64x128xi32, #tpu.memory_space<vmem>>, vector<16xi32>,
        %parallel_loop3A_708 = vector.bitcast %parallel_loop3A_707 : vector<16xi32> to vector<32xbf16>
        %parallel_loop3A_709 = arith.mulf %parallel_loop3A_708, %parallel_loop3A_451 : vector<32xbf16>
        %parallel_loop3A_710 = arith.constant 1 : i32
        %parallel_loop3A_711 = arith.addi %parallel_loop3A_439, %parallel_loop3A_710 : i32
        %parallel_loop3A_712 = arith.constant 0 : i32
        %parallel_loop3A_713 = arith.index_cast %parallel_loop3A_712 : i32 to index
        %parallel_loop3A_714 = arith.index_cast %parallel_loop3A_711 : i32 to index
        %parallel_loop3A_715 = arith.constant 80 : index
        %parallel_loop3A_716 = tpu.vector_load %arg8[%parallel_loop3A_713, %parallel_loop3A_714, %parallel_loop3A_715] {strides = array<i32>} : memref<2x64x128xi32, #tpu.memory_space<vmem>>, vector<16xi32>,
        %parallel_loop3A_717 = vector.bitcast %parallel_loop3A_716 : vector<16xi32> to vector<32xbf16>
        %parallel_loop3A_718 = arith.mulf %parallel_loop3A_717, %parallel_loop3A_463 : vector<32xbf16>
        %parallel_loop3A_719 = arith.addf %parallel_loop3A_709, %parallel_loop3A_718 : vector<32xbf16>
        %parallel_loop3A_720 = arith.constant 2 : i32
        %parallel_loop3A_721 = arith.addi %parallel_loop3A_439, %parallel_loop3A_720 : i32
        %parallel_loop3A_722 = arith.constant 0 : i32
        %parallel_loop3A_723 = arith.index_cast %parallel_loop3A_722 : i32 to index
        %parallel_loop3A_724 = arith.index_cast %parallel_loop3A_721 : i32 to index
        %parallel_loop3A_725 = arith.constant 80 : index
        %parallel_loop3A_726 = tpu.vector_load %arg8[%parallel_loop3A_723, %parallel_loop3A_724, %parallel_loop3A_725] {strides = array<i32>} : memref<2x64x128xi32, #tpu.memory_space<vmem>>, vector<16xi32>,
        %parallel_loop3A_727 = vector.bitcast %parallel_loop3A_726 : vector<16xi32> to vector<32xbf16>
        %parallel_loop3A_728 = arith.mulf %parallel_loop3A_727, %parallel_loop3A_475 : vector<32xbf16>
        %parallel_loop3A_729 = arith.constant 3 : i32
        %parallel_loop3A_730 = arith.addi %parallel_loop3A_439, %parallel_loop3A_729 : i32
        %parallel_loop3A_731 = arith.constant 0 : i32
        %parallel_loop3A_732 = arith.index_cast %parallel_loop3A_731 : i32 to index
        %parallel_loop3A_733 = arith.index_cast %parallel_loop3A_730 : i32 to index
        %parallel_loop3A_734 = arith.constant 80 : index
        %parallel_loop3A_735 = tpu.vector_load %arg8[%parallel_loop3A_732, %parallel_loop3A_733, %parallel_loop3A_734] {strides = array<i32>} : memref<2x64x128xi32, #tpu.memory_space<vmem>>, vector<16xi32>,
        %parallel_loop3A_736 = vector.bitcast %parallel_loop3A_735 : vector<16xi32> to vector<32xbf16>
        %parallel_loop3A_737 = arith.mulf %parallel_loop3A_736, %parallel_loop3A_487 : vector<32xbf16>
        %parallel_loop3A_738 = arith.addf %parallel_loop3A_728, %parallel_loop3A_737 : vector<32xbf16>
        %parallel_loop3A_739 = arith.addf %parallel_loop3A_719, %parallel_loop3A_738 : vector<32xbf16>
        %parallel_loop3A_740 = vector.bitcast %parallel_loop3A_739 : vector<32xbf16> to vector<16xi32>
        %parallel_loop3A_741 = arith.constant 0 : i32
        %parallel_loop3A_742 = arith.index_cast %parallel_loop3A_741 : i32 to index
        %parallel_loop3A_743 = arith.index_cast %parallel_loop3A_437 : i32 to index
        %parallel_loop3A_744 = arith.constant 80 : index
        %parallel_loop3A_745 = tpu.vector_load %arg10[%parallel_loop3A_742, %parallel_loop3A_743, %parallel_loop3A_744] {strides = array<i32>} : memref<2x16x128xi32, #tpu.memory_space<vmem>>, vector<16xi32>,
        tpu.vector_store %arg10[%parallel_loop3A_742, %parallel_loop3A_743, %parallel_loop3A_744], %parallel_loop3A_740 {strides = array<i32>} : memref<2x16x128xi32, #tpu.memory_space<vmem>>, vector<16xi32>,
        %parallel_loop3A_746 = arith.constant 0 : i32
        %parallel_loop3A_747 = arith.index_cast %parallel_loop3A_746 : i32 to index
        %parallel_loop3A_748 = arith.index_cast %parallel_loop3A_439 : i32 to index
        %parallel_loop3A_749 = arith.constant 96 : index
        %parallel_loop3A_750 = tpu.vector_load %arg8[%parallel_loop3A_747, %parallel_loop3A_748, %parallel_loop3A_749] {strides = array<i32>} : memref<2x64x128xi32, #tpu.memory_space<vmem>>, vector<16xi32>,
        %parallel_loop3A_751 = vector.bitcast %parallel_loop3A_750 : vector<16xi32> to vector<32xbf16>
        %parallel_loop3A_752 = arith.mulf %parallel_loop3A_751, %parallel_loop3A_451 : vector<32xbf16>
        %parallel_loop3A_753 = arith.constant 1 : i32
        %parallel_loop3A_754 = arith.addi %parallel_loop3A_439, %parallel_loop3A_753 : i32
        %parallel_loop3A_755 = arith.constant 0 : i32
        %parallel_loop3A_756 = arith.index_cast %parallel_loop3A_755 : i32 to index
        %parallel_loop3A_757 = arith.index_cast %parallel_loop3A_754 : i32 to index
        %parallel_loop3A_758 = arith.constant 96 : index
        %parallel_loop3A_759 = tpu.vector_load %arg8[%parallel_loop3A_756, %parallel_loop3A_757, %parallel_loop3A_758] {strides = array<i32>} : memref<2x64x128xi32, #tpu.memory_space<vmem>>, vector<16xi32>,
        %parallel_loop3A_760 = vector.bitcast %parallel_loop3A_759 : vector<16xi32> to vector<32xbf16>
        %parallel_loop3A_761 = arith.mulf %parallel_loop3A_760, %parallel_loop3A_463 : vector<32xbf16>
        %parallel_loop3A_762 = arith.addf %parallel_loop3A_752, %parallel_loop3A_761 : vector<32xbf16>
        %parallel_loop3A_763 = arith.constant 2 : i32
        %parallel_loop3A_764 = arith.addi %parallel_loop3A_439, %parallel_loop3A_763 : i32
        %parallel_loop3A_765 = arith.constant 0 : i32
        %parallel_loop3A_766 = arith.index_cast %parallel_loop3A_765 : i32 to index
        %parallel_loop3A_767 = arith.index_cast %parallel_loop3A_764 : i32 to index
        %parallel_loop3A_768 = arith.constant 96 : index
        %parallel_loop3A_769 = tpu.vector_load %arg8[%parallel_loop3A_766, %parallel_loop3A_767, %parallel_loop3A_768] {strides = array<i32>} : memref<2x64x128xi32, #tpu.memory_space<vmem>>, vector<16xi32>,
        %parallel_loop3A_770 = vector.bitcast %parallel_loop3A_769 : vector<16xi32> to vector<32xbf16>
        %parallel_loop3A_771 = arith.mulf %parallel_loop3A_770, %parallel_loop3A_475 : vector<32xbf16>
        %parallel_loop3A_772 = arith.constant 3 : i32
        %parallel_loop3A_773 = arith.addi %parallel_loop3A_439, %parallel_loop3A_772 : i32
        %parallel_loop3A_774 = arith.constant 0 : i32
        %parallel_loop3A_775 = arith.index_cast %parallel_loop3A_774 : i32 to index
        %parallel_loop3A_776 = arith.index_cast %parallel_loop3A_773 : i32 to index
        %parallel_loop3A_777 = arith.constant 96 : index
        %parallel_loop3A_778 = tpu.vector_load %arg8[%parallel_loop3A_775, %parallel_loop3A_776, %parallel_loop3A_777] {strides = array<i32>} : memref<2x64x128xi32, #tpu.memory_space<vmem>>, vector<16xi32>,
        %parallel_loop3A_779 = vector.bitcast %parallel_loop3A_778 : vector<16xi32> to vector<32xbf16>
        %parallel_loop3A_780 = arith.mulf %parallel_loop3A_779, %parallel_loop3A_487 : vector<32xbf16>
        %parallel_loop3A_781 = arith.addf %parallel_loop3A_771, %parallel_loop3A_780 : vector<32xbf16>
        %parallel_loop3A_782 = arith.addf %parallel_loop3A_762, %parallel_loop3A_781 : vector<32xbf16>
        %parallel_loop3A_783 = vector.bitcast %parallel_loop3A_782 : vector<32xbf16> to vector<16xi32>
        %parallel_loop3A_784 = arith.constant 0 : i32
        %parallel_loop3A_785 = arith.index_cast %parallel_loop3A_784 : i32 to index
        %parallel_loop3A_786 = arith.index_cast %parallel_loop3A_437 : i32 to index
        %parallel_loop3A_787 = arith.constant 96 : index
        %parallel_loop3A_788 = tpu.vector_load %arg10[%parallel_loop3A_785, %parallel_loop3A_786, %parallel_loop3A_787] {strides = array<i32>} : memref<2x16x128xi32, #tpu.memory_space<vmem>>, vector<16xi32>,
        tpu.vector_store %arg10[%parallel_loop3A_785, %parallel_loop3A_786, %parallel_loop3A_787], %parallel_loop3A_783 {strides = array<i32>} : memref<2x16x128xi32, #tpu.memory_space<vmem>>, vector<16xi32>,
        %parallel_loop3A_789 = arith.constant 0 : i32
        %parallel_loop3A_790 = arith.index_cast %parallel_loop3A_789 : i32 to index
        %parallel_loop3A_791 = arith.index_cast %parallel_loop3A_439 : i32 to index
        %parallel_loop3A_792 = arith.constant 112 : index
        %parallel_loop3A_793 = tpu.vector_load %arg8[%parallel_loop3A_790, %parallel_loop3A_791, %parallel_loop3A_792] {strides = array<i32>} : memref<2x64x128xi32, #tpu.memory_space<vmem>>, vector<16xi32>,
        %parallel_loop3A_794 = vector.bitcast %parallel_loop3A_793 : vector<16xi32> to vector<32xbf16>
        %parallel_loop3A_795 = arith.mulf %parallel_loop3A_794, %parallel_loop3A_451 : vector<32xbf16>
        %parallel_loop3A_796 = arith.constant 1 : i32
        %parallel_loop3A_797 = arith.addi %parallel_loop3A_439, %parallel_loop3A_796 : i32
        %parallel_loop3A_798 = arith.constant 0 : i32
        %parallel_loop3A_799 = arith.index_cast %parallel_loop3A_798 : i32 to index
        %parallel_loop3A_800 = arith.index_cast %parallel_loop3A_797 : i32 to index
        %parallel_loop3A_801 = arith.constant 112 : index
        %parallel_loop3A_802 = tpu.vector_load %arg8[%parallel_loop3A_799, %parallel_loop3A_800, %parallel_loop3A_801] {strides = array<i32>} : memref<2x64x128xi32, #tpu.memory_space<vmem>>, vector<16xi32>,
        %parallel_loop3A_803 = vector.bitcast %parallel_loop3A_802 : vector<16xi32> to vector<32xbf16>
        %parallel_loop3A_804 = arith.mulf %parallel_loop3A_803, %parallel_loop3A_463 : vector<32xbf16>
        %parallel_loop3A_805 = arith.addf %parallel_loop3A_795, %parallel_loop3A_804 : vector<32xbf16>
        %parallel_loop3A_806 = arith.constant 2 : i32
        %parallel_loop3A_807 = arith.addi %parallel_loop3A_439, %parallel_loop3A_806 : i32
        %parallel_loop3A_808 = arith.constant 0 : i32
        %parallel_loop3A_809 = arith.index_cast %parallel_loop3A_808 : i32 to index
        %parallel_loop3A_810 = arith.index_cast %parallel_loop3A_807 : i32 to index
        %parallel_loop3A_811 = arith.constant 112 : index
        %parallel_loop3A_812 = tpu.vector_load %arg8[%parallel_loop3A_809, %parallel_loop3A_810, %parallel_loop3A_811] {strides = array<i32>} : memref<2x64x128xi32, #tpu.memory_space<vmem>>, vector<16xi32>,
        %parallel_loop3A_813 = vector.bitcast %parallel_loop3A_812 : vector<16xi32> to vector<32xbf16>
        %parallel_loop3A_814 = arith.mulf %parallel_loop3A_813, %parallel_loop3A_475 : vector<32xbf16>
        %parallel_loop3A_815 = arith.constant 3 : i32
        %parallel_loop3A_816 = arith.addi %parallel_loop3A_439, %parallel_loop3A_815 : i32
        %parallel_loop3A_817 = arith.constant 0 : i32
        %parallel_loop3A_818 = arith.index_cast %parallel_loop3A_817 : i32 to index
        %parallel_loop3A_819 = arith.index_cast %parallel_loop3A_816 : i32 to index
        %parallel_loop3A_820 = arith.constant 112 : index
        %parallel_loop3A_821 = tpu.vector_load %arg8[%parallel_loop3A_818, %parallel_loop3A_819, %parallel_loop3A_820] {strides = array<i32>} : memref<2x64x128xi32, #tpu.memory_space<vmem>>, vector<16xi32>,
        %parallel_loop3A_822 = vector.bitcast %parallel_loop3A_821 : vector<16xi32> to vector<32xbf16>
        %parallel_loop3A_823 = arith.mulf %parallel_loop3A_822, %parallel_loop3A_487 : vector<32xbf16>
        %parallel_loop3A_824 = arith.addf %parallel_loop3A_814, %parallel_loop3A_823 : vector<32xbf16>
        %parallel_loop3A_825 = arith.addf %parallel_loop3A_805, %parallel_loop3A_824 : vector<32xbf16>
        %parallel_loop3A_826 = vector.bitcast %parallel_loop3A_825 : vector<32xbf16> to vector<16xi32>
        %parallel_loop3A_827 = arith.constant 0 : i32
        %parallel_loop3A_828 = arith.index_cast %parallel_loop3A_827 : i32 to index
        %parallel_loop3A_829 = arith.index_cast %parallel_loop3A_437 : i32 to index
        %parallel_loop3A_830 = arith.constant 112 : index
        %parallel_loop3A_831 = tpu.vector_load %arg10[%parallel_loop3A_828, %parallel_loop3A_829, %parallel_loop3A_830] {strides = array<i32>} : memref<2x16x128xi32, #tpu.memory_space<vmem>>, vector<16xi32>,
        tpu.vector_store %arg10[%parallel_loop3A_828, %parallel_loop3A_829, %parallel_loop3A_830], %parallel_loop3A_826 {strides = array<i32>} : memref<2x16x128xi32, #tpu.memory_space<vmem>>, vector<16xi32>,
      } {sc.loop_unroll_factor = 2 : i64, sc.parallel_access}
      %mul3A_330 = arith.constant 98 : i32
      %mul3A_331 = arith.muli %add3A, %mul3A_330 : i32
      %add3A_332 = arith.addi %mul3A_331, %add3A_203 : i32
      %mul3A_333 = arith.constant 16 : i32
      %mul3A_334 = arith.muli %add3A_332, %mul3A_333 : i32
      %dma_start3A_335 = arith.constant 0 : i32
      %dma_start3A_336 = arith.constant 0 : i32
      %dma_start3A_337 = arith.constant 0 : i32
      %dma_start3A_338 = tpu.memref_slice %arg10[%dma_start3A_335, %dma_start3A_336, %dma_start3A_337] : memref<2x16x128xi32, #tpu.memory_space<vmem>> -> memref<1x16x128xi32, #tpu.memory_space<vmem>>
      %dma_start3A_339 = tpu.memref_squeeze %dma_start3A_338 : memref<1x16x128xi32, #tpu.memory_space<vmem>> -> memref<16x128xi32, #tpu.memory_space<vmem>>
      %dma_start3A_340 = arith.constant 0 : i32
      %dma_start3A_341 = tpu.memref_slice %arg5[%mul3A_334, %dma_start3A_340] : memref<50176x128xi32, #tpu.memory_space<hbm>> -> memref<16x128xi32, #tpu.memory_space<hbm>>
      %dma_start3A_342 = arith.constant 0 : i32
      %dma_start3A_343 = tpu.memref_slice %arg5[%mul3A_334, %dma_start3A_342] : memref<50176x128xi32, #tpu.memory_space<hbm>> -> memref<16x128xi32, #tpu.memory_space<hbm>>
      %dma_start3A_344 = arith.constant 0 : i32
      %dma_start3A_345 = arith.constant 0 : i32
      %dma_start3A_346 = tpu.memref_slice %arg10[%dma_start3A_335, %dma_start3A_344, %dma_start3A_345] : memref<2x16x128xi32, #tpu.memory_space<vmem>> -> memref<1x16x128xi32, #tpu.memory_space<vmem>>
      %dma_start3A_347 = tpu.memref_squeeze %dma_start3A_346 : memref<1x16x128xi32, #tpu.memory_space<vmem>> -> memref<16x128xi32, #tpu.memory_space<vmem>>
      tpu.enqueue_dma source(%dma_start3A_347 : memref<16x128xi32, #tpu.memory_space<vmem>>) target(%dma_start3A_343 : memref<16x128xi32, #tpu.memory_space<hbm>>) target_semaphore(%arg17 : memref<!tpu.dma_semaphore, #tpu.memory_space<semaphore_mem>>)
      %add3A_348 = arith.constant 2 : i32
      %add3A_349 = arith.addi %add3A_203, %add3A_348 : i32
      %lt3A_350 = arith.constant 98 : i32
      %lt3A_351 = arith.cmpi slt, %add3A_349, %lt3A_350 : i32
      %convert_element_type3A_352 = arith.extui %lt3A_351 : i1 to i32
      %cond3A_353 = arith.constant 0 : i32
      %cond3A_354 = arith.cmpi ne, %convert_element_type3A_352, %cond3A_353 : i32
      scf.if %cond3A_354 {
        %add3A_437 = arith.constant 2 : i32
        %add3A_438 = arith.addi %add3A_203, %add3A_437 : i32
        %mul3A_439 = arith.constant 98 : i32
        %mul3A_440 = arith.muli %add3A, %mul3A_439 : i32
        %add3A_441 = arith.addi %mul3A_440, %add3A_438 : i32
        %dma_start3A_442 = arith.constant 0 : i32
        %dma_start3A_443 = arith.constant 0 : i32
        %dma_start3A_444 = arith.constant 0 : i32
        %dma_start3A_445 = tpu.memref_slice %arg9[%dma_start3A_442, %dma_start3A_443, %dma_start3A_444] : memref<2x4x16xi32, #tpu.memory_space<vmem>> -> memref<1x4x16xi32, #tpu.memory_space<vmem>>
        %dma_start3A_446 = tpu.memref_squeeze %dma_start3A_445 : memref<1x4x16xi32, #tpu.memory_space<vmem>> -> memref<4x16xi32, #tpu.memory_space<vmem>>
        %dma_start3A_447 = arith.constant 0 : i32
        %dma_start3A_448 = arith.constant 0 : i32
        %dma_start3A_449 = tpu.memref_slice %arg4[%add3A_441, %dma_start3A_447, %dma_start3A_448] : memref<3136x4x16xi32, #tpu.memory_space<hbm>> -> memref<1x4x16xi32, #tpu.memory_space<hbm>>
        %dma_start3A_450 = tpu.memref_squeeze %dma_start3A_449 : memref<1x4x16xi32, #tpu.memory_space<hbm>> -> memref<4x16xi32, #tpu.memory_space<hbm>>
        %dma_start3A_451 = arith.constant 0 : i32
        %dma_start3A_452 = arith.constant 0 : i32
        %dma_start3A_453 = tpu.memref_slice %arg9[%dma_start3A_442, %dma_start3A_451, %dma_start3A_452] : memref<2x4x16xi32, #tpu.memory_space<vmem>> -> memref<1x4x16xi32, #tpu.memory_space<vmem>>
        %dma_start3A_454 = tpu.memref_squeeze %dma_start3A_453 : memref<1x4x16xi32, #tpu.memory_space<vmem>> -> memref<4x16xi32, #tpu.memory_space<vmem>>
        %dma_start3A_455 = arith.constant 0 : i32
        %dma_start3A_456 = arith.constant 0 : i32
        %dma_start3A_457 = tpu.memref_slice %arg4[%add3A_441, %dma_start3A_455, %dma_start3A_456] : memref<3136x4x16xi32, #tpu.memory_space<hbm>> -> memref<1x4x16xi32, #tpu.memory_space<hbm>>
        %dma_start3A_458 = tpu.memref_squeeze %dma_start3A_457 : memref<1x4x16xi32, #tpu.memory_space<hbm>> -> memref<4x16xi32, #tpu.memory_space<hbm>>
        tpu.enqueue_dma source(%dma_start3A_458 : memref<4x16xi32, #tpu.memory_space<hbm>>) target(%dma_start3A_454 : memref<4x16xi32, #tpu.memory_space<vmem>>) target_semaphore(%arg13 : memref<!tpu.dma_semaphore, #tpu.memory_space<semaphore_mem>>)
      } else {
      }
      %add3A_355 = arith.constant 1 : i32
      %add3A_356 = arith.addi %add3A_201, %add3A_355 : i32
      %dma_wait3A_357 = arith.constant 1 : i32
      %dma_wait3A_358 = arith.constant 1 : i32
      %dma_wait3A_359 = arith.constant 0 : i32
      %dma_wait3A_360 = arith.constant 0 : i32
      %dma_wait3A_361 = tpu.memref_slice %arg8[%dma_wait3A_358, %dma_wait3A_359, %dma_wait3A_360] : memref<2x64x128xi32, #tpu.memory_space<vmem>> -> memref<1x64x128xi32, #tpu.memory_space<vmem>>
      %dma_wait3A_362 = tpu.memref_squeeze %dma_wait3A_361 : memref<1x64x128xi32, #tpu.memory_space<vmem>> -> memref<64x128xi32, #tpu.memory_space<vmem>>
      %dma_wait3A_363 = arith.constant 0 : i32
      %dma_wait3A_364 = tpu.memref_slice %arg7[%dma_wait3A_357, %dma_wait3A_363] : memref<2x64xi32, #tpu.memory_space<vmem>> -> memref<1x64xi32, #tpu.memory_space<vmem>>
      %dma_wait3A_365 = tpu.memref_squeeze %dma_wait3A_364 : memref<1x64xi32, #tpu.memory_space<vmem>> -> memref<64xi32, #tpu.memory_space<vmem>>
      %dma_wait3A_366 = arith.constant 0 : i32
      %dma_wait3A_367 = arith.constant 0 : i32
      %dma_wait3A_368 = tpu.memref_slice %arg2[%dma_wait3A_366, %dma_wait3A_367] : memref<80000x128xi32, #tpu.memory_space<hbm>> -> memref<80000x128xi32, #tpu.memory_space<hbm>>
      tpu.wait_indirect_dma semaphore(%arg16 : memref<!tpu.dma_semaphore, #tpu.memory_space<semaphore_mem>>) src(%dma_wait3A_368 : memref<80000x128xi32, #tpu.memory_space<hbm>>) dst(%dma_wait3A_362 : memref<64x128xi32, #tpu.memory_space<vmem>>)
      %add3A_369 = arith.constant 2 : i32
      %add3A_370 = arith.addi %add3A_356, %add3A_369 : i32
      %lt3A_371 = arith.constant 98 : i32
      %lt3A_372 = arith.cmpi slt, %add3A_370, %lt3A_371 : i32
      %convert_element_type3A_373 = arith.extui %lt3A_372 : i1 to i32
      %cond3A_374 = arith.constant 0 : i32
      %cond3A_375 = arith.cmpi ne, %convert_element_type3A_373, %cond3A_374 : i32
      scf.if %cond3A_375 {
        %add3A_437 = arith.constant 2 : i32
        %add3A_438 = arith.addi %add3A_356, %add3A_437 : i32
        %mul3A_439 = arith.constant 98 : i32
        %mul3A_440 = arith.muli %add3A, %mul3A_439 : i32
        %add3A_441 = arith.addi %mul3A_440, %add3A_438 : i32
        %mul3A_442 = arith.constant 16 : i32
        %mul3A_443 = arith.muli %add3A_441, %mul3A_442 : i32
        %dma_start3A_444 = arith.constant 1 : i32
        %dma_start3A_445 = arith.constant 0 : i32
        %dma_start3A_446 = tpu.memref_slice %arg6[%dma_start3A_444, %dma_start3A_445] : memref<2x16xi32, #tpu.memory_space<vmem>> -> memref<1x16xi32, #tpu.memory_space<vmem>>
        %dma_start3A_447 = tpu.memref_squeeze %dma_start3A_446 : memref<1x16xi32, #tpu.memory_space<vmem>> -> memref<16xi32, #tpu.memory_space<vmem>>
        %dma_start3A_448 = tpu.memref_slice %arg3[%mul3A_443] : memref<50176xi32, #tpu.memory_space<hbm>> -> memref<16xi32, #tpu.memory_space<hbm>>
        %dma_start3A_449 = arith.constant 0 : i32
        %dma_start3A_450 = tpu.memref_slice %arg6[%dma_start3A_444, %dma_start3A_449] : memref<2x16xi32, #tpu.memory_space<vmem>> -> memref<1x16xi32, #tpu.memory_space<vmem>>
        %dma_start3A_451 = tpu.memref_squeeze %dma_start3A_450 : memref<1x16xi32, #tpu.memory_space<vmem>> -> memref<16xi32, #tpu.memory_space<vmem>>
        %dma_start3A_452 = tpu.memref_slice %arg3[%mul3A_443] : memref<50176xi32, #tpu.memory_space<hbm>> -> memref<16xi32, #tpu.memory_space<hbm>>
        tpu.enqueue_dma source(%dma_start3A_452 : memref<16xi32, #tpu.memory_space<hbm>>) target(%dma_start3A_451 : memref<16xi32, #tpu.memory_space<vmem>>) target_semaphore(%arg12 : memref<!tpu.dma_semaphore, #tpu.memory_space<semaphore_mem>>)
      } else {
      }
      %add3A_376 = arith.constant 2 : i32
      %add3A_377 = arith.addi %add3A_201, %add3A_376 : i32
      %lt3A_378 = arith.constant 98 : i32
      %lt3A_379 = arith.cmpi slt, %add3A_377, %lt3A_378 : i32
      %convert_element_type3A_380 = arith.extui %lt3A_379 : i1 to i32
      %cond3A_381 = arith.constant 0 : i32
      %cond3A_382 = arith.cmpi ne, %convert_element_type3A_380, %cond3A_381 : i32
      scf.if %cond3A_382 {
        %mul3A_437 = arith.constant 98 : i32
        %mul3A_438 = arith.muli %add3A, %mul3A_437 : i32
        %add3A_439 = arith.constant 0 : i32
        %add3A_440 = arith.addi %mul3A_438, %add3A_439 : i32
        %mul3A_441 = arith.constant 16 : i32
        %mul3A_442 = arith.muli %add3A_440, %mul3A_441 : i32
        %dma_wait3A_443 = arith.constant 0 : i32
        %dma_wait3A_444 = arith.constant 0 : i32
        %dma_wait3A_445 = tpu.memref_slice %arg6[%dma_wait3A_443, %dma_wait3A_444] : memref<2x16xi32, #tpu.memory_space<vmem>> -> memref<1x16xi32, #tpu.memory_space<vmem>>
        %dma_wait3A_446 = tpu.memref_squeeze %dma_wait3A_445 : memref<1x16xi32, #tpu.memory_space<vmem>> -> memref<16xi32, #tpu.memory_space<vmem>>
        %dma_wait3A_447 = tpu.memref_slice %arg3[%mul3A_442] : memref<50176xi32, #tpu.memory_space<hbm>> -> memref<16xi32, #tpu.memory_space<hbm>>
        %dma_wait3A_448 = arith.constant 0 : i32
        %dma_wait3A_449 = tpu.memref_slice %arg6[%dma_wait3A_443, %dma_wait3A_448] : memref<2x16xi32, #tpu.memory_space<vmem>> -> memref<1x16xi32, #tpu.memory_space<vmem>>
        %dma_wait3A_450 = tpu.memref_squeeze %dma_wait3A_449 : memref<1x16xi32, #tpu.memory_space<vmem>> -> memref<16xi32, #tpu.memory_space<vmem>>
        %dma_wait3A_451 = tpu.memref_slice %arg3[%mul3A_442] : memref<50176xi32, #tpu.memory_space<hbm>> -> memref<16xi32, #tpu.memory_space<hbm>>
        tpu.wait_dma2 semaphore(%arg11 : memref<!tpu.dma_semaphore, #tpu.memory_space<semaphore_mem>>) src(%dma_wait3A_451 : memref<16xi32, #tpu.memory_space<hbm>>) dst(%dma_wait3A_450 : memref<16xi32, #tpu.memory_space<vmem>>)
        %get3A_452 = arith.constant 0 : i32
        %get3A_453 = arith.index_cast %get3A_452 : i32 to index
        %get3A_454 = arith.constant 0 : index
        %get3A_455 = tpu.vector_load %arg6[%get3A_453, %get3A_454] {strides = array<i32>} : memref<2x16xi32, #tpu.memory_space<vmem>>, vector<16xi32>,
        %mul3A_456 = arith.constant 4 : i32
        %mul3A_457 = vector.broadcast %mul3A_456 : i32 to vector<16xi32>
        %mul3A_458 = arith.muli %iota3A, %mul3A_457 : vector<16xi32>
        %add3A_459 = arith.constant 0 : i32
        %add3A_460 = vector.broadcast %add3A_459 : i32 to vector<16xi32>
        %add3A_461 = arith.addi %mul3A_458, %add3A_460 : vector<16xi32>
        %add3A_462 = arith.constant 0 : i32
        %add3A_463 = vector.broadcast %add3A_462 : i32 to vector<16xi32>
        %add3A_464 = arith.addi %get3A_455, %add3A_463 : vector<16xi32>
        %scatter3A_465 = arith.constant 0 : i32
        %scatter3A_466 = arith.constant 0 : i32
        %scatter3A_467 = tpu.memref_slice %arg7[%scatter3A_465, %scatter3A_466] : memref<2x64xi32, #tpu.memory_space<vmem>> -> memref<1x64xi32, #tpu.memory_space<vmem>>
        %scatter3A_468 = tpu.memref_squeeze %scatter3A_467 : memref<1x64xi32, #tpu.memory_space<vmem>> -> memref<64xi32, #tpu.memory_space<vmem>>
        tpu.vector_store_idx %scatter3A_468[%add3A_461], %add3A_464 : memref<64xi32, #tpu.memory_space<vmem>>[vector<16xi32>], vector<16xi32>,
        %mul3A_469 = arith.constant 4 : i32
        %mul3A_470 = vector.broadcast %mul3A_469 : i32 to vector<16xi32>
        %mul3A_471 = arith.muli %iota3A, %mul3A_470 : vector<16xi32>
        %add3A_472 = arith.constant 1 : i32
        %add3A_473 = vector.broadcast %add3A_472 : i32 to vector<16xi32>
        %add3A_474 = arith.addi %mul3A_471, %add3A_473 : vector<16xi32>
        %add3A_475 = arith.constant 1 : i32
        %add3A_476 = vector.broadcast %add3A_475 : i32 to vector<16xi32>
        %add3A_477 = arith.addi %get3A_455, %add3A_476 : vector<16xi32>
        %scatter3A_478 = arith.constant 0 : i32
        %scatter3A_479 = arith.constant 0 : i32
        %scatter3A_480 = tpu.memref_slice %arg7[%scatter3A_478, %scatter3A_479] : memref<2x64xi32, #tpu.memory_space<vmem>> -> memref<1x64xi32, #tpu.memory_space<vmem>>
        %scatter3A_481 = tpu.memref_squeeze %scatter3A_480 : memref<1x64xi32, #tpu.memory_space<vmem>> -> memref<64xi32, #tpu.memory_space<vmem>>
        tpu.vector_store_idx %scatter3A_481[%add3A_474], %add3A_477 : memref<64xi32, #tpu.memory_space<vmem>>[vector<16xi32>], vector<16xi32>,
        %mul3A_482 = arith.constant 4 : i32
        %mul3A_483 = vector.broadcast %mul3A_482 : i32 to vector<16xi32>
        %mul3A_484 = arith.muli %iota3A, %mul3A_483 : vector<16xi32>
        %add3A_485 = arith.constant 2 : i32
        %add3A_486 = vector.broadcast %add3A_485 : i32 to vector<16xi32>
        %add3A_487 = arith.addi %mul3A_484, %add3A_486 : vector<16xi32>
        %add3A_488 = arith.constant 200 : i32
        %add3A_489 = vector.broadcast %add3A_488 : i32 to vector<16xi32>
        %add3A_490 = arith.addi %get3A_455, %add3A_489 : vector<16xi32>
        %scatter3A_491 = arith.constant 0 : i32
        %scatter3A_492 = arith.constant 0 : i32
        %scatter3A_493 = tpu.memref_slice %arg7[%scatter3A_491, %scatter3A_492] : memref<2x64xi32, #tpu.memory_space<vmem>> -> memref<1x64xi32, #tpu.memory_space<vmem>>
        %scatter3A_494 = tpu.memref_squeeze %scatter3A_493 : memref<1x64xi32, #tpu.memory_space<vmem>> -> memref<64xi32, #tpu.memory_space<vmem>>
        tpu.vector_store_idx %scatter3A_494[%add3A_487], %add3A_490 : memref<64xi32, #tpu.memory_space<vmem>>[vector<16xi32>], vector<16xi32>,
        %mul3A_495 = arith.constant 4 : i32
        %mul3A_496 = vector.broadcast %mul3A_495 : i32 to vector<16xi32>
        %mul3A_497 = arith.muli %iota3A, %mul3A_496 : vector<16xi32>
        %add3A_498 = arith.constant 3 : i32
        %add3A_499 = vector.broadcast %add3A_498 : i32 to vector<16xi32>
        %add3A_500 = arith.addi %mul3A_497, %add3A_499 : vector<16xi32>
        %add3A_501 = arith.constant 201 : i32
        %add3A_502 = vector.broadcast %add3A_501 : i32 to vector<16xi32>
        %add3A_503 = arith.addi %get3A_455, %add3A_502 : vector<16xi32>
        %scatter3A_504 = arith.constant 0 : i32
        %scatter3A_505 = arith.constant 0 : i32
        %scatter3A_506 = tpu.memref_slice %arg7[%scatter3A_504, %scatter3A_505] : memref<2x64xi32, #tpu.memory_space<vmem>> -> memref<1x64xi32, #tpu.memory_space<vmem>>
        %scatter3A_507 = tpu.memref_squeeze %scatter3A_506 : memref<1x64xi32, #tpu.memory_space<vmem>> -> memref<64xi32, #tpu.memory_space<vmem>>
        tpu.vector_store_idx %scatter3A_507[%add3A_500], %add3A_503 : memref<64xi32, #tpu.memory_space<vmem>>[vector<16xi32>], vector<16xi32>,
        %dma_start3A_508 = arith.constant 0 : i32
        %dma_start3A_509 = arith.constant 0 : i32
        %dma_start3A_510 = arith.constant 0 : i32
        %dma_start3A_511 = arith.constant 0 : i32
        %dma_start3A_512 = tpu.memref_slice %arg8[%dma_start3A_509, %dma_start3A_510, %dma_start3A_511] : memref<2x64x128xi32, #tpu.memory_space<vmem>> -> memref<1x64x128xi32, #tpu.memory_space<vmem>>
        %dma_start3A_513 = tpu.memref_squeeze %dma_start3A_512 : memref<1x64x128xi32, #tpu.memory_space<vmem>> -> memref<64x128xi32, #tpu.memory_space<vmem>>
        %dma_start3A_514 = arith.constant 0 : i32
        %dma_start3A_515 = tpu.memref_slice %arg7[%dma_start3A_508, %dma_start3A_514] : memref<2x64xi32, #tpu.memory_space<vmem>> -> memref<1x64xi32, #tpu.memory_space<vmem>>
        %dma_start3A_516 = tpu.memref_squeeze %dma_start3A_515 : memref<1x64xi32, #tpu.memory_space<vmem>> -> memref<64xi32, #tpu.memory_space<vmem>>
        %dma_start3A_517 = arith.constant 0 : i32
        %dma_start3A_518 = arith.constant 0 : i32
        %dma_start3A_519 = tpu.memref_slice %arg2[%dma_start3A_517, %dma_start3A_518] : memref<80000x128xi32, #tpu.memory_space<hbm>> -> memref<80000x128xi32, #tpu.memory_space<hbm>>
        tpu.enqueue_indirect_dma source(%dma_start3A_519 : memref<80000x128xi32, #tpu.memory_space<hbm>>) target(%dma_start3A_513 : memref<64x128xi32, #tpu.memory_space<vmem>>) offsets(%dma_start3A_516 : memref<64xi32, #tpu.memory_space<vmem>>) semaphore(%arg15 : memref<!tpu.dma_semaphore, #tpu.memory_space<semaphore_mem>>)
      } else {
      }
      %mul3A_383 = arith.constant 98 : i32
      %mul3A_384 = arith.muli %add3A, %mul3A_383 : i32
      %add3A_385 = arith.constant 0 : i32
      %add3A_386 = arith.addi %mul3A_384, %add3A_385 : i32
      %dma_wait3A_387 = arith.constant 1 : i32
      %dma_wait3A_388 = arith.constant 0 : i32
      %dma_wait3A_389 = arith.constant 0 : i32
      %dma_wait3A_390 = tpu.memref_slice %arg9[%dma_wait3A_387, %dma_wait3A_388, %dma_wait3A_389] : memref<2x4x16xi32, #tpu.memory_space<vmem>> -> memref<1x4x16xi32, #tpu.memory_space<vmem>>
      %dma_wait3A_391 = tpu.memref_squeeze %dma_wait3A_390 : memref<1x4x16xi32, #tpu.memory_space<vmem>> -> memref<4x16xi32, #tpu.memory_space<vmem>>
      %dma_wait3A_392 = arith.constant 0 : i32
      %dma_wait3A_393 = arith.constant 0 : i32
      %dma_wait3A_394 = tpu.memref_slice %arg4[%add3A_386, %dma_wait3A_392, %dma_wait3A_393] : memref<3136x4x16xi32, #tpu.memory_space<hbm>> -> memref<1x4x16xi32, #tpu.memory_space<hbm>>
      %dma_wait3A_395 = tpu.memref_squeeze %dma_wait3A_394 : memref<1x4x16xi32, #tpu.memory_space<hbm>> -> memref<4x16xi32, #tpu.memory_space<hbm>>
      %dma_wait3A_396 = arith.constant 0 : i32
      %dma_wait3A_397 = arith.constant 0 : i32
      %dma_wait3A_398 = tpu.memref_slice %arg9[%dma_wait3A_387, %dma_wait3A_396, %dma_wait3A_397] : memref<2x4x16xi32, #tpu.memory_space<vmem>> -> memref<1x4x16xi32, #tpu.memory_space<vmem>>
      %dma_wait3A_399 = tpu.memref_squeeze %dma_wait3A_398 : memref<1x4x16xi32, #tpu.memory_space<vmem>> -> memref<4x16xi32, #tpu.memory_space<vmem>>
      %dma_wait3A_400 = arith.constant 0 : i32
      %dma_wait3A_401 = arith.constant 0 : i32
      %dma_wait3A_402 = tpu.memref_slice %arg4[%add3A_386, %dma_wait3A_400, %dma_wait3A_401] : memref<3136x4x16xi32, #tpu.memory_space<hbm>> -> memref<1x4x16xi32, #tpu.memory_space<hbm>>
      %dma_wait3A_403 = tpu.memref_squeeze %dma_wait3A_402 : memref<1x4x16xi32, #tpu.memory_space<hbm>> -> memref<4x16xi32, #tpu.memory_space<hbm>>
      tpu.wait_dma2 semaphore(%arg14 : memref<!tpu.dma_semaphore, #tpu.memory_space<semaphore_mem>>) src(%dma_wait3A_403 : memref<4x16xi32, #tpu.memory_space<hbm>>) dst(%dma_wait3A_399 : memref<4x16xi32, #tpu.memory_space<vmem>>)
      %ge3A_404 = arith.constant 2 : i32
      %ge3A_405 = arith.cmpi sge, %add3A_356, %ge3A_404 : i32
      %convert_element_type3A_406 = arith.extui %ge3A_405 : i1 to i32
      %cond3A_407 = arith.constant 0 : i32
      %cond3A_408 = arith.cmpi ne, %convert_element_type3A_406, %cond3A_407 : i32
      scf.if %cond3A_408 {
        %mul3A_437 = arith.constant 98 : i32
        %mul3A_438 = arith.muli %add3A, %mul3A_437 : i32
        %add3A_439 = arith.constant 0 : i32
        %add3A_440 = arith.addi %mul3A_438, %add3A_439 : i32
        %mul3A_441 = arith.constant 16 : i32
        %mul3A_442 = arith.muli %add3A_440, %mul3A_441 : i32
        %dma_wait3A_443 = arith.constant 1 : i32
        %dma_wait3A_444 = arith.constant 0 : i32
        %dma_wait3A_445 = arith.constant 0 : i32
        %dma_wait3A_446 = tpu.memref_slice %arg10[%dma_wait3A_443, %dma_wait3A_444, %dma_wait3A_445] : memref<2x16x128xi32, #tpu.memory_space<vmem>> -> memref<1x16x128xi32, #tpu.memory_space<vmem>>
        %dma_wait3A_447 = tpu.memref_squeeze %dma_wait3A_446 : memref<1x16x128xi32, #tpu.memory_space<vmem>> -> memref<16x128xi32, #tpu.memory_space<vmem>>
        %dma_wait3A_448 = arith.constant 0 : i32
        %dma_wait3A_449 = tpu.memref_slice %arg5[%mul3A_442, %dma_wait3A_448] : memref<50176x128xi32, #tpu.memory_space<hbm>> -> memref<16x128xi32, #tpu.memory_space<hbm>>
        %dma_wait3A_450 = arith.constant 0 : i32
        %dma_wait3A_451 = tpu.memref_slice %arg5[%mul3A_442, %dma_wait3A_450] : memref<50176x128xi32, #tpu.memory_space<hbm>> -> memref<16x128xi32, #tpu.memory_space<hbm>>
        %dma_wait3A_452 = arith.constant 0 : i32
        %dma_wait3A_453 = arith.constant 0 : i32
        %dma_wait3A_454 = tpu.memref_slice %arg10[%dma_wait3A_443, %dma_wait3A_452, %dma_wait3A_453] : memref<2x16x128xi32, #tpu.memory_space<vmem>> -> memref<1x16x128xi32, #tpu.memory_space<vmem>>
        %dma_wait3A_455 = tpu.memref_squeeze %dma_wait3A_454 : memref<1x16x128xi32, #tpu.memory_space<vmem>> -> memref<16x128xi32, #tpu.memory_space<vmem>>
        tpu.wait_dma2 semaphore(%arg18 : memref<!tpu.dma_semaphore, #tpu.memory_space<semaphore_mem>>) src(%dma_wait3A_455 : memref<16x128xi32, #tpu.memory_space<vmem>>) dst(%dma_wait3A_451 : memref<16x128xi32, #tpu.memory_space<hbm>>)
      } else {
      }
      %parallel_loop3A_409 = arith.constant 0 : i32
      %parallel_loop3A_410 = arith.constant 16 : i32
      %parallel_loop3A_411 = arith.constant 1 : i32
      scf.for %parallel_loop3A_437 = %parallel_loop3A_409 to %parallel_loop3A_410 step %parallel_loop3A_411  : i32 {
        %parallel_loop3A_438 = arith.constant 4 : i32
        %parallel_loop3A_439 = arith.muli %parallel_loop3A_437, %parallel_loop3A_438 : i32
        %parallel_loop3A_440 = arith.constant 0 : i32
        %parallel_loop3A_441 = vector.broadcast %parallel_loop3A_440 : i32 to vector<16xi32>
        %parallel_loop3A_442 = arith.addi %mul3A_3, %parallel_loop3A_441 : vector<16xi32>
        %parallel_loop3A_443 = vector.broadcast %parallel_loop3A_437 : i32 to vector<16xi32>
        %parallel_loop3A_444 = arith.addi %mul3A_3, %parallel_loop3A_443 : vector<16xi32>
        %parallel_loop3A_445 = arith.constant 1 : i32
        %parallel_loop3A_446 = arith.constant 0 : i32
        %parallel_loop3A_447 = arith.constant 0 : i32
        %parallel_loop3A_448 = tpu.memref_slice %arg9[%parallel_loop3A_445, %parallel_loop3A_446, %parallel_loop3A_447] : memref<2x4x16xi32, #tpu.memory_space<vmem>> -> memref<1x4x16xi32, #tpu.memory_space<vmem>>
        %parallel_loop3A_449 = tpu.memref_squeeze %parallel_loop3A_448 : memref<1x4x16xi32, #tpu.memory_space<vmem>> -> memref<4x16xi32, #tpu.memory_space<vmem>>
        %parallel_loop3A_450 = tpu.vector_load_idx %parallel_loop3A_449[%parallel_loop3A_442, %parallel_loop3A_444] : memref<4x16xi32, #tpu.memory_space<vmem>>[vector<16xi32>, vector<16xi32>], vector<16xi32>,
        %parallel_loop3A_451 = vector.bitcast %parallel_loop3A_450 : vector<16xi32> to vector<32xbf16>
        %parallel_loop3A_452 = arith.constant 1 : i32
        %parallel_loop3A_453 = vector.broadcast %parallel_loop3A_452 : i32 to vector<16xi32>
        %parallel_loop3A_454 = arith.addi %mul3A_3, %parallel_loop3A_453 : vector<16xi32>
        %parallel_loop3A_455 = vector.broadcast %parallel_loop3A_437 : i32 to vector<16xi32>
        %parallel_loop3A_456 = arith.addi %mul3A_3, %parallel_loop3A_455 : vector<16xi32>
        %parallel_loop3A_457 = arith.constant 1 : i32
        %parallel_loop3A_458 = arith.constant 0 : i32
        %parallel_loop3A_459 = arith.constant 0 : i32
        %parallel_loop3A_460 = tpu.memref_slice %arg9[%parallel_loop3A_457, %parallel_loop3A_458, %parallel_loop3A_459] : memref<2x4x16xi32, #tpu.memory_space<vmem>> -> memref<1x4x16xi32, #tpu.memory_space<vmem>>
        %parallel_loop3A_461 = tpu.memref_squeeze %parallel_loop3A_460 : memref<1x4x16xi32, #tpu.memory_space<vmem>> -> memref<4x16xi32, #tpu.memory_space<vmem>>
        %parallel_loop3A_462 = tpu.vector_load_idx %parallel_loop3A_461[%parallel_loop3A_454, %parallel_loop3A_456] : memref<4x16xi32, #tpu.memory_space<vmem>>[vector<16xi32>, vector<16xi32>], vector<16xi32>,
        %parallel_loop3A_463 = vector.bitcast %parallel_loop3A_462 : vector<16xi32> to vector<32xbf16>
        %parallel_loop3A_464 = arith.constant 2 : i32
        %parallel_loop3A_465 = vector.broadcast %parallel_loop3A_464 : i32 to vector<16xi32>
        %parallel_loop3A_466 = arith.addi %mul3A_3, %parallel_loop3A_465 : vector<16xi32>
        %parallel_loop3A_467 = vector.broadcast %parallel_loop3A_437 : i32 to vector<16xi32>
        %parallel_loop3A_468 = arith.addi %mul3A_3, %parallel_loop3A_467 : vector<16xi32>
        %parallel_loop3A_469 = arith.constant 1 : i32
        %parallel_loop3A_470 = arith.constant 0 : i32
        %parallel_loop3A_471 = arith.constant 0 : i32
        %parallel_loop3A_472 = tpu.memref_slice %arg9[%parallel_loop3A_469, %parallel_loop3A_470, %parallel_loop3A_471] : memref<2x4x16xi32, #tpu.memory_space<vmem>> -> memref<1x4x16xi32, #tpu.memory_space<vmem>>
        %parallel_loop3A_473 = tpu.memref_squeeze %parallel_loop3A_472 : memref<1x4x16xi32, #tpu.memory_space<vmem>> -> memref<4x16xi32, #tpu.memory_space<vmem>>
        %parallel_loop3A_474 = tpu.vector_load_idx %parallel_loop3A_473[%parallel_loop3A_466, %parallel_loop3A_468] : memref<4x16xi32, #tpu.memory_space<vmem>>[vector<16xi32>, vector<16xi32>], vector<16xi32>,
        %parallel_loop3A_475 = vector.bitcast %parallel_loop3A_474 : vector<16xi32> to vector<32xbf16>
        %parallel_loop3A_476 = arith.constant 3 : i32
        %parallel_loop3A_477 = vector.broadcast %parallel_loop3A_476 : i32 to vector<16xi32>
        %parallel_loop3A_478 = arith.addi %mul3A_3, %parallel_loop3A_477 : vector<16xi32>
        %parallel_loop3A_479 = vector.broadcast %parallel_loop3A_437 : i32 to vector<16xi32>
        %parallel_loop3A_480 = arith.addi %mul3A_3, %parallel_loop3A_479 : vector<16xi32>
        %parallel_loop3A_481 = arith.constant 1 : i32
        %parallel_loop3A_482 = arith.constant 0 : i32
        %parallel_loop3A_483 = arith.constant 0 : i32
        %parallel_loop3A_484 = tpu.memref_slice %arg9[%parallel_loop3A_481, %parallel_loop3A_482, %parallel_loop3A_483] : memref<2x4x16xi32, #tpu.memory_space<vmem>> -> memref<1x4x16xi32, #tpu.memory_space<vmem>>
        %parallel_loop3A_485 = tpu.memref_squeeze %parallel_loop3A_484 : memref<1x4x16xi32, #tpu.memory_space<vmem>> -> memref<4x16xi32, #tpu.memory_space<vmem>>
        %parallel_loop3A_486 = tpu.vector_load_idx %parallel_loop3A_485[%parallel_loop3A_478, %parallel_loop3A_480] : memref<4x16xi32, #tpu.memory_space<vmem>>[vector<16xi32>, vector<16xi32>], vector<16xi32>,
        %parallel_loop3A_487 = vector.bitcast %parallel_loop3A_486 : vector<16xi32> to vector<32xbf16>
        %parallel_loop3A_488 = arith.constant 1 : i32
        %parallel_loop3A_489 = arith.index_cast %parallel_loop3A_488 : i32 to index
        %parallel_loop3A_490 = arith.index_cast %parallel_loop3A_439 : i32 to index
        %parallel_loop3A_491 = arith.constant 0 : index
        %parallel_loop3A_492 = tpu.vector_load %arg8[%parallel_loop3A_489, %parallel_loop3A_490, %parallel_loop3A_491] {strides = array<i32>} : memref<2x64x128xi32, #tpu.memory_space<vmem>>, vector<16xi32>,
        %parallel_loop3A_493 = vector.bitcast %parallel_loop3A_492 : vector<16xi32> to vector<32xbf16>
        %parallel_loop3A_494 = arith.mulf %parallel_loop3A_493, %parallel_loop3A_451 : vector<32xbf16>
        %parallel_loop3A_495 = arith.constant 1 : i32
        %parallel_loop3A_496 = arith.addi %parallel_loop3A_439, %parallel_loop3A_495 : i32
        %parallel_loop3A_497 = arith.constant 1 : i32
        %parallel_loop3A_498 = arith.index_cast %parallel_loop3A_497 : i32 to index
        %parallel_loop3A_499 = arith.index_cast %parallel_loop3A_496 : i32 to index
        %parallel_loop3A_500 = arith.constant 0 : index
        %parallel_loop3A_501 = tpu.vector_load %arg8[%parallel_loop3A_498, %parallel_loop3A_499, %parallel_loop3A_500] {strides = array<i32>} : memref<2x64x128xi32, #tpu.memory_space<vmem>>, vector<16xi32>,
        %parallel_loop3A_502 = vector.bitcast %parallel_loop3A_501 : vector<16xi32> to vector<32xbf16>
        %parallel_loop3A_503 = arith.mulf %parallel_loop3A_502, %parallel_loop3A_463 : vector<32xbf16>
        %parallel_loop3A_504 = arith.addf %parallel_loop3A_494, %parallel_loop3A_503 : vector<32xbf16>
        %parallel_loop3A_505 = arith.constant 2 : i32
        %parallel_loop3A_506 = arith.addi %parallel_loop3A_439, %parallel_loop3A_505 : i32
        %parallel_loop3A_507 = arith.constant 1 : i32
        %parallel_loop3A_508 = arith.index_cast %parallel_loop3A_507 : i32 to index
        %parallel_loop3A_509 = arith.index_cast %parallel_loop3A_506 : i32 to index
        %parallel_loop3A_510 = arith.constant 0 : index
        %parallel_loop3A_511 = tpu.vector_load %arg8[%parallel_loop3A_508, %parallel_loop3A_509, %parallel_loop3A_510] {strides = array<i32>} : memref<2x64x128xi32, #tpu.memory_space<vmem>>, vector<16xi32>,
        %parallel_loop3A_512 = vector.bitcast %parallel_loop3A_511 : vector<16xi32> to vector<32xbf16>
        %parallel_loop3A_513 = arith.mulf %parallel_loop3A_512, %parallel_loop3A_475 : vector<32xbf16>
        %parallel_loop3A_514 = arith.constant 3 : i32
        %parallel_loop3A_515 = arith.addi %parallel_loop3A_439, %parallel_loop3A_514 : i32
        %parallel_loop3A_516 = arith.constant 1 : i32
        %parallel_loop3A_517 = arith.index_cast %parallel_loop3A_516 : i32 to index
        %parallel_loop3A_518 = arith.index_cast %parallel_loop3A_515 : i32 to index
        %parallel_loop3A_519 = arith.constant 0 : index
        %parallel_loop3A_520 = tpu.vector_load %arg8[%parallel_loop3A_517, %parallel_loop3A_518, %parallel_loop3A_519] {strides = array<i32>} : memref<2x64x128xi32, #tpu.memory_space<vmem>>, vector<16xi32>,
        %parallel_loop3A_521 = vector.bitcast %parallel_loop3A_520 : vector<16xi32> to vector<32xbf16>
        %parallel_loop3A_522 = arith.mulf %parallel_loop3A_521, %parallel_loop3A_487 : vector<32xbf16>
        %parallel_loop3A_523 = arith.addf %parallel_loop3A_513, %parallel_loop3A_522 : vector<32xbf16>
        %parallel_loop3A_524 = arith.addf %parallel_loop3A_504, %parallel_loop3A_523 : vector<32xbf16>
        %parallel_loop3A_525 = vector.bitcast %parallel_loop3A_524 : vector<32xbf16> to vector<16xi32>
        %parallel_loop3A_526 = arith.constant 1 : i32
        %parallel_loop3A_527 = arith.index_cast %parallel_loop3A_526 : i32 to index
        %parallel_loop3A_528 = arith.index_cast %parallel_loop3A_437 : i32 to index
        %parallel_loop3A_529 = arith.constant 0 : index
        %parallel_loop3A_530 = tpu.vector_load %arg10[%parallel_loop3A_527, %parallel_loop3A_528, %parallel_loop3A_529] {strides = array<i32>} : memref<2x16x128xi32, #tpu.memory_space<vmem>>, vector<16xi32>,
        tpu.vector_store %arg10[%parallel_loop3A_527, %parallel_loop3A_528, %parallel_loop3A_529], %parallel_loop3A_525 {strides = array<i32>} : memref<2x16x128xi32, #tpu.memory_space<vmem>>, vector<16xi32>,
        %parallel_loop3A_531 = arith.constant 1 : i32
        %parallel_loop3A_532 = arith.index_cast %parallel_loop3A_531 : i32 to index
        %parallel_loop3A_533 = arith.index_cast %parallel_loop3A_439 : i32 to index
        %parallel_loop3A_534 = arith.constant 16 : index
        %parallel_loop3A_535 = tpu.vector_load %arg8[%parallel_loop3A_532, %parallel_loop3A_533, %parallel_loop3A_534] {strides = array<i32>} : memref<2x64x128xi32, #tpu.memory_space<vmem>>, vector<16xi32>,
        %parallel_loop3A_536 = vector.bitcast %parallel_loop3A_535 : vector<16xi32> to vector<32xbf16>
        %parallel_loop3A_537 = arith.mulf %parallel_loop3A_536, %parallel_loop3A_451 : vector<32xbf16>
        %parallel_loop3A_538 = arith.constant 1 : i32
        %parallel_loop3A_539 = arith.addi %parallel_loop3A_439, %parallel_loop3A_538 : i32
        %parallel_loop3A_540 = arith.constant 1 : i32
        %parallel_loop3A_541 = arith.index_cast %parallel_loop3A_540 : i32 to index
        %parallel_loop3A_542 = arith.index_cast %parallel_loop3A_539 : i32 to index
        %parallel_loop3A_543 = arith.constant 16 : index
        %parallel_loop3A_544 = tpu.vector_load %arg8[%parallel_loop3A_541, %parallel_loop3A_542, %parallel_loop3A_543] {strides = array<i32>} : memref<2x64x128xi32, #tpu.memory_space<vmem>>, vector<16xi32>,
        %parallel_loop3A_545 = vector.bitcast %parallel_loop3A_544 : vector<16xi32> to vector<32xbf16>
        %parallel_loop3A_546 = arith.mulf %parallel_loop3A_545, %parallel_loop3A_463 : vector<32xbf16>
        %parallel_loop3A_547 = arith.addf %parallel_loop3A_537, %parallel_loop3A_546 : vector<32xbf16>
        %parallel_loop3A_548 = arith.constant 2 : i32
        %parallel_loop3A_549 = arith.addi %parallel_loop3A_439, %parallel_loop3A_548 : i32
        %parallel_loop3A_550 = arith.constant 1 : i32
        %parallel_loop3A_551 = arith.index_cast %parallel_loop3A_550 : i32 to index
        %parallel_loop3A_552 = arith.index_cast %parallel_loop3A_549 : i32 to index
        %parallel_loop3A_553 = arith.constant 16 : index
        %parallel_loop3A_554 = tpu.vector_load %arg8[%parallel_loop3A_551, %parallel_loop3A_552, %parallel_loop3A_553] {strides = array<i32>} : memref<2x64x128xi32, #tpu.memory_space<vmem>>, vector<16xi32>,
        %parallel_loop3A_555 = vector.bitcast %parallel_loop3A_554 : vector<16xi32> to vector<32xbf16>
        %parallel_loop3A_556 = arith.mulf %parallel_loop3A_555, %parallel_loop3A_475 : vector<32xbf16>
        %parallel_loop3A_557 = arith.constant 3 : i32
        %parallel_loop3A_558 = arith.addi %parallel_loop3A_439, %parallel_loop3A_557 : i32
        %parallel_loop3A_559 = arith.constant 1 : i32
        %parallel_loop3A_560 = arith.index_cast %parallel_loop3A_559 : i32 to index
        %parallel_loop3A_561 = arith.index_cast %parallel_loop3A_558 : i32 to index
        %parallel_loop3A_562 = arith.constant 16 : index
        %parallel_loop3A_563 = tpu.vector_load %arg8[%parallel_loop3A_560, %parallel_loop3A_561, %parallel_loop3A_562] {strides = array<i32>} : memref<2x64x128xi32, #tpu.memory_space<vmem>>, vector<16xi32>,
        %parallel_loop3A_564 = vector.bitcast %parallel_loop3A_563 : vector<16xi32> to vector<32xbf16>
        %parallel_loop3A_565 = arith.mulf %parallel_loop3A_564, %parallel_loop3A_487 : vector<32xbf16>
        %parallel_loop3A_566 = arith.addf %parallel_loop3A_556, %parallel_loop3A_565 : vector<32xbf16>
        %parallel_loop3A_567 = arith.addf %parallel_loop3A_547, %parallel_loop3A_566 : vector<32xbf16>
        %parallel_loop3A_568 = vector.bitcast %parallel_loop3A_567 : vector<32xbf16> to vector<16xi32>
        %parallel_loop3A_569 = arith.constant 1 : i32
        %parallel_loop3A_570 = arith.index_cast %parallel_loop3A_569 : i32 to index
        %parallel_loop3A_571 = arith.index_cast %parallel_loop3A_437 : i32 to index
        %parallel_loop3A_572 = arith.constant 16 : index
        %parallel_loop3A_573 = tpu.vector_load %arg10[%parallel_loop3A_570, %parallel_loop3A_571, %parallel_loop3A_572] {strides = array<i32>} : memref<2x16x128xi32, #tpu.memory_space<vmem>>, vector<16xi32>,
        tpu.vector_store %arg10[%parallel_loop3A_570, %parallel_loop3A_571, %parallel_loop3A_572], %parallel_loop3A_568 {strides = array<i32>} : memref<2x16x128xi32, #tpu.memory_space<vmem>>, vector<16xi32>,
        %parallel_loop3A_574 = arith.constant 1 : i32
        %parallel_loop3A_575 = arith.index_cast %parallel_loop3A_574 : i32 to index
        %parallel_loop3A_576 = arith.index_cast %parallel_loop3A_439 : i32 to index
        %parallel_loop3A_577 = arith.constant 32 : index
        %parallel_loop3A_578 = tpu.vector_load %arg8[%parallel_loop3A_575, %parallel_loop3A_576, %parallel_loop3A_577] {strides = array<i32>} : memref<2x64x128xi32, #tpu.memory_space<vmem>>, vector<16xi32>,
        %parallel_loop3A_579 = vector.bitcast %parallel_loop3A_578 : vector<16xi32> to vector<32xbf16>
        %parallel_loop3A_580 = arith.mulf %parallel_loop3A_579, %parallel_loop3A_451 : vector<32xbf16>
        %parallel_loop3A_581 = arith.constant 1 : i32
        %parallel_loop3A_582 = arith.addi %parallel_loop3A_439, %parallel_loop3A_581 : i32
        %parallel_loop3A_583 = arith.constant 1 : i32
        %parallel_loop3A_584 = arith.index_cast %parallel_loop3A_583 : i32 to index
        %parallel_loop3A_585 = arith.index_cast %parallel_loop3A_582 : i32 to index
        %parallel_loop3A_586 = arith.constant 32 : index
        %parallel_loop3A_587 = tpu.vector_load %arg8[%parallel_loop3A_584, %parallel_loop3A_585, %parallel_loop3A_586] {strides = array<i32>} : memref<2x64x128xi32, #tpu.memory_space<vmem>>, vector<16xi32>,
        %parallel_loop3A_588 = vector.bitcast %parallel_loop3A_587 : vector<16xi32> to vector<32xbf16>
        %parallel_loop3A_589 = arith.mulf %parallel_loop3A_588, %parallel_loop3A_463 : vector<32xbf16>
        %parallel_loop3A_590 = arith.addf %parallel_loop3A_580, %parallel_loop3A_589 : vector<32xbf16>
        %parallel_loop3A_591 = arith.constant 2 : i32
        %parallel_loop3A_592 = arith.addi %parallel_loop3A_439, %parallel_loop3A_591 : i32
        %parallel_loop3A_593 = arith.constant 1 : i32
        %parallel_loop3A_594 = arith.index_cast %parallel_loop3A_593 : i32 to index
        %parallel_loop3A_595 = arith.index_cast %parallel_loop3A_592 : i32 to index
        %parallel_loop3A_596 = arith.constant 32 : index
        %parallel_loop3A_597 = tpu.vector_load %arg8[%parallel_loop3A_594, %parallel_loop3A_595, %parallel_loop3A_596] {strides = array<i32>} : memref<2x64x128xi32, #tpu.memory_space<vmem>>, vector<16xi32>,
        %parallel_loop3A_598 = vector.bitcast %parallel_loop3A_597 : vector<16xi32> to vector<32xbf16>
        %parallel_loop3A_599 = arith.mulf %parallel_loop3A_598, %parallel_loop3A_475 : vector<32xbf16>
        %parallel_loop3A_600 = arith.constant 3 : i32
        %parallel_loop3A_601 = arith.addi %parallel_loop3A_439, %parallel_loop3A_600 : i32
        %parallel_loop3A_602 = arith.constant 1 : i32
        %parallel_loop3A_603 = arith.index_cast %parallel_loop3A_602 : i32 to index
        %parallel_loop3A_604 = arith.index_cast %parallel_loop3A_601 : i32 to index
        %parallel_loop3A_605 = arith.constant 32 : index
        %parallel_loop3A_606 = tpu.vector_load %arg8[%parallel_loop3A_603, %parallel_loop3A_604, %parallel_loop3A_605] {strides = array<i32>} : memref<2x64x128xi32, #tpu.memory_space<vmem>>, vector<16xi32>,
        %parallel_loop3A_607 = vector.bitcast %parallel_loop3A_606 : vector<16xi32> to vector<32xbf16>
        %parallel_loop3A_608 = arith.mulf %parallel_loop3A_607, %parallel_loop3A_487 : vector<32xbf16>
        %parallel_loop3A_609 = arith.addf %parallel_loop3A_599, %parallel_loop3A_608 : vector<32xbf16>
        %parallel_loop3A_610 = arith.addf %parallel_loop3A_590, %parallel_loop3A_609 : vector<32xbf16>
        %parallel_loop3A_611 = vector.bitcast %parallel_loop3A_610 : vector<32xbf16> to vector<16xi32>
        %parallel_loop3A_612 = arith.constant 1 : i32
        %parallel_loop3A_613 = arith.index_cast %parallel_loop3A_612 : i32 to index
        %parallel_loop3A_614 = arith.index_cast %parallel_loop3A_437 : i32 to index
        %parallel_loop3A_615 = arith.constant 32 : index
        %parallel_loop3A_616 = tpu.vector_load %arg10[%parallel_loop3A_613, %parallel_loop3A_614, %parallel_loop3A_615] {strides = array<i32>} : memref<2x16x128xi32, #tpu.memory_space<vmem>>, vector<16xi32>,
        tpu.vector_store %arg10[%parallel_loop3A_613, %parallel_loop3A_614, %parallel_loop3A_615], %parallel_loop3A_611 {strides = array<i32>} : memref<2x16x128xi32, #tpu.memory_space<vmem>>, vector<16xi32>,
        %parallel_loop3A_617 = arith.constant 1 : i32
        %parallel_loop3A_618 = arith.index_cast %parallel_loop3A_617 : i32 to index
        %parallel_loop3A_619 = arith.index_cast %parallel_loop3A_439 : i32 to index
        %parallel_loop3A_620 = arith.constant 48 : index
        %parallel_loop3A_621 = tpu.vector_load %arg8[%parallel_loop3A_618, %parallel_loop3A_619, %parallel_loop3A_620] {strides = array<i32>} : memref<2x64x128xi32, #tpu.memory_space<vmem>>, vector<16xi32>,
        %parallel_loop3A_622 = vector.bitcast %parallel_loop3A_621 : vector<16xi32> to vector<32xbf16>
        %parallel_loop3A_623 = arith.mulf %parallel_loop3A_622, %parallel_loop3A_451 : vector<32xbf16>
        %parallel_loop3A_624 = arith.constant 1 : i32
        %parallel_loop3A_625 = arith.addi %parallel_loop3A_439, %parallel_loop3A_624 : i32
        %parallel_loop3A_626 = arith.constant 1 : i32
        %parallel_loop3A_627 = arith.index_cast %parallel_loop3A_626 : i32 to index
        %parallel_loop3A_628 = arith.index_cast %parallel_loop3A_625 : i32 to index
        %parallel_loop3A_629 = arith.constant 48 : index
        %parallel_loop3A_630 = tpu.vector_load %arg8[%parallel_loop3A_627, %parallel_loop3A_628, %parallel_loop3A_629] {strides = array<i32>} : memref<2x64x128xi32, #tpu.memory_space<vmem>>, vector<16xi32>,
        %parallel_loop3A_631 = vector.bitcast %parallel_loop3A_630 : vector<16xi32> to vector<32xbf16>
        %parallel_loop3A_632 = arith.mulf %parallel_loop3A_631, %parallel_loop3A_463 : vector<32xbf16>
        %parallel_loop3A_633 = arith.addf %parallel_loop3A_623, %parallel_loop3A_632 : vector<32xbf16>
        %parallel_loop3A_634 = arith.constant 2 : i32
        %parallel_loop3A_635 = arith.addi %parallel_loop3A_439, %parallel_loop3A_634 : i32
        %parallel_loop3A_636 = arith.constant 1 : i32
        %parallel_loop3A_637 = arith.index_cast %parallel_loop3A_636 : i32 to index
        %parallel_loop3A_638 = arith.index_cast %parallel_loop3A_635 : i32 to index
        %parallel_loop3A_639 = arith.constant 48 : index
        %parallel_loop3A_640 = tpu.vector_load %arg8[%parallel_loop3A_637, %parallel_loop3A_638, %parallel_loop3A_639] {strides = array<i32>} : memref<2x64x128xi32, #tpu.memory_space<vmem>>, vector<16xi32>,
        %parallel_loop3A_641 = vector.bitcast %parallel_loop3A_640 : vector<16xi32> to vector<32xbf16>
        %parallel_loop3A_642 = arith.mulf %parallel_loop3A_641, %parallel_loop3A_475 : vector<32xbf16>
        %parallel_loop3A_643 = arith.constant 3 : i32
        %parallel_loop3A_644 = arith.addi %parallel_loop3A_439, %parallel_loop3A_643 : i32
        %parallel_loop3A_645 = arith.constant 1 : i32
        %parallel_loop3A_646 = arith.index_cast %parallel_loop3A_645 : i32 to index
        %parallel_loop3A_647 = arith.index_cast %parallel_loop3A_644 : i32 to index
        %parallel_loop3A_648 = arith.constant 48 : index
        %parallel_loop3A_649 = tpu.vector_load %arg8[%parallel_loop3A_646, %parallel_loop3A_647, %parallel_loop3A_648] {strides = array<i32>} : memref<2x64x128xi32, #tpu.memory_space<vmem>>, vector<16xi32>,
        %parallel_loop3A_650 = vector.bitcast %parallel_loop3A_649 : vector<16xi32> to vector<32xbf16>
        %parallel_loop3A_651 = arith.mulf %parallel_loop3A_650, %parallel_loop3A_487 : vector<32xbf16>
        %parallel_loop3A_652 = arith.addf %parallel_loop3A_642, %parallel_loop3A_651 : vector<32xbf16>
        %parallel_loop3A_653 = arith.addf %parallel_loop3A_633, %parallel_loop3A_652 : vector<32xbf16>
        %parallel_loop3A_654 = vector.bitcast %parallel_loop3A_653 : vector<32xbf16> to vector<16xi32>
        %parallel_loop3A_655 = arith.constant 1 : i32
        %parallel_loop3A_656 = arith.index_cast %parallel_loop3A_655 : i32 to index
        %parallel_loop3A_657 = arith.index_cast %parallel_loop3A_437 : i32 to index
        %parallel_loop3A_658 = arith.constant 48 : index
        %parallel_loop3A_659 = tpu.vector_load %arg10[%parallel_loop3A_656, %parallel_loop3A_657, %parallel_loop3A_658] {strides = array<i32>} : memref<2x16x128xi32, #tpu.memory_space<vmem>>, vector<16xi32>,
        tpu.vector_store %arg10[%parallel_loop3A_656, %parallel_loop3A_657, %parallel_loop3A_658], %parallel_loop3A_654 {strides = array<i32>} : memref<2x16x128xi32, #tpu.memory_space<vmem>>, vector<16xi32>,
        %parallel_loop3A_660 = arith.constant 1 : i32
        %parallel_loop3A_661 = arith.index_cast %parallel_loop3A_660 : i32 to index
        %parallel_loop3A_662 = arith.index_cast %parallel_loop3A_439 : i32 to index
        %parallel_loop3A_663 = arith.constant 64 : index
        %parallel_loop3A_664 = tpu.vector_load %arg8[%parallel_loop3A_661, %parallel_loop3A_662, %parallel_loop3A_663] {strides = array<i32>} : memref<2x64x128xi32, #tpu.memory_space<vmem>>, vector<16xi32>,
        %parallel_loop3A_665 = vector.bitcast %parallel_loop3A_664 : vector<16xi32> to vector<32xbf16>
        %parallel_loop3A_666 = arith.mulf %parallel_loop3A_665, %parallel_loop3A_451 : vector<32xbf16>
        %parallel_loop3A_667 = arith.constant 1 : i32
        %parallel_loop3A_668 = arith.addi %parallel_loop3A_439, %parallel_loop3A_667 : i32
        %parallel_loop3A_669 = arith.constant 1 : i32
        %parallel_loop3A_670 = arith.index_cast %parallel_loop3A_669 : i32 to index
        %parallel_loop3A_671 = arith.index_cast %parallel_loop3A_668 : i32 to index
        %parallel_loop3A_672 = arith.constant 64 : index
        %parallel_loop3A_673 = tpu.vector_load %arg8[%parallel_loop3A_670, %parallel_loop3A_671, %parallel_loop3A_672] {strides = array<i32>} : memref<2x64x128xi32, #tpu.memory_space<vmem>>, vector<16xi32>,
        %parallel_loop3A_674 = vector.bitcast %parallel_loop3A_673 : vector<16xi32> to vector<32xbf16>
        %parallel_loop3A_675 = arith.mulf %parallel_loop3A_674, %parallel_loop3A_463 : vector<32xbf16>
        %parallel_loop3A_676 = arith.addf %parallel_loop3A_666, %parallel_loop3A_675 : vector<32xbf16>
        %parallel_loop3A_677 = arith.constant 2 : i32
        %parallel_loop3A_678 = arith.addi %parallel_loop3A_439, %parallel_loop3A_677 : i32
        %parallel_loop3A_679 = arith.constant 1 : i32
        %parallel_loop3A_680 = arith.index_cast %parallel_loop3A_679 : i32 to index
        %parallel_loop3A_681 = arith.index_cast %parallel_loop3A_678 : i32 to index
        %parallel_loop3A_682 = arith.constant 64 : index
        %parallel_loop3A_683 = tpu.vector_load %arg8[%parallel_loop3A_680, %parallel_loop3A_681, %parallel_loop3A_682] {strides = array<i32>} : memref<2x64x128xi32, #tpu.memory_space<vmem>>, vector<16xi32>,
        %parallel_loop3A_684 = vector.bitcast %parallel_loop3A_683 : vector<16xi32> to vector<32xbf16>
        %parallel_loop3A_685 = arith.mulf %parallel_loop3A_684, %parallel_loop3A_475 : vector<32xbf16>
        %parallel_loop3A_686 = arith.constant 3 : i32
        %parallel_loop3A_687 = arith.addi %parallel_loop3A_439, %parallel_loop3A_686 : i32
        %parallel_loop3A_688 = arith.constant 1 : i32
        %parallel_loop3A_689 = arith.index_cast %parallel_loop3A_688 : i32 to index
        %parallel_loop3A_690 = arith.index_cast %parallel_loop3A_687 : i32 to index
        %parallel_loop3A_691 = arith.constant 64 : index
        %parallel_loop3A_692 = tpu.vector_load %arg8[%parallel_loop3A_689, %parallel_loop3A_690, %parallel_loop3A_691] {strides = array<i32>} : memref<2x64x128xi32, #tpu.memory_space<vmem>>, vector<16xi32>,
        %parallel_loop3A_693 = vector.bitcast %parallel_loop3A_692 : vector<16xi32> to vector<32xbf16>
        %parallel_loop3A_694 = arith.mulf %parallel_loop3A_693, %parallel_loop3A_487 : vector<32xbf16>
        %parallel_loop3A_695 = arith.addf %parallel_loop3A_685, %parallel_loop3A_694 : vector<32xbf16>
        %parallel_loop3A_696 = arith.addf %parallel_loop3A_676, %parallel_loop3A_695 : vector<32xbf16>
        %parallel_loop3A_697 = vector.bitcast %parallel_loop3A_696 : vector<32xbf16> to vector<16xi32>
        %parallel_loop3A_698 = arith.constant 1 : i32
        %parallel_loop3A_699 = arith.index_cast %parallel_loop3A_698 : i32 to index
        %parallel_loop3A_700 = arith.index_cast %parallel_loop3A_437 : i32 to index
        %parallel_loop3A_701 = arith.constant 64 : index
        %parallel_loop3A_702 = tpu.vector_load %arg10[%parallel_loop3A_699, %parallel_loop3A_700, %parallel_loop3A_701] {strides = array<i32>} : memref<2x16x128xi32, #tpu.memory_space<vmem>>, vector<16xi32>,
        tpu.vector_store %arg10[%parallel_loop3A_699, %parallel_loop3A_700, %parallel_loop3A_701], %parallel_loop3A_697 {strides = array<i32>} : memref<2x16x128xi32, #tpu.memory_space<vmem>>, vector<16xi32>,
        %parallel_loop3A_703 = arith.constant 1 : i32
        %parallel_loop3A_704 = arith.index_cast %parallel_loop3A_703 : i32 to index
        %parallel_loop3A_705 = arith.index_cast %parallel_loop3A_439 : i32 to index
        %parallel_loop3A_706 = arith.constant 80 : index
        %parallel_loop3A_707 = tpu.vector_load %arg8[%parallel_loop3A_704, %parallel_loop3A_705, %parallel_loop3A_706] {strides = array<i32>} : memref<2x64x128xi32, #tpu.memory_space<vmem>>, vector<16xi32>,
        %parallel_loop3A_708 = vector.bitcast %parallel_loop3A_707 : vector<16xi32> to vector<32xbf16>
        %parallel_loop3A_709 = arith.mulf %parallel_loop3A_708, %parallel_loop3A_451 : vector<32xbf16>
        %parallel_loop3A_710 = arith.constant 1 : i32
        %parallel_loop3A_711 = arith.addi %parallel_loop3A_439, %parallel_loop3A_710 : i32
        %parallel_loop3A_712 = arith.constant 1 : i32
        %parallel_loop3A_713 = arith.index_cast %parallel_loop3A_712 : i32 to index
        %parallel_loop3A_714 = arith.index_cast %parallel_loop3A_711 : i32 to index
        %parallel_loop3A_715 = arith.constant 80 : index
        %parallel_loop3A_716 = tpu.vector_load %arg8[%parallel_loop3A_713, %parallel_loop3A_714, %parallel_loop3A_715] {strides = array<i32>} : memref<2x64x128xi32, #tpu.memory_space<vmem>>, vector<16xi32>,
        %parallel_loop3A_717 = vector.bitcast %parallel_loop3A_716 : vector<16xi32> to vector<32xbf16>
        %parallel_loop3A_718 = arith.mulf %parallel_loop3A_717, %parallel_loop3A_463 : vector<32xbf16>
        %parallel_loop3A_719 = arith.addf %parallel_loop3A_709, %parallel_loop3A_718 : vector<32xbf16>
        %parallel_loop3A_720 = arith.constant 2 : i32
        %parallel_loop3A_721 = arith.addi %parallel_loop3A_439, %parallel_loop3A_720 : i32
        %parallel_loop3A_722 = arith.constant 1 : i32
        %parallel_loop3A_723 = arith.index_cast %parallel_loop3A_722 : i32 to index
        %parallel_loop3A_724 = arith.index_cast %parallel_loop3A_721 : i32 to index
        %parallel_loop3A_725 = arith.constant 80 : index
        %parallel_loop3A_726 = tpu.vector_load %arg8[%parallel_loop3A_723, %parallel_loop3A_724, %parallel_loop3A_725] {strides = array<i32>} : memref<2x64x128xi32, #tpu.memory_space<vmem>>, vector<16xi32>,
        %parallel_loop3A_727 = vector.bitcast %parallel_loop3A_726 : vector<16xi32> to vector<32xbf16>
        %parallel_loop3A_728 = arith.mulf %parallel_loop3A_727, %parallel_loop3A_475 : vector<32xbf16>
        %parallel_loop3A_729 = arith.constant 3 : i32
        %parallel_loop3A_730 = arith.addi %parallel_loop3A_439, %parallel_loop3A_729 : i32
        %parallel_loop3A_731 = arith.constant 1 : i32
        %parallel_loop3A_732 = arith.index_cast %parallel_loop3A_731 : i32 to index
        %parallel_loop3A_733 = arith.index_cast %parallel_loop3A_730 : i32 to index
        %parallel_loop3A_734 = arith.constant 80 : index
        %parallel_loop3A_735 = tpu.vector_load %arg8[%parallel_loop3A_732, %parallel_loop3A_733, %parallel_loop3A_734] {strides = array<i32>} : memref<2x64x128xi32, #tpu.memory_space<vmem>>, vector<16xi32>,
        %parallel_loop3A_736 = vector.bitcast %parallel_loop3A_735 : vector<16xi32> to vector<32xbf16>
        %parallel_loop3A_737 = arith.mulf %parallel_loop3A_736, %parallel_loop3A_487 : vector<32xbf16>
        %parallel_loop3A_738 = arith.addf %parallel_loop3A_728, %parallel_loop3A_737 : vector<32xbf16>
        %parallel_loop3A_739 = arith.addf %parallel_loop3A_719, %parallel_loop3A_738 : vector<32xbf16>
        %parallel_loop3A_740 = vector.bitcast %parallel_loop3A_739 : vector<32xbf16> to vector<16xi32>
        %parallel_loop3A_741 = arith.constant 1 : i32
        %parallel_loop3A_742 = arith.index_cast %parallel_loop3A_741 : i32 to index
        %parallel_loop3A_743 = arith.index_cast %parallel_loop3A_437 : i32 to index
        %parallel_loop3A_744 = arith.constant 80 : index
        %parallel_loop3A_745 = tpu.vector_load %arg10[%parallel_loop3A_742, %parallel_loop3A_743, %parallel_loop3A_744] {strides = array<i32>} : memref<2x16x128xi32, #tpu.memory_space<vmem>>, vector<16xi32>,
        tpu.vector_store %arg10[%parallel_loop3A_742, %parallel_loop3A_743, %parallel_loop3A_744], %parallel_loop3A_740 {strides = array<i32>} : memref<2x16x128xi32, #tpu.memory_space<vmem>>, vector<16xi32>,
        %parallel_loop3A_746 = arith.constant 1 : i32
        %parallel_loop3A_747 = arith.index_cast %parallel_loop3A_746 : i32 to index
        %parallel_loop3A_748 = arith.index_cast %parallel_loop3A_439 : i32 to index
        %parallel_loop3A_749 = arith.constant 96 : index
        %parallel_loop3A_750 = tpu.vector_load %arg8[%parallel_loop3A_747, %parallel_loop3A_748, %parallel_loop3A_749] {strides = array<i32>} : memref<2x64x128xi32, #tpu.memory_space<vmem>>, vector<16xi32>,
        %parallel_loop3A_751 = vector.bitcast %parallel_loop3A_750 : vector<16xi32> to vector<32xbf16>
        %parallel_loop3A_752 = arith.mulf %parallel_loop3A_751, %parallel_loop3A_451 : vector<32xbf16>
        %parallel_loop3A_753 = arith.constant 1 : i32
        %parallel_loop3A_754 = arith.addi %parallel_loop3A_439, %parallel_loop3A_753 : i32
        %parallel_loop3A_755 = arith.constant 1 : i32
        %parallel_loop3A_756 = arith.index_cast %parallel_loop3A_755 : i32 to index
        %parallel_loop3A_757 = arith.index_cast %parallel_loop3A_754 : i32 to index
        %parallel_loop3A_758 = arith.constant 96 : index
        %parallel_loop3A_759 = tpu.vector_load %arg8[%parallel_loop3A_756, %parallel_loop3A_757, %parallel_loop3A_758] {strides = array<i32>} : memref<2x64x128xi32, #tpu.memory_space<vmem>>, vector<16xi32>,
        %parallel_loop3A_760 = vector.bitcast %parallel_loop3A_759 : vector<16xi32> to vector<32xbf16>
        %parallel_loop3A_761 = arith.mulf %parallel_loop3A_760, %parallel_loop3A_463 : vector<32xbf16>
        %parallel_loop3A_762 = arith.addf %parallel_loop3A_752, %parallel_loop3A_761 : vector<32xbf16>
        %parallel_loop3A_763 = arith.constant 2 : i32
        %parallel_loop3A_764 = arith.addi %parallel_loop3A_439, %parallel_loop3A_763 : i32
        %parallel_loop3A_765 = arith.constant 1 : i32
        %parallel_loop3A_766 = arith.index_cast %parallel_loop3A_765 : i32 to index
        %parallel_loop3A_767 = arith.index_cast %parallel_loop3A_764 : i32 to index
        %parallel_loop3A_768 = arith.constant 96 : index
        %parallel_loop3A_769 = tpu.vector_load %arg8[%parallel_loop3A_766, %parallel_loop3A_767, %parallel_loop3A_768] {strides = array<i32>} : memref<2x64x128xi32, #tpu.memory_space<vmem>>, vector<16xi32>,
        %parallel_loop3A_770 = vector.bitcast %parallel_loop3A_769 : vector<16xi32> to vector<32xbf16>
        %parallel_loop3A_771 = arith.mulf %parallel_loop3A_770, %parallel_loop3A_475 : vector<32xbf16>
        %parallel_loop3A_772 = arith.constant 3 : i32
        %parallel_loop3A_773 = arith.addi %parallel_loop3A_439, %parallel_loop3A_772 : i32
        %parallel_loop3A_774 = arith.constant 1 : i32
        %parallel_loop3A_775 = arith.index_cast %parallel_loop3A_774 : i32 to index
        %parallel_loop3A_776 = arith.index_cast %parallel_loop3A_773 : i32 to index
        %parallel_loop3A_777 = arith.constant 96 : index
        %parallel_loop3A_778 = tpu.vector_load %arg8[%parallel_loop3A_775, %parallel_loop3A_776, %parallel_loop3A_777] {strides = array<i32>} : memref<2x64x128xi32, #tpu.memory_space<vmem>>, vector<16xi32>,
        %parallel_loop3A_779 = vector.bitcast %parallel_loop3A_778 : vector<16xi32> to vector<32xbf16>
        %parallel_loop3A_780 = arith.mulf %parallel_loop3A_779, %parallel_loop3A_487 : vector<32xbf16>
        %parallel_loop3A_781 = arith.addf %parallel_loop3A_771, %parallel_loop3A_780 : vector<32xbf16>
        %parallel_loop3A_782 = arith.addf %parallel_loop3A_762, %parallel_loop3A_781 : vector<32xbf16>
        %parallel_loop3A_783 = vector.bitcast %parallel_loop3A_782 : vector<32xbf16> to vector<16xi32>
        %parallel_loop3A_784 = arith.constant 1 : i32
        %parallel_loop3A_785 = arith.index_cast %parallel_loop3A_784 : i32 to index
        %parallel_loop3A_786 = arith.index_cast %parallel_loop3A_437 : i32 to index
        %parallel_loop3A_787 = arith.constant 96 : index
        %parallel_loop3A_788 = tpu.vector_load %arg10[%parallel_loop3A_785, %parallel_loop3A_786, %parallel_loop3A_787] {strides = array<i32>} : memref<2x16x128xi32, #tpu.memory_space<vmem>>, vector<16xi32>,
        tpu.vector_store %arg10[%parallel_loop3A_785, %parallel_loop3A_786, %parallel_loop3A_787], %parallel_loop3A_783 {strides = array<i32>} : memref<2x16x128xi32, #tpu.memory_space<vmem>>, vector<16xi32>,
        %parallel_loop3A_789 = arith.constant 1 : i32
        %parallel_loop3A_790 = arith.index_cast %parallel_loop3A_789 : i32 to index
        %parallel_loop3A_791 = arith.index_cast %parallel_loop3A_439 : i32 to index
        %parallel_loop3A_792 = arith.constant 112 : index
        %parallel_loop3A_793 = tpu.vector_load %arg8[%parallel_loop3A_790, %parallel_loop3A_791, %parallel_loop3A_792] {strides = array<i32>} : memref<2x64x128xi32, #tpu.memory_space<vmem>>, vector<16xi32>,
        %parallel_loop3A_794 = vector.bitcast %parallel_loop3A_793 : vector<16xi32> to vector<32xbf16>
        %parallel_loop3A_795 = arith.mulf %parallel_loop3A_794, %parallel_loop3A_451 : vector<32xbf16>
        %parallel_loop3A_796 = arith.constant 1 : i32
        %parallel_loop3A_797 = arith.addi %parallel_loop3A_439, %parallel_loop3A_796 : i32
        %parallel_loop3A_798 = arith.constant 1 : i32
        %parallel_loop3A_799 = arith.index_cast %parallel_loop3A_798 : i32 to index
        %parallel_loop3A_800 = arith.index_cast %parallel_loop3A_797 : i32 to index
        %parallel_loop3A_801 = arith.constant 112 : index
        %parallel_loop3A_802 = tpu.vector_load %arg8[%parallel_loop3A_799, %parallel_loop3A_800, %parallel_loop3A_801] {strides = array<i32>} : memref<2x64x128xi32, #tpu.memory_space<vmem>>, vector<16xi32>,
        %parallel_loop3A_803 = vector.bitcast %parallel_loop3A_802 : vector<16xi32> to vector<32xbf16>
        %parallel_loop3A_804 = arith.mulf %parallel_loop3A_803, %parallel_loop3A_463 : vector<32xbf16>
        %parallel_loop3A_805 = arith.addf %parallel_loop3A_795, %parallel_loop3A_804 : vector<32xbf16>
        %parallel_loop3A_806 = arith.constant 2 : i32
        %parallel_loop3A_807 = arith.addi %parallel_loop3A_439, %parallel_loop3A_806 : i32
        %parallel_loop3A_808 = arith.constant 1 : i32
        %parallel_loop3A_809 = arith.index_cast %parallel_loop3A_808 : i32 to index
        %parallel_loop3A_810 = arith.index_cast %parallel_loop3A_807 : i32 to index
        %parallel_loop3A_811 = arith.constant 112 : index
        %parallel_loop3A_812 = tpu.vector_load %arg8[%parallel_loop3A_809, %parallel_loop3A_810, %parallel_loop3A_811] {strides = array<i32>} : memref<2x64x128xi32, #tpu.memory_space<vmem>>, vector<16xi32>,
        %parallel_loop3A_813 = vector.bitcast %parallel_loop3A_812 : vector<16xi32> to vector<32xbf16>
        %parallel_loop3A_814 = arith.mulf %parallel_loop3A_813, %parallel_loop3A_475 : vector<32xbf16>
        %parallel_loop3A_815 = arith.constant 3 : i32
        %parallel_loop3A_816 = arith.addi %parallel_loop3A_439, %parallel_loop3A_815 : i32
        %parallel_loop3A_817 = arith.constant 1 : i32
        %parallel_loop3A_818 = arith.index_cast %parallel_loop3A_817 : i32 to index
        %parallel_loop3A_819 = arith.index_cast %parallel_loop3A_816 : i32 to index
        %parallel_loop3A_820 = arith.constant 112 : index
        %parallel_loop3A_821 = tpu.vector_load %arg8[%parallel_loop3A_818, %parallel_loop3A_819, %parallel_loop3A_820] {strides = array<i32>} : memref<2x64x128xi32, #tpu.memory_space<vmem>>, vector<16xi32>,
        %parallel_loop3A_822 = vector.bitcast %parallel_loop3A_821 : vector<16xi32> to vector<32xbf16>
        %parallel_loop3A_823 = arith.mulf %parallel_loop3A_822, %parallel_loop3A_487 : vector<32xbf16>
        %parallel_loop3A_824 = arith.addf %parallel_loop3A_814, %parallel_loop3A_823 : vector<32xbf16>
        %parallel_loop3A_825 = arith.addf %parallel_loop3A_805, %parallel_loop3A_824 : vector<32xbf16>
        %parallel_loop3A_826 = vector.bitcast %parallel_loop3A_825 : vector<32xbf16> to vector<16xi32>
        %parallel_loop3A_827 = arith.constant 1 : i32
        %parallel_loop3A_828 = arith.index_cast %parallel_loop3A_827 : i32 to index
        %parallel_loop3A_829 = arith.index_cast %parallel_loop3A_437 : i32 to index
        %parallel_loop3A_830 = arith.constant 112 : index
        %parallel_loop3A_831 = tpu.vector_load %arg10[%parallel_loop3A_828, %parallel_loop3A_829, %parallel_loop3A_830] {strides = array<i32>} : memref<2x16x128xi32, #tpu.memory_space<vmem>>, vector<16xi32>,
        tpu.vector_store %arg10[%parallel_loop3A_828, %parallel_loop3A_829, %parallel_loop3A_830], %parallel_loop3A_826 {strides = array<i32>} : memref<2x16x128xi32, #tpu.memory_space<vmem>>, vector<16xi32>,
      } {sc.loop_unroll_factor = 2 : i64, sc.parallel_access}
      %mul3A_412 = arith.constant 98 : i32
      %mul3A_413 = arith.muli %add3A, %mul3A_412 : i32
      %add3A_414 = arith.addi %mul3A_413, %add3A_356 : i32
      %mul3A_415 = arith.constant 16 : i32
      %mul3A_416 = arith.muli %add3A_414, %mul3A_415 : i32
      %dma_start3A_417 = arith.constant 1 : i32
      %dma_start3A_418 = arith.constant 0 : i32
      %dma_start3A_419 = arith.constant 0 : i32
      %dma_start3A_420 = tpu.memref_slice %arg10[%dma_start3A_417, %dma_start3A_418, %dma_start3A_419] : memref<2x16x128xi32, #tpu.memory_space<vmem>> -> memref<1x16x128xi32, #tpu.memory_space<vmem>>
      %dma_start3A_421 = tpu.memref_squeeze %dma_start3A_420 : memref<1x16x128xi32, #tpu.memory_space<vmem>> -> memref<16x128xi32, #tpu.memory_space<vmem>>
      %dma_start3A_422 = arith.constant 0 : i32
      %dma_start3A_423 = tpu.memref_slice %arg5[%mul3A_416, %dma_start3A_422] : memref<50176x128xi32, #tpu.memory_space<hbm>> -> memref<16x128xi32, #tpu.memory_space<hbm>>
      %dma_start3A_424 = arith.constant 0 : i32
      %dma_start3A_425 = tpu.memref_slice %arg5[%mul3A_416, %dma_start3A_424] : memref<50176x128xi32, #tpu.memory_space<hbm>> -> memref<16x128xi32, #tpu.memory_space<hbm>>
      %dma_start3A_426 = arith.constant 0 : i32
      %dma_start3A_427 = arith.constant 0 : i32
      %dma_start3A_428 = tpu.memref_slice %arg10[%dma_start3A_417, %dma_start3A_426, %dma_start3A_427] : memref<2x16x128xi32, #tpu.memory_space<vmem>> -> memref<1x16x128xi32, #tpu.memory_space<vmem>>
      %dma_start3A_429 = tpu.memref_squeeze %dma_start3A_428 : memref<1x16x128xi32, #tpu.memory_space<vmem>> -> memref<16x128xi32, #tpu.memory_space<vmem>>
      tpu.enqueue_dma source(%dma_start3A_429 : memref<16x128xi32, #tpu.memory_space<vmem>>) target(%dma_start3A_425 : memref<16x128xi32, #tpu.memory_space<hbm>>) target_semaphore(%arg18 : memref<!tpu.dma_semaphore, #tpu.memory_space<semaphore_mem>>)
      %add3A_430 = arith.constant 2 : i32
      %add3A_431 = arith.addi %add3A_356, %add3A_430 : i32
      %lt3A_432 = arith.constant 98 : i32
      %lt3A_433 = arith.cmpi slt, %add3A_431, %lt3A_432 : i32
      %convert_element_type3A_434 = arith.extui %lt3A_433 : i1 to i32
      %cond3A_435 = arith.constant 0 : i32
      %cond3A_436 = arith.cmpi ne, %convert_element_type3A_434, %cond3A_435 : i32
      scf.if %cond3A_436 {
        %add3A_437 = arith.constant 2 : i32
        %add3A_438 = arith.addi %add3A_356, %add3A_437 : i32
        %mul3A_439 = arith.constant 98 : i32
        %mul3A_440 = arith.muli %add3A, %mul3A_439 : i32
        %add3A_441 = arith.addi %mul3A_440, %add3A_438 : i32
        %dma_start3A_442 = arith.constant 1 : i32
        %dma_start3A_443 = arith.constant 0 : i32
        %dma_start3A_444 = arith.constant 0 : i32
        %dma_start3A_445 = tpu.memref_slice %arg9[%dma_start3A_442, %dma_start3A_443, %dma_start3A_444] : memref<2x4x16xi32, #tpu.memory_space<vmem>> -> memref<1x4x16xi32, #tpu.memory_space<vmem>>
        %dma_start3A_446 = tpu.memref_squeeze %dma_start3A_445 : memref<1x4x16xi32, #tpu.memory_space<vmem>> -> memref<4x16xi32, #tpu.memory_space<vmem>>
        %dma_start3A_447 = arith.constant 0 : i32
        %dma_start3A_448 = arith.constant 0 : i32
        %dma_start3A_449 = tpu.memref_slice %arg4[%add3A_441, %dma_start3A_447, %dma_start3A_448] : memref<3136x4x16xi32, #tpu.memory_space<hbm>> -> memref<1x4x16xi32, #tpu.memory_space<hbm>>
        %dma_start3A_450 = tpu.memref_squeeze %dma_start3A_449 : memref<1x4x16xi32, #tpu.memory_space<hbm>> -> memref<4x16xi32, #tpu.memory_space<hbm>>
        %dma_start3A_451 = arith.constant 0 : i32
        %dma_start3A_452 = arith.constant 0 : i32
        %dma_start3A_453 = tpu.memref_slice %arg9[%dma_start3A_442, %dma_start3A_451, %dma_start3A_452] : memref<2x4x16xi32, #tpu.memory_space<vmem>> -> memref<1x4x16xi32, #tpu.memory_space<vmem>>
        %dma_start3A_454 = tpu.memref_squeeze %dma_start3A_453 : memref<1x4x16xi32, #tpu.memory_space<vmem>> -> memref<4x16xi32, #tpu.memory_space<vmem>>
        %dma_start3A_455 = arith.constant 0 : i32
        %dma_start3A_456 = arith.constant 0 : i32
        %dma_start3A_457 = tpu.memref_slice %arg4[%add3A_441, %dma_start3A_455, %dma_start3A_456] : memref<3136x4x16xi32, #tpu.memory_space<hbm>> -> memref<1x4x16xi32, #tpu.memory_space<hbm>>
        %dma_start3A_458 = tpu.memref_squeeze %dma_start3A_457 : memref<1x4x16xi32, #tpu.memory_space<hbm>> -> memref<4x16xi32, #tpu.memory_space<hbm>>
        tpu.enqueue_dma source(%dma_start3A_458 : memref<4x16xi32, #tpu.memory_space<hbm>>) target(%dma_start3A_454 : memref<4x16xi32, #tpu.memory_space<vmem>>) target_semaphore(%arg14 : memref<!tpu.dma_semaphore, #tpu.memory_space<semaphore_mem>>)
      } else {
      }
    }
    %scan3A_158 = arith.constant 49 : i32
    %mul3A_159 = arith.constant 98 : i32
    %mul3A_160 = arith.muli %add3A, %mul3A_159 : i32
    %add3A_161 = arith.constant 0 : i32
    %add3A_162 = arith.addi %mul3A_160, %add3A_161 : i32
    %mul3A_163 = arith.constant 16 : i32
    %mul3A_164 = arith.muli %add3A_162, %mul3A_163 : i32
    %dma_wait3A_165 = arith.constant 0 : i32
    %dma_wait3A_166 = arith.constant 0 : i32
    %dma_wait3A_167 = arith.constant 0 : i32
    %dma_wait3A_168 = tpu.memref_slice %arg10[%dma_wait3A_165, %dma_wait3A_166, %dma_wait3A_167] : memref<2x16x128xi32, #tpu.memory_space<vmem>> -> memref<1x16x128xi32, #tpu.memory_space<vmem>>
    %dma_wait3A_169 = tpu.memref_squeeze %dma_wait3A_168 : memref<1x16x128xi32, #tpu.memory_space<vmem>> -> memref<16x128xi32, #tpu.memory_space<vmem>>
    %dma_wait3A_170 = arith.constant 0 : i32
    %dma_wait3A_171 = tpu.memref_slice %arg5[%mul3A_164, %dma_wait3A_170] : memref<50176x128xi32, #tpu.memory_space<hbm>> -> memref<16x128xi32, #tpu.memory_space<hbm>>
    %dma_wait3A_172 = arith.constant 0 : i32
    %dma_wait3A_173 = tpu.memref_slice %arg5[%mul3A_164, %dma_wait3A_172] : memref<50176x128xi32, #tpu.memory_space<hbm>> -> memref<16x128xi32, #tpu.memory_space<hbm>>
    %dma_wait3A_174 = arith.constant 0 : i32
    %dma_wait3A_175 = arith.constant 0 : i32
    %dma_wait3A_176 = tpu.memref_slice %arg10[%dma_wait3A_165, %dma_wait3A_174, %dma_wait3A_175] : memref<2x16x128xi32, #tpu.memory_space<vmem>> -> memref<1x16x128xi32, #tpu.memory_space<vmem>>
    %dma_wait3A_177 = tpu.memref_squeeze %dma_wait3A_176 : memref<1x16x128xi32, #tpu.memory_space<vmem>> -> memref<16x128xi32, #tpu.memory_space<vmem>>
    tpu.wait_dma2 semaphore(%arg17 : memref<!tpu.dma_semaphore, #tpu.memory_space<semaphore_mem>>) src(%dma_wait3A_177 : memref<16x128xi32, #tpu.memory_space<vmem>>) dst(%dma_wait3A_173 : memref<16x128xi32, #tpu.memory_space<hbm>>)
    %mul3A_178 = arith.constant 98 : i32
    %mul3A_179 = arith.muli %add3A, %mul3A_178 : i32
    %add3A_180 = arith.constant 0 : i32
    %add3A_181 = arith.addi %mul3A_179, %add3A_180 : i32
    %mul3A_182 = arith.constant 16 : i32
    %mul3A_183 = arith.muli %add3A_181, %mul3A_182 : i32
    %dma_wait3A_184 = arith.constant 1 : i32
    %dma_wait3A_185 = arith.constant 0 : i32
    %dma_wait3A_186 = arith.constant 0 : i32
    %dma_wait3A_187 = tpu.memref_slice %arg10[%dma_wait3A_184, %dma_wait3A_185, %dma_wait3A_186] : memref<2x16x128xi32, #tpu.memory_space<vmem>> -> memref<1x16x128xi32, #tpu.memory_space<vmem>>
    %dma_wait3A_188 = tpu.memref_squeeze %dma_wait3A_187 : memref<1x16x128xi32, #tpu.memory_space<vmem>> -> memref<16x128xi32, #tpu.memory_space<vmem>>
    %dma_wait3A_189 = arith.constant 0 : i32
    %dma_wait3A_190 = tpu.memref_slice %arg5[%mul3A_183, %dma_wait3A_189] : memref<50176x128xi32, #tpu.memory_space<hbm>> -> memref<16x128xi32, #tpu.memory_space<hbm>>
    %dma_wait3A_191 = arith.constant 0 : i32
    %dma_wait3A_192 = tpu.memref_slice %arg5[%mul3A_183, %dma_wait3A_191] : memref<50176x128xi32, #tpu.memory_space<hbm>> -> memref<16x128xi32, #tpu.memory_space<hbm>>
    %dma_wait3A_193 = arith.constant 0 : i32
    %dma_wait3A_194 = arith.constant 0 : i32
    %dma_wait3A_195 = tpu.memref_slice %arg10[%dma_wait3A_184, %dma_wait3A_193, %dma_wait3A_194] : memref<2x16x128xi32, #tpu.memory_space<vmem>> -> memref<1x16x128xi32, #tpu.memory_space<vmem>>
    %dma_wait3A_196 = tpu.memref_squeeze %dma_wait3A_195 : memref<1x16x128xi32, #tpu.memory_space<vmem>> -> memref<16x128xi32, #tpu.memory_space<vmem>>
    tpu.wait_dma2 semaphore(%arg18 : memref<!tpu.dma_semaphore, #tpu.memory_space<semaphore_mem>>) src(%dma_wait3A_196 : memref<16x128xi32, #tpu.memory_space<vmem>>) dst(%dma_wait3A_192 : memref<16x128xi32, #tpu.memory_space<hbm>>)
    return
  }
}

#map = affine_map<(d0, d1) -> (0, 0)>
#map1 = affine_map<(d0, d1) -> (0)>
#map2 = affine_map<(d0, d1) -> (0, 0, 0)>
module attributes {stable_mosaic.version = 14 : i64} {
  func.func @sc_blend(%arg0: i32, %arg1: i32, %arg2: memref<80000x128xi32, #tpu.memory_space<hbm>>, %arg3: memref<50176xi32, #tpu.memory_space<hbm>>, %arg4: memref<3136x4x16xi32, #tpu.memory_space<hbm>>, %arg5: memref<50176x128xi32, #tpu.memory_space<hbm>>, %arg6: memref<2x16xi32, #tpu.memory_space<vmem>>, %arg7: memref<2x64xi32, #tpu.memory_space<vmem>>, %arg8: memref<2x64x128xi32, #tpu.memory_space<vmem>>, %arg9: memref<2x4x16xi32, #tpu.memory_space<vmem>>, %arg10: memref<2x16x128xi32, #tpu.memory_space<vmem>>, %arg11: memref<!tpu.dma_semaphore, #tpu.memory_space<semaphore_mem>>, %arg12: memref<!tpu.dma_semaphore, #tpu.memory_space<semaphore_mem>>, %arg13: memref<!tpu.dma_semaphore, #tpu.memory_space<semaphore_mem>>, %arg14: memref<!tpu.dma_semaphore, #tpu.memory_space<semaphore_mem>>, %arg15: memref<!tpu.dma_semaphore, #tpu.memory_space<semaphore_mem>>, %arg16: memref<!tpu.dma_semaphore, #tpu.memory_space<semaphore_mem>>, %arg17: memref<!tpu.dma_semaphore, #tpu.memory_space<semaphore_mem>>, %arg18: memref<!tpu.dma_semaphore, #tpu.memory_space<semaphore_mem>>) attributes {dimension_semantics = [#tpu.dimension_semantics<core_parallel>, #tpu.dimension_semantics<subcore_parallel>], iteration_bounds = array<i64: 2, 16>, scalar_prefetch = 0 : i64, scratch_operands = 13 : i64, tpu.core_type = #tpu.core_type<sc_vector_subcore>, window_params = [{transform_indices = #map}, {transform_indices = #map1}, {transform_indices = #map2}, {transform_indices = #map}]} {
    %mul3A = arith.constant 2 : i32
    %mul3A_0 = arith.muli %arg1, %mul3A : i32
    %add3A = arith.addi %mul3A_0, %arg0 : i32
    %iota3A = tpu.iota {dimensions = array<i32: 0>} : vector<16xi32>
    %mul3A_1 = arith.constant 0 : i32
    %mul3A_2 = vector.broadcast %mul3A_1 : i32 to vector<16xi32>
    %mul3A_3 = arith.muli %iota3A, %mul3A_2 : vector<16xi32>
    %mul3A_4 = arith.constant 98 : i32
    %mul3A_5 = arith.muli %add3A, %mul3A_4 : i32
    %add3A_6 = arith.constant 0 : i32
    %add3A_7 = arith.addi %mul3A_5, %add3A_6 : i32
    %mul3A_8 = arith.constant 16 : i32
    %mul3A_9 = arith.muli %add3A_7, %mul3A_8 : i32
    %dma_start3A = arith.constant 0 : i32
    %dma_start3A_10 = arith.constant 0 : i32
    %dma_start3A_11 = tpu.memref_slice %arg6[%dma_start3A, %dma_start3A_10] : memref<2x16xi32, #tpu.memory_space<vmem>> -> memref<1x16xi32, #tpu.memory_space<vmem>>
    %dma_start3A_12 = tpu.memref_squeeze %dma_start3A_11 : memref<1x16xi32, #tpu.memory_space<vmem>> -> memref<16xi32, #tpu.memory_space<vmem>>
    %dma_start3A_13 = tpu.memref_slice %arg3[%mul3A_9] : memref<50176xi32, #tpu.memory_space<hbm>> -> memref<16xi32, #tpu.memory_space<hbm>>
    %dma_start3A_14 = arith.constant 0 : i32
    %dma_start3A_15 = tpu.memref_slice %arg6[%dma_start3A, %dma_start3A_14] : memref<2x16xi32, #tpu.memory_space<vmem>> -> memref<1x16xi32, #tpu.memory_space<vmem>>
    %dma_start3A_16 = tpu.memref_squeeze %dma_start3A_15 : memref<1x16xi32, #tpu.memory_space<vmem>> -> memref<16xi32, #tpu.memory_space<vmem>>
    %dma_start3A_17 = tpu.memref_slice %arg3[%mul3A_9] : memref<50176xi32, #tpu.memory_space<hbm>> -> memref<16xi32, #tpu.memory_space<hbm>>
    tpu.enqueue_dma source(%dma_start3A_17 : memref<16xi32, #tpu.memory_space<hbm>>) target(%dma_start3A_16 : memref<16xi32, #tpu.memory_space<vmem>>) target_semaphore(%arg11 : memref<!tpu.dma_semaphore, #tpu.memory_space<semaphore_mem>>)
    %mul3A_18 = arith.constant 98 : i32
    %mul3A_19 = arith.muli %add3A, %mul3A_18 : i32
    %add3A_20 = arith.constant 0 : i32
    %add3A_21 = arith.addi %mul3A_19, %add3A_20 : i32
    %dma_start3A_22 = arith.constant 0 : i32
    %dma_start3A_23 = arith.constant 0 : i32
    %dma_start3A_24 = arith.constant 0 : i32
    %dma_start3A_25 = tpu.memref_slice %arg9[%dma_start3A_22, %dma_start3A_23, %dma_start3A_24] : memref<2x4x16xi32, #tpu.memory_space<vmem>> -> memref<1x4x16xi32, #tpu.memory_space<vmem>>
    %dma_start3A_26 = tpu.memref_squeeze %dma_start3A_25 : memref<1x4x16xi32, #tpu.memory_space<vmem>> -> memref<4x16xi32, #tpu.memory_space<vmem>>
    %dma_start3A_27 = arith.constant 0 : i32
    %dma_start3A_28 = arith.constant 0 : i32
    %dma_start3A_29 = tpu.memref_slice %arg4[%add3A_21, %dma_start3A_27, %dma_start3A_28] : memref<3136x4x16xi32, #tpu.memory_space<hbm>> -> memref<1x4x16xi32, #tpu.memory_space<hbm>>
    %dma_start3A_30 = tpu.memref_squeeze %dma_start3A_29 : memref<1x4x16xi32, #tpu.memory_space<hbm>> -> memref<4x16xi32, #tpu.memory_space<hbm>>
    %dma_start3A_31 = arith.constant 0 : i32
    %dma_start3A_32 = arith.constant 0 : i32
    %dma_start3A_33 = tpu.memref_slice %arg9[%dma_start3A_22, %dma_start3A_31, %dma_start3A_32] : memref<2x4x16xi32, #tpu.memory_space<vmem>> -> memref<1x4x16xi32, #tpu.memory_space<vmem>>
    %dma_start3A_34 = tpu.memref_squeeze %dma_start3A_33 : memref<1x4x16xi32, #tpu.memory_space<vmem>> -> memref<4x16xi32, #tpu.memory_space<vmem>>
    %dma_start3A_35 = arith.constant 0 : i32
    %dma_start3A_36 = arith.constant 0 : i32
    %dma_start3A_37 = tpu.memref_slice %arg4[%add3A_21, %dma_start3A_35, %dma_start3A_36] : memref<3136x4x16xi32, #tpu.memory_space<hbm>> -> memref<1x4x16xi32, #tpu.memory_space<hbm>>
    %dma_start3A_38 = tpu.memref_squeeze %dma_start3A_37 : memref<1x4x16xi32, #tpu.memory_space<hbm>> -> memref<4x16xi32, #tpu.memory_space<hbm>>
    tpu.enqueue_dma source(%dma_start3A_38 : memref<4x16xi32, #tpu.memory_space<hbm>>) target(%dma_start3A_34 : memref<4x16xi32, #tpu.memory_space<vmem>>) target_semaphore(%arg13 : memref<!tpu.dma_semaphore, #tpu.memory_space<semaphore_mem>>)
    %mul3A_39 = arith.constant 98 : i32
    %mul3A_40 = arith.muli %add3A, %mul3A_39 : i32
    %add3A_41 = arith.constant 1 : i32
    %add3A_42 = arith.addi %mul3A_40, %add3A_41 : i32
    %mul3A_43 = arith.constant 16 : i32
    %mul3A_44 = arith.muli %add3A_42, %mul3A_43 : i32
    %dma_start3A_45 = arith.constant 1 : i32
    %dma_start3A_46 = arith.constant 0 : i32
    %dma_start3A_47 = tpu.memref_slice %arg6[%dma_start3A_45, %dma_start3A_46] : memref<2x16xi32, #tpu.memory_space<vmem>> -> memref<1x16xi32, #tpu.memory_space<vmem>>
    %dma_start3A_48 = tpu.memref_squeeze %dma_start3A_47 : memref<1x16xi32, #tpu.memory_space<vmem>> -> memref<16xi32, #tpu.memory_space<vmem>>
    %dma_start3A_49 = tpu.memref_slice %arg3[%mul3A_44] : memref<50176xi32, #tpu.memory_space<hbm>> -> memref<16xi32, #tpu.memory_space<hbm>>
    %dma_start3A_50 = arith.constant 0 : i32
    %dma_start3A_51 = tpu.memref_slice %arg6[%dma_start3A_45, %dma_start3A_50] : memref<2x16xi32, #tpu.memory_space<vmem>> -> memref<1x16xi32, #tpu.memory_space<vmem>>
    %dma_start3A_52 = tpu.memref_squeeze %dma_start3A_51 : memref<1x16xi32, #tpu.memory_space<vmem>> -> memref<16xi32, #tpu.memory_space<vmem>>
    %dma_start3A_53 = tpu.memref_slice %arg3[%mul3A_44] : memref<50176xi32, #tpu.memory_space<hbm>> -> memref<16xi32, #tpu.memory_space<hbm>>
    tpu.enqueue_dma source(%dma_start3A_53 : memref<16xi32, #tpu.memory_space<hbm>>) target(%dma_start3A_52 : memref<16xi32, #tpu.memory_space<vmem>>) target_semaphore(%arg12 : memref<!tpu.dma_semaphore, #tpu.memory_space<semaphore_mem>>)
    %mul3A_54 = arith.constant 98 : i32
    %mul3A_55 = arith.muli %add3A, %mul3A_54 : i32
    %add3A_56 = arith.constant 1 : i32
    %add3A_57 = arith.addi %mul3A_55, %add3A_56 : i32
    %dma_start3A_58 = arith.constant 1 : i32
    %dma_start3A_59 = arith.constant 0 : i32
    %dma_start3A_60 = arith.constant 0 : i32
    %dma_start3A_61 = tpu.memref_slice %arg9[%dma_start3A_58, %dma_start3A_59, %dma_start3A_60] : memref<2x4x16xi32, #tpu.memory_space<vmem>> -> memref<1x4x16xi32, #tpu.memory_space<vmem>>
    %dma_start3A_62 = tpu.memref_squeeze %dma_start3A_61 : memref<1x4x16xi32, #tpu.memory_space<vmem>> -> memref<4x16xi32, #tpu.memory_space<vmem>>
    %dma_start3A_63 = arith.constant 0 : i32
    %dma_start3A_64 = arith.constant 0 : i32
    %dma_start3A_65 = tpu.memref_slice %arg4[%add3A_57, %dma_start3A_63, %dma_start3A_64] : memref<3136x4x16xi32, #tpu.memory_space<hbm>> -> memref<1x4x16xi32, #tpu.memory_space<hbm>>
    %dma_start3A_66 = tpu.memref_squeeze %dma_start3A_65 : memref<1x4x16xi32, #tpu.memory_space<hbm>> -> memref<4x16xi32, #tpu.memory_space<hbm>>
    %dma_start3A_67 = arith.constant 0 : i32
    %dma_start3A_68 = arith.constant 0 : i32
    %dma_start3A_69 = tpu.memref_slice %arg9[%dma_start3A_58, %dma_start3A_67, %dma_start3A_68] : memref<2x4x16xi32, #tpu.memory_space<vmem>> -> memref<1x4x16xi32, #tpu.memory_space<vmem>>
    %dma_start3A_70 = tpu.memref_squeeze %dma_start3A_69 : memref<1x4x16xi32, #tpu.memory_space<vmem>> -> memref<4x16xi32, #tpu.memory_space<vmem>>
    %dma_start3A_71 = arith.constant 0 : i32
    %dma_start3A_72 = arith.constant 0 : i32
    %dma_start3A_73 = tpu.memref_slice %arg4[%add3A_57, %dma_start3A_71, %dma_start3A_72] : memref<3136x4x16xi32, #tpu.memory_space<hbm>> -> memref<1x4x16xi32, #tpu.memory_space<hbm>>
    %dma_start3A_74 = tpu.memref_squeeze %dma_start3A_73 : memref<1x4x16xi32, #tpu.memory_space<hbm>> -> memref<4x16xi32, #tpu.memory_space<hbm>>
    tpu.enqueue_dma source(%dma_start3A_74 : memref<4x16xi32, #tpu.memory_space<hbm>>) target(%dma_start3A_70 : memref<4x16xi32, #tpu.memory_space<vmem>>) target_semaphore(%arg14 : memref<!tpu.dma_semaphore, #tpu.memory_space<semaphore_mem>>)
    %mul3A_75 = arith.constant 98 : i32
    %mul3A_76 = arith.muli %add3A, %mul3A_75 : i32
    %add3A_77 = arith.constant 0 : i32
    %add3A_78 = arith.addi %mul3A_76, %add3A_77 : i32
    %mul3A_79 = arith.constant 16 : i32
    %mul3A_80 = arith.muli %add3A_78, %mul3A_79 : i32
    %dma_wait3A = arith.constant 0 : i32
    %dma_wait3A_81 = arith.constant 0 : i32
    %dma_wait3A_82 = tpu.memref_slice %arg6[%dma_wait3A, %dma_wait3A_81] : memref<2x16xi32, #tpu.memory_space<vmem>> -> memref<1x16xi32, #tpu.memory_space<vmem>>
    %dma_wait3A_83 = tpu.memref_squeeze %dma_wait3A_82 : memref<1x16xi32, #tpu.memory_space<vmem>> -> memref<16xi32, #tpu.memory_space<vmem>>
    %dma_wait3A_84 = tpu.memref_slice %arg3[%mul3A_80] : memref<50176xi32, #tpu.memory_space<hbm>> -> memref<16xi32, #tpu.memory_space<hbm>>
    %dma_wait3A_85 = arith.constant 0 : i32
    %dma_wait3A_86 = tpu.memref_slice %arg6[%dma_wait3A, %dma_wait3A_85] : memref<2x16xi32, #tpu.memory_space<vmem>> -> memref<1x16xi32, #tpu.memory_space<vmem>>
    %dma_wait3A_87 = tpu.memref_squeeze %dma_wait3A_86 : memref<1x16xi32, #tpu.memory_space<vmem>> -> memref<16xi32, #tpu.memory_space<vmem>>
    %dma_wait3A_88 = tpu.memref_slice %arg3[%mul3A_80] : memref<50176xi32, #tpu.memory_space<hbm>> -> memref<16xi32, #tpu.memory_space<hbm>>
    tpu.wait_dma2 semaphore(%arg11 : memref<!tpu.dma_semaphore, #tpu.memory_space<semaphore_mem>>) src(%dma_wait3A_88 : memref<16xi32, #tpu.memory_space<hbm>>) dst(%dma_wait3A_87 : memref<16xi32, #tpu.memory_space<vmem>>)
    %get3A = arith.constant 0 : i32
    %get3A_89 = arith.index_cast %get3A : i32 to index
    %get3A_90 = arith.constant 0 : index
    %get3A_91 = tpu.vector_load %arg6[%get3A_89, %get3A_90] {strides = array<i32>} : memref<2x16xi32, #tpu.memory_space<vmem>>, vector<16xi32>,
    %mul3A_92 = arith.constant 4 : i32
    %mul3A_93 = vector.broadcast %mul3A_92 : i32 to vector<16xi32>
    %mul3A_94 = arith.muli %iota3A, %mul3A_93 : vector<16xi32>
    %add3A_95 = arith.constant 0 : i32
    %add3A_96 = vector.broadcast %add3A_95 : i32 to vector<16xi32>
    %add3A_97 = arith.addi %mul3A_94, %add3A_96 : vector<16xi32>
    %add3A_98 = arith.constant 0 : i32
    %add3A_99 = vector.broadcast %add3A_98 : i32 to vector<16xi32>
    %add3A_100 = arith.addi %get3A_91, %add3A_99 : vector<16xi32>
    %scatter3A = arith.constant 0 : i32
    %scatter3A_101 = arith.constant 0 : i32
    %scatter3A_102 = tpu.memref_slice %arg7[%scatter3A, %scatter3A_101] : memref<2x64xi32, #tpu.memory_space<vmem>> -> memref<1x64xi32, #tpu.memory_space<vmem>>
    %scatter3A_103 = tpu.memref_squeeze %scatter3A_102 : memref<1x64xi32, #tpu.memory_space<vmem>> -> memref<64xi32, #tpu.memory_space<vmem>>
    tpu.vector_store_idx %scatter3A_103[%add3A_97], %add3A_100 : memref<64xi32, #tpu.memory_space<vmem>>[vector<16xi32>], vector<16xi32>,
    %mul3A_104 = arith.constant 4 : i32
    %mul3A_105 = vector.broadcast %mul3A_104 : i32 to vector<16xi32>
    %mul3A_106 = arith.muli %iota3A, %mul3A_105 : vector<16xi32>
    %add3A_107 = arith.constant 1 : i32
    %add3A_108 = vector.broadcast %add3A_107 : i32 to vector<16xi32>
    %add3A_109 = arith.addi %mul3A_106, %add3A_108 : vector<16xi32>
    %add3A_110 = arith.constant 1 : i32
    %add3A_111 = vector.broadcast %add3A_110 : i32 to vector<16xi32>
    %add3A_112 = arith.addi %get3A_91, %add3A_111 : vector<16xi32>
    %scatter3A_113 = arith.constant 0 : i32
    %scatter3A_114 = arith.constant 0 : i32
    %scatter3A_115 = tpu.memref_slice %arg7[%scatter3A_113, %scatter3A_114] : memref<2x64xi32, #tpu.memory_space<vmem>> -> memref<1x64xi32, #tpu.memory_space<vmem>>
    %scatter3A_116 = tpu.memref_squeeze %scatter3A_115 : memref<1x64xi32, #tpu.memory_space<vmem>> -> memref<64xi32, #tpu.memory_space<vmem>>
    tpu.vector_store_idx %scatter3A_116[%add3A_109], %add3A_112 : memref<64xi32, #tpu.memory_space<vmem>>[vector<16xi32>], vector<16xi32>,
    %mul3A_117 = arith.constant 4 : i32
    %mul3A_118 = vector.broadcast %mul3A_117 : i32 to vector<16xi32>
    %mul3A_119 = arith.muli %iota3A, %mul3A_118 : vector<16xi32>
    %add3A_120 = arith.constant 2 : i32
    %add3A_121 = vector.broadcast %add3A_120 : i32 to vector<16xi32>
    %add3A_122 = arith.addi %mul3A_119, %add3A_121 : vector<16xi32>
    %add3A_123 = arith.constant 200 : i32
    %add3A_124 = vector.broadcast %add3A_123 : i32 to vector<16xi32>
    %add3A_125 = arith.addi %get3A_91, %add3A_124 : vector<16xi32>
    %scatter3A_126 = arith.constant 0 : i32
    %scatter3A_127 = arith.constant 0 : i32
    %scatter3A_128 = tpu.memref_slice %arg7[%scatter3A_126, %scatter3A_127] : memref<2x64xi32, #tpu.memory_space<vmem>> -> memref<1x64xi32, #tpu.memory_space<vmem>>
    %scatter3A_129 = tpu.memref_squeeze %scatter3A_128 : memref<1x64xi32, #tpu.memory_space<vmem>> -> memref<64xi32, #tpu.memory_space<vmem>>
    tpu.vector_store_idx %scatter3A_129[%add3A_122], %add3A_125 : memref<64xi32, #tpu.memory_space<vmem>>[vector<16xi32>], vector<16xi32>,
    %mul3A_130 = arith.constant 4 : i32
    %mul3A_131 = vector.broadcast %mul3A_130 : i32 to vector<16xi32>
    %mul3A_132 = arith.muli %iota3A, %mul3A_131 : vector<16xi32>
    %add3A_133 = arith.constant 3 : i32
    %add3A_134 = vector.broadcast %add3A_133 : i32 to vector<16xi32>
    %add3A_135 = arith.addi %mul3A_132, %add3A_134 : vector<16xi32>
    %add3A_136 = arith.constant 201 : i32
    %add3A_137 = vector.broadcast %add3A_136 : i32 to vector<16xi32>
    %add3A_138 = arith.addi %get3A_91, %add3A_137 : vector<16xi32>
    %scatter3A_139 = arith.constant 0 : i32
    %scatter3A_140 = arith.constant 0 : i32
    %scatter3A_141 = tpu.memref_slice %arg7[%scatter3A_139, %scatter3A_140] : memref<2x64xi32, #tpu.memory_space<vmem>> -> memref<1x64xi32, #tpu.memory_space<vmem>>
    %scatter3A_142 = tpu.memref_squeeze %scatter3A_141 : memref<1x64xi32, #tpu.memory_space<vmem>> -> memref<64xi32, #tpu.memory_space<vmem>>
    tpu.vector_store_idx %scatter3A_142[%add3A_135], %add3A_138 : memref<64xi32, #tpu.memory_space<vmem>>[vector<16xi32>], vector<16xi32>,
    %dma_start3A_143 = arith.constant 0 : i32
    %dma_start3A_144 = arith.constant 0 : i32
    %dma_start3A_145 = arith.constant 0 : i32
    %dma_start3A_146 = arith.constant 0 : i32
    %dma_start3A_147 = tpu.memref_slice %arg8[%dma_start3A_144, %dma_start3A_145, %dma_start3A_146] : memref<2x64x128xi32, #tpu.memory_space<vmem>> -> memref<1x64x128xi32, #tpu.memory_space<vmem>>
    %dma_start3A_148 = tpu.memref_squeeze %dma_start3A_147 : memref<1x64x128xi32, #tpu.memory_space<vmem>> -> memref<64x128xi32, #tpu.memory_space<vmem>>
    %dma_start3A_149 = arith.constant 0 : i32
    %dma_start3A_150 = tpu.memref_slice %arg7[%dma_start3A_143, %dma_start3A_149] : memref<2x64xi32, #tpu.memory_space<vmem>> -> memref<1x64xi32, #tpu.memory_space<vmem>>
    %dma_start3A_151 = tpu.memref_squeeze %dma_start3A_150 : memref<1x64xi32, #tpu.memory_space<vmem>> -> memref<64xi32, #tpu.memory_space<vmem>>
    %dma_start3A_152 = arith.constant 0 : i32
    %dma_start3A_153 = arith.constant 0 : i32
    %dma_start3A_154 = tpu.memref_slice %arg2[%dma_start3A_152, %dma_start3A_153] : memref<80000x128xi32, #tpu.memory_space<hbm>> -> memref<80000x128xi32, #tpu.memory_space<hbm>>
    tpu.enqueue_indirect_dma source(%dma_start3A_154 : memref<80000x128xi32, #tpu.memory_space<hbm>>) target(%dma_start3A_148 : memref<64x128xi32, #tpu.memory_space<vmem>>) offsets(%dma_start3A_151 : memref<64xi32, #tpu.memory_space<vmem>>) semaphore(%arg15 : memref<!tpu.dma_semaphore, #tpu.memory_space<semaphore_mem>>)
    %scan3A = arith.constant 0 : i32
    %scan3A_155 = arith.constant 49 : i32
    %scan3A_156 = arith.addi %scan3A, %scan3A_155 : i32
    %scan3A_157 = arith.constant 1 : i32
    scf.for %scan3A_197 = %scan3A to %scan3A_156 step %scan3A_157  : i32 {
      %mul3A_198 = arith.constant 2 : i32
      %mul3A_199 = arith.muli %scan3A_197, %mul3A_198 : i32
      %add3A_200 = arith.constant 0 : i32
      %add3A_201 = arith.addi %add3A_200, %mul3A_199 : i32
      %add3A_202 = arith.constant 0 : i32
      %add3A_203 = arith.addi %add3A_201, %add3A_202 : i32
      %dma_wait3A_204 = arith.constant 0 : i32
      %dma_wait3A_205 = arith.constant 0 : i32
      %dma_wait3A_206 = arith.constant 0 : i32
      %dma_wait3A_207 = arith.constant 0 : i32
      %dma_wait3A_208 = tpu.memref_slice %arg8[%dma_wait3A_205, %dma_wait3A_206, %dma_wait3A_207] : memref<2x64x128xi32, #tpu.memory_space<vmem>> -> memref<1x64x128xi32, #tpu.memory_space<vmem>>
      %dma_wait3A_209 = tpu.memref_squeeze %dma_wait3A_208 : memref<1x64x128xi32, #tpu.memory_space<vmem>> -> memref<64x128xi32, #tpu.memory_space<vmem>>
      %dma_wait3A_210 = arith.constant 0 : i32
      %dma_wait3A_211 = tpu.memref_slice %arg7[%dma_wait3A_204, %dma_wait3A_210] : memref<2x64xi32, #tpu.memory_space<vmem>> -> memref<1x64xi32, #tpu.memory_space<vmem>>
      %dma_wait3A_212 = tpu.memref_squeeze %dma_wait3A_211 : memref<1x64xi32, #tpu.memory_space<vmem>> -> memref<64xi32, #tpu.memory_space<vmem>>
      %dma_wait3A_213 = arith.constant 0 : i32
      %dma_wait3A_214 = arith.constant 0 : i32
      %dma_wait3A_215 = tpu.memref_slice %arg2[%dma_wait3A_213, %dma_wait3A_214] : memref<80000x128xi32, #tpu.memory_space<hbm>> -> memref<80000x128xi32, #tpu.memory_space<hbm>>
      tpu.wait_indirect_dma semaphore(%arg15 : memref<!tpu.dma_semaphore, #tpu.memory_space<semaphore_mem>>) src(%dma_wait3A_215 : memref<80000x128xi32, #tpu.memory_space<hbm>>) dst(%dma_wait3A_209 : memref<64x128xi32, #tpu.memory_space<vmem>>)
      %add3A_216 = arith.constant 2 : i32
      %add3A_217 = arith.addi %add3A_203, %add3A_216 : i32
      %lt3A = arith.constant 98 : i32
      %lt3A_218 = arith.cmpi slt, %add3A_217, %lt3A : i32
      %convert_element_type3A = arith.extui %lt3A_218 : i1 to i32
      %cond3A = arith.constant 0 : i32
      %cond3A_219 = arith.cmpi ne, %convert_element_type3A, %cond3A : i32
      scf.if %cond3A_219 {
        %add3A_437 = arith.constant 2 : i32
        %add3A_438 = arith.addi %add3A_203, %add3A_437 : i32
        %mul3A_439 = arith.constant 98 : i32
        %mul3A_440 = arith.muli %add3A, %mul3A_439 : i32
        %add3A_441 = arith.addi %mul3A_440, %add3A_438 : i32
        %mul3A_442 = arith.constant 16 : i32
        %mul3A_443 = arith.muli %add3A_441, %mul3A_442 : i32
        %dma_start3A_444 = arith.constant 0 : i32
        %dma_start3A_445 = arith.constant 0 : i32
        %dma_start3A_446 = tpu.memref_slice %arg6[%dma_start3A_444, %dma_start3A_445] : memref<2x16xi32, #tpu.memory_space<vmem>> -> memref<1x16xi32, #tpu.memory_space<vmem>>
        %dma_start3A_447 = tpu.memref_squeeze %dma_start3A_446 : memref<1x16xi32, #tpu.memory_space<vmem>> -> memref<16xi32, #tpu.memory_space<vmem>>
        %dma_start3A_448 = tpu.memref_slice %arg3[%mul3A_443] : memref<50176xi32, #tpu.memory_space<hbm>> -> memref<16xi32, #tpu.memory_space<hbm>>
        %dma_start3A_449 = arith.constant 0 : i32
        %dma_start3A_450 = tpu.memref_slice %arg6[%dma_start3A_444, %dma_start3A_449] : memref<2x16xi32, #tpu.memory_space<vmem>> -> memref<1x16xi32, #tpu.memory_space<vmem>>
        %dma_start3A_451 = tpu.memref_squeeze %dma_start3A_450 : memref<1x16xi32, #tpu.memory_space<vmem>> -> memref<16xi32, #tpu.memory_space<vmem>>
        %dma_start3A_452 = tpu.memref_slice %arg3[%mul3A_443] : memref<50176xi32, #tpu.memory_space<hbm>> -> memref<16xi32, #tpu.memory_space<hbm>>
        tpu.enqueue_dma source(%dma_start3A_452 : memref<16xi32, #tpu.memory_space<hbm>>) target(%dma_start3A_451 : memref<16xi32, #tpu.memory_space<vmem>>) target_semaphore(%arg11 : memref<!tpu.dma_semaphore, #tpu.memory_space<semaphore_mem>>)
      } else {
      }
      %mul3A_220 = arith.constant 98 : i32
      %mul3A_221 = arith.muli %add3A, %mul3A_220 : i32
      %add3A_222 = arith.constant 0 : i32
      %add3A_223 = arith.addi %mul3A_221, %add3A_222 : i32
      %mul3A_224 = arith.constant 16 : i32
      %mul3A_225 = arith.muli %add3A_223, %mul3A_224 : i32
      %dma_wait3A_226 = arith.constant 1 : i32
      %dma_wait3A_227 = arith.constant 0 : i32
      %dma_wait3A_228 = tpu.memref_slice %arg6[%dma_wait3A_226, %dma_wait3A_227] : memref<2x16xi32, #tpu.memory_space<vmem>> -> memref<1x16xi32, #tpu.memory_space<vmem>>
      %dma_wait3A_229 = tpu.memref_squeeze %dma_wait3A_228 : memref<1x16xi32, #tpu.memory_space<vmem>> -> memref<16xi32, #tpu.memory_space<vmem>>
      %dma_wait3A_230 = tpu.memref_slice %arg3[%mul3A_225] : memref<50176xi32, #tpu.memory_space<hbm>> -> memref<16xi32, #tpu.memory_space<hbm>>
      %dma_wait3A_231 = arith.constant 0 : i32
      %dma_wait3A_232 = tpu.memref_slice %arg6[%dma_wait3A_226, %dma_wait3A_231] : memref<2x16xi32, #tpu.memory_space<vmem>> -> memref<1x16xi32, #tpu.memory_space<vmem>>
      %dma_wait3A_233 = tpu.memref_squeeze %dma_wait3A_232 : memref<1x16xi32, #tpu.memory_space<vmem>> -> memref<16xi32, #tpu.memory_space<vmem>>
      %dma_wait3A_234 = tpu.memref_slice %arg3[%mul3A_225] : memref<50176xi32, #tpu.memory_space<hbm>> -> memref<16xi32, #tpu.memory_space<hbm>>
      tpu.wait_dma2 semaphore(%arg12 : memref<!tpu.dma_semaphore, #tpu.memory_space<semaphore_mem>>) src(%dma_wait3A_234 : memref<16xi32, #tpu.memory_space<hbm>>) dst(%dma_wait3A_233 : memref<16xi32, #tpu.memory_space<vmem>>)
      %get3A_235 = arith.constant 1 : i32
      %get3A_236 = arith.index_cast %get3A_235 : i32 to index
      %get3A_237 = arith.constant 0 : index
      %get3A_238 = tpu.vector_load %arg6[%get3A_236, %get3A_237] {strides = array<i32>} : memref<2x16xi32, #tpu.memory_space<vmem>>, vector<16xi32>,
      %mul3A_239 = arith.constant 4 : i32
      %mul3A_240 = vector.broadcast %mul3A_239 : i32 to vector<16xi32>
      %mul3A_241 = arith.muli %iota3A, %mul3A_240 : vector<16xi32>
      %add3A_242 = arith.constant 0 : i32
      %add3A_243 = vector.broadcast %add3A_242 : i32 to vector<16xi32>
      %add3A_244 = arith.addi %mul3A_241, %add3A_243 : vector<16xi32>
      %add3A_245 = arith.constant 0 : i32
      %add3A_246 = vector.broadcast %add3A_245 : i32 to vector<16xi32>
      %add3A_247 = arith.addi %get3A_238, %add3A_246 : vector<16xi32>
      %scatter3A_248 = arith.constant 1 : i32
      %scatter3A_249 = arith.constant 0 : i32
      %scatter3A_250 = tpu.memref_slice %arg7[%scatter3A_248, %scatter3A_249] : memref<2x64xi32, #tpu.memory_space<vmem>> -> memref<1x64xi32, #tpu.memory_space<vmem>>
      %scatter3A_251 = tpu.memref_squeeze %scatter3A_250 : memref<1x64xi32, #tpu.memory_space<vmem>> -> memref<64xi32, #tpu.memory_space<vmem>>
      tpu.vector_store_idx %scatter3A_251[%add3A_244], %add3A_247 : memref<64xi32, #tpu.memory_space<vmem>>[vector<16xi32>], vector<16xi32>,
      %mul3A_252 = arith.constant 4 : i32
      %mul3A_253 = vector.broadcast %mul3A_252 : i32 to vector<16xi32>
      %mul3A_254 = arith.muli %iota3A, %mul3A_253 : vector<16xi32>
      %add3A_255 = arith.constant 1 : i32
      %add3A_256 = vector.broadcast %add3A_255 : i32 to vector<16xi32>
      %add3A_257 = arith.addi %mul3A_254, %add3A_256 : vector<16xi32>
      %add3A_258 = arith.constant 1 : i32
      %add3A_259 = vector.broadcast %add3A_258 : i32 to vector<16xi32>
      %add3A_260 = arith.addi %get3A_238, %add3A_259 : vector<16xi32>
      %scatter3A_261 = arith.constant 1 : i32
      %scatter3A_262 = arith.constant 0 : i32
      %scatter3A_263 = tpu.memref_slice %arg7[%scatter3A_261, %scatter3A_262] : memref<2x64xi32, #tpu.memory_space<vmem>> -> memref<1x64xi32, #tpu.memory_space<vmem>>
      %scatter3A_264 = tpu.memref_squeeze %scatter3A_263 : memref<1x64xi32, #tpu.memory_space<vmem>> -> memref<64xi32, #tpu.memory_space<vmem>>
      tpu.vector_store_idx %scatter3A_264[%add3A_257], %add3A_260 : memref<64xi32, #tpu.memory_space<vmem>>[vector<16xi32>], vector<16xi32>,
      %mul3A_265 = arith.constant 4 : i32
      %mul3A_266 = vector.broadcast %mul3A_265 : i32 to vector<16xi32>
      %mul3A_267 = arith.muli %iota3A, %mul3A_266 : vector<16xi32>
      %add3A_268 = arith.constant 2 : i32
      %add3A_269 = vector.broadcast %add3A_268 : i32 to vector<16xi32>
      %add3A_270 = arith.addi %mul3A_267, %add3A_269 : vector<16xi32>
      %add3A_271 = arith.constant 200 : i32
      %add3A_272 = vector.broadcast %add3A_271 : i32 to vector<16xi32>
      %add3A_273 = arith.addi %get3A_238, %add3A_272 : vector<16xi32>
      %scatter3A_274 = arith.constant 1 : i32
      %scatter3A_275 = arith.constant 0 : i32
      %scatter3A_276 = tpu.memref_slice %arg7[%scatter3A_274, %scatter3A_275] : memref<2x64xi32, #tpu.memory_space<vmem>> -> memref<1x64xi32, #tpu.memory_space<vmem>>
      %scatter3A_277 = tpu.memref_squeeze %scatter3A_276 : memref<1x64xi32, #tpu.memory_space<vmem>> -> memref<64xi32, #tpu.memory_space<vmem>>
      tpu.vector_store_idx %scatter3A_277[%add3A_270], %add3A_273 : memref<64xi32, #tpu.memory_space<vmem>>[vector<16xi32>], vector<16xi32>,
      %mul3A_278 = arith.constant 4 : i32
      %mul3A_279 = vector.broadcast %mul3A_278 : i32 to vector<16xi32>
      %mul3A_280 = arith.muli %iota3A, %mul3A_279 : vector<16xi32>
      %add3A_281 = arith.constant 3 : i32
      %add3A_282 = vector.broadcast %add3A_281 : i32 to vector<16xi32>
      %add3A_283 = arith.addi %mul3A_280, %add3A_282 : vector<16xi32>
      %add3A_284 = arith.constant 201 : i32
      %add3A_285 = vector.broadcast %add3A_284 : i32 to vector<16xi32>
      %add3A_286 = arith.addi %get3A_238, %add3A_285 : vector<16xi32>
      %scatter3A_287 = arith.constant 1 : i32
      %scatter3A_288 = arith.constant 0 : i32
      %scatter3A_289 = tpu.memref_slice %arg7[%scatter3A_287, %scatter3A_288] : memref<2x64xi32, #tpu.memory_space<vmem>> -> memref<1x64xi32, #tpu.memory_space<vmem>>
      %scatter3A_290 = tpu.memref_squeeze %scatter3A_289 : memref<1x64xi32, #tpu.memory_space<vmem>> -> memref<64xi32, #tpu.memory_space<vmem>>
      tpu.vector_store_idx %scatter3A_290[%add3A_283], %add3A_286 : memref<64xi32, #tpu.memory_space<vmem>>[vector<16xi32>], vector<16xi32>,
      %dma_start3A_291 = arith.constant 1 : i32
      %dma_start3A_292 = arith.constant 1 : i32
      %dma_start3A_293 = arith.constant 0 : i32
      %dma_start3A_294 = arith.constant 0 : i32
      %dma_start3A_295 = tpu.memref_slice %arg8[%dma_start3A_292, %dma_start3A_293, %dma_start3A_294] : memref<2x64x128xi32, #tpu.memory_space<vmem>> -> memref<1x64x128xi32, #tpu.memory_space<vmem>>
      %dma_start3A_296 = tpu.memref_squeeze %dma_start3A_295 : memref<1x64x128xi32, #tpu.memory_space<vmem>> -> memref<64x128xi32, #tpu.memory_space<vmem>>
      %dma_start3A_297 = arith.constant 0 : i32
      %dma_start3A_298 = tpu.memref_slice %arg7[%dma_start3A_291, %dma_start3A_297] : memref<2x64xi32, #tpu.memory_space<vmem>> -> memref<1x64xi32, #tpu.memory_space<vmem>>
      %dma_start3A_299 = tpu.memref_squeeze %dma_start3A_298 : memref<1x64xi32, #tpu.memory_space<vmem>> -> memref<64xi32, #tpu.memory_space<vmem>>
      %dma_start3A_300 = arith.constant 0 : i32
      %dma_start3A_301 = arith.constant 0 : i32
      %dma_start3A_302 = tpu.memref_slice %arg2[%dma_start3A_300, %dma_start3A_301] : memref<80000x128xi32, #tpu.memory_space<hbm>> -> memref<80000x128xi32, #tpu.memory_space<hbm>>
      tpu.enqueue_indirect_dma source(%dma_start3A_302 : memref<80000x128xi32, #tpu.memory_space<hbm>>) target(%dma_start3A_296 : memref<64x128xi32, #tpu.memory_space<vmem>>) offsets(%dma_start3A_299 : memref<64xi32, #tpu.memory_space<vmem>>) semaphore(%arg16 : memref<!tpu.dma_semaphore, #tpu.memory_space<semaphore_mem>>)
      %mul3A_303 = arith.constant 98 : i32
      %mul3A_304 = arith.muli %add3A, %mul3A_303 : i32
      %add3A_305 = arith.constant 0 : i32
      %add3A_306 = arith.addi %mul3A_304, %add3A_305 : i32
      %dma_wait3A_307 = arith.constant 0 : i32
      %dma_wait3A_308 = arith.constant 0 : i32
      %dma_wait3A_309 = arith.constant 0 : i32
      %dma_wait3A_310 = tpu.memref_slice %arg9[%dma_wait3A_307, %dma_wait3A_308, %dma_wait3A_309] : memref<2x4x16xi32, #tpu.memory_space<vmem>> -> memref<1x4x16xi32, #tpu.memory_space<vmem>>
      %dma_wait3A_311 = tpu.memref_squeeze %dma_wait3A_310 : memref<1x4x16xi32, #tpu.memory_space<vmem>> -> memref<4x16xi32, #tpu.memory_space<vmem>>
      %dma_wait3A_312 = arith.constant 0 : i32
      %dma_wait3A_313 = arith.constant 0 : i32
      %dma_wait3A_314 = tpu.memref_slice %arg4[%add3A_306, %dma_wait3A_312, %dma_wait3A_313] : memref<3136x4x16xi32, #tpu.memory_space<hbm>> -> memref<1x4x16xi32, #tpu.memory_space<hbm>>
      %dma_wait3A_315 = tpu.memref_squeeze %dma_wait3A_314 : memref<1x4x16xi32, #tpu.memory_space<hbm>> -> memref<4x16xi32, #tpu.memory_space<hbm>>
      %dma_wait3A_316 = arith.constant 0 : i32
      %dma_wait3A_317 = arith.constant 0 : i32
      %dma_wait3A_318 = tpu.memref_slice %arg9[%dma_wait3A_307, %dma_wait3A_316, %dma_wait3A_317] : memref<2x4x16xi32, #tpu.memory_space<vmem>> -> memref<1x4x16xi32, #tpu.memory_space<vmem>>
      %dma_wait3A_319 = tpu.memref_squeeze %dma_wait3A_318 : memref<1x4x16xi32, #tpu.memory_space<vmem>> -> memref<4x16xi32, #tpu.memory_space<vmem>>
      %dma_wait3A_320 = arith.constant 0 : i32
      %dma_wait3A_321 = arith.constant 0 : i32
      %dma_wait3A_322 = tpu.memref_slice %arg4[%add3A_306, %dma_wait3A_320, %dma_wait3A_321] : memref<3136x4x16xi32, #tpu.memory_space<hbm>> -> memref<1x4x16xi32, #tpu.memory_space<hbm>>
      %dma_wait3A_323 = tpu.memref_squeeze %dma_wait3A_322 : memref<1x4x16xi32, #tpu.memory_space<hbm>> -> memref<4x16xi32, #tpu.memory_space<hbm>>
      tpu.wait_dma2 semaphore(%arg13 : memref<!tpu.dma_semaphore, #tpu.memory_space<semaphore_mem>>) src(%dma_wait3A_323 : memref<4x16xi32, #tpu.memory_space<hbm>>) dst(%dma_wait3A_319 : memref<4x16xi32, #tpu.memory_space<vmem>>)
      %ge3A = arith.constant 2 : i32
      %ge3A_324 = arith.cmpi sge, %add3A_203, %ge3A : i32
      %convert_element_type3A_325 = arith.extui %ge3A_324 : i1 to i32
      %cond3A_326 = arith.constant 0 : i32
      %cond3A_327 = arith.cmpi ne, %convert_element_type3A_325, %cond3A_326 : i32
      scf.if %cond3A_327 {
        %mul3A_437 = arith.constant 98 : i32
        %mul3A_438 = arith.muli %add3A, %mul3A_437 : i32
        %add3A_439 = arith.constant 0 : i32
        %add3A_440 = arith.addi %mul3A_438, %add3A_439 : i32
        %mul3A_441 = arith.constant 16 : i32
        %mul3A_442 = arith.muli %add3A_440, %mul3A_441 : i32
        %dma_wait3A_443 = arith.constant 0 : i32
        %dma_wait3A_444 = arith.constant 0 : i32
        %dma_wait3A_445 = arith.constant 0 : i32
        %dma_wait3A_446 = tpu.memref_slice %arg10[%dma_wait3A_443, %dma_wait3A_444, %dma_wait3A_445] : memref<2x16x128xi32, #tpu.memory_space<vmem>> -> memref<1x16x128xi32, #tpu.memory_space<vmem>>
        %dma_wait3A_447 = tpu.memref_squeeze %dma_wait3A_446 : memref<1x16x128xi32, #tpu.memory_space<vmem>> -> memref<16x128xi32, #tpu.memory_space<vmem>>
        %dma_wait3A_448 = arith.constant 0 : i32
        %dma_wait3A_449 = tpu.memref_slice %arg5[%mul3A_442, %dma_wait3A_448] : memref<50176x128xi32, #tpu.memory_space<hbm>> -> memref<16x128xi32, #tpu.memory_space<hbm>>
        %dma_wait3A_450 = arith.constant 0 : i32
        %dma_wait3A_451 = tpu.memref_slice %arg5[%mul3A_442, %dma_wait3A_450] : memref<50176x128xi32, #tpu.memory_space<hbm>> -> memref<16x128xi32, #tpu.memory_space<hbm>>
        %dma_wait3A_452 = arith.constant 0 : i32
        %dma_wait3A_453 = arith.constant 0 : i32
        %dma_wait3A_454 = tpu.memref_slice %arg10[%dma_wait3A_443, %dma_wait3A_452, %dma_wait3A_453] : memref<2x16x128xi32, #tpu.memory_space<vmem>> -> memref<1x16x128xi32, #tpu.memory_space<vmem>>
        %dma_wait3A_455 = tpu.memref_squeeze %dma_wait3A_454 : memref<1x16x128xi32, #tpu.memory_space<vmem>> -> memref<16x128xi32, #tpu.memory_space<vmem>>
        tpu.wait_dma2 semaphore(%arg17 : memref<!tpu.dma_semaphore, #tpu.memory_space<semaphore_mem>>) src(%dma_wait3A_455 : memref<16x128xi32, #tpu.memory_space<vmem>>) dst(%dma_wait3A_451 : memref<16x128xi32, #tpu.memory_space<hbm>>)
      } else {
      }
      %parallel_loop3A = arith.constant 0 : i32
      %parallel_loop3A_328 = arith.constant 16 : i32
      %parallel_loop3A_329 = arith.constant 1 : i32
      scf.for %parallel_loop3A_437 = %parallel_loop3A to %parallel_loop3A_328 step %parallel_loop3A_329  : i32 {
        %parallel_loop3A_438 = arith.constant 4 : i32
        %parallel_loop3A_439 = arith.muli %parallel_loop3A_437, %parallel_loop3A_438 : i32
        %parallel_loop3A_440 = arith.constant 0 : i32
        %parallel_loop3A_441 = vector.broadcast %parallel_loop3A_440 : i32 to vector<16xi32>
        %parallel_loop3A_442 = arith.addi %mul3A_3, %parallel_loop3A_441 : vector<16xi32>
        %parallel_loop3A_443 = vector.broadcast %parallel_loop3A_437 : i32 to vector<16xi32>
        %parallel_loop3A_444 = arith.addi %mul3A_3, %parallel_loop3A_443 : vector<16xi32>
        %parallel_loop3A_445 = arith.constant 0 : i32
        %parallel_loop3A_446 = arith.constant 0 : i32
        %parallel_loop3A_447 = arith.constant 0 : i32
        %parallel_loop3A_448 = tpu.memref_slice %arg9[%parallel_loop3A_445, %parallel_loop3A_446, %parallel_loop3A_447] : memref<2x4x16xi32, #tpu.memory_space<vmem>> -> memref<1x4x16xi32, #tpu.memory_space<vmem>>
        %parallel_loop3A_449 = tpu.memref_squeeze %parallel_loop3A_448 : memref<1x4x16xi32, #tpu.memory_space<vmem>> -> memref<4x16xi32, #tpu.memory_space<vmem>>
        %parallel_loop3A_450 = tpu.vector_load_idx %parallel_loop3A_449[%parallel_loop3A_442, %parallel_loop3A_444] : memref<4x16xi32, #tpu.memory_space<vmem>>[vector<16xi32>, vector<16xi32>], vector<16xi32>,
        %parallel_loop3A_451 = vector.bitcast %parallel_loop3A_450 : vector<16xi32> to vector<32xbf16>
        %parallel_loop3A_452 = arith.constant 1 : i32
        %parallel_loop3A_453 = vector.broadcast %parallel_loop3A_452 : i32 to vector<16xi32>
        %parallel_loop3A_454 = arith.addi %mul3A_3, %parallel_loop3A_453 : vector<16xi32>
        %parallel_loop3A_455 = vector.broadcast %parallel_loop3A_437 : i32 to vector<16xi32>
        %parallel_loop3A_456 = arith.addi %mul3A_3, %parallel_loop3A_455 : vector<16xi32>
        %parallel_loop3A_457 = arith.constant 0 : i32
        %parallel_loop3A_458 = arith.constant 0 : i32
        %parallel_loop3A_459 = arith.constant 0 : i32
        %parallel_loop3A_460 = tpu.memref_slice %arg9[%parallel_loop3A_457, %parallel_loop3A_458, %parallel_loop3A_459] : memref<2x4x16xi32, #tpu.memory_space<vmem>> -> memref<1x4x16xi32, #tpu.memory_space<vmem>>
        %parallel_loop3A_461 = tpu.memref_squeeze %parallel_loop3A_460 : memref<1x4x16xi32, #tpu.memory_space<vmem>> -> memref<4x16xi32, #tpu.memory_space<vmem>>
        %parallel_loop3A_462 = tpu.vector_load_idx %parallel_loop3A_461[%parallel_loop3A_454, %parallel_loop3A_456] : memref<4x16xi32, #tpu.memory_space<vmem>>[vector<16xi32>, vector<16xi32>], vector<16xi32>,
        %parallel_loop3A_463 = vector.bitcast %parallel_loop3A_462 : vector<16xi32> to vector<32xbf16>
        %parallel_loop3A_464 = arith.constant 2 : i32
        %parallel_loop3A_465 = vector.broadcast %parallel_loop3A_464 : i32 to vector<16xi32>
        %parallel_loop3A_466 = arith.addi %mul3A_3, %parallel_loop3A_465 : vector<16xi32>
        %parallel_loop3A_467 = vector.broadcast %parallel_loop3A_437 : i32 to vector<16xi32>
        %parallel_loop3A_468 = arith.addi %mul3A_3, %parallel_loop3A_467 : vector<16xi32>
        %parallel_loop3A_469 = arith.constant 0 : i32
        %parallel_loop3A_470 = arith.constant 0 : i32
        %parallel_loop3A_471 = arith.constant 0 : i32
        %parallel_loop3A_472 = tpu.memref_slice %arg9[%parallel_loop3A_469, %parallel_loop3A_470, %parallel_loop3A_471] : memref<2x4x16xi32, #tpu.memory_space<vmem>> -> memref<1x4x16xi32, #tpu.memory_space<vmem>>
        %parallel_loop3A_473 = tpu.memref_squeeze %parallel_loop3A_472 : memref<1x4x16xi32, #tpu.memory_space<vmem>> -> memref<4x16xi32, #tpu.memory_space<vmem>>
        %parallel_loop3A_474 = tpu.vector_load_idx %parallel_loop3A_473[%parallel_loop3A_466, %parallel_loop3A_468] : memref<4x16xi32, #tpu.memory_space<vmem>>[vector<16xi32>, vector<16xi32>], vector<16xi32>,
        %parallel_loop3A_475 = vector.bitcast %parallel_loop3A_474 : vector<16xi32> to vector<32xbf16>
        %parallel_loop3A_476 = arith.constant 3 : i32
        %parallel_loop3A_477 = vector.broadcast %parallel_loop3A_476 : i32 to vector<16xi32>
        %parallel_loop3A_478 = arith.addi %mul3A_3, %parallel_loop3A_477 : vector<16xi32>
        %parallel_loop3A_479 = vector.broadcast %parallel_loop3A_437 : i32 to vector<16xi32>
        %parallel_loop3A_480 = arith.addi %mul3A_3, %parallel_loop3A_479 : vector<16xi32>
        %parallel_loop3A_481 = arith.constant 0 : i32
        %parallel_loop3A_482 = arith.constant 0 : i32
        %parallel_loop3A_483 = arith.constant 0 : i32
        %parallel_loop3A_484 = tpu.memref_slice %arg9[%parallel_loop3A_481, %parallel_loop3A_482, %parallel_loop3A_483] : memref<2x4x16xi32, #tpu.memory_space<vmem>> -> memref<1x4x16xi32, #tpu.memory_space<vmem>>
        %parallel_loop3A_485 = tpu.memref_squeeze %parallel_loop3A_484 : memref<1x4x16xi32, #tpu.memory_space<vmem>> -> memref<4x16xi32, #tpu.memory_space<vmem>>
        %parallel_loop3A_486 = tpu.vector_load_idx %parallel_loop3A_485[%parallel_loop3A_478, %parallel_loop3A_480] : memref<4x16xi32, #tpu.memory_space<vmem>>[vector<16xi32>, vector<16xi32>], vector<16xi32>,
        %parallel_loop3A_487 = vector.bitcast %parallel_loop3A_486 : vector<16xi32> to vector<32xbf16>
        %parallel_loop3A_488 = arith.constant 0 : i32
        %parallel_loop3A_489 = arith.index_cast %parallel_loop3A_488 : i32 to index
        %parallel_loop3A_490 = arith.index_cast %parallel_loop3A_439 : i32 to index
        %parallel_loop3A_491 = arith.constant 0 : index
        %parallel_loop3A_492 = tpu.vector_load %arg8[%parallel_loop3A_489, %parallel_loop3A_490, %parallel_loop3A_491] {strides = array<i32>} : memref<2x64x128xi32, #tpu.memory_space<vmem>>, vector<16xi32>,
        %parallel_loop3A_493 = vector.bitcast %parallel_loop3A_492 : vector<16xi32> to vector<32xbf16>
        %parallel_loop3A_494 = arith.mulf %parallel_loop3A_493, %parallel_loop3A_451 : vector<32xbf16>
        %parallel_loop3A_495 = arith.constant 1 : i32
        %parallel_loop3A_496 = arith.addi %parallel_loop3A_439, %parallel_loop3A_495 : i32
        %parallel_loop3A_497 = arith.constant 0 : i32
        %parallel_loop3A_498 = arith.index_cast %parallel_loop3A_497 : i32 to index
        %parallel_loop3A_499 = arith.index_cast %parallel_loop3A_496 : i32 to index
        %parallel_loop3A_500 = arith.constant 0 : index
        %parallel_loop3A_501 = tpu.vector_load %arg8[%parallel_loop3A_498, %parallel_loop3A_499, %parallel_loop3A_500] {strides = array<i32>} : memref<2x64x128xi32, #tpu.memory_space<vmem>>, vector<16xi32>,
        %parallel_loop3A_502 = vector.bitcast %parallel_loop3A_501 : vector<16xi32> to vector<32xbf16>
        %parallel_loop3A_503 = arith.mulf %parallel_loop3A_502, %parallel_loop3A_463 : vector<32xbf16>
        %parallel_loop3A_504 = arith.addf %parallel_loop3A_494, %parallel_loop3A_503 : vector<32xbf16>
        %parallel_loop3A_505 = arith.constant 2 : i32
        %parallel_loop3A_506 = arith.addi %parallel_loop3A_439, %parallel_loop3A_505 : i32
        %parallel_loop3A_507 = arith.constant 0 : i32
        %parallel_loop3A_508 = arith.index_cast %parallel_loop3A_507 : i32 to index
        %parallel_loop3A_509 = arith.index_cast %parallel_loop3A_506 : i32 to index
        %parallel_loop3A_510 = arith.constant 0 : index
        %parallel_loop3A_511 = tpu.vector_load %arg8[%parallel_loop3A_508, %parallel_loop3A_509, %parallel_loop3A_510] {strides = array<i32>} : memref<2x64x128xi32, #tpu.memory_space<vmem>>, vector<16xi32>,
        %parallel_loop3A_512 = vector.bitcast %parallel_loop3A_511 : vector<16xi32> to vector<32xbf16>
        %parallel_loop3A_513 = arith.mulf %parallel_loop3A_512, %parallel_loop3A_475 : vector<32xbf16>
        %parallel_loop3A_514 = arith.constant 3 : i32
        %parallel_loop3A_515 = arith.addi %parallel_loop3A_439, %parallel_loop3A_514 : i32
        %parallel_loop3A_516 = arith.constant 0 : i32
        %parallel_loop3A_517 = arith.index_cast %parallel_loop3A_516 : i32 to index
        %parallel_loop3A_518 = arith.index_cast %parallel_loop3A_515 : i32 to index
        %parallel_loop3A_519 = arith.constant 0 : index
        %parallel_loop3A_520 = tpu.vector_load %arg8[%parallel_loop3A_517, %parallel_loop3A_518, %parallel_loop3A_519] {strides = array<i32>} : memref<2x64x128xi32, #tpu.memory_space<vmem>>, vector<16xi32>,
        %parallel_loop3A_521 = vector.bitcast %parallel_loop3A_520 : vector<16xi32> to vector<32xbf16>
        %parallel_loop3A_522 = arith.mulf %parallel_loop3A_521, %parallel_loop3A_487 : vector<32xbf16>
        %parallel_loop3A_523 = arith.addf %parallel_loop3A_513, %parallel_loop3A_522 : vector<32xbf16>
        %parallel_loop3A_524 = arith.addf %parallel_loop3A_504, %parallel_loop3A_523 : vector<32xbf16>
        %parallel_loop3A_525 = vector.bitcast %parallel_loop3A_524 : vector<32xbf16> to vector<16xi32>
        %parallel_loop3A_526 = arith.constant 0 : i32
        %parallel_loop3A_527 = arith.index_cast %parallel_loop3A_526 : i32 to index
        %parallel_loop3A_528 = arith.index_cast %parallel_loop3A_437 : i32 to index
        %parallel_loop3A_529 = arith.constant 0 : index
        %parallel_loop3A_530 = tpu.vector_load %arg10[%parallel_loop3A_527, %parallel_loop3A_528, %parallel_loop3A_529] {strides = array<i32>} : memref<2x16x128xi32, #tpu.memory_space<vmem>>, vector<16xi32>,
        tpu.vector_store %arg10[%parallel_loop3A_527, %parallel_loop3A_528, %parallel_loop3A_529], %parallel_loop3A_525 {strides = array<i32>} : memref<2x16x128xi32, #tpu.memory_space<vmem>>, vector<16xi32>,
        %parallel_loop3A_531 = arith.constant 0 : i32
        %parallel_loop3A_532 = arith.index_cast %parallel_loop3A_531 : i32 to index
        %parallel_loop3A_533 = arith.index_cast %parallel_loop3A_439 : i32 to index
        %parallel_loop3A_534 = arith.constant 16 : index
        %parallel_loop3A_535 = tpu.vector_load %arg8[%parallel_loop3A_532, %parallel_loop3A_533, %parallel_loop3A_534] {strides = array<i32>} : memref<2x64x128xi32, #tpu.memory_space<vmem>>, vector<16xi32>,
        %parallel_loop3A_536 = vector.bitcast %parallel_loop3A_535 : vector<16xi32> to vector<32xbf16>
        %parallel_loop3A_537 = arith.mulf %parallel_loop3A_536, %parallel_loop3A_451 : vector<32xbf16>
        %parallel_loop3A_538 = arith.constant 1 : i32
        %parallel_loop3A_539 = arith.addi %parallel_loop3A_439, %parallel_loop3A_538 : i32
        %parallel_loop3A_540 = arith.constant 0 : i32
        %parallel_loop3A_541 = arith.index_cast %parallel_loop3A_540 : i32 to index
        %parallel_loop3A_542 = arith.index_cast %parallel_loop3A_539 : i32 to index
        %parallel_loop3A_543 = arith.constant 16 : index
        %parallel_loop3A_544 = tpu.vector_load %arg8[%parallel_loop3A_541, %parallel_loop3A_542, %parallel_loop3A_543] {strides = array<i32>} : memref<2x64x128xi32, #tpu.memory_space<vmem>>, vector<16xi32>,
        %parallel_loop3A_545 = vector.bitcast %parallel_loop3A_544 : vector<16xi32> to vector<32xbf16>
        %parallel_loop3A_546 = arith.mulf %parallel_loop3A_545, %parallel_loop3A_463 : vector<32xbf16>
        %parallel_loop3A_547 = arith.addf %parallel_loop3A_537, %parallel_loop3A_546 : vector<32xbf16>
        %parallel_loop3A_548 = arith.constant 2 : i32
        %parallel_loop3A_549 = arith.addi %parallel_loop3A_439, %parallel_loop3A_548 : i32
        %parallel_loop3A_550 = arith.constant 0 : i32
        %parallel_loop3A_551 = arith.index_cast %parallel_loop3A_550 : i32 to index
        %parallel_loop3A_552 = arith.index_cast %parallel_loop3A_549 : i32 to index
        %parallel_loop3A_553 = arith.constant 16 : index
        %parallel_loop3A_554 = tpu.vector_load %arg8[%parallel_loop3A_551, %parallel_loop3A_552, %parallel_loop3A_553] {strides = array<i32>} : memref<2x64x128xi32, #tpu.memory_space<vmem>>, vector<16xi32>,
        %parallel_loop3A_555 = vector.bitcast %parallel_loop3A_554 : vector<16xi32> to vector<32xbf16>
        %parallel_loop3A_556 = arith.mulf %parallel_loop3A_555, %parallel_loop3A_475 : vector<32xbf16>
        %parallel_loop3A_557 = arith.constant 3 : i32
        %parallel_loop3A_558 = arith.addi %parallel_loop3A_439, %parallel_loop3A_557 : i32
        %parallel_loop3A_559 = arith.constant 0 : i32
        %parallel_loop3A_560 = arith.index_cast %parallel_loop3A_559 : i32 to index
        %parallel_loop3A_561 = arith.index_cast %parallel_loop3A_558 : i32 to index
        %parallel_loop3A_562 = arith.constant 16 : index
        %parallel_loop3A_563 = tpu.vector_load %arg8[%parallel_loop3A_560, %parallel_loop3A_561, %parallel_loop3A_562] {strides = array<i32>} : memref<2x64x128xi32, #tpu.memory_space<vmem>>, vector<16xi32>,
        %parallel_loop3A_564 = vector.bitcast %parallel_loop3A_563 : vector<16xi32> to vector<32xbf16>
        %parallel_loop3A_565 = arith.mulf %parallel_loop3A_564, %parallel_loop3A_487 : vector<32xbf16>
        %parallel_loop3A_566 = arith.addf %parallel_loop3A_556, %parallel_loop3A_565 : vector<32xbf16>
        %parallel_loop3A_567 = arith.addf %parallel_loop3A_547, %parallel_loop3A_566 : vector<32xbf16>
        %parallel_loop3A_568 = vector.bitcast %parallel_loop3A_567 : vector<32xbf16> to vector<16xi32>
        %parallel_loop3A_569 = arith.constant 0 : i32
        %parallel_loop3A_570 = arith.index_cast %parallel_loop3A_569 : i32 to index
        %parallel_loop3A_571 = arith.index_cast %parallel_loop3A_437 : i32 to index
        %parallel_loop3A_572 = arith.constant 16 : index
        %parallel_loop3A_573 = tpu.vector_load %arg10[%parallel_loop3A_570, %parallel_loop3A_571, %parallel_loop3A_572] {strides = array<i32>} : memref<2x16x128xi32, #tpu.memory_space<vmem>>, vector<16xi32>,
        tpu.vector_store %arg10[%parallel_loop3A_570, %parallel_loop3A_571, %parallel_loop3A_572], %parallel_loop3A_568 {strides = array<i32>} : memref<2x16x128xi32, #tpu.memory_space<vmem>>, vector<16xi32>,
        %parallel_loop3A_574 = arith.constant 0 : i32
        %parallel_loop3A_575 = arith.index_cast %parallel_loop3A_574 : i32 to index
        %parallel_loop3A_576 = arith.index_cast %parallel_loop3A_439 : i32 to index
        %parallel_loop3A_577 = arith.constant 32 : index
        %parallel_loop3A_578 = tpu.vector_load %arg8[%parallel_loop3A_575, %parallel_loop3A_576, %parallel_loop3A_577] {strides = array<i32>} : memref<2x64x128xi32, #tpu.memory_space<vmem>>, vector<16xi32>,
        %parallel_loop3A_579 = vector.bitcast %parallel_loop3A_578 : vector<16xi32> to vector<32xbf16>
        %parallel_loop3A_580 = arith.mulf %parallel_loop3A_579, %parallel_loop3A_451 : vector<32xbf16>
        %parallel_loop3A_581 = arith.constant 1 : i32
        %parallel_loop3A_582 = arith.addi %parallel_loop3A_439, %parallel_loop3A_581 : i32
        %parallel_loop3A_583 = arith.constant 0 : i32
        %parallel_loop3A_584 = arith.index_cast %parallel_loop3A_583 : i32 to index
        %parallel_loop3A_585 = arith.index_cast %parallel_loop3A_582 : i32 to index
        %parallel_loop3A_586 = arith.constant 32 : index
        %parallel_loop3A_587 = tpu.vector_load %arg8[%parallel_loop3A_584, %parallel_loop3A_585, %parallel_loop3A_586] {strides = array<i32>} : memref<2x64x128xi32, #tpu.memory_space<vmem>>, vector<16xi32>,
        %parallel_loop3A_588 = vector.bitcast %parallel_loop3A_587 : vector<16xi32> to vector<32xbf16>
        %parallel_loop3A_589 = arith.mulf %parallel_loop3A_588, %parallel_loop3A_463 : vector<32xbf16>
        %parallel_loop3A_590 = arith.addf %parallel_loop3A_580, %parallel_loop3A_589 : vector<32xbf16>
        %parallel_loop3A_591 = arith.constant 2 : i32
        %parallel_loop3A_592 = arith.addi %parallel_loop3A_439, %parallel_loop3A_591 : i32
        %parallel_loop3A_593 = arith.constant 0 : i32
        %parallel_loop3A_594 = arith.index_cast %parallel_loop3A_593 : i32 to index
        %parallel_loop3A_595 = arith.index_cast %parallel_loop3A_592 : i32 to index
        %parallel_loop3A_596 = arith.constant 32 : index
        %parallel_loop3A_597 = tpu.vector_load %arg8[%parallel_loop3A_594, %parallel_loop3A_595, %parallel_loop3A_596] {strides = array<i32>} : memref<2x64x128xi32, #tpu.memory_space<vmem>>, vector<16xi32>,
        %parallel_loop3A_598 = vector.bitcast %parallel_loop3A_597 : vector<16xi32> to vector<32xbf16>
        %parallel_loop3A_599 = arith.mulf %parallel_loop3A_598, %parallel_loop3A_475 : vector<32xbf16>
        %parallel_loop3A_600 = arith.constant 3 : i32
        %parallel_loop3A_601 = arith.addi %parallel_loop3A_439, %parallel_loop3A_600 : i32
        %parallel_loop3A_602 = arith.constant 0 : i32
        %parallel_loop3A_603 = arith.index_cast %parallel_loop3A_602 : i32 to index
        %parallel_loop3A_604 = arith.index_cast %parallel_loop3A_601 : i32 to index
        %parallel_loop3A_605 = arith.constant 32 : index
        %parallel_loop3A_606 = tpu.vector_load %arg8[%parallel_loop3A_603, %parallel_loop3A_604, %parallel_loop3A_605] {strides = array<i32>} : memref<2x64x128xi32, #tpu.memory_space<vmem>>, vector<16xi32>,
        %parallel_loop3A_607 = vector.bitcast %parallel_loop3A_606 : vector<16xi32> to vector<32xbf16>
        %parallel_loop3A_608 = arith.mulf %parallel_loop3A_607, %parallel_loop3A_487 : vector<32xbf16>
        %parallel_loop3A_609 = arith.addf %parallel_loop3A_599, %parallel_loop3A_608 : vector<32xbf16>
        %parallel_loop3A_610 = arith.addf %parallel_loop3A_590, %parallel_loop3A_609 : vector<32xbf16>
        %parallel_loop3A_611 = vector.bitcast %parallel_loop3A_610 : vector<32xbf16> to vector<16xi32>
        %parallel_loop3A_612 = arith.constant 0 : i32
        %parallel_loop3A_613 = arith.index_cast %parallel_loop3A_612 : i32 to index
        %parallel_loop3A_614 = arith.index_cast %parallel_loop3A_437 : i32 to index
        %parallel_loop3A_615 = arith.constant 32 : index
        %parallel_loop3A_616 = tpu.vector_load %arg10[%parallel_loop3A_613, %parallel_loop3A_614, %parallel_loop3A_615] {strides = array<i32>} : memref<2x16x128xi32, #tpu.memory_space<vmem>>, vector<16xi32>,
        tpu.vector_store %arg10[%parallel_loop3A_613, %parallel_loop3A_614, %parallel_loop3A_615], %parallel_loop3A_611 {strides = array<i32>} : memref<2x16x128xi32, #tpu.memory_space<vmem>>, vector<16xi32>,
        %parallel_loop3A_617 = arith.constant 0 : i32
        %parallel_loop3A_618 = arith.index_cast %parallel_loop3A_617 : i32 to index
        %parallel_loop3A_619 = arith.index_cast %parallel_loop3A_439 : i32 to index
        %parallel_loop3A_620 = arith.constant 48 : index
        %parallel_loop3A_621 = tpu.vector_load %arg8[%parallel_loop3A_618, %parallel_loop3A_619, %parallel_loop3A_620] {strides = array<i32>} : memref<2x64x128xi32, #tpu.memory_space<vmem>>, vector<16xi32>,
        %parallel_loop3A_622 = vector.bitcast %parallel_loop3A_621 : vector<16xi32> to vector<32xbf16>
        %parallel_loop3A_623 = arith.mulf %parallel_loop3A_622, %parallel_loop3A_451 : vector<32xbf16>
        %parallel_loop3A_624 = arith.constant 1 : i32
        %parallel_loop3A_625 = arith.addi %parallel_loop3A_439, %parallel_loop3A_624 : i32
        %parallel_loop3A_626 = arith.constant 0 : i32
        %parallel_loop3A_627 = arith.index_cast %parallel_loop3A_626 : i32 to index
        %parallel_loop3A_628 = arith.index_cast %parallel_loop3A_625 : i32 to index
        %parallel_loop3A_629 = arith.constant 48 : index
        %parallel_loop3A_630 = tpu.vector_load %arg8[%parallel_loop3A_627, %parallel_loop3A_628, %parallel_loop3A_629] {strides = array<i32>} : memref<2x64x128xi32, #tpu.memory_space<vmem>>, vector<16xi32>,
        %parallel_loop3A_631 = vector.bitcast %parallel_loop3A_630 : vector<16xi32> to vector<32xbf16>
        %parallel_loop3A_632 = arith.mulf %parallel_loop3A_631, %parallel_loop3A_463 : vector<32xbf16>
        %parallel_loop3A_633 = arith.addf %parallel_loop3A_623, %parallel_loop3A_632 : vector<32xbf16>
        %parallel_loop3A_634 = arith.constant 2 : i32
        %parallel_loop3A_635 = arith.addi %parallel_loop3A_439, %parallel_loop3A_634 : i32
        %parallel_loop3A_636 = arith.constant 0 : i32
        %parallel_loop3A_637 = arith.index_cast %parallel_loop3A_636 : i32 to index
        %parallel_loop3A_638 = arith.index_cast %parallel_loop3A_635 : i32 to index
        %parallel_loop3A_639 = arith.constant 48 : index
        %parallel_loop3A_640 = tpu.vector_load %arg8[%parallel_loop3A_637, %parallel_loop3A_638, %parallel_loop3A_639] {strides = array<i32>} : memref<2x64x128xi32, #tpu.memory_space<vmem>>, vector<16xi32>,
        %parallel_loop3A_641 = vector.bitcast %parallel_loop3A_640 : vector<16xi32> to vector<32xbf16>
        %parallel_loop3A_642 = arith.mulf %parallel_loop3A_641, %parallel_loop3A_475 : vector<32xbf16>
        %parallel_loop3A_643 = arith.constant 3 : i32
        %parallel_loop3A_644 = arith.addi %parallel_loop3A_439, %parallel_loop3A_643 : i32
        %parallel_loop3A_645 = arith.constant 0 : i32
        %parallel_loop3A_646 = arith.index_cast %parallel_loop3A_645 : i32 to index
        %parallel_loop3A_647 = arith.index_cast %parallel_loop3A_644 : i32 to index
        %parallel_loop3A_648 = arith.constant 48 : index
        %parallel_loop3A_649 = tpu.vector_load %arg8[%parallel_loop3A_646, %parallel_loop3A_647, %parallel_loop3A_648] {strides = array<i32>} : memref<2x64x128xi32, #tpu.memory_space<vmem>>, vector<16xi32>,
        %parallel_loop3A_650 = vector.bitcast %parallel_loop3A_649 : vector<16xi32> to vector<32xbf16>
        %parallel_loop3A_651 = arith.mulf %parallel_loop3A_650, %parallel_loop3A_487 : vector<32xbf16>
        %parallel_loop3A_652 = arith.addf %parallel_loop3A_642, %parallel_loop3A_651 : vector<32xbf16>
        %parallel_loop3A_653 = arith.addf %parallel_loop3A_633, %parallel_loop3A_652 : vector<32xbf16>
        %parallel_loop3A_654 = vector.bitcast %parallel_loop3A_653 : vector<32xbf16> to vector<16xi32>
        %parallel_loop3A_655 = arith.constant 0 : i32
        %parallel_loop3A_656 = arith.index_cast %parallel_loop3A_655 : i32 to index
        %parallel_loop3A_657 = arith.index_cast %parallel_loop3A_437 : i32 to index
        %parallel_loop3A_658 = arith.constant 48 : index
        %parallel_loop3A_659 = tpu.vector_load %arg10[%parallel_loop3A_656, %parallel_loop3A_657, %parallel_loop3A_658] {strides = array<i32>} : memref<2x16x128xi32, #tpu.memory_space<vmem>>, vector<16xi32>,
        tpu.vector_store %arg10[%parallel_loop3A_656, %parallel_loop3A_657, %parallel_loop3A_658], %parallel_loop3A_654 {strides = array<i32>} : memref<2x16x128xi32, #tpu.memory_space<vmem>>, vector<16xi32>,
        %parallel_loop3A_660 = arith.constant 0 : i32
        %parallel_loop3A_661 = arith.index_cast %parallel_loop3A_660 : i32 to index
        %parallel_loop3A_662 = arith.index_cast %parallel_loop3A_439 : i32 to index
        %parallel_loop3A_663 = arith.constant 64 : index
        %parallel_loop3A_664 = tpu.vector_load %arg8[%parallel_loop3A_661, %parallel_loop3A_662, %parallel_loop3A_663] {strides = array<i32>} : memref<2x64x128xi32, #tpu.memory_space<vmem>>, vector<16xi32>,
        %parallel_loop3A_665 = vector.bitcast %parallel_loop3A_664 : vector<16xi32> to vector<32xbf16>
        %parallel_loop3A_666 = arith.mulf %parallel_loop3A_665, %parallel_loop3A_451 : vector<32xbf16>
        %parallel_loop3A_667 = arith.constant 1 : i32
        %parallel_loop3A_668 = arith.addi %parallel_loop3A_439, %parallel_loop3A_667 : i32
        %parallel_loop3A_669 = arith.constant 0 : i32
        %parallel_loop3A_670 = arith.index_cast %parallel_loop3A_669 : i32 to index
        %parallel_loop3A_671 = arith.index_cast %parallel_loop3A_668 : i32 to index
        %parallel_loop3A_672 = arith.constant 64 : index
        %parallel_loop3A_673 = tpu.vector_load %arg8[%parallel_loop3A_670, %parallel_loop3A_671, %parallel_loop3A_672] {strides = array<i32>} : memref<2x64x128xi32, #tpu.memory_space<vmem>>, vector<16xi32>,
        %parallel_loop3A_674 = vector.bitcast %parallel_loop3A_673 : vector<16xi32> to vector<32xbf16>
        %parallel_loop3A_675 = arith.mulf %parallel_loop3A_674, %parallel_loop3A_463 : vector<32xbf16>
        %parallel_loop3A_676 = arith.addf %parallel_loop3A_666, %parallel_loop3A_675 : vector<32xbf16>
        %parallel_loop3A_677 = arith.constant 2 : i32
        %parallel_loop3A_678 = arith.addi %parallel_loop3A_439, %parallel_loop3A_677 : i32
        %parallel_loop3A_679 = arith.constant 0 : i32
        %parallel_loop3A_680 = arith.index_cast %parallel_loop3A_679 : i32 to index
        %parallel_loop3A_681 = arith.index_cast %parallel_loop3A_678 : i32 to index
        %parallel_loop3A_682 = arith.constant 64 : index
        %parallel_loop3A_683 = tpu.vector_load %arg8[%parallel_loop3A_680, %parallel_loop3A_681, %parallel_loop3A_682] {strides = array<i32>} : memref<2x64x128xi32, #tpu.memory_space<vmem>>, vector<16xi32>,
        %parallel_loop3A_684 = vector.bitcast %parallel_loop3A_683 : vector<16xi32> to vector<32xbf16>
        %parallel_loop3A_685 = arith.mulf %parallel_loop3A_684, %parallel_loop3A_475 : vector<32xbf16>
        %parallel_loop3A_686 = arith.constant 3 : i32
        %parallel_loop3A_687 = arith.addi %parallel_loop3A_439, %parallel_loop3A_686 : i32
        %parallel_loop3A_688 = arith.constant 0 : i32
        %parallel_loop3A_689 = arith.index_cast %parallel_loop3A_688 : i32 to index
        %parallel_loop3A_690 = arith.index_cast %parallel_loop3A_687 : i32 to index
        %parallel_loop3A_691 = arith.constant 64 : index
        %parallel_loop3A_692 = tpu.vector_load %arg8[%parallel_loop3A_689, %parallel_loop3A_690, %parallel_loop3A_691] {strides = array<i32>} : memref<2x64x128xi32, #tpu.memory_space<vmem>>, vector<16xi32>,
        %parallel_loop3A_693 = vector.bitcast %parallel_loop3A_692 : vector<16xi32> to vector<32xbf16>
        %parallel_loop3A_694 = arith.mulf %parallel_loop3A_693, %parallel_loop3A_487 : vector<32xbf16>
        %parallel_loop3A_695 = arith.addf %parallel_loop3A_685, %parallel_loop3A_694 : vector<32xbf16>
        %parallel_loop3A_696 = arith.addf %parallel_loop3A_676, %parallel_loop3A_695 : vector<32xbf16>
        %parallel_loop3A_697 = vector.bitcast %parallel_loop3A_696 : vector<32xbf16> to vector<16xi32>
        %parallel_loop3A_698 = arith.constant 0 : i32
        %parallel_loop3A_699 = arith.index_cast %parallel_loop3A_698 : i32 to index
        %parallel_loop3A_700 = arith.index_cast %parallel_loop3A_437 : i32 to index
        %parallel_loop3A_701 = arith.constant 64 : index
        %parallel_loop3A_702 = tpu.vector_load %arg10[%parallel_loop3A_699, %parallel_loop3A_700, %parallel_loop3A_701] {strides = array<i32>} : memref<2x16x128xi32, #tpu.memory_space<vmem>>, vector<16xi32>,
        tpu.vector_store %arg10[%parallel_loop3A_699, %parallel_loop3A_700, %parallel_loop3A_701], %parallel_loop3A_697 {strides = array<i32>} : memref<2x16x128xi32, #tpu.memory_space<vmem>>, vector<16xi32>,
        %parallel_loop3A_703 = arith.constant 0 : i32
        %parallel_loop3A_704 = arith.index_cast %parallel_loop3A_703 : i32 to index
        %parallel_loop3A_705 = arith.index_cast %parallel_loop3A_439 : i32 to index
        %parallel_loop3A_706 = arith.constant 80 : index
        %parallel_loop3A_707 = tpu.vector_load %arg8[%parallel_loop3A_704, %parallel_loop3A_705, %parallel_loop3A_706] {strides = array<i32>} : memref<2x64x128xi32, #tpu.memory_space<vmem>>, vector<16xi32>,
        %parallel_loop3A_708 = vector.bitcast %parallel_loop3A_707 : vector<16xi32> to vector<32xbf16>
        %parallel_loop3A_709 = arith.mulf %parallel_loop3A_708, %parallel_loop3A_451 : vector<32xbf16>
        %parallel_loop3A_710 = arith.constant 1 : i32
        %parallel_loop3A_711 = arith.addi %parallel_loop3A_439, %parallel_loop3A_710 : i32
        %parallel_loop3A_712 = arith.constant 0 : i32
        %parallel_loop3A_713 = arith.index_cast %parallel_loop3A_712 : i32 to index
        %parallel_loop3A_714 = arith.index_cast %parallel_loop3A_711 : i32 to index
        %parallel_loop3A_715 = arith.constant 80 : index
        %parallel_loop3A_716 = tpu.vector_load %arg8[%parallel_loop3A_713, %parallel_loop3A_714, %parallel_loop3A_715] {strides = array<i32>} : memref<2x64x128xi32, #tpu.memory_space<vmem>>, vector<16xi32>,
        %parallel_loop3A_717 = vector.bitcast %parallel_loop3A_716 : vector<16xi32> to vector<32xbf16>
        %parallel_loop3A_718 = arith.mulf %parallel_loop3A_717, %parallel_loop3A_463 : vector<32xbf16>
        %parallel_loop3A_719 = arith.addf %parallel_loop3A_709, %parallel_loop3A_718 : vector<32xbf16>
        %parallel_loop3A_720 = arith.constant 2 : i32
        %parallel_loop3A_721 = arith.addi %parallel_loop3A_439, %parallel_loop3A_720 : i32
        %parallel_loop3A_722 = arith.constant 0 : i32
        %parallel_loop3A_723 = arith.index_cast %parallel_loop3A_722 : i32 to index
        %parallel_loop3A_724 = arith.index_cast %parallel_loop3A_721 : i32 to index
        %parallel_loop3A_725 = arith.constant 80 : index
        %parallel_loop3A_726 = tpu.vector_load %arg8[%parallel_loop3A_723, %parallel_loop3A_724, %parallel_loop3A_725] {strides = array<i32>} : memref<2x64x128xi32, #tpu.memory_space<vmem>>, vector<16xi32>,
        %parallel_loop3A_727 = vector.bitcast %parallel_loop3A_726 : vector<16xi32> to vector<32xbf16>
        %parallel_loop3A_728 = arith.mulf %parallel_loop3A_727, %parallel_loop3A_475 : vector<32xbf16>
        %parallel_loop3A_729 = arith.constant 3 : i32
        %parallel_loop3A_730 = arith.addi %parallel_loop3A_439, %parallel_loop3A_729 : i32
        %parallel_loop3A_731 = arith.constant 0 : i32
        %parallel_loop3A_732 = arith.index_cast %parallel_loop3A_731 : i32 to index
        %parallel_loop3A_733 = arith.index_cast %parallel_loop3A_730 : i32 to index
        %parallel_loop3A_734 = arith.constant 80 : index
        %parallel_loop3A_735 = tpu.vector_load %arg8[%parallel_loop3A_732, %parallel_loop3A_733, %parallel_loop3A_734] {strides = array<i32>} : memref<2x64x128xi32, #tpu.memory_space<vmem>>, vector<16xi32>,
        %parallel_loop3A_736 = vector.bitcast %parallel_loop3A_735 : vector<16xi32> to vector<32xbf16>
        %parallel_loop3A_737 = arith.mulf %parallel_loop3A_736, %parallel_loop3A_487 : vector<32xbf16>
        %parallel_loop3A_738 = arith.addf %parallel_loop3A_728, %parallel_loop3A_737 : vector<32xbf16>
        %parallel_loop3A_739 = arith.addf %parallel_loop3A_719, %parallel_loop3A_738 : vector<32xbf16>
        %parallel_loop3A_740 = vector.bitcast %parallel_loop3A_739 : vector<32xbf16> to vector<16xi32>
        %parallel_loop3A_741 = arith.constant 0 : i32
        %parallel_loop3A_742 = arith.index_cast %parallel_loop3A_741 : i32 to index
        %parallel_loop3A_743 = arith.index_cast %parallel_loop3A_437 : i32 to index
        %parallel_loop3A_744 = arith.constant 80 : index
        %parallel_loop3A_745 = tpu.vector_load %arg10[%parallel_loop3A_742, %parallel_loop3A_743, %parallel_loop3A_744] {strides = array<i32>} : memref<2x16x128xi32, #tpu.memory_space<vmem>>, vector<16xi32>,
        tpu.vector_store %arg10[%parallel_loop3A_742, %parallel_loop3A_743, %parallel_loop3A_744], %parallel_loop3A_740 {strides = array<i32>} : memref<2x16x128xi32, #tpu.memory_space<vmem>>, vector<16xi32>,
        %parallel_loop3A_746 = arith.constant 0 : i32
        %parallel_loop3A_747 = arith.index_cast %parallel_loop3A_746 : i32 to index
        %parallel_loop3A_748 = arith.index_cast %parallel_loop3A_439 : i32 to index
        %parallel_loop3A_749 = arith.constant 96 : index
        %parallel_loop3A_750 = tpu.vector_load %arg8[%parallel_loop3A_747, %parallel_loop3A_748, %parallel_loop3A_749] {strides = array<i32>} : memref<2x64x128xi32, #tpu.memory_space<vmem>>, vector<16xi32>,
        %parallel_loop3A_751 = vector.bitcast %parallel_loop3A_750 : vector<16xi32> to vector<32xbf16>
        %parallel_loop3A_752 = arith.mulf %parallel_loop3A_751, %parallel_loop3A_451 : vector<32xbf16>
        %parallel_loop3A_753 = arith.constant 1 : i32
        %parallel_loop3A_754 = arith.addi %parallel_loop3A_439, %parallel_loop3A_753 : i32
        %parallel_loop3A_755 = arith.constant 0 : i32
        %parallel_loop3A_756 = arith.index_cast %parallel_loop3A_755 : i32 to index
        %parallel_loop3A_757 = arith.index_cast %parallel_loop3A_754 : i32 to index
        %parallel_loop3A_758 = arith.constant 96 : index
        %parallel_loop3A_759 = tpu.vector_load %arg8[%parallel_loop3A_756, %parallel_loop3A_757, %parallel_loop3A_758] {strides = array<i32>} : memref<2x64x128xi32, #tpu.memory_space<vmem>>, vector<16xi32>,
        %parallel_loop3A_760 = vector.bitcast %parallel_loop3A_759 : vector<16xi32> to vector<32xbf16>
        %parallel_loop3A_761 = arith.mulf %parallel_loop3A_760, %parallel_loop3A_463 : vector<32xbf16>
        %parallel_loop3A_762 = arith.addf %parallel_loop3A_752, %parallel_loop3A_761 : vector<32xbf16>
        %parallel_loop3A_763 = arith.constant 2 : i32
        %parallel_loop3A_764 = arith.addi %parallel_loop3A_439, %parallel_loop3A_763 : i32
        %parallel_loop3A_765 = arith.constant 0 : i32
        %parallel_loop3A_766 = arith.index_cast %parallel_loop3A_765 : i32 to index
        %parallel_loop3A_767 = arith.index_cast %parallel_loop3A_764 : i32 to index
        %parallel_loop3A_768 = arith.constant 96 : index
        %parallel_loop3A_769 = tpu.vector_load %arg8[%parallel_loop3A_766, %parallel_loop3A_767, %parallel_loop3A_768] {strides = array<i32>} : memref<2x64x128xi32, #tpu.memory_space<vmem>>, vector<16xi32>,
        %parallel_loop3A_770 = vector.bitcast %parallel_loop3A_769 : vector<16xi32> to vector<32xbf16>
        %parallel_loop3A_771 = arith.mulf %parallel_loop3A_770, %parallel_loop3A_475 : vector<32xbf16>
        %parallel_loop3A_772 = arith.constant 3 : i32
        %parallel_loop3A_773 = arith.addi %parallel_loop3A_439, %parallel_loop3A_772 : i32
        %parallel_loop3A_774 = arith.constant 0 : i32
        %parallel_loop3A_775 = arith.index_cast %parallel_loop3A_774 : i32 to index
        %parallel_loop3A_776 = arith.index_cast %parallel_loop3A_773 : i32 to index
        %parallel_loop3A_777 = arith.constant 96 : index
        %parallel_loop3A_778 = tpu.vector_load %arg8[%parallel_loop3A_775, %parallel_loop3A_776, %parallel_loop3A_777] {strides = array<i32>} : memref<2x64x128xi32, #tpu.memory_space<vmem>>, vector<16xi32>,
        %parallel_loop3A_779 = vector.bitcast %parallel_loop3A_778 : vector<16xi32> to vector<32xbf16>
        %parallel_loop3A_780 = arith.mulf %parallel_loop3A_779, %parallel_loop3A_487 : vector<32xbf16>
        %parallel_loop3A_781 = arith.addf %parallel_loop3A_771, %parallel_loop3A_780 : vector<32xbf16>
        %parallel_loop3A_782 = arith.addf %parallel_loop3A_762, %parallel_loop3A_781 : vector<32xbf16>
        %parallel_loop3A_783 = vector.bitcast %parallel_loop3A_782 : vector<32xbf16> to vector<16xi32>
        %parallel_loop3A_784 = arith.constant 0 : i32
        %parallel_loop3A_785 = arith.index_cast %parallel_loop3A_784 : i32 to index
        %parallel_loop3A_786 = arith.index_cast %parallel_loop3A_437 : i32 to index
        %parallel_loop3A_787 = arith.constant 96 : index
        %parallel_loop3A_788 = tpu.vector_load %arg10[%parallel_loop3A_785, %parallel_loop3A_786, %parallel_loop3A_787] {strides = array<i32>} : memref<2x16x128xi32, #tpu.memory_space<vmem>>, vector<16xi32>,
        tpu.vector_store %arg10[%parallel_loop3A_785, %parallel_loop3A_786, %parallel_loop3A_787], %parallel_loop3A_783 {strides = array<i32>} : memref<2x16x128xi32, #tpu.memory_space<vmem>>, vector<16xi32>,
        %parallel_loop3A_789 = arith.constant 0 : i32
        %parallel_loop3A_790 = arith.index_cast %parallel_loop3A_789 : i32 to index
        %parallel_loop3A_791 = arith.index_cast %parallel_loop3A_439 : i32 to index
        %parallel_loop3A_792 = arith.constant 112 : index
        %parallel_loop3A_793 = tpu.vector_load %arg8[%parallel_loop3A_790, %parallel_loop3A_791, %parallel_loop3A_792] {strides = array<i32>} : memref<2x64x128xi32, #tpu.memory_space<vmem>>, vector<16xi32>,
        %parallel_loop3A_794 = vector.bitcast %parallel_loop3A_793 : vector<16xi32> to vector<32xbf16>
        %parallel_loop3A_795 = arith.mulf %parallel_loop3A_794, %parallel_loop3A_451 : vector<32xbf16>
        %parallel_loop3A_796 = arith.constant 1 : i32
        %parallel_loop3A_797 = arith.addi %parallel_loop3A_439, %parallel_loop3A_796 : i32
        %parallel_loop3A_798 = arith.constant 0 : i32
        %parallel_loop3A_799 = arith.index_cast %parallel_loop3A_798 : i32 to index
        %parallel_loop3A_800 = arith.index_cast %parallel_loop3A_797 : i32 to index
        %parallel_loop3A_801 = arith.constant 112 : index
        %parallel_loop3A_802 = tpu.vector_load %arg8[%parallel_loop3A_799, %parallel_loop3A_800, %parallel_loop3A_801] {strides = array<i32>} : memref<2x64x128xi32, #tpu.memory_space<vmem>>, vector<16xi32>,
        %parallel_loop3A_803 = vector.bitcast %parallel_loop3A_802 : vector<16xi32> to vector<32xbf16>
        %parallel_loop3A_804 = arith.mulf %parallel_loop3A_803, %parallel_loop3A_463 : vector<32xbf16>
        %parallel_loop3A_805 = arith.addf %parallel_loop3A_795, %parallel_loop3A_804 : vector<32xbf16>
        %parallel_loop3A_806 = arith.constant 2 : i32
        %parallel_loop3A_807 = arith.addi %parallel_loop3A_439, %parallel_loop3A_806 : i32
        %parallel_loop3A_808 = arith.constant 0 : i32
        %parallel_loop3A_809 = arith.index_cast %parallel_loop3A_808 : i32 to index
        %parallel_loop3A_810 = arith.index_cast %parallel_loop3A_807 : i32 to index
        %parallel_loop3A_811 = arith.constant 112 : index
        %parallel_loop3A_812 = tpu.vector_load %arg8[%parallel_loop3A_809, %parallel_loop3A_810, %parallel_loop3A_811] {strides = array<i32>} : memref<2x64x128xi32, #tpu.memory_space<vmem>>, vector<16xi32>,
        %parallel_loop3A_813 = vector.bitcast %parallel_loop3A_812 : vector<16xi32> to vector<32xbf16>
        %parallel_loop3A_814 = arith.mulf %parallel_loop3A_813, %parallel_loop3A_475 : vector<32xbf16>
        %parallel_loop3A_815 = arith.constant 3 : i32
        %parallel_loop3A_816 = arith.addi %parallel_loop3A_439, %parallel_loop3A_815 : i32
        %parallel_loop3A_817 = arith.constant 0 : i32
        %parallel_loop3A_818 = arith.index_cast %parallel_loop3A_817 : i32 to index
        %parallel_loop3A_819 = arith.index_cast %parallel_loop3A_816 : i32 to index
        %parallel_loop3A_820 = arith.constant 112 : index
        %parallel_loop3A_821 = tpu.vector_load %arg8[%parallel_loop3A_818, %parallel_loop3A_819, %parallel_loop3A_820] {strides = array<i32>} : memref<2x64x128xi32, #tpu.memory_space<vmem>>, vector<16xi32>,
        %parallel_loop3A_822 = vector.bitcast %parallel_loop3A_821 : vector<16xi32> to vector<32xbf16>
        %parallel_loop3A_823 = arith.mulf %parallel_loop3A_822, %parallel_loop3A_487 : vector<32xbf16>
        %parallel_loop3A_824 = arith.addf %parallel_loop3A_814, %parallel_loop3A_823 : vector<32xbf16>
        %parallel_loop3A_825 = arith.addf %parallel_loop3A_805, %parallel_loop3A_824 : vector<32xbf16>
        %parallel_loop3A_826 = vector.bitcast %parallel_loop3A_825 : vector<32xbf16> to vector<16xi32>
        %parallel_loop3A_827 = arith.constant 0 : i32
        %parallel_loop3A_828 = arith.index_cast %parallel_loop3A_827 : i32 to index
        %parallel_loop3A_829 = arith.index_cast %parallel_loop3A_437 : i32 to index
        %parallel_loop3A_830 = arith.constant 112 : index
        %parallel_loop3A_831 = tpu.vector_load %arg10[%parallel_loop3A_828, %parallel_loop3A_829, %parallel_loop3A_830] {strides = array<i32>} : memref<2x16x128xi32, #tpu.memory_space<vmem>>, vector<16xi32>,
        tpu.vector_store %arg10[%parallel_loop3A_828, %parallel_loop3A_829, %parallel_loop3A_830], %parallel_loop3A_826 {strides = array<i32>} : memref<2x16x128xi32, #tpu.memory_space<vmem>>, vector<16xi32>,
      } {sc.loop_unroll_factor = 2 : i64, sc.parallel_access}
      %mul3A_330 = arith.constant 98 : i32
      %mul3A_331 = arith.muli %add3A, %mul3A_330 : i32
      %add3A_332 = arith.addi %mul3A_331, %add3A_203 : i32
      %mul3A_333 = arith.constant 16 : i32
      %mul3A_334 = arith.muli %add3A_332, %mul3A_333 : i32
      %dma_start3A_335 = arith.constant 0 : i32
      %dma_start3A_336 = arith.constant 0 : i32
      %dma_start3A_337 = arith.constant 0 : i32
      %dma_start3A_338 = tpu.memref_slice %arg10[%dma_start3A_335, %dma_start3A_336, %dma_start3A_337] : memref<2x16x128xi32, #tpu.memory_space<vmem>> -> memref<1x16x128xi32, #tpu.memory_space<vmem>>
      %dma_start3A_339 = tpu.memref_squeeze %dma_start3A_338 : memref<1x16x128xi32, #tpu.memory_space<vmem>> -> memref<16x128xi32, #tpu.memory_space<vmem>>
      %dma_start3A_340 = arith.constant 0 : i32
      %dma_start3A_341 = tpu.memref_slice %arg5[%mul3A_334, %dma_start3A_340] : memref<50176x128xi32, #tpu.memory_space<hbm>> -> memref<16x128xi32, #tpu.memory_space<hbm>>
      %dma_start3A_342 = arith.constant 0 : i32
      %dma_start3A_343 = tpu.memref_slice %arg5[%mul3A_334, %dma_start3A_342] : memref<50176x128xi32, #tpu.memory_space<hbm>> -> memref<16x128xi32, #tpu.memory_space<hbm>>
      %dma_start3A_344 = arith.constant 0 : i32
      %dma_start3A_345 = arith.constant 0 : i32
      %dma_start3A_346 = tpu.memref_slice %arg10[%dma_start3A_335, %dma_start3A_344, %dma_start3A_345] : memref<2x16x128xi32, #tpu.memory_space<vmem>> -> memref<1x16x128xi32, #tpu.memory_space<vmem>>
      %dma_start3A_347 = tpu.memref_squeeze %dma_start3A_346 : memref<1x16x128xi32, #tpu.memory_space<vmem>> -> memref<16x128xi32, #tpu.memory_space<vmem>>
      tpu.enqueue_dma source(%dma_start3A_347 : memref<16x128xi32, #tpu.memory_space<vmem>>) target(%dma_start3A_343 : memref<16x128xi32, #tpu.memory_space<hbm>>) target_semaphore(%arg17 : memref<!tpu.dma_semaphore, #tpu.memory_space<semaphore_mem>>)
      %add3A_348 = arith.constant 2 : i32
      %add3A_349 = arith.addi %add3A_203, %add3A_348 : i32
      %lt3A_350 = arith.constant 98 : i32
      %lt3A_351 = arith.cmpi slt, %add3A_349, %lt3A_350 : i32
      %convert_element_type3A_352 = arith.extui %lt3A_351 : i1 to i32
      %cond3A_353 = arith.constant 0 : i32
      %cond3A_354 = arith.cmpi ne, %convert_element_type3A_352, %cond3A_353 : i32
      scf.if %cond3A_354 {
        %add3A_437 = arith.constant 2 : i32
        %add3A_438 = arith.addi %add3A_203, %add3A_437 : i32
        %mul3A_439 = arith.constant 98 : i32
        %mul3A_440 = arith.muli %add3A, %mul3A_439 : i32
        %add3A_441 = arith.addi %mul3A_440, %add3A_438 : i32
        %dma_start3A_442 = arith.constant 0 : i32
        %dma_start3A_443 = arith.constant 0 : i32
        %dma_start3A_444 = arith.constant 0 : i32
        %dma_start3A_445 = tpu.memref_slice %arg9[%dma_start3A_442, %dma_start3A_443, %dma_start3A_444] : memref<2x4x16xi32, #tpu.memory_space<vmem>> -> memref<1x4x16xi32, #tpu.memory_space<vmem>>
        %dma_start3A_446 = tpu.memref_squeeze %dma_start3A_445 : memref<1x4x16xi32, #tpu.memory_space<vmem>> -> memref<4x16xi32, #tpu.memory_space<vmem>>
        %dma_start3A_447 = arith.constant 0 : i32
        %dma_start3A_448 = arith.constant 0 : i32
        %dma_start3A_449 = tpu.memref_slice %arg4[%add3A_441, %dma_start3A_447, %dma_start3A_448] : memref<3136x4x16xi32, #tpu.memory_space<hbm>> -> memref<1x4x16xi32, #tpu.memory_space<hbm>>
        %dma_start3A_450 = tpu.memref_squeeze %dma_start3A_449 : memref<1x4x16xi32, #tpu.memory_space<hbm>> -> memref<4x16xi32, #tpu.memory_space<hbm>>
        %dma_start3A_451 = arith.constant 0 : i32
        %dma_start3A_452 = arith.constant 0 : i32
        %dma_start3A_453 = tpu.memref_slice %arg9[%dma_start3A_442, %dma_start3A_451, %dma_start3A_452] : memref<2x4x16xi32, #tpu.memory_space<vmem>> -> memref<1x4x16xi32, #tpu.memory_space<vmem>>
        %dma_start3A_454 = tpu.memref_squeeze %dma_start3A_453 : memref<1x4x16xi32, #tpu.memory_space<vmem>> -> memref<4x16xi32, #tpu.memory_space<vmem>>
        %dma_start3A_455 = arith.constant 0 : i32
        %dma_start3A_456 = arith.constant 0 : i32
        %dma_start3A_457 = tpu.memref_slice %arg4[%add3A_441, %dma_start3A_455, %dma_start3A_456] : memref<3136x4x16xi32, #tpu.memory_space<hbm>> -> memref<1x4x16xi32, #tpu.memory_space<hbm>>
        %dma_start3A_458 = tpu.memref_squeeze %dma_start3A_457 : memref<1x4x16xi32, #tpu.memory_space<hbm>> -> memref<4x16xi32, #tpu.memory_space<hbm>>
        tpu.enqueue_dma source(%dma_start3A_458 : memref<4x16xi32, #tpu.memory_space<hbm>>) target(%dma_start3A_454 : memref<4x16xi32, #tpu.memory_space<vmem>>) target_semaphore(%arg13 : memref<!tpu.dma_semaphore, #tpu.memory_space<semaphore_mem>>)
      } else {
      }
      %add3A_355 = arith.constant 1 : i32
      %add3A_356 = arith.addi %add3A_201, %add3A_355 : i32
      %dma_wait3A_357 = arith.constant 1 : i32
      %dma_wait3A_358 = arith.constant 1 : i32
      %dma_wait3A_359 = arith.constant 0 : i32
      %dma_wait3A_360 = arith.constant 0 : i32
      %dma_wait3A_361 = tpu.memref_slice %arg8[%dma_wait3A_358, %dma_wait3A_359, %dma_wait3A_360] : memref<2x64x128xi32, #tpu.memory_space<vmem>> -> memref<1x64x128xi32, #tpu.memory_space<vmem>>
      %dma_wait3A_362 = tpu.memref_squeeze %dma_wait3A_361 : memref<1x64x128xi32, #tpu.memory_space<vmem>> -> memref<64x128xi32, #tpu.memory_space<vmem>>
      %dma_wait3A_363 = arith.constant 0 : i32
      %dma_wait3A_364 = tpu.memref_slice %arg7[%dma_wait3A_357, %dma_wait3A_363] : memref<2x64xi32, #tpu.memory_space<vmem>> -> memref<1x64xi32, #tpu.memory_space<vmem>>
      %dma_wait3A_365 = tpu.memref_squeeze %dma_wait3A_364 : memref<1x64xi32, #tpu.memory_space<vmem>> -> memref<64xi32, #tpu.memory_space<vmem>>
      %dma_wait3A_366 = arith.constant 0 : i32
      %dma_wait3A_367 = arith.constant 0 : i32
      %dma_wait3A_368 = tpu.memref_slice %arg2[%dma_wait3A_366, %dma_wait3A_367] : memref<80000x128xi32, #tpu.memory_space<hbm>> -> memref<80000x128xi32, #tpu.memory_space<hbm>>
      tpu.wait_indirect_dma semaphore(%arg16 : memref<!tpu.dma_semaphore, #tpu.memory_space<semaphore_mem>>) src(%dma_wait3A_368 : memref<80000x128xi32, #tpu.memory_space<hbm>>) dst(%dma_wait3A_362 : memref<64x128xi32, #tpu.memory_space<vmem>>)
      %add3A_369 = arith.constant 2 : i32
      %add3A_370 = arith.addi %add3A_356, %add3A_369 : i32
      %lt3A_371 = arith.constant 98 : i32
      %lt3A_372 = arith.cmpi slt, %add3A_370, %lt3A_371 : i32
      %convert_element_type3A_373 = arith.extui %lt3A_372 : i1 to i32
      %cond3A_374 = arith.constant 0 : i32
      %cond3A_375 = arith.cmpi ne, %convert_element_type3A_373, %cond3A_374 : i32
      scf.if %cond3A_375 {
        %add3A_437 = arith.constant 2 : i32
        %add3A_438 = arith.addi %add3A_356, %add3A_437 : i32
        %mul3A_439 = arith.constant 98 : i32
        %mul3A_440 = arith.muli %add3A, %mul3A_439 : i32
        %add3A_441 = arith.addi %mul3A_440, %add3A_438 : i32
        %mul3A_442 = arith.constant 16 : i32
        %mul3A_443 = arith.muli %add3A_441, %mul3A_442 : i32
        %dma_start3A_444 = arith.constant 1 : i32
        %dma_start3A_445 = arith.constant 0 : i32
        %dma_start3A_446 = tpu.memref_slice %arg6[%dma_start3A_444, %dma_start3A_445] : memref<2x16xi32, #tpu.memory_space<vmem>> -> memref<1x16xi32, #tpu.memory_space<vmem>>
        %dma_start3A_447 = tpu.memref_squeeze %dma_start3A_446 : memref<1x16xi32, #tpu.memory_space<vmem>> -> memref<16xi32, #tpu.memory_space<vmem>>
        %dma_start3A_448 = tpu.memref_slice %arg3[%mul3A_443] : memref<50176xi32, #tpu.memory_space<hbm>> -> memref<16xi32, #tpu.memory_space<hbm>>
        %dma_start3A_449 = arith.constant 0 : i32
        %dma_start3A_450 = tpu.memref_slice %arg6[%dma_start3A_444, %dma_start3A_449] : memref<2x16xi32, #tpu.memory_space<vmem>> -> memref<1x16xi32, #tpu.memory_space<vmem>>
        %dma_start3A_451 = tpu.memref_squeeze %dma_start3A_450 : memref<1x16xi32, #tpu.memory_space<vmem>> -> memref<16xi32, #tpu.memory_space<vmem>>
        %dma_start3A_452 = tpu.memref_slice %arg3[%mul3A_443] : memref<50176xi32, #tpu.memory_space<hbm>> -> memref<16xi32, #tpu.memory_space<hbm>>
        tpu.enqueue_dma source(%dma_start3A_452 : memref<16xi32, #tpu.memory_space<hbm>>) target(%dma_start3A_451 : memref<16xi32, #tpu.memory_space<vmem>>) target_semaphore(%arg12 : memref<!tpu.dma_semaphore, #tpu.memory_space<semaphore_mem>>)
      } else {
      }
      %add3A_376 = arith.constant 2 : i32
      %add3A_377 = arith.addi %add3A_201, %add3A_376 : i32
      %lt3A_378 = arith.constant 98 : i32
      %lt3A_379 = arith.cmpi slt, %add3A_377, %lt3A_378 : i32
      %convert_element_type3A_380 = arith.extui %lt3A_379 : i1 to i32
      %cond3A_381 = arith.constant 0 : i32
      %cond3A_382 = arith.cmpi ne, %convert_element_type3A_380, %cond3A_381 : i32
      scf.if %cond3A_382 {
        %mul3A_437 = arith.constant 98 : i32
        %mul3A_438 = arith.muli %add3A, %mul3A_437 : i32
        %add3A_439 = arith.constant 0 : i32
        %add3A_440 = arith.addi %mul3A_438, %add3A_439 : i32
        %mul3A_441 = arith.constant 16 : i32
        %mul3A_442 = arith.muli %add3A_440, %mul3A_441 : i32
        %dma_wait3A_443 = arith.constant 0 : i32
        %dma_wait3A_444 = arith.constant 0 : i32
        %dma_wait3A_445 = tpu.memref_slice %arg6[%dma_wait3A_443, %dma_wait3A_444] : memref<2x16xi32, #tpu.memory_space<vmem>> -> memref<1x16xi32, #tpu.memory_space<vmem>>
        %dma_wait3A_446 = tpu.memref_squeeze %dma_wait3A_445 : memref<1x16xi32, #tpu.memory_space<vmem>> -> memref<16xi32, #tpu.memory_space<vmem>>
        %dma_wait3A_447 = tpu.memref_slice %arg3[%mul3A_442] : memref<50176xi32, #tpu.memory_space<hbm>> -> memref<16xi32, #tpu.memory_space<hbm>>
        %dma_wait3A_448 = arith.constant 0 : i32
        %dma_wait3A_449 = tpu.memref_slice %arg6[%dma_wait3A_443, %dma_wait3A_448] : memref<2x16xi32, #tpu.memory_space<vmem>> -> memref<1x16xi32, #tpu.memory_space<vmem>>
        %dma_wait3A_450 = tpu.memref_squeeze %dma_wait3A_449 : memref<1x16xi32, #tpu.memory_space<vmem>> -> memref<16xi32, #tpu.memory_space<vmem>>
        %dma_wait3A_451 = tpu.memref_slice %arg3[%mul3A_442] : memref<50176xi32, #tpu.memory_space<hbm>> -> memref<16xi32, #tpu.memory_space<hbm>>
        tpu.wait_dma2 semaphore(%arg11 : memref<!tpu.dma_semaphore, #tpu.memory_space<semaphore_mem>>) src(%dma_wait3A_451 : memref<16xi32, #tpu.memory_space<hbm>>) dst(%dma_wait3A_450 : memref<16xi32, #tpu.memory_space<vmem>>)
        %get3A_452 = arith.constant 0 : i32
        %get3A_453 = arith.index_cast %get3A_452 : i32 to index
        %get3A_454 = arith.constant 0 : index
        %get3A_455 = tpu.vector_load %arg6[%get3A_453, %get3A_454] {strides = array<i32>} : memref<2x16xi32, #tpu.memory_space<vmem>>, vector<16xi32>,
        %mul3A_456 = arith.constant 4 : i32
        %mul3A_457 = vector.broadcast %mul3A_456 : i32 to vector<16xi32>
        %mul3A_458 = arith.muli %iota3A, %mul3A_457 : vector<16xi32>
        %add3A_459 = arith.constant 0 : i32
        %add3A_460 = vector.broadcast %add3A_459 : i32 to vector<16xi32>
        %add3A_461 = arith.addi %mul3A_458, %add3A_460 : vector<16xi32>
        %add3A_462 = arith.constant 0 : i32
        %add3A_463 = vector.broadcast %add3A_462 : i32 to vector<16xi32>
        %add3A_464 = arith.addi %get3A_455, %add3A_463 : vector<16xi32>
        %scatter3A_465 = arith.constant 0 : i32
        %scatter3A_466 = arith.constant 0 : i32
        %scatter3A_467 = tpu.memref_slice %arg7[%scatter3A_465, %scatter3A_466] : memref<2x64xi32, #tpu.memory_space<vmem>> -> memref<1x64xi32, #tpu.memory_space<vmem>>
        %scatter3A_468 = tpu.memref_squeeze %scatter3A_467 : memref<1x64xi32, #tpu.memory_space<vmem>> -> memref<64xi32, #tpu.memory_space<vmem>>
        tpu.vector_store_idx %scatter3A_468[%add3A_461], %add3A_464 : memref<64xi32, #tpu.memory_space<vmem>>[vector<16xi32>], vector<16xi32>,
        %mul3A_469 = arith.constant 4 : i32
        %mul3A_470 = vector.broadcast %mul3A_469 : i32 to vector<16xi32>
        %mul3A_471 = arith.muli %iota3A, %mul3A_470 : vector<16xi32>
        %add3A_472 = arith.constant 1 : i32
        %add3A_473 = vector.broadcast %add3A_472 : i32 to vector<16xi32>
        %add3A_474 = arith.addi %mul3A_471, %add3A_473 : vector<16xi32>
        %add3A_475 = arith.constant 1 : i32
        %add3A_476 = vector.broadcast %add3A_475 : i32 to vector<16xi32>
        %add3A_477 = arith.addi %get3A_455, %add3A_476 : vector<16xi32>
        %scatter3A_478 = arith.constant 0 : i32
        %scatter3A_479 = arith.constant 0 : i32
        %scatter3A_480 = tpu.memref_slice %arg7[%scatter3A_478, %scatter3A_479] : memref<2x64xi32, #tpu.memory_space<vmem>> -> memref<1x64xi32, #tpu.memory_space<vmem>>
        %scatter3A_481 = tpu.memref_squeeze %scatter3A_480 : memref<1x64xi32, #tpu.memory_space<vmem>> -> memref<64xi32, #tpu.memory_space<vmem>>
        tpu.vector_store_idx %scatter3A_481[%add3A_474], %add3A_477 : memref<64xi32, #tpu.memory_space<vmem>>[vector<16xi32>], vector<16xi32>,
        %mul3A_482 = arith.constant 4 : i32
        %mul3A_483 = vector.broadcast %mul3A_482 : i32 to vector<16xi32>
        %mul3A_484 = arith.muli %iota3A, %mul3A_483 : vector<16xi32>
        %add3A_485 = arith.constant 2 : i32
        %add3A_486 = vector.broadcast %add3A_485 : i32 to vector<16xi32>
        %add3A_487 = arith.addi %mul3A_484, %add3A_486 : vector<16xi32>
        %add3A_488 = arith.constant 200 : i32
        %add3A_489 = vector.broadcast %add3A_488 : i32 to vector<16xi32>
        %add3A_490 = arith.addi %get3A_455, %add3A_489 : vector<16xi32>
        %scatter3A_491 = arith.constant 0 : i32
        %scatter3A_492 = arith.constant 0 : i32
        %scatter3A_493 = tpu.memref_slice %arg7[%scatter3A_491, %scatter3A_492] : memref<2x64xi32, #tpu.memory_space<vmem>> -> memref<1x64xi32, #tpu.memory_space<vmem>>
        %scatter3A_494 = tpu.memref_squeeze %scatter3A_493 : memref<1x64xi32, #tpu.memory_space<vmem>> -> memref<64xi32, #tpu.memory_space<vmem>>
        tpu.vector_store_idx %scatter3A_494[%add3A_487], %add3A_490 : memref<64xi32, #tpu.memory_space<vmem>>[vector<16xi32>], vector<16xi32>,
        %mul3A_495 = arith.constant 4 : i32
        %mul3A_496 = vector.broadcast %mul3A_495 : i32 to vector<16xi32>
        %mul3A_497 = arith.muli %iota3A, %mul3A_496 : vector<16xi32>
        %add3A_498 = arith.constant 3 : i32
        %add3A_499 = vector.broadcast %add3A_498 : i32 to vector<16xi32>
        %add3A_500 = arith.addi %mul3A_497, %add3A_499 : vector<16xi32>
        %add3A_501 = arith.constant 201 : i32
        %add3A_502 = vector.broadcast %add3A_501 : i32 to vector<16xi32>
        %add3A_503 = arith.addi %get3A_455, %add3A_502 : vector<16xi32>
        %scatter3A_504 = arith.constant 0 : i32
        %scatter3A_505 = arith.constant 0 : i32
        %scatter3A_506 = tpu.memref_slice %arg7[%scatter3A_504, %scatter3A_505] : memref<2x64xi32, #tpu.memory_space<vmem>> -> memref<1x64xi32, #tpu.memory_space<vmem>>
        %scatter3A_507 = tpu.memref_squeeze %scatter3A_506 : memref<1x64xi32, #tpu.memory_space<vmem>> -> memref<64xi32, #tpu.memory_space<vmem>>
        tpu.vector_store_idx %scatter3A_507[%add3A_500], %add3A_503 : memref<64xi32, #tpu.memory_space<vmem>>[vector<16xi32>], vector<16xi32>,
        %dma_start3A_508 = arith.constant 0 : i32
        %dma_start3A_509 = arith.constant 0 : i32
        %dma_start3A_510 = arith.constant 0 : i32
        %dma_start3A_511 = arith.constant 0 : i32
        %dma_start3A_512 = tpu.memref_slice %arg8[%dma_start3A_509, %dma_start3A_510, %dma_start3A_511] : memref<2x64x128xi32, #tpu.memory_space<vmem>> -> memref<1x64x128xi32, #tpu.memory_space<vmem>>
        %dma_start3A_513 = tpu.memref_squeeze %dma_start3A_512 : memref<1x64x128xi32, #tpu.memory_space<vmem>> -> memref<64x128xi32, #tpu.memory_space<vmem>>
        %dma_start3A_514 = arith.constant 0 : i32
        %dma_start3A_515 = tpu.memref_slice %arg7[%dma_start3A_508, %dma_start3A_514] : memref<2x64xi32, #tpu.memory_space<vmem>> -> memref<1x64xi32, #tpu.memory_space<vmem>>
        %dma_start3A_516 = tpu.memref_squeeze %dma_start3A_515 : memref<1x64xi32, #tpu.memory_space<vmem>> -> memref<64xi32, #tpu.memory_space<vmem>>
        %dma_start3A_517 = arith.constant 0 : i32
        %dma_start3A_518 = arith.constant 0 : i32
        %dma_start3A_519 = tpu.memref_slice %arg2[%dma_start3A_517, %dma_start3A_518] : memref<80000x128xi32, #tpu.memory_space<hbm>> -> memref<80000x128xi32, #tpu.memory_space<hbm>>
        tpu.enqueue_indirect_dma source(%dma_start3A_519 : memref<80000x128xi32, #tpu.memory_space<hbm>>) target(%dma_start3A_513 : memref<64x128xi32, #tpu.memory_space<vmem>>) offsets(%dma_start3A_516 : memref<64xi32, #tpu.memory_space<vmem>>) semaphore(%arg15 : memref<!tpu.dma_semaphore, #tpu.memory_space<semaphore_mem>>)
      } else {
      }
      %mul3A_383 = arith.constant 98 : i32
      %mul3A_384 = arith.muli %add3A, %mul3A_383 : i32
      %add3A_385 = arith.constant 0 : i32
      %add3A_386 = arith.addi %mul3A_384, %add3A_385 : i32
      %dma_wait3A_387 = arith.constant 1 : i32
      %dma_wait3A_388 = arith.constant 0 : i32
      %dma_wait3A_389 = arith.constant 0 : i32
      %dma_wait3A_390 = tpu.memref_slice %arg9[%dma_wait3A_387, %dma_wait3A_388, %dma_wait3A_389] : memref<2x4x16xi32, #tpu.memory_space<vmem>> -> memref<1x4x16xi32, #tpu.memory_space<vmem>>
      %dma_wait3A_391 = tpu.memref_squeeze %dma_wait3A_390 : memref<1x4x16xi32, #tpu.memory_space<vmem>> -> memref<4x16xi32, #tpu.memory_space<vmem>>
      %dma_wait3A_392 = arith.constant 0 : i32
      %dma_wait3A_393 = arith.constant 0 : i32
      %dma_wait3A_394 = tpu.memref_slice %arg4[%add3A_386, %dma_wait3A_392, %dma_wait3A_393] : memref<3136x4x16xi32, #tpu.memory_space<hbm>> -> memref<1x4x16xi32, #tpu.memory_space<hbm>>
      %dma_wait3A_395 = tpu.memref_squeeze %dma_wait3A_394 : memref<1x4x16xi32, #tpu.memory_space<hbm>> -> memref<4x16xi32, #tpu.memory_space<hbm>>
      %dma_wait3A_396 = arith.constant 0 : i32
      %dma_wait3A_397 = arith.constant 0 : i32
      %dma_wait3A_398 = tpu.memref_slice %arg9[%dma_wait3A_387, %dma_wait3A_396, %dma_wait3A_397] : memref<2x4x16xi32, #tpu.memory_space<vmem>> -> memref<1x4x16xi32, #tpu.memory_space<vmem>>
      %dma_wait3A_399 = tpu.memref_squeeze %dma_wait3A_398 : memref<1x4x16xi32, #tpu.memory_space<vmem>> -> memref<4x16xi32, #tpu.memory_space<vmem>>
      %dma_wait3A_400 = arith.constant 0 : i32
      %dma_wait3A_401 = arith.constant 0 : i32
      %dma_wait3A_402 = tpu.memref_slice %arg4[%add3A_386, %dma_wait3A_400, %dma_wait3A_401] : memref<3136x4x16xi32, #tpu.memory_space<hbm>> -> memref<1x4x16xi32, #tpu.memory_space<hbm>>
      %dma_wait3A_403 = tpu.memref_squeeze %dma_wait3A_402 : memref<1x4x16xi32, #tpu.memory_space<hbm>> -> memref<4x16xi32, #tpu.memory_space<hbm>>
      tpu.wait_dma2 semaphore(%arg14 : memref<!tpu.dma_semaphore, #tpu.memory_space<semaphore_mem>>) src(%dma_wait3A_403 : memref<4x16xi32, #tpu.memory_space<hbm>>) dst(%dma_wait3A_399 : memref<4x16xi32, #tpu.memory_space<vmem>>)
      %ge3A_404 = arith.constant 2 : i32
      %ge3A_405 = arith.cmpi sge, %add3A_356, %ge3A_404 : i32
      %convert_element_type3A_406 = arith.extui %ge3A_405 : i1 to i32
      %cond3A_407 = arith.constant 0 : i32
      %cond3A_408 = arith.cmpi ne, %convert_element_type3A_406, %cond3A_407 : i32
      scf.if %cond3A_408 {
        %mul3A_437 = arith.constant 98 : i32
        %mul3A_438 = arith.muli %add3A, %mul3A_437 : i32
        %add3A_439 = arith.constant 0 : i32
        %add3A_440 = arith.addi %mul3A_438, %add3A_439 : i32
        %mul3A_441 = arith.constant 16 : i32
        %mul3A_442 = arith.muli %add3A_440, %mul3A_441 : i32
        %dma_wait3A_443 = arith.constant 1 : i32
        %dma_wait3A_444 = arith.constant 0 : i32
        %dma_wait3A_445 = arith.constant 0 : i32
        %dma_wait3A_446 = tpu.memref_slice %arg10[%dma_wait3A_443, %dma_wait3A_444, %dma_wait3A_445] : memref<2x16x128xi32, #tpu.memory_space<vmem>> -> memref<1x16x128xi32, #tpu.memory_space<vmem>>
        %dma_wait3A_447 = tpu.memref_squeeze %dma_wait3A_446 : memref<1x16x128xi32, #tpu.memory_space<vmem>> -> memref<16x128xi32, #tpu.memory_space<vmem>>
        %dma_wait3A_448 = arith.constant 0 : i32
        %dma_wait3A_449 = tpu.memref_slice %arg5[%mul3A_442, %dma_wait3A_448] : memref<50176x128xi32, #tpu.memory_space<hbm>> -> memref<16x128xi32, #tpu.memory_space<hbm>>
        %dma_wait3A_450 = arith.constant 0 : i32
        %dma_wait3A_451 = tpu.memref_slice %arg5[%mul3A_442, %dma_wait3A_450] : memref<50176x128xi32, #tpu.memory_space<hbm>> -> memref<16x128xi32, #tpu.memory_space<hbm>>
        %dma_wait3A_452 = arith.constant 0 : i32
        %dma_wait3A_453 = arith.constant 0 : i32
        %dma_wait3A_454 = tpu.memref_slice %arg10[%dma_wait3A_443, %dma_wait3A_452, %dma_wait3A_453] : memref<2x16x128xi32, #tpu.memory_space<vmem>> -> memref<1x16x128xi32, #tpu.memory_space<vmem>>
        %dma_wait3A_455 = tpu.memref_squeeze %dma_wait3A_454 : memref<1x16x128xi32, #tpu.memory_space<vmem>> -> memref<16x128xi32, #tpu.memory_space<vmem>>
        tpu.wait_dma2 semaphore(%arg18 : memref<!tpu.dma_semaphore, #tpu.memory_space<semaphore_mem>>) src(%dma_wait3A_455 : memref<16x128xi32, #tpu.memory_space<vmem>>) dst(%dma_wait3A_451 : memref<16x128xi32, #tpu.memory_space<hbm>>)
      } else {
      }
      %parallel_loop3A_409 = arith.constant 0 : i32
      %parallel_loop3A_410 = arith.constant 16 : i32
      %parallel_loop3A_411 = arith.constant 1 : i32
      scf.for %parallel_loop3A_437 = %parallel_loop3A_409 to %parallel_loop3A_410 step %parallel_loop3A_411  : i32 {
        %parallel_loop3A_438 = arith.constant 4 : i32
        %parallel_loop3A_439 = arith.muli %parallel_loop3A_437, %parallel_loop3A_438 : i32
        %parallel_loop3A_440 = arith.constant 0 : i32
        %parallel_loop3A_441 = vector.broadcast %parallel_loop3A_440 : i32 to vector<16xi32>
        %parallel_loop3A_442 = arith.addi %mul3A_3, %parallel_loop3A_441 : vector<16xi32>
        %parallel_loop3A_443 = vector.broadcast %parallel_loop3A_437 : i32 to vector<16xi32>
        %parallel_loop3A_444 = arith.addi %mul3A_3, %parallel_loop3A_443 : vector<16xi32>
        %parallel_loop3A_445 = arith.constant 1 : i32
        %parallel_loop3A_446 = arith.constant 0 : i32
        %parallel_loop3A_447 = arith.constant 0 : i32
        %parallel_loop3A_448 = tpu.memref_slice %arg9[%parallel_loop3A_445, %parallel_loop3A_446, %parallel_loop3A_447] : memref<2x4x16xi32, #tpu.memory_space<vmem>> -> memref<1x4x16xi32, #tpu.memory_space<vmem>>
        %parallel_loop3A_449 = tpu.memref_squeeze %parallel_loop3A_448 : memref<1x4x16xi32, #tpu.memory_space<vmem>> -> memref<4x16xi32, #tpu.memory_space<vmem>>
        %parallel_loop3A_450 = tpu.vector_load_idx %parallel_loop3A_449[%parallel_loop3A_442, %parallel_loop3A_444] : memref<4x16xi32, #tpu.memory_space<vmem>>[vector<16xi32>, vector<16xi32>], vector<16xi32>,
        %parallel_loop3A_451 = vector.bitcast %parallel_loop3A_450 : vector<16xi32> to vector<32xbf16>
        %parallel_loop3A_452 = arith.constant 1 : i32
        %parallel_loop3A_453 = vector.broadcast %parallel_loop3A_452 : i32 to vector<16xi32>
        %parallel_loop3A_454 = arith.addi %mul3A_3, %parallel_loop3A_453 : vector<16xi32>
        %parallel_loop3A_455 = vector.broadcast %parallel_loop3A_437 : i32 to vector<16xi32>
        %parallel_loop3A_456 = arith.addi %mul3A_3, %parallel_loop3A_455 : vector<16xi32>
        %parallel_loop3A_457 = arith.constant 1 : i32
        %parallel_loop3A_458 = arith.constant 0 : i32
        %parallel_loop3A_459 = arith.constant 0 : i32
        %parallel_loop3A_460 = tpu.memref_slice %arg9[%parallel_loop3A_457, %parallel_loop3A_458, %parallel_loop3A_459] : memref<2x4x16xi32, #tpu.memory_space<vmem>> -> memref<1x4x16xi32, #tpu.memory_space<vmem>>
        %parallel_loop3A_461 = tpu.memref_squeeze %parallel_loop3A_460 : memref<1x4x16xi32, #tpu.memory_space<vmem>> -> memref<4x16xi32, #tpu.memory_space<vmem>>
        %parallel_loop3A_462 = tpu.vector_load_idx %parallel_loop3A_461[%parallel_loop3A_454, %parallel_loop3A_456] : memref<4x16xi32, #tpu.memory_space<vmem>>[vector<16xi32>, vector<16xi32>], vector<16xi32>,
        %parallel_loop3A_463 = vector.bitcast %parallel_loop3A_462 : vector<16xi32> to vector<32xbf16>
        %parallel_loop3A_464 = arith.constant 2 : i32
        %parallel_loop3A_465 = vector.broadcast %parallel_loop3A_464 : i32 to vector<16xi32>
        %parallel_loop3A_466 = arith.addi %mul3A_3, %parallel_loop3A_465 : vector<16xi32>
        %parallel_loop3A_467 = vector.broadcast %parallel_loop3A_437 : i32 to vector<16xi32>
        %parallel_loop3A_468 = arith.addi %mul3A_3, %parallel_loop3A_467 : vector<16xi32>
        %parallel_loop3A_469 = arith.constant 1 : i32
        %parallel_loop3A_470 = arith.constant 0 : i32
        %parallel_loop3A_471 = arith.constant 0 : i32
        %parallel_loop3A_472 = tpu.memref_slice %arg9[%parallel_loop3A_469, %parallel_loop3A_470, %parallel_loop3A_471] : memref<2x4x16xi32, #tpu.memory_space<vmem>> -> memref<1x4x16xi32, #tpu.memory_space<vmem>>
        %parallel_loop3A_473 = tpu.memref_squeeze %parallel_loop3A_472 : memref<1x4x16xi32, #tpu.memory_space<vmem>> -> memref<4x16xi32, #tpu.memory_space<vmem>>
        %parallel_loop3A_474 = tpu.vector_load_idx %parallel_loop3A_473[%parallel_loop3A_466, %parallel_loop3A_468] : memref<4x16xi32, #tpu.memory_space<vmem>>[vector<16xi32>, vector<16xi32>], vector<16xi32>,
        %parallel_loop3A_475 = vector.bitcast %parallel_loop3A_474 : vector<16xi32> to vector<32xbf16>
        %parallel_loop3A_476 = arith.constant 3 : i32
        %parallel_loop3A_477 = vector.broadcast %parallel_loop3A_476 : i32 to vector<16xi32>
        %parallel_loop3A_478 = arith.addi %mul3A_3, %parallel_loop3A_477 : vector<16xi32>
        %parallel_loop3A_479 = vector.broadcast %parallel_loop3A_437 : i32 to vector<16xi32>
        %parallel_loop3A_480 = arith.addi %mul3A_3, %parallel_loop3A_479 : vector<16xi32>
        %parallel_loop3A_481 = arith.constant 1 : i32
        %parallel_loop3A_482 = arith.constant 0 : i32
        %parallel_loop3A_483 = arith.constant 0 : i32
        %parallel_loop3A_484 = tpu.memref_slice %arg9[%parallel_loop3A_481, %parallel_loop3A_482, %parallel_loop3A_483] : memref<2x4x16xi32, #tpu.memory_space<vmem>> -> memref<1x4x16xi32, #tpu.memory_space<vmem>>
        %parallel_loop3A_485 = tpu.memref_squeeze %parallel_loop3A_484 : memref<1x4x16xi32, #tpu.memory_space<vmem>> -> memref<4x16xi32, #tpu.memory_space<vmem>>
        %parallel_loop3A_486 = tpu.vector_load_idx %parallel_loop3A_485[%parallel_loop3A_478, %parallel_loop3A_480] : memref<4x16xi32, #tpu.memory_space<vmem>>[vector<16xi32>, vector<16xi32>], vector<16xi32>,
        %parallel_loop3A_487 = vector.bitcast %parallel_loop3A_486 : vector<16xi32> to vector<32xbf16>
        %parallel_loop3A_488 = arith.constant 1 : i32
        %parallel_loop3A_489 = arith.index_cast %parallel_loop3A_488 : i32 to index
        %parallel_loop3A_490 = arith.index_cast %parallel_loop3A_439 : i32 to index
        %parallel_loop3A_491 = arith.constant 0 : index
        %parallel_loop3A_492 = tpu.vector_load %arg8[%parallel_loop3A_489, %parallel_loop3A_490, %parallel_loop3A_491] {strides = array<i32>} : memref<2x64x128xi32, #tpu.memory_space<vmem>>, vector<16xi32>,
        %parallel_loop3A_493 = vector.bitcast %parallel_loop3A_492 : vector<16xi32> to vector<32xbf16>
        %parallel_loop3A_494 = arith.mulf %parallel_loop3A_493, %parallel_loop3A_451 : vector<32xbf16>
        %parallel_loop3A_495 = arith.constant 1 : i32
        %parallel_loop3A_496 = arith.addi %parallel_loop3A_439, %parallel_loop3A_495 : i32
        %parallel_loop3A_497 = arith.constant 1 : i32
        %parallel_loop3A_498 = arith.index_cast %parallel_loop3A_497 : i32 to index
        %parallel_loop3A_499 = arith.index_cast %parallel_loop3A_496 : i32 to index
        %parallel_loop3A_500 = arith.constant 0 : index
        %parallel_loop3A_501 = tpu.vector_load %arg8[%parallel_loop3A_498, %parallel_loop3A_499, %parallel_loop3A_500] {strides = array<i32>} : memref<2x64x128xi32, #tpu.memory_space<vmem>>, vector<16xi32>,
        %parallel_loop3A_502 = vector.bitcast %parallel_loop3A_501 : vector<16xi32> to vector<32xbf16>
        %parallel_loop3A_503 = arith.mulf %parallel_loop3A_502, %parallel_loop3A_463 : vector<32xbf16>
        %parallel_loop3A_504 = arith.addf %parallel_loop3A_494, %parallel_loop3A_503 : vector<32xbf16>
        %parallel_loop3A_505 = arith.constant 2 : i32
        %parallel_loop3A_506 = arith.addi %parallel_loop3A_439, %parallel_loop3A_505 : i32
        %parallel_loop3A_507 = arith.constant 1 : i32
        %parallel_loop3A_508 = arith.index_cast %parallel_loop3A_507 : i32 to index
        %parallel_loop3A_509 = arith.index_cast %parallel_loop3A_506 : i32 to index
        %parallel_loop3A_510 = arith.constant 0 : index
        %parallel_loop3A_511 = tpu.vector_load %arg8[%parallel_loop3A_508, %parallel_loop3A_509, %parallel_loop3A_510] {strides = array<i32>} : memref<2x64x128xi32, #tpu.memory_space<vmem>>, vector<16xi32>,
        %parallel_loop3A_512 = vector.bitcast %parallel_loop3A_511 : vector<16xi32> to vector<32xbf16>
        %parallel_loop3A_513 = arith.mulf %parallel_loop3A_512, %parallel_loop3A_475 : vector<32xbf16>
        %parallel_loop3A_514 = arith.constant 3 : i32
        %parallel_loop3A_515 = arith.addi %parallel_loop3A_439, %parallel_loop3A_514 : i32
        %parallel_loop3A_516 = arith.constant 1 : i32
        %parallel_loop3A_517 = arith.index_cast %parallel_loop3A_516 : i32 to index
        %parallel_loop3A_518 = arith.index_cast %parallel_loop3A_515 : i32 to index
        %parallel_loop3A_519 = arith.constant 0 : index
        %parallel_loop3A_520 = tpu.vector_load %arg8[%parallel_loop3A_517, %parallel_loop3A_518, %parallel_loop3A_519] {strides = array<i32>} : memref<2x64x128xi32, #tpu.memory_space<vmem>>, vector<16xi32>,
        %parallel_loop3A_521 = vector.bitcast %parallel_loop3A_520 : vector<16xi32> to vector<32xbf16>
        %parallel_loop3A_522 = arith.mulf %parallel_loop3A_521, %parallel_loop3A_487 : vector<32xbf16>
        %parallel_loop3A_523 = arith.addf %parallel_loop3A_513, %parallel_loop3A_522 : vector<32xbf16>
        %parallel_loop3A_524 = arith.addf %parallel_loop3A_504, %parallel_loop3A_523 : vector<32xbf16>
        %parallel_loop3A_525 = vector.bitcast %parallel_loop3A_524 : vector<32xbf16> to vector<16xi32>
        %parallel_loop3A_526 = arith.constant 1 : i32
        %parallel_loop3A_527 = arith.index_cast %parallel_loop3A_526 : i32 to index
        %parallel_loop3A_528 = arith.index_cast %parallel_loop3A_437 : i32 to index
        %parallel_loop3A_529 = arith.constant 0 : index
        %parallel_loop3A_530 = tpu.vector_load %arg10[%parallel_loop3A_527, %parallel_loop3A_528, %parallel_loop3A_529] {strides = array<i32>} : memref<2x16x128xi32, #tpu.memory_space<vmem>>, vector<16xi32>,
        tpu.vector_store %arg10[%parallel_loop3A_527, %parallel_loop3A_528, %parallel_loop3A_529], %parallel_loop3A_525 {strides = array<i32>} : memref<2x16x128xi32, #tpu.memory_space<vmem>>, vector<16xi32>,
        %parallel_loop3A_531 = arith.constant 1 : i32
        %parallel_loop3A_532 = arith.index_cast %parallel_loop3A_531 : i32 to index
        %parallel_loop3A_533 = arith.index_cast %parallel_loop3A_439 : i32 to index
        %parallel_loop3A_534 = arith.constant 16 : index
        %parallel_loop3A_535 = tpu.vector_load %arg8[%parallel_loop3A_532, %parallel_loop3A_533, %parallel_loop3A_534] {strides = array<i32>} : memref<2x64x128xi32, #tpu.memory_space<vmem>>, vector<16xi32>,
        %parallel_loop3A_536 = vector.bitcast %parallel_loop3A_535 : vector<16xi32> to vector<32xbf16>
        %parallel_loop3A_537 = arith.mulf %parallel_loop3A_536, %parallel_loop3A_451 : vector<32xbf16>
        %parallel_loop3A_538 = arith.constant 1 : i32
        %parallel_loop3A_539 = arith.addi %parallel_loop3A_439, %parallel_loop3A_538 : i32
        %parallel_loop3A_540 = arith.constant 1 : i32
        %parallel_loop3A_541 = arith.index_cast %parallel_loop3A_540 : i32 to index
        %parallel_loop3A_542 = arith.index_cast %parallel_loop3A_539 : i32 to index
        %parallel_loop3A_543 = arith.constant 16 : index
        %parallel_loop3A_544 = tpu.vector_load %arg8[%parallel_loop3A_541, %parallel_loop3A_542, %parallel_loop3A_543] {strides = array<i32>} : memref<2x64x128xi32, #tpu.memory_space<vmem>>, vector<16xi32>,
        %parallel_loop3A_545 = vector.bitcast %parallel_loop3A_544 : vector<16xi32> to vector<32xbf16>
        %parallel_loop3A_546 = arith.mulf %parallel_loop3A_545, %parallel_loop3A_463 : vector<32xbf16>
        %parallel_loop3A_547 = arith.addf %parallel_loop3A_537, %parallel_loop3A_546 : vector<32xbf16>
        %parallel_loop3A_548 = arith.constant 2 : i32
        %parallel_loop3A_549 = arith.addi %parallel_loop3A_439, %parallel_loop3A_548 : i32
        %parallel_loop3A_550 = arith.constant 1 : i32
        %parallel_loop3A_551 = arith.index_cast %parallel_loop3A_550 : i32 to index
        %parallel_loop3A_552 = arith.index_cast %parallel_loop3A_549 : i32 to index
        %parallel_loop3A_553 = arith.constant 16 : index
        %parallel_loop3A_554 = tpu.vector_load %arg8[%parallel_loop3A_551, %parallel_loop3A_552, %parallel_loop3A_553] {strides = array<i32>} : memref<2x64x128xi32, #tpu.memory_space<vmem>>, vector<16xi32>,
        %parallel_loop3A_555 = vector.bitcast %parallel_loop3A_554 : vector<16xi32> to vector<32xbf16>
        %parallel_loop3A_556 = arith.mulf %parallel_loop3A_555, %parallel_loop3A_475 : vector<32xbf16>
        %parallel_loop3A_557 = arith.constant 3 : i32
        %parallel_loop3A_558 = arith.addi %parallel_loop3A_439, %parallel_loop3A_557 : i32
        %parallel_loop3A_559 = arith.constant 1 : i32
        %parallel_loop3A_560 = arith.index_cast %parallel_loop3A_559 : i32 to index
        %parallel_loop3A_561 = arith.index_cast %parallel_loop3A_558 : i32 to index
        %parallel_loop3A_562 = arith.constant 16 : index
        %parallel_loop3A_563 = tpu.vector_load %arg8[%parallel_loop3A_560, %parallel_loop3A_561, %parallel_loop3A_562] {strides = array<i32>} : memref<2x64x128xi32, #tpu.memory_space<vmem>>, vector<16xi32>,
        %parallel_loop3A_564 = vector.bitcast %parallel_loop3A_563 : vector<16xi32> to vector<32xbf16>
        %parallel_loop3A_565 = arith.mulf %parallel_loop3A_564, %parallel_loop3A_487 : vector<32xbf16>
        %parallel_loop3A_566 = arith.addf %parallel_loop3A_556, %parallel_loop3A_565 : vector<32xbf16>
        %parallel_loop3A_567 = arith.addf %parallel_loop3A_547, %parallel_loop3A_566 : vector<32xbf16>
        %parallel_loop3A_568 = vector.bitcast %parallel_loop3A_567 : vector<32xbf16> to vector<16xi32>
        %parallel_loop3A_569 = arith.constant 1 : i32
        %parallel_loop3A_570 = arith.index_cast %parallel_loop3A_569 : i32 to index
        %parallel_loop3A_571 = arith.index_cast %parallel_loop3A_437 : i32 to index
        %parallel_loop3A_572 = arith.constant 16 : index
        %parallel_loop3A_573 = tpu.vector_load %arg10[%parallel_loop3A_570, %parallel_loop3A_571, %parallel_loop3A_572] {strides = array<i32>} : memref<2x16x128xi32, #tpu.memory_space<vmem>>, vector<16xi32>,
        tpu.vector_store %arg10[%parallel_loop3A_570, %parallel_loop3A_571, %parallel_loop3A_572], %parallel_loop3A_568 {strides = array<i32>} : memref<2x16x128xi32, #tpu.memory_space<vmem>>, vector<16xi32>,
        %parallel_loop3A_574 = arith.constant 1 : i32
        %parallel_loop3A_575 = arith.index_cast %parallel_loop3A_574 : i32 to index
        %parallel_loop3A_576 = arith.index_cast %parallel_loop3A_439 : i32 to index
        %parallel_loop3A_577 = arith.constant 32 : index
        %parallel_loop3A_578 = tpu.vector_load %arg8[%parallel_loop3A_575, %parallel_loop3A_576, %parallel_loop3A_577] {strides = array<i32>} : memref<2x64x128xi32, #tpu.memory_space<vmem>>, vector<16xi32>,
        %parallel_loop3A_579 = vector.bitcast %parallel_loop3A_578 : vector<16xi32> to vector<32xbf16>
        %parallel_loop3A_580 = arith.mulf %parallel_loop3A_579, %parallel_loop3A_451 : vector<32xbf16>
        %parallel_loop3A_581 = arith.constant 1 : i32
        %parallel_loop3A_582 = arith.addi %parallel_loop3A_439, %parallel_loop3A_581 : i32
        %parallel_loop3A_583 = arith.constant 1 : i32
        %parallel_loop3A_584 = arith.index_cast %parallel_loop3A_583 : i32 to index
        %parallel_loop3A_585 = arith.index_cast %parallel_loop3A_582 : i32 to index
        %parallel_loop3A_586 = arith.constant 32 : index
        %parallel_loop3A_587 = tpu.vector_load %arg8[%parallel_loop3A_584, %parallel_loop3A_585, %parallel_loop3A_586] {strides = array<i32>} : memref<2x64x128xi32, #tpu.memory_space<vmem>>, vector<16xi32>,
        %parallel_loop3A_588 = vector.bitcast %parallel_loop3A_587 : vector<16xi32> to vector<32xbf16>
        %parallel_loop3A_589 = arith.mulf %parallel_loop3A_588, %parallel_loop3A_463 : vector<32xbf16>
        %parallel_loop3A_590 = arith.addf %parallel_loop3A_580, %parallel_loop3A_589 : vector<32xbf16>
        %parallel_loop3A_591 = arith.constant 2 : i32
        %parallel_loop3A_592 = arith.addi %parallel_loop3A_439, %parallel_loop3A_591 : i32
        %parallel_loop3A_593 = arith.constant 1 : i32
        %parallel_loop3A_594 = arith.index_cast %parallel_loop3A_593 : i32 to index
        %parallel_loop3A_595 = arith.index_cast %parallel_loop3A_592 : i32 to index
        %parallel_loop3A_596 = arith.constant 32 : index
        %parallel_loop3A_597 = tpu.vector_load %arg8[%parallel_loop3A_594, %parallel_loop3A_595, %parallel_loop3A_596] {strides = array<i32>} : memref<2x64x128xi32, #tpu.memory_space<vmem>>, vector<16xi32>,
        %parallel_loop3A_598 = vector.bitcast %parallel_loop3A_597 : vector<16xi32> to vector<32xbf16>
        %parallel_loop3A_599 = arith.mulf %parallel_loop3A_598, %parallel_loop3A_475 : vector<32xbf16>
        %parallel_loop3A_600 = arith.constant 3 : i32
        %parallel_loop3A_601 = arith.addi %parallel_loop3A_439, %parallel_loop3A_600 : i32
        %parallel_loop3A_602 = arith.constant 1 : i32
        %parallel_loop3A_603 = arith.index_cast %parallel_loop3A_602 : i32 to index
        %parallel_loop3A_604 = arith.index_cast %parallel_loop3A_601 : i32 to index
        %parallel_loop3A_605 = arith.constant 32 : index
        %parallel_loop3A_606 = tpu.vector_load %arg8[%parallel_loop3A_603, %parallel_loop3A_604, %parallel_loop3A_605] {strides = array<i32>} : memref<2x64x128xi32, #tpu.memory_space<vmem>>, vector<16xi32>,
        %parallel_loop3A_607 = vector.bitcast %parallel_loop3A_606 : vector<16xi32> to vector<32xbf16>
        %parallel_loop3A_608 = arith.mulf %parallel_loop3A_607, %parallel_loop3A_487 : vector<32xbf16>
        %parallel_loop3A_609 = arith.addf %parallel_loop3A_599, %parallel_loop3A_608 : vector<32xbf16>
        %parallel_loop3A_610 = arith.addf %parallel_loop3A_590, %parallel_loop3A_609 : vector<32xbf16>
        %parallel_loop3A_611 = vector.bitcast %parallel_loop3A_610 : vector<32xbf16> to vector<16xi32>
        %parallel_loop3A_612 = arith.constant 1 : i32
        %parallel_loop3A_613 = arith.index_cast %parallel_loop3A_612 : i32 to index
        %parallel_loop3A_614 = arith.index_cast %parallel_loop3A_437 : i32 to index
        %parallel_loop3A_615 = arith.constant 32 : index
        %parallel_loop3A_616 = tpu.vector_load %arg10[%parallel_loop3A_613, %parallel_loop3A_614, %parallel_loop3A_615] {strides = array<i32>} : memref<2x16x128xi32, #tpu.memory_space<vmem>>, vector<16xi32>,
        tpu.vector_store %arg10[%parallel_loop3A_613, %parallel_loop3A_614, %parallel_loop3A_615], %parallel_loop3A_611 {strides = array<i32>} : memref<2x16x128xi32, #tpu.memory_space<vmem>>, vector<16xi32>,
        %parallel_loop3A_617 = arith.constant 1 : i32
        %parallel_loop3A_618 = arith.index_cast %parallel_loop3A_617 : i32 to index
        %parallel_loop3A_619 = arith.index_cast %parallel_loop3A_439 : i32 to index
        %parallel_loop3A_620 = arith.constant 48 : index
        %parallel_loop3A_621 = tpu.vector_load %arg8[%parallel_loop3A_618, %parallel_loop3A_619, %parallel_loop3A_620] {strides = array<i32>} : memref<2x64x128xi32, #tpu.memory_space<vmem>>, vector<16xi32>,
        %parallel_loop3A_622 = vector.bitcast %parallel_loop3A_621 : vector<16xi32> to vector<32xbf16>
        %parallel_loop3A_623 = arith.mulf %parallel_loop3A_622, %parallel_loop3A_451 : vector<32xbf16>
        %parallel_loop3A_624 = arith.constant 1 : i32
        %parallel_loop3A_625 = arith.addi %parallel_loop3A_439, %parallel_loop3A_624 : i32
        %parallel_loop3A_626 = arith.constant 1 : i32
        %parallel_loop3A_627 = arith.index_cast %parallel_loop3A_626 : i32 to index
        %parallel_loop3A_628 = arith.index_cast %parallel_loop3A_625 : i32 to index
        %parallel_loop3A_629 = arith.constant 48 : index
        %parallel_loop3A_630 = tpu.vector_load %arg8[%parallel_loop3A_627, %parallel_loop3A_628, %parallel_loop3A_629] {strides = array<i32>} : memref<2x64x128xi32, #tpu.memory_space<vmem>>, vector<16xi32>,
        %parallel_loop3A_631 = vector.bitcast %parallel_loop3A_630 : vector<16xi32> to vector<32xbf16>
        %parallel_loop3A_632 = arith.mulf %parallel_loop3A_631, %parallel_loop3A_463 : vector<32xbf16>
        %parallel_loop3A_633 = arith.addf %parallel_loop3A_623, %parallel_loop3A_632 : vector<32xbf16>
        %parallel_loop3A_634 = arith.constant 2 : i32
        %parallel_loop3A_635 = arith.addi %parallel_loop3A_439, %parallel_loop3A_634 : i32
        %parallel_loop3A_636 = arith.constant 1 : i32
        %parallel_loop3A_637 = arith.index_cast %parallel_loop3A_636 : i32 to index
        %parallel_loop3A_638 = arith.index_cast %parallel_loop3A_635 : i32 to index
        %parallel_loop3A_639 = arith.constant 48 : index
        %parallel_loop3A_640 = tpu.vector_load %arg8[%parallel_loop3A_637, %parallel_loop3A_638, %parallel_loop3A_639] {strides = array<i32>} : memref<2x64x128xi32, #tpu.memory_space<vmem>>, vector<16xi32>,
        %parallel_loop3A_641 = vector.bitcast %parallel_loop3A_640 : vector<16xi32> to vector<32xbf16>
        %parallel_loop3A_642 = arith.mulf %parallel_loop3A_641, %parallel_loop3A_475 : vector<32xbf16>
        %parallel_loop3A_643 = arith.constant 3 : i32
        %parallel_loop3A_644 = arith.addi %parallel_loop3A_439, %parallel_loop3A_643 : i32
        %parallel_loop3A_645 = arith.constant 1 : i32
        %parallel_loop3A_646 = arith.index_cast %parallel_loop3A_645 : i32 to index
        %parallel_loop3A_647 = arith.index_cast %parallel_loop3A_644 : i32 to index
        %parallel_loop3A_648 = arith.constant 48 : index
        %parallel_loop3A_649 = tpu.vector_load %arg8[%parallel_loop3A_646, %parallel_loop3A_647, %parallel_loop3A_648] {strides = array<i32>} : memref<2x64x128xi32, #tpu.memory_space<vmem>>, vector<16xi32>,
        %parallel_loop3A_650 = vector.bitcast %parallel_loop3A_649 : vector<16xi32> to vector<32xbf16>
        %parallel_loop3A_651 = arith.mulf %parallel_loop3A_650, %parallel_loop3A_487 : vector<32xbf16>
        %parallel_loop3A_652 = arith.addf %parallel_loop3A_642, %parallel_loop3A_651 : vector<32xbf16>
        %parallel_loop3A_653 = arith.addf %parallel_loop3A_633, %parallel_loop3A_652 : vector<32xbf16>
        %parallel_loop3A_654 = vector.bitcast %parallel_loop3A_653 : vector<32xbf16> to vector<16xi32>
        %parallel_loop3A_655 = arith.constant 1 : i32
        %parallel_loop3A_656 = arith.index_cast %parallel_loop3A_655 : i32 to index
        %parallel_loop3A_657 = arith.index_cast %parallel_loop3A_437 : i32 to index
        %parallel_loop3A_658 = arith.constant 48 : index
        %parallel_loop3A_659 = tpu.vector_load %arg10[%parallel_loop3A_656, %parallel_loop3A_657, %parallel_loop3A_658] {strides = array<i32>} : memref<2x16x128xi32, #tpu.memory_space<vmem>>, vector<16xi32>,
        tpu.vector_store %arg10[%parallel_loop3A_656, %parallel_loop3A_657, %parallel_loop3A_658], %parallel_loop3A_654 {strides = array<i32>} : memref<2x16x128xi32, #tpu.memory_space<vmem>>, vector<16xi32>,
        %parallel_loop3A_660 = arith.constant 1 : i32
        %parallel_loop3A_661 = arith.index_cast %parallel_loop3A_660 : i32 to index
        %parallel_loop3A_662 = arith.index_cast %parallel_loop3A_439 : i32 to index
        %parallel_loop3A_663 = arith.constant 64 : index
        %parallel_loop3A_664 = tpu.vector_load %arg8[%parallel_loop3A_661, %parallel_loop3A_662, %parallel_loop3A_663] {strides = array<i32>} : memref<2x64x128xi32, #tpu.memory_space<vmem>>, vector<16xi32>,
        %parallel_loop3A_665 = vector.bitcast %parallel_loop3A_664 : vector<16xi32> to vector<32xbf16>
        %parallel_loop3A_666 = arith.mulf %parallel_loop3A_665, %parallel_loop3A_451 : vector<32xbf16>
        %parallel_loop3A_667 = arith.constant 1 : i32
        %parallel_loop3A_668 = arith.addi %parallel_loop3A_439, %parallel_loop3A_667 : i32
        %parallel_loop3A_669 = arith.constant 1 : i32
        %parallel_loop3A_670 = arith.index_cast %parallel_loop3A_669 : i32 to index
        %parallel_loop3A_671 = arith.index_cast %parallel_loop3A_668 : i32 to index
        %parallel_loop3A_672 = arith.constant 64 : index
        %parallel_loop3A_673 = tpu.vector_load %arg8[%parallel_loop3A_670, %parallel_loop3A_671, %parallel_loop3A_672] {strides = array<i32>} : memref<2x64x128xi32, #tpu.memory_space<vmem>>, vector<16xi32>,
        %parallel_loop3A_674 = vector.bitcast %parallel_loop3A_673 : vector<16xi32> to vector<32xbf16>
        %parallel_loop3A_675 = arith.mulf %parallel_loop3A_674, %parallel_loop3A_463 : vector<32xbf16>
        %parallel_loop3A_676 = arith.addf %parallel_loop3A_666, %parallel_loop3A_675 : vector<32xbf16>
        %parallel_loop3A_677 = arith.constant 2 : i32
        %parallel_loop3A_678 = arith.addi %parallel_loop3A_439, %parallel_loop3A_677 : i32
        %parallel_loop3A_679 = arith.constant 1 : i32
        %parallel_loop3A_680 = arith.index_cast %parallel_loop3A_679 : i32 to index
        %parallel_loop3A_681 = arith.index_cast %parallel_loop3A_678 : i32 to index
        %parallel_loop3A_682 = arith.constant 64 : index
        %parallel_loop3A_683 = tpu.vector_load %arg8[%parallel_loop3A_680, %parallel_loop3A_681, %parallel_loop3A_682] {strides = array<i32>} : memref<2x64x128xi32, #tpu.memory_space<vmem>>, vector<16xi32>,
        %parallel_loop3A_684 = vector.bitcast %parallel_loop3A_683 : vector<16xi32> to vector<32xbf16>
        %parallel_loop3A_685 = arith.mulf %parallel_loop3A_684, %parallel_loop3A_475 : vector<32xbf16>
        %parallel_loop3A_686 = arith.constant 3 : i32
        %parallel_loop3A_687 = arith.addi %parallel_loop3A_439, %parallel_loop3A_686 : i32
        %parallel_loop3A_688 = arith.constant 1 : i32
        %parallel_loop3A_689 = arith.index_cast %parallel_loop3A_688 : i32 to index
        %parallel_loop3A_690 = arith.index_cast %parallel_loop3A_687 : i32 to index
        %parallel_loop3A_691 = arith.constant 64 : index
        %parallel_loop3A_692 = tpu.vector_load %arg8[%parallel_loop3A_689, %parallel_loop3A_690, %parallel_loop3A_691] {strides = array<i32>} : memref<2x64x128xi32, #tpu.memory_space<vmem>>, vector<16xi32>,
        %parallel_loop3A_693 = vector.bitcast %parallel_loop3A_692 : vector<16xi32> to vector<32xbf16>
        %parallel_loop3A_694 = arith.mulf %parallel_loop3A_693, %parallel_loop3A_487 : vector<32xbf16>
        %parallel_loop3A_695 = arith.addf %parallel_loop3A_685, %parallel_loop3A_694 : vector<32xbf16>
        %parallel_loop3A_696 = arith.addf %parallel_loop3A_676, %parallel_loop3A_695 : vector<32xbf16>
        %parallel_loop3A_697 = vector.bitcast %parallel_loop3A_696 : vector<32xbf16> to vector<16xi32>
        %parallel_loop3A_698 = arith.constant 1 : i32
        %parallel_loop3A_699 = arith.index_cast %parallel_loop3A_698 : i32 to index
        %parallel_loop3A_700 = arith.index_cast %parallel_loop3A_437 : i32 to index
        %parallel_loop3A_701 = arith.constant 64 : index
        %parallel_loop3A_702 = tpu.vector_load %arg10[%parallel_loop3A_699, %parallel_loop3A_700, %parallel_loop3A_701] {strides = array<i32>} : memref<2x16x128xi32, #tpu.memory_space<vmem>>, vector<16xi32>,
        tpu.vector_store %arg10[%parallel_loop3A_699, %parallel_loop3A_700, %parallel_loop3A_701], %parallel_loop3A_697 {strides = array<i32>} : memref<2x16x128xi32, #tpu.memory_space<vmem>>, vector<16xi32>,
        %parallel_loop3A_703 = arith.constant 1 : i32
        %parallel_loop3A_704 = arith.index_cast %parallel_loop3A_703 : i32 to index
        %parallel_loop3A_705 = arith.index_cast %parallel_loop3A_439 : i32 to index
        %parallel_loop3A_706 = arith.constant 80 : index
        %parallel_loop3A_707 = tpu.vector_load %arg8[%parallel_loop3A_704, %parallel_loop3A_705, %parallel_loop3A_706] {strides = array<i32>} : memref<2x64x128xi32, #tpu.memory_space<vmem>>, vector<16xi32>,
        %parallel_loop3A_708 = vector.bitcast %parallel_loop3A_707 : vector<16xi32> to vector<32xbf16>
        %parallel_loop3A_709 = arith.mulf %parallel_loop3A_708, %parallel_loop3A_451 : vector<32xbf16>
        %parallel_loop3A_710 = arith.constant 1 : i32
        %parallel_loop3A_711 = arith.addi %parallel_loop3A_439, %parallel_loop3A_710 : i32
        %parallel_loop3A_712 = arith.constant 1 : i32
        %parallel_loop3A_713 = arith.index_cast %parallel_loop3A_712 : i32 to index
        %parallel_loop3A_714 = arith.index_cast %parallel_loop3A_711 : i32 to index
        %parallel_loop3A_715 = arith.constant 80 : index
        %parallel_loop3A_716 = tpu.vector_load %arg8[%parallel_loop3A_713, %parallel_loop3A_714, %parallel_loop3A_715] {strides = array<i32>} : memref<2x64x128xi32, #tpu.memory_space<vmem>>, vector<16xi32>,
        %parallel_loop3A_717 = vector.bitcast %parallel_loop3A_716 : vector<16xi32> to vector<32xbf16>
        %parallel_loop3A_718 = arith.mulf %parallel_loop3A_717, %parallel_loop3A_463 : vector<32xbf16>
        %parallel_loop3A_719 = arith.addf %parallel_loop3A_709, %parallel_loop3A_718 : vector<32xbf16>
        %parallel_loop3A_720 = arith.constant 2 : i32
        %parallel_loop3A_721 = arith.addi %parallel_loop3A_439, %parallel_loop3A_720 : i32
        %parallel_loop3A_722 = arith.constant 1 : i32
        %parallel_loop3A_723 = arith.index_cast %parallel_loop3A_722 : i32 to index
        %parallel_loop3A_724 = arith.index_cast %parallel_loop3A_721 : i32 to index
        %parallel_loop3A_725 = arith.constant 80 : index
        %parallel_loop3A_726 = tpu.vector_load %arg8[%parallel_loop3A_723, %parallel_loop3A_724, %parallel_loop3A_725] {strides = array<i32>} : memref<2x64x128xi32, #tpu.memory_space<vmem>>, vector<16xi32>,
        %parallel_loop3A_727 = vector.bitcast %parallel_loop3A_726 : vector<16xi32> to vector<32xbf16>
        %parallel_loop3A_728 = arith.mulf %parallel_loop3A_727, %parallel_loop3A_475 : vector<32xbf16>
        %parallel_loop3A_729 = arith.constant 3 : i32
        %parallel_loop3A_730 = arith.addi %parallel_loop3A_439, %parallel_loop3A_729 : i32
        %parallel_loop3A_731 = arith.constant 1 : i32
        %parallel_loop3A_732 = arith.index_cast %parallel_loop3A_731 : i32 to index
        %parallel_loop3A_733 = arith.index_cast %parallel_loop3A_730 : i32 to index
        %parallel_loop3A_734 = arith.constant 80 : index
        %parallel_loop3A_735 = tpu.vector_load %arg8[%parallel_loop3A_732, %parallel_loop3A_733, %parallel_loop3A_734] {strides = array<i32>} : memref<2x64x128xi32, #tpu.memory_space<vmem>>, vector<16xi32>,
        %parallel_loop3A_736 = vector.bitcast %parallel_loop3A_735 : vector<16xi32> to vector<32xbf16>
        %parallel_loop3A_737 = arith.mulf %parallel_loop3A_736, %parallel_loop3A_487 : vector<32xbf16>
        %parallel_loop3A_738 = arith.addf %parallel_loop3A_728, %parallel_loop3A_737 : vector<32xbf16>
        %parallel_loop3A_739 = arith.addf %parallel_loop3A_719, %parallel_loop3A_738 : vector<32xbf16>
        %parallel_loop3A_740 = vector.bitcast %parallel_loop3A_739 : vector<32xbf16> to vector<16xi32>
        %parallel_loop3A_741 = arith.constant 1 : i32
        %parallel_loop3A_742 = arith.index_cast %parallel_loop3A_741 : i32 to index
        %parallel_loop3A_743 = arith.index_cast %parallel_loop3A_437 : i32 to index
        %parallel_loop3A_744 = arith.constant 80 : index
        %parallel_loop3A_745 = tpu.vector_load %arg10[%parallel_loop3A_742, %parallel_loop3A_743, %parallel_loop3A_744] {strides = array<i32>} : memref<2x16x128xi32, #tpu.memory_space<vmem>>, vector<16xi32>,
        tpu.vector_store %arg10[%parallel_loop3A_742, %parallel_loop3A_743, %parallel_loop3A_744], %parallel_loop3A_740 {strides = array<i32>} : memref<2x16x128xi32, #tpu.memory_space<vmem>>, vector<16xi32>,
        %parallel_loop3A_746 = arith.constant 1 : i32
        %parallel_loop3A_747 = arith.index_cast %parallel_loop3A_746 : i32 to index
        %parallel_loop3A_748 = arith.index_cast %parallel_loop3A_439 : i32 to index
        %parallel_loop3A_749 = arith.constant 96 : index
        %parallel_loop3A_750 = tpu.vector_load %arg8[%parallel_loop3A_747, %parallel_loop3A_748, %parallel_loop3A_749] {strides = array<i32>} : memref<2x64x128xi32, #tpu.memory_space<vmem>>, vector<16xi32>,
        %parallel_loop3A_751 = vector.bitcast %parallel_loop3A_750 : vector<16xi32> to vector<32xbf16>
        %parallel_loop3A_752 = arith.mulf %parallel_loop3A_751, %parallel_loop3A_451 : vector<32xbf16>
        %parallel_loop3A_753 = arith.constant 1 : i32
        %parallel_loop3A_754 = arith.addi %parallel_loop3A_439, %parallel_loop3A_753 : i32
        %parallel_loop3A_755 = arith.constant 1 : i32
        %parallel_loop3A_756 = arith.index_cast %parallel_loop3A_755 : i32 to index
        %parallel_loop3A_757 = arith.index_cast %parallel_loop3A_754 : i32 to index
        %parallel_loop3A_758 = arith.constant 96 : index
        %parallel_loop3A_759 = tpu.vector_load %arg8[%parallel_loop3A_756, %parallel_loop3A_757, %parallel_loop3A_758] {strides = array<i32>} : memref<2x64x128xi32, #tpu.memory_space<vmem>>, vector<16xi32>,
        %parallel_loop3A_760 = vector.bitcast %parallel_loop3A_759 : vector<16xi32> to vector<32xbf16>
        %parallel_loop3A_761 = arith.mulf %parallel_loop3A_760, %parallel_loop3A_463 : vector<32xbf16>
        %parallel_loop3A_762 = arith.addf %parallel_loop3A_752, %parallel_loop3A_761 : vector<32xbf16>
        %parallel_loop3A_763 = arith.constant 2 : i32
        %parallel_loop3A_764 = arith.addi %parallel_loop3A_439, %parallel_loop3A_763 : i32
        %parallel_loop3A_765 = arith.constant 1 : i32
        %parallel_loop3A_766 = arith.index_cast %parallel_loop3A_765 : i32 to index
        %parallel_loop3A_767 = arith.index_cast %parallel_loop3A_764 : i32 to index
        %parallel_loop3A_768 = arith.constant 96 : index
        %parallel_loop3A_769 = tpu.vector_load %arg8[%parallel_loop3A_766, %parallel_loop3A_767, %parallel_loop3A_768] {strides = array<i32>} : memref<2x64x128xi32, #tpu.memory_space<vmem>>, vector<16xi32>,
        %parallel_loop3A_770 = vector.bitcast %parallel_loop3A_769 : vector<16xi32> to vector<32xbf16>
        %parallel_loop3A_771 = arith.mulf %parallel_loop3A_770, %parallel_loop3A_475 : vector<32xbf16>
        %parallel_loop3A_772 = arith.constant 3 : i32
        %parallel_loop3A_773 = arith.addi %parallel_loop3A_439, %parallel_loop3A_772 : i32
        %parallel_loop3A_774 = arith.constant 1 : i32
        %parallel_loop3A_775 = arith.index_cast %parallel_loop3A_774 : i32 to index
        %parallel_loop3A_776 = arith.index_cast %parallel_loop3A_773 : i32 to index
        %parallel_loop3A_777 = arith.constant 96 : index
        %parallel_loop3A_778 = tpu.vector_load %arg8[%parallel_loop3A_775, %parallel_loop3A_776, %parallel_loop3A_777] {strides = array<i32>} : memref<2x64x128xi32, #tpu.memory_space<vmem>>, vector<16xi32>,
        %parallel_loop3A_779 = vector.bitcast %parallel_loop3A_778 : vector<16xi32> to vector<32xbf16>
        %parallel_loop3A_780 = arith.mulf %parallel_loop3A_779, %parallel_loop3A_487 : vector<32xbf16>
        %parallel_loop3A_781 = arith.addf %parallel_loop3A_771, %parallel_loop3A_780 : vector<32xbf16>
        %parallel_loop3A_782 = arith.addf %parallel_loop3A_762, %parallel_loop3A_781 : vector<32xbf16>
        %parallel_loop3A_783 = vector.bitcast %parallel_loop3A_782 : vector<32xbf16> to vector<16xi32>
        %parallel_loop3A_784 = arith.constant 1 : i32
        %parallel_loop3A_785 = arith.index_cast %parallel_loop3A_784 : i32 to index
        %parallel_loop3A_786 = arith.index_cast %parallel_loop3A_437 : i32 to index
        %parallel_loop3A_787 = arith.constant 96 : index
        %parallel_loop3A_788 = tpu.vector_load %arg10[%parallel_loop3A_785, %parallel_loop3A_786, %parallel_loop3A_787] {strides = array<i32>} : memref<2x16x128xi32, #tpu.memory_space<vmem>>, vector<16xi32>,
        tpu.vector_store %arg10[%parallel_loop3A_785, %parallel_loop3A_786, %parallel_loop3A_787], %parallel_loop3A_783 {strides = array<i32>} : memref<2x16x128xi32, #tpu.memory_space<vmem>>, vector<16xi32>,
        %parallel_loop3A_789 = arith.constant 1 : i32
        %parallel_loop3A_790 = arith.index_cast %parallel_loop3A_789 : i32 to index
        %parallel_loop3A_791 = arith.index_cast %parallel_loop3A_439 : i32 to index
        %parallel_loop3A_792 = arith.constant 112 : index
        %parallel_loop3A_793 = tpu.vector_load %arg8[%parallel_loop3A_790, %parallel_loop3A_791, %parallel_loop3A_792] {strides = array<i32>} : memref<2x64x128xi32, #tpu.memory_space<vmem>>, vector<16xi32>,
        %parallel_loop3A_794 = vector.bitcast %parallel_loop3A_793 : vector<16xi32> to vector<32xbf16>
        %parallel_loop3A_795 = arith.mulf %parallel_loop3A_794, %parallel_loop3A_451 : vector<32xbf16>
        %parallel_loop3A_796 = arith.constant 1 : i32
        %parallel_loop3A_797 = arith.addi %parallel_loop3A_439, %parallel_loop3A_796 : i32
        %parallel_loop3A_798 = arith.constant 1 : i32
        %parallel_loop3A_799 = arith.index_cast %parallel_loop3A_798 : i32 to index
        %parallel_loop3A_800 = arith.index_cast %parallel_loop3A_797 : i32 to index
        %parallel_loop3A_801 = arith.constant 112 : index
        %parallel_loop3A_802 = tpu.vector_load %arg8[%parallel_loop3A_799, %parallel_loop3A_800, %parallel_loop3A_801] {strides = array<i32>} : memref<2x64x128xi32, #tpu.memory_space<vmem>>, vector<16xi32>,
        %parallel_loop3A_803 = vector.bitcast %parallel_loop3A_802 : vector<16xi32> to vector<32xbf16>
        %parallel_loop3A_804 = arith.mulf %parallel_loop3A_803, %parallel_loop3A_463 : vector<32xbf16>
        %parallel_loop3A_805 = arith.addf %parallel_loop3A_795, %parallel_loop3A_804 : vector<32xbf16>
        %parallel_loop3A_806 = arith.constant 2 : i32
        %parallel_loop3A_807 = arith.addi %parallel_loop3A_439, %parallel_loop3A_806 : i32
        %parallel_loop3A_808 = arith.constant 1 : i32
        %parallel_loop3A_809 = arith.index_cast %parallel_loop3A_808 : i32 to index
        %parallel_loop3A_810 = arith.index_cast %parallel_loop3A_807 : i32 to index
        %parallel_loop3A_811 = arith.constant 112 : index
        %parallel_loop3A_812 = tpu.vector_load %arg8[%parallel_loop3A_809, %parallel_loop3A_810, %parallel_loop3A_811] {strides = array<i32>} : memref<2x64x128xi32, #tpu.memory_space<vmem>>, vector<16xi32>,
        %parallel_loop3A_813 = vector.bitcast %parallel_loop3A_812 : vector<16xi32> to vector<32xbf16>
        %parallel_loop3A_814 = arith.mulf %parallel_loop3A_813, %parallel_loop3A_475 : vector<32xbf16>
        %parallel_loop3A_815 = arith.constant 3 : i32
        %parallel_loop3A_816 = arith.addi %parallel_loop3A_439, %parallel_loop3A_815 : i32
        %parallel_loop3A_817 = arith.constant 1 : i32
        %parallel_loop3A_818 = arith.index_cast %parallel_loop3A_817 : i32 to index
        %parallel_loop3A_819 = arith.index_cast %parallel_loop3A_816 : i32 to index
        %parallel_loop3A_820 = arith.constant 112 : index
        %parallel_loop3A_821 = tpu.vector_load %arg8[%parallel_loop3A_818, %parallel_loop3A_819, %parallel_loop3A_820] {strides = array<i32>} : memref<2x64x128xi32, #tpu.memory_space<vmem>>, vector<16xi32>,
        %parallel_loop3A_822 = vector.bitcast %parallel_loop3A_821 : vector<16xi32> to vector<32xbf16>
        %parallel_loop3A_823 = arith.mulf %parallel_loop3A_822, %parallel_loop3A_487 : vector<32xbf16>
        %parallel_loop3A_824 = arith.addf %parallel_loop3A_814, %parallel_loop3A_823 : vector<32xbf16>
        %parallel_loop3A_825 = arith.addf %parallel_loop3A_805, %parallel_loop3A_824 : vector<32xbf16>
        %parallel_loop3A_826 = vector.bitcast %parallel_loop3A_825 : vector<32xbf16> to vector<16xi32>
        %parallel_loop3A_827 = arith.constant 1 : i32
        %parallel_loop3A_828 = arith.index_cast %parallel_loop3A_827 : i32 to index
        %parallel_loop3A_829 = arith.index_cast %parallel_loop3A_437 : i32 to index
        %parallel_loop3A_830 = arith.constant 112 : index
        %parallel_loop3A_831 = tpu.vector_load %arg10[%parallel_loop3A_828, %parallel_loop3A_829, %parallel_loop3A_830] {strides = array<i32>} : memref<2x16x128xi32, #tpu.memory_space<vmem>>, vector<16xi32>,
        tpu.vector_store %arg10[%parallel_loop3A_828, %parallel_loop3A_829, %parallel_loop3A_830], %parallel_loop3A_826 {strides = array<i32>} : memref<2x16x128xi32, #tpu.memory_space<vmem>>, vector<16xi32>,
      } {sc.loop_unroll_factor = 2 : i64, sc.parallel_access}
      %mul3A_412 = arith.constant 98 : i32
      %mul3A_413 = arith.muli %add3A, %mul3A_412 : i32
      %add3A_414 = arith.addi %mul3A_413, %add3A_356 : i32
      %mul3A_415 = arith.constant 16 : i32
      %mul3A_416 = arith.muli %add3A_414, %mul3A_415 : i32
      %dma_start3A_417 = arith.constant 1 : i32
      %dma_start3A_418 = arith.constant 0 : i32
      %dma_start3A_419 = arith.constant 0 : i32
      %dma_start3A_420 = tpu.memref_slice %arg10[%dma_start3A_417, %dma_start3A_418, %dma_start3A_419] : memref<2x16x128xi32, #tpu.memory_space<vmem>> -> memref<1x16x128xi32, #tpu.memory_space<vmem>>
      %dma_start3A_421 = tpu.memref_squeeze %dma_start3A_420 : memref<1x16x128xi32, #tpu.memory_space<vmem>> -> memref<16x128xi32, #tpu.memory_space<vmem>>
      %dma_start3A_422 = arith.constant 0 : i32
      %dma_start3A_423 = tpu.memref_slice %arg5[%mul3A_416, %dma_start3A_422] : memref<50176x128xi32, #tpu.memory_space<hbm>> -> memref<16x128xi32, #tpu.memory_space<hbm>>
      %dma_start3A_424 = arith.constant 0 : i32
      %dma_start3A_425 = tpu.memref_slice %arg5[%mul3A_416, %dma_start3A_424] : memref<50176x128xi32, #tpu.memory_space<hbm>> -> memref<16x128xi32, #tpu.memory_space<hbm>>
      %dma_start3A_426 = arith.constant 0 : i32
      %dma_start3A_427 = arith.constant 0 : i32
      %dma_start3A_428 = tpu.memref_slice %arg10[%dma_start3A_417, %dma_start3A_426, %dma_start3A_427] : memref<2x16x128xi32, #tpu.memory_space<vmem>> -> memref<1x16x128xi32, #tpu.memory_space<vmem>>
      %dma_start3A_429 = tpu.memref_squeeze %dma_start3A_428 : memref<1x16x128xi32, #tpu.memory_space<vmem>> -> memref<16x128xi32, #tpu.memory_space<vmem>>
      tpu.enqueue_dma source(%dma_start3A_429 : memref<16x128xi32, #tpu.memory_space<vmem>>) target(%dma_start3A_425 : memref<16x128xi32, #tpu.memory_space<hbm>>) target_semaphore(%arg18 : memref<!tpu.dma_semaphore, #tpu.memory_space<semaphore_mem>>)
      %add3A_430 = arith.constant 2 : i32
      %add3A_431 = arith.addi %add3A_356, %add3A_430 : i32
      %lt3A_432 = arith.constant 98 : i32
      %lt3A_433 = arith.cmpi slt, %add3A_431, %lt3A_432 : i32
      %convert_element_type3A_434 = arith.extui %lt3A_433 : i1 to i32
      %cond3A_435 = arith.constant 0 : i32
      %cond3A_436 = arith.cmpi ne, %convert_element_type3A_434, %cond3A_435 : i32
      scf.if %cond3A_436 {
        %add3A_437 = arith.constant 2 : i32
        %add3A_438 = arith.addi %add3A_356, %add3A_437 : i32
        %mul3A_439 = arith.constant 98 : i32
        %mul3A_440 = arith.muli %add3A, %mul3A_439 : i32
        %add3A_441 = arith.addi %mul3A_440, %add3A_438 : i32
        %dma_start3A_442 = arith.constant 1 : i32
        %dma_start3A_443 = arith.constant 0 : i32
        %dma_start3A_444 = arith.constant 0 : i32
        %dma_start3A_445 = tpu.memref_slice %arg9[%dma_start3A_442, %dma_start3A_443, %dma_start3A_444] : memref<2x4x16xi32, #tpu.memory_space<vmem>> -> memref<1x4x16xi32, #tpu.memory_space<vmem>>
        %dma_start3A_446 = tpu.memref_squeeze %dma_start3A_445 : memref<1x4x16xi32, #tpu.memory_space<vmem>> -> memref<4x16xi32, #tpu.memory_space<vmem>>
        %dma_start3A_447 = arith.constant 0 : i32
        %dma_start3A_448 = arith.constant 0 : i32
        %dma_start3A_449 = tpu.memref_slice %arg4[%add3A_441, %dma_start3A_447, %dma_start3A_448] : memref<3136x4x16xi32, #tpu.memory_space<hbm>> -> memref<1x4x16xi32, #tpu.memory_space<hbm>>
        %dma_start3A_450 = tpu.memref_squeeze %dma_start3A_449 : memref<1x4x16xi32, #tpu.memory_space<hbm>> -> memref<4x16xi32, #tpu.memory_space<hbm>>
        %dma_start3A_451 = arith.constant 0 : i32
        %dma_start3A_452 = arith.constant 0 : i32
        %dma_start3A_453 = tpu.memref_slice %arg9[%dma_start3A_442, %dma_start3A_451, %dma_start3A_452] : memref<2x4x16xi32, #tpu.memory_space<vmem>> -> memref<1x4x16xi32, #tpu.memory_space<vmem>>
        %dma_start3A_454 = tpu.memref_squeeze %dma_start3A_453 : memref<1x4x16xi32, #tpu.memory_space<vmem>> -> memref<4x16xi32, #tpu.memory_space<vmem>>
        %dma_start3A_455 = arith.constant 0 : i32
        %dma_start3A_456 = arith.constant 0 : i32
        %dma_start3A_457 = tpu.memref_slice %arg4[%add3A_441, %dma_start3A_455, %dma_start3A_456] : memref<3136x4x16xi32, #tpu.memory_space<hbm>> -> memref<1x4x16xi32, #tpu.memory_space<hbm>>
        %dma_start3A_458 = tpu.memref_squeeze %dma_start3A_457 : memref<1x4x16xi32, #tpu.memory_space<hbm>> -> memref<4x16xi32, #tpu.memory_space<hbm>>
        tpu.enqueue_dma source(%dma_start3A_458 : memref<4x16xi32, #tpu.memory_space<hbm>>) target(%dma_start3A_454 : memref<4x16xi32, #tpu.memory_space<vmem>>) target_semaphore(%arg14 : memref<!tpu.dma_semaphore, #tpu.memory_space<semaphore_mem>>)
      } else {
      }
    }
    %scan3A_158 = arith.constant 49 : i32
    %mul3A_159 = arith.constant 98 : i32
    %mul3A_160 = arith.muli %add3A, %mul3A_159 : i32
    %add3A_161 = arith.constant 0 : i32
    %add3A_162 = arith.addi %mul3A_160, %add3A_161 : i32
    %mul3A_163 = arith.constant 16 : i32
    %mul3A_164 = arith.muli %add3A_162, %mul3A_163 : i32
    %dma_wait3A_165 = arith.constant 0 : i32
    %dma_wait3A_166 = arith.constant 0 : i32
    %dma_wait3A_167 = arith.constant 0 : i32
    %dma_wait3A_168 = tpu.memref_slice %arg10[%dma_wait3A_165, %dma_wait3A_166, %dma_wait3A_167] : memref<2x16x128xi32, #tpu.memory_space<vmem>> -> memref<1x16x128xi32, #tpu.memory_space<vmem>>
    %dma_wait3A_169 = tpu.memref_squeeze %dma_wait3A_168 : memref<1x16x128xi32, #tpu.memory_space<vmem>> -> memref<16x128xi32, #tpu.memory_space<vmem>>
    %dma_wait3A_170 = arith.constant 0 : i32
    %dma_wait3A_171 = tpu.memref_slice %arg5[%mul3A_164, %dma_wait3A_170] : memref<50176x128xi32, #tpu.memory_space<hbm>> -> memref<16x128xi32, #tpu.memory_space<hbm>>
    %dma_wait3A_172 = arith.constant 0 : i32
    %dma_wait3A_173 = tpu.memref_slice %arg5[%mul3A_164, %dma_wait3A_172] : memref<50176x128xi32, #tpu.memory_space<hbm>> -> memref<16x128xi32, #tpu.memory_space<hbm>>
    %dma_wait3A_174 = arith.constant 0 : i32
    %dma_wait3A_175 = arith.constant 0 : i32
    %dma_wait3A_176 = tpu.memref_slice %arg10[%dma_wait3A_165, %dma_wait3A_174, %dma_wait3A_175] : memref<2x16x128xi32, #tpu.memory_space<vmem>> -> memref<1x16x128xi32, #tpu.memory_space<vmem>>
    %dma_wait3A_177 = tpu.memref_squeeze %dma_wait3A_176 : memref<1x16x128xi32, #tpu.memory_space<vmem>> -> memref<16x128xi32, #tpu.memory_space<vmem>>
    tpu.wait_dma2 semaphore(%arg17 : memref<!tpu.dma_semaphore, #tpu.memory_space<semaphore_mem>>) src(%dma_wait3A_177 : memref<16x128xi32, #tpu.memory_space<vmem>>) dst(%dma_wait3A_173 : memref<16x128xi32, #tpu.memory_space<hbm>>)
    %mul3A_178 = arith.constant 98 : i32
    %mul3A_179 = arith.muli %add3A, %mul3A_178 : i32
    %add3A_180 = arith.constant 0 : i32
    %add3A_181 = arith.addi %mul3A_179, %add3A_180 : i32
    %mul3A_182 = arith.constant 16 : i32
    %mul3A_183 = arith.muli %add3A_181, %mul3A_182 : i32
    %dma_wait3A_184 = arith.constant 1 : i32
    %dma_wait3A_185 = arith.constant 0 : i32
    %dma_wait3A_186 = arith.constant 0 : i32
    %dma_wait3A_187 = tpu.memref_slice %arg10[%dma_wait3A_184, %dma_wait3A_185, %dma_wait3A_186] : memref<2x16x128xi32, #tpu.memory_space<vmem>> -> memref<1x16x128xi32, #tpu.memory_space<vmem>>
    %dma_wait3A_188 = tpu.memref_squeeze %dma_wait3A_187 : memref<1x16x128xi32, #tpu.memory_space<vmem>> -> memref<16x128xi32, #tpu.memory_space<vmem>>
    %dma_wait3A_189 = arith.constant 0 : i32
    %dma_wait3A_190 = tpu.memref_slice %arg5[%mul3A_183, %dma_wait3A_189] : memref<50176x128xi32, #tpu.memory_space<hbm>> -> memref<16x128xi32, #tpu.memory_space<hbm>>
    %dma_wait3A_191 = arith.constant 0 : i32
    %dma_wait3A_192 = tpu.memref_slice %arg5[%mul3A_183, %dma_wait3A_191] : memref<50176x128xi32, #tpu.memory_space<hbm>> -> memref<16x128xi32, #tpu.memory_space<hbm>>
    %dma_wait3A_193 = arith.constant 0 : i32
    %dma_wait3A_194 = arith.constant 0 : i32
    %dma_wait3A_195 = tpu.memref_slice %arg10[%dma_wait3A_184, %dma_wait3A_193, %dma_wait3A_194] : memref<2x16x128xi32, #tpu.memory_space<vmem>> -> memref<1x16x128xi32, #tpu.memory_space<vmem>>
    %dma_wait3A_196 = tpu.memref_squeeze %dma_wait3A_195 : memref<1x16x128xi32, #tpu.memory_space<vmem>> -> memref<16x128xi32, #tpu.memory_space<vmem>>
    tpu.wait_dma2 semaphore(%arg18 : memref<!tpu.dma_semaphore, #tpu.memory_space<semaphore_mem>>) src(%dma_wait3A_196 : memref<16x128xi32, #tpu.memory_space<vmem>>) dst(%dma_wait3A_192 : memref<16x128xi32, #tpu.memory_space<hbm>>)
    return
  }
}

</mosaic_0001>

<sc_bundles>
// kernel: kernel.4.cloned.1.call-start
scs
__scs_entry_jumppad:
0x0: {  	(pc) =	sbr.rel $0x88, $3  }
0x1: {  	(tag) =	ssettag $0x0;
	lr =	simm.s32 $0x1  }
0x2: {  	[smem:$0x3F9F] =	sst lr;
	_ =	strace $0xD0000000  }
0x3: {  	_ = 	snop  }
0x4: {  	_ = 	snop  }
0x5: {  	_ = 	snop  }
0x6: {  	_ = 	snop  }
0x7: {  	_ = 	snop  }
__scs_overlays_trampoline_lowered:
0x8: {  	[smem:$0x3FAE] =	sst s0  }
0x9: {  	[smem:$0x3FAF] =	sst s1  }
0xa: {  	[smem:$0x3FB0] =	sst s2  }
0xb: {  	[smem:$0x3FB1] =	sst s3  }
0xc: {  	[smem:$0x3FB2] =	sst s4  }
0xd: {  	[smem:$0x3FB3] =	sst s5  }
0xe: {  	[smem:$0x3FB4] =	sst s6  }
0xf: {  	[smem:$0x3FB5] =	sst s7  }
0x10: {  	[smem:$0x3FB6] =	sst s8  }
0x11: {  	[smem:$0x3FB7] =	sst s9;
	s0 =	simm.s32 @!p0 $0x0  }
0x12: {  	s1 =	sld [smem:$0x3F9D];
	s0 =	simm.s32 @p0 $0x1  }
0x13: {  	[smem:$0x3FB8] =	sst s0;
	s0 =	simm.s32 @!p1 $0x0  }
0x14: {  	s2 =	sld [smem:$0x3F9C];
	s0 =	simm.s32 @p1 $0x1  }
0x15: {  	[smem:$0x3FB9] =	sst s0;
	s0 =	simm.s32 @!p2 $0x0  }
0x16: {  	s3 =	sld [smem:$0x3FDB];
	s0 =	simm.s32 @p2 $0x1  }
0x17: {  	s4 =	simm.s32 $0x1BF5;
	[smem:$0x3FBB] =	sst s0  }
0x18: {  	s0 =	sld [smem:$0x3F9E];
	_ =	swait.ge [sflag:s4], $0x0  }
0x19: {  	s7 =	sld [smem:$0x3F9F]  }
0x1a: {  	s8 =	sadd.s32 $0xFFFFE003, lr  }
0x1b: {  	s9 =	sadd.s32 $0xFFFFFEF7, lr;
	s5 =	simm.s32 $0xFFFFFFFF;
	p2 =	slt.u32 s8, $0xFFFFF086  }
0x1c: {  	p1 =	slt.u32 s9, $0xF7A;
	s5 =	simm.s32 @!p2 $0x0  }
0x1d: {  	s5 =	simm.s32 @p1 $0x1;
	p0 =	seq.s32 s7, s2  }
0x1e: {  	s7 =	smul.u32 @!p0 $0xF7A, s2;
	p2 =	seq.s32 @!p0 s5, $0x0  }
0x1f: {  	s9 =	smul.u32 $0xF7A, s1;
	s8 =	simm.s32 @!p0 $0x1BF5;
	p2 =	por !p2, p0  }
0x20: {  	[sflag:s8] =	ssyncset.s32 @!p0 $0xFFFFF086;
	s6 =	sadd.s32 @!p0 s3, s7;
	s7 =	simm.s32 @!p0 $0x108  }
0x21: {  	s3 =	sadd.s32 s3, s9;
	s6 =	sadd.s32 @!p0 $0x88, s6;
	s7 =	simm.s32 @p2 $0x1082  }
0x22: {  	[simem:s7], [sflag:s8] =	dma.local @!p0 [hbm:s6], $0xF7A  }
0x23: {  	s9 =	sor.u32 $0xD0000000, s2;
	s6 =	simm.s32 $0x108;
	_ =	swait.ge @!p0 [sflag:s8], $0x0  }
0x24: {  	s3 =	sadd.s32 $0x88, s3;
	s6 =	simm.s32 @!p1 $0x1082;
	[sflag:s4] =	ssyncset.s32 $0xFFFFF086  }
0x25: {  	[simem:s6], [sflag:s4] =	dma.local [hbm:s3], $0xF7A  }
0x26: {  	[smem:$0x3F9F] =	sst s1;
	(tag) =	ssettag s2;
	_ =	strace s9  }
0x27: {  	s1 =	sld [smem:$0x3FAF]  }
0x28: {  	s2 =	sld [smem:$0x3FB0]  }
0x29: {  	s4 =	sld [smem:$0x3FB2]  }
0x2a: {  	p0 =	seq.s32 s5, $0x0;
	s5 =	sld [smem:$0x3FB3]  }
0x2b: {  	s6 =	sld [smem:$0x3FB4]  }
0x2c: {  	s7 =	sld [smem:$0x3FB5]  }
0x2d: {  	s3 =	simm.s32 $0x108;
	s8 =	sld [smem:$0x3FB6]  }
0x2e: {  	s3 =	simm.s32 @!p0 $0x1082;
	s9 =	sld [smem:$0x3FB7]  }
0x2f: {  	lr =	sadd.s32 s0, s3;
	s0 =	sld [smem:$0x3FAE]  }
0x30: {  	s3 =	sld [smem:$0x3FB1]  }
0x31: {  	[smem:$0x3FBA] =	sst s10  }
0x32: {  	s10 =	sld [smem:$0x3FB8];
	_ =	sdelay $0x3  }
0x33: {  	p0 =	seq.s32 s10, $0x1;
	s10 =	sld [smem:$0x3FBA];
	_ =	sdelay $0x3  }
0x34: {  	[smem:$0x3FBA] =	sst s10  }
0x35: {  	s10 =	sld [smem:$0x3FB9];
	_ =	sdelay $0x3  }
0x36: {  	p1 =	seq.s32 s10, $0x1;
	s10 =	sld [smem:$0x3FBA];
	_ =	sdelay $0x3  }
0x37: {  	[smem:$0x3FBA] =	sst s10  }
0x38: {  	s10 =	sld [smem:$0x3FBB]  }
0x39: {  	_ = 	snop;
	(pc) =	sbr.ind lr, $3  }
0x3a: {  	_ = 	snop  }
0x3b: {  	_ = 	snop  }
0x3c: {  	p2 =	seq.s32 s10, $0x1;
	s10 =	sld [smem:$0x3FBA]  }
0x3d: {  	_ =	shalt  }
0x3e: {  	_ =	shalt  }
0x3f: {  	_ =	shalt  }
0x40: {  	_ =	shalt  }
0x41: {  	_ =	shalt  }
0x42: {  	_ =	shalt  }
0x43: {  	_ =	shalt  }
0x44: {  	_ =	shalt  }
0x45: {  	_ =	shalt  }
0x46: {  	_ =	shalt  }
0x47: {  	_ =	shalt  }
0x48: {  	_ =	shalt  }
0x49: {  	_ =	shalt  }
0x4a: {  	_ =	shalt  }
0x4b: {  	_ =	shalt  }
0x4c: {  	_ =	shalt  }
0x4d: {  	_ =	shalt  }
0x4e: {  	_ =	shalt  }
0x4f: {  	_ =	shalt  }
0x50: {  	_ =	shalt  }
0x51: {  	_ =	shalt  }
0x52: {  	_ =	shalt  }
0x53: {  	_ =	shalt  }
0x54: {  	_ =	shalt  }
0x55: {  	_ =	shalt  }
0x56: {  	_ =	shalt  }
0x57: {  	_ =	shalt  }
0x58: {  	_ =	shalt  }
0x59: {  	_ =	shalt  }
0x5a: {  	_ =	shalt  }
0x5b: {  	_ =	shalt  }
0x5c: {  	_ =	shalt  }
0x5d: {  	_ =	shalt  }
0x5e: {  	_ =	shalt  }
0x5f: {  	_ =	shalt  }
0x60: {  	_ =	shalt  }
0x61: {  	_ =	shalt  }
0x62: {  	_ =	shalt  }
0x63: {  	_ =	shalt  }
0x64: {  	_ =	shalt  }
0x65: {  	_ =	shalt  }
0x66: {  	_ =	shalt  }
0x67: {  	_ =	shalt  }
0x68: {  	_ =	shalt  }
0x69: {  	_ =	shalt  }
0x6a: {  	_ =	shalt  }
0x6b: {  	_ =	shalt  }
0x6c: {  	_ =	shalt  }
0x6d: {  	_ =	shalt  }
0x6e: {  	_ =	shalt  }
0x6f: {  	_ =	shalt  }
0x70: {  	_ =	shalt  }
0x71: {  	_ =	shalt  }
0x72: {  	_ =	shalt  }
0x73: {  	_ =	shalt  }
0x74: {  	_ =	shalt  }
0x75: {  	_ =	shalt  }
0x76: {  	_ =	shalt  }
0x77: {  	_ =	shalt  }
0x78: {  	_ =	shalt  }
0x79: {  	_ =	shalt  }
0x7a: {  	_ =	shalt  }
0x7b: {  	_ =	shalt  }
0x7c: {  	_ =	shalt  }
0x7d: {  	_ =	shalt  }
0x7e: {  	_ =	shalt  }
0x7f: {  	_ =	shalt  }
0x80: {  	_ =	shalt  }
0x81: {  	_ =	shalt  }
0x82: {  	_ =	shalt  }
0x83: {  	_ =	shalt  }
0x84: {  	_ =	shalt  }
0x85: {  	_ =	shalt  }
0x86: {  	_ =	shalt  }
0x87: {  	_ =	shalt  }
.Lfunc_end0:
.L_simem_size_0:
called_computation.1_lowered:
.L_overlay_start_0:
0x88: {  	s2 =	sld [smem:$0x3FD9]  }
0x89: {  	s3 =	sld [smem:$0x3FFE];
	_ =	sdelay $0x1  }
0x8a: {  	s1 =	srdreg.scid  }
0x8b: {  	s0 =	sand.u32 $0x1, s1  }
0x8c: {  	s17 =	sshll.u32 s0, $0xA;
	s2 =	sadd.s32 s3, s2  }
0x8d: {  	s2 =	sadd.s32 s2, s17  }
0x8e: {  	[smem:$0x3FC6] =	sst s2  }
0x8f: {  	_ = 	snop  }
0x90: {  	(tm) =	ssettm $0x1  }
0x91: {  	s18 =	sld [smem:$0x3FFB];
	_ =	sdelay $0x3  }
0x92: {  	_ =	strace s18  }
0x93: {  	s2 =	sld [smem:$0x3FFC];
	_ =	sdelay $0x3  }
0x94: {  	_ =	strace s2  }
0x95: {  	s2 =	sld [smem:$0x3FFD];
	_ =	sdelay $0x3  }
0x96: {  	_ =	strace s2  }
0x97: {  	_ =	strace $0x8FFFFFFF  }
0x98: {  	s19 =	sld [smem:$0x3FDB];
	_ =	sdelay $0x1  }
0x99: {  	s20 =	simm.s32 $_scs_section_size  }
0x9a: {  	s4 =	simm.s32 $_size__tile_overlayer_lowered;
	s5 =	simm.s32 $_tile_overlayer_lowered  }
0x9b: {  	s6 =	simm.s32 $0x1BFF;
	s21 =	sshll.u32 s5, $0x1;
	s3 =	sadd.s32 s20, s19  }
0x9c: {  	s22 =	simm.s32 $0x0;
	s4 =	sshll.u32 s4, $0x1;
	s5 =	sadd.s32 s21, s3  }
0x9d: {  	[timem:s22], [sflag:s6] =	dma.local [hbm:s5], s4  }
0x9e: {  	_ =	swait.ge [sflag:s6], s4  }
0x9f: {  	s4 =	ssub.s32 $0x0, s4;
	[sflag:s6] =	ssyncset.done $0x0  }
0xa0: {  	[sflag:s6] =	ssyncadd.s32 s4;
	_ =	sdelay $0x1  }
0xa1: {  	s23 =	simm.s32 $0x1B8B  }
0xa2: {  	_ =	swait.ge [sflag:s23], $0x1  }
0xa3: {  	[sflag:s23] =	ssyncset.done $0x0  }
0xa4: {  	[sflag:s23] =	ssyncadd.s32 $0xFFFFFFFF  }
0xa5: {  	s4 =	sld [smem:$0x0]  }
0xa6: {  	s5 =	sand.u32 $0xFFFFFFFE, s1  }
0xa7: {  	p0 =	sne.s32 s1, s5  }
0xa8: {  	s5 =	sshll.u32 @p0 s5, $0xE  }
0xa9: {  	s5 =	sadd.s32 @p0 $0x11B8D, s5;
	s6 =	sshll.u32 @p0 s4, $0x11  }
0xaa: {  	s5 =	sor.u32 @p0 s6, s5  }
0xab: {  	[sflag:s5] =	ssyncadd.remote.s32 @p0 $0x1;
	_ =	sdelay $0x1  }
0xac: {  	s5 =	simm.s32 @p0 $0x1B8D  }
0xad: {  	_ =	swait.eq @p0 [sflag:s5], $0x1  }
0xae: {  	[sflag:s5] =	ssyncadd.s32 @p0 $0xFFFFFFFF  }
0xaf: {  	s6 =	sshll.u32 @!p0 s1, $0xE  }
0xb0: {  	s6 =	sor.u32 @!p0 $0x4000, s6;
	s5 =	simm.s32 @!p0 $0x1B8D  }
0xb1: {  	s4 =	sshll.u32 @!p0 s4, $0x11;
	s6 =	sadd.s32 @!p0 $0x11B8D, s6;
	_ =	swait.eq @!p0 [sflag:s5], $0x1  }
0xb2: {  	s4 =	sor.u32 @!p0 s4, s6;
	[sflag:s5] =	ssyncadd.s32 @!p0 $0xFFFFFFFF  }
0xb3: {  	s25 =	simm.s32 $0x1B8E;
	s24 =	sld [smem:$0x3FFE];
	[sflag:s4] =	ssyncadd.remote.s32 @!p0 $0x1  }
0xb4: {  	s26 =	simm.s32 $execute0_lowered;
	[smem:$0x3FD2] =	sst s25  }
0xb5: {  	s5 =	sshll.u32 s26, $0x1;
	_ =	strace $0x80000049;
	[dreg:$0x1] =	wrdreg $0xFFFFFFFF  }
0xb6: {  	s28 =	simm.s32 $_size_execute0_lowered;
	s3 =	sadd.s32 s3, s5;
	[dreg:$0x0] =	wrdreg $0x0  }
0xb7: {  	s5 =	sshll.u32 s28, $0x1;
	[dreg:$0x2] =	wrdreg s3  }
0xb8: {  	[dreg:$0x3] =	wrdreg s5  }
0xb9: {  	[dreg:$0x4] =	wrdreg $0xC0  }
0xba: {  	_ =	task [dreg:s22], $0x5FFFF  }
0xbb: {  	[dreg:$0x1] =	wrdreg $0xFFFFFFFF  }
0xbc: {  	[dreg:$0x0] =	wrdreg $0x60  }
0xbd: {  	[dreg:$0x2] =	wrdreg s24  }
0xbe: {  	[dreg:$0x3] =	wrdreg $0x9  }
0xbf: {  	_ =	task.clear_ibuf [dreg:s22], $0x4FFFF;
	_ =	strace $0x90000049  }
0xc0: {  	s29 =	simm.s32 $0x9;
	_ =	strace $0x8000004B  }
0xc1: {  	_ =	swait.ge [sflag:s29], $0x1  }
0xc2: {  	[sflag:s29] =	ssyncadd.s32 $0xFFFFFFFF  }
0xc3: {  	_ =	strace $0x9000004B  }
0xc4: {  	_ =	sfence  }
0xc5: {  	s30 =	sld [smem:$0x0];
	_ =	sdelay $0x2  }
0xc6: {  	s31 =	sshll.u32 s1, $0xD;
	s1 =	sshrl.u32 s1, $0x2  }
0xc7: {  	s4 =	sand.u32 $0x4000, s31;
	s1 =	sadd.s32 s1, s30  }
0xc8: {  	s0 =	sor.u32 s4, s0;
	s1 =	sshll.u32 s1, $0x11  }
0xc9: {  	s0 =	sor.u32 s1, s0  }
0xca: {  	s0 =	sadd.s32 $0x8F2B, s0  }
0xcb: {  	[sflag:s0] =	ssyncadd.remote.s32 $0x1  }
0xcc: {  	_ =	sfence.sel $0xFFFF  }
0xcd: {  	[dreg:$0x0] =	wrdreg $0xFFFFFFFF;
	(pc) =	sbr.abs _section_cstart, $3  }
0xce: {  	[dreg:$0x1] =	wrdreg $0xFFFFFFFF  }
0xcf: {  	_ =	task.clear_ibuf [dreg:s22], $0x2FFFF;
	_ =	strace $0x9FFFFFFF  }
0xd0: {  	(tm) =	ssettm $0x7FFFFFFF  }
0xd1: {  	_ =	shalt  }
tec
execute0_lowered:
.L_overlay_start_1:
0x0: {  	(tag) =	ssettag $0x1  }
0x1: {  	s0 =	rddreg [dreg:$0x0];
	s2 =	simm.s32 $0x0  }
0x2: {  	s1 =	srdreg.scid;
	s3 =	stileid.u32;
	s14 =	simm.s32 $0x4200  }
0x3: {  	s16 =	simm.s32 $0x4400;
	s17 =	simm.s32 $0x1;
	s18 =	simm.s32 $0x100  }
0x4: {  	s19 =	simm.s32 $0x40;
	s21 =	simm.s32 $0x5;
	s28 =	simm.s32 $0x6  }
0x5: {  	s29 =	simm.s32 $0x4;
	s30 =	simm.s32 $0x8;
	s31 =	simm.s32 $0x4E00  }
0x6: {  	[smem:$0x7FF] =	sst s2;
	s1 =	sand.u32 $0x1, s1;
	s4 =	sshll.u32 s3, $0x1  }
0x7: {  	s3 =	sadd.s32 $0xA5C00, s0;
	s5 =	sadd.s32 $0x74C00, s0;
	s8 =	sor.u32 s1, s4  }
0x8: {  	s7 =	sadd.s32 $0x1DE400, s0;
	s22 =	ssub.s32 $0x2, s1;
	s6 =	smul.u32 $0x62, s8  }
0x9: {  	_ =	strace $0x8000004A;
	s23 =	smul.u32 $0xC4, s8;
	s9 =	sshrl.u32 s22, $0x1  }
0xa: {  	s4 =	sadd.s32 $0x2200, s0;
	s10 =	smul.u32 $0x1880, s8;
	s0 =	ssub.s32 s22, s9  }
0xb: {  	s22 =	simm.s32 $0x2;
	s8 =	sor.u32 $0x1, s6;
	s1 =	sadd.s32 s4, s23  }
.Ltmp0:
0xc: {  	s25 =	sadd.s32 s5, s10;
	[dreg:$0x2] =	wrdreg s1;
	(pc) =	sbr.rel .LBB2_1-.Ltmp0, $4  }
0xd: {  	v0 =	vlaneseq.u32;
	s0 =	smax.u32 s0, $0x1;
	s24 =	sshll.u32 s8, $0x1;
	[dreg:$0x3] =	wrdreg s25  }
0xe: {  	v0 =	vmul.u32 $0x4, v0;
	s26 =	sshll.u32 s8, $0x6;
	[dreg:$0x6] =	wrdreg s0;
	s1 =	sadd.s32 s4, s24  }
0xf: {  	s23 =	simm.s32 $0x180;
	[dreg:$0x4] =	wrdreg s1;
	s1 =	sadd.s32 s5, s26  }
0x10: {  	v1 =	vor.u32 $0x1, v0;
	v2 =	vor.u32 $0x2, v0;
	v3 =	vor.u32 $0x3, v0;
	s25 =	simm.s32 $0x3;
	[dreg:$0x5] =	wrdreg s1;
	s1 =	simm.s32 $0x0  }
.LBB2_12:
0x11: {  	s0 =	simm.s32 $0x7  }
0x12: {  	_ =	swait.ge [sflag:s0], $0x800  }
0x13: {  	[sflag:s0] =	ssyncset.done $0x0  }
0x14: {  	[sflag:s0] =	ssyncadd.s32 $0xFFFFF800  }
0x15: {  	_ =	swait.ge [sflag:s30], $0x800  }
0x16: {  	s1 =	rddreg [dreg:$0x7]  }
0x17: {  	s26 =	rddreg [dreg:$0x6];
	s1 =	sadd.s32 $0x1, s1  }
0x18: {  	p0 =	sne.s32 s1, s26  }
.Ltmp1:
0x19: {  	_ = 	snop;
	(pc) =	sbr.rel @!p0 .LBB2_13-.Ltmp1, $3  }
0x1a: {  	_ =	sdelay $0x1  }
0x1b: {  	[sflag:s30] =	ssyncset.done $0x0  }
0x1c: {  	[sflag:s30] =	ssyncadd.s32 $0xFFFFF800  }
.LBB2_1:
0x1d: {  	[dreg:$0x7] =	wrdreg s1  }
0x1e: {  	s0 =	rddreg [dreg:$0x2]  }
0x1f: {  	[tilespmem:s2], [sflag:$0x1] =	stream.linear.gather [hbm4b:s0+s2], $0x10, $0x38;
	[tilespmem:$0x5600] =	vst v63  }
0x20: {  	s13 =	rddreg [dreg:$0x3]  }
0x21: {  	[tilespmem:s14], [sflag:$0x3] =	stream.linear.gather [hbm4b:s13+s2], $0x200, $0x38;
	[tilespmem:$0x5600] =	vst v63  }
0x22: {  	s15 =	rddreg [dreg:$0x4];
	s20 =	simm.s32 $0x80  }
0x23: {  	[tilespmem:s20], [sflag:$0x2] =	stream.linear.gather [hbm4b:s15+s2], $0x10, $0x38;
	[tilespmem:$0x5600] =	vst v63  }
0x24: {  	s24 =	rddreg [dreg:$0x5]  }
0x25: {  	[tilespmem:s16], [sflag:$0x4] =	stream.linear.gather [hbm4b:s24+s2], $0x200, $0x38;
	[tilespmem:$0x5600] =	vst v63  }
0x26: {  	_ =	swait.ge [sflag:s17], $0x10  }
0x27: {  	[sflag:s17] =	ssyncset.done $0x0  }
0x28: {  	[sflag:s17] =	ssyncadd.s32 $0xFFFFFFF0  }
0x29: {  	v4 =	vld [tilespmem:$0x0];
	_ =	sdelay $0x4  }
0x2a: {  	[tilespmem:v0+s18+$0x0] =	vst.idx.msk $0xffff, v4;
	v5 =	vadd.s32 $0x1, v4  }
0x2b: {  	[tilespmem:v1+s18+$0x0] =	vst.idx.msk $0xffff, v5;
	v5 =	vadd.s32 $0xC8, v4  }
0x2c: {  	v4 =	vadd.s32 $0xC9, v4;
	[tilespmem:v2+s18+$0x0] =	vst.idx.msk $0xffff, v5  }
0x2d: {  	s26 =	simm.s32 $0x200;
	s9 =	simm.s32 $0x0;
	[tilespmem:v3+s18+$0x0] =	vst.idx.msk $0xffff, v4  }
0x2e: {  	[tilespmem:s26], [sflag:$0x5] =	stream.indirect.gather [hbm4b:s3+s19], $0x80, s18, s19, $0xb8;
	[tilespmem:$0x5600] =	vst v63  }
.LBB2_2:
0x2f: {  	s10 =	sshll.u32 s9, $0x1  }
0x30: {  	p0 =	seq.s32 s9, $0x30;
	s0 =	sadd.s32 $0x2, s10  }
0x31: {  	s11 =	sadd.s32 @!p0 s6, s0  }
0x32: {  	_ =	swait.ge [sflag:s21], $0x2000;
	s0 =	sshll.u32 @!p0 s11, $0x1  }
0x33: {  	[sflag:s21] =	ssyncset.done $0x0;
	s0 =	sand.u32 @!p0 $0x1FFFFFFC, s0  }
0x34: {  	s1 =	simm.s32 @!p0 $0x0;
	[sflag:s21] =	ssyncadd.s32 $0xFFFFE000;
	s0 =	sadd.s32 @!p0 s4, s0  }
0x35: {  	[tilespmem:s1], [sflag:$0x1] =	stream.linear.gather @!p0 [hbm4b:s0+s1], $0x10, $0x38;
	[tilespmem:$0x5600] =	vst v63  }
0x36: {  	_ =	swait.ge [sflag:s22], $0x10  }
0x37: {  	[sflag:s22] =	ssyncset.done $0x0  }
0x38: {  	[sflag:s22] =	ssyncadd.s32 $0xFFFFFFF0  }
0x39: {  	v4 =	vld [tilespmem:$0x80];
	_ =	sdelay $0x4  }
0x3a: {  	[tilespmem:v0+s23+$0x0] =	vst.idx.msk $0xffff, v4;
	v5 =	vadd.s32 $0x1, v4  }
0x3b: {  	[tilespmem:v1+s23+$0x0] =	vst.idx.msk $0xffff, v5;
	v5 =	vadd.s32 $0xC8, v4  }
0x3c: {  	v4 =	vadd.s32 $0xC9, v4;
	[tilespmem:v2+s23+$0x0] =	vst.idx.msk $0xffff, v5  }
0x3d: {  	s12 =	simm.s32 $0x2200;
	[tilespmem:v3+s23+$0x0] =	vst.idx.msk $0xffff, v4  }
0x3e: {  	[tilespmem:s12], [sflag:$0x6] =	stream.indirect.gather [hbm4b:s3+s19], $0x80, s23, s19, $0xb8;
	[tilespmem:$0x5600] =	vst v63  }
0x3f: {  	_ =	swait.ge [sflag:s25], $0x200  }
0x40: {  	p1 =	seq.s32 s9, $0x0;
	[sflag:s25] =	ssyncset.done $0x0  }
0x41: {  	s0 =	simm.s32 @!p1 $0x7;
	[sflag:s25] =	ssyncadd.s32 $0xFFFFFE00  }
0x42: {  	s13 =	simm.s32 $0x1;
	_ =	swait.ge @!p1 [sflag:s0], $0x800  }
0x43: {  	v4 =	vmov s13;
	[sflag:s0] =	ssyncset.done @!p1 $0x0  }
0x44: {  	s13 =	simm.s32 $0x400;
	v5 =	vor.u32 $0x80, v4;
	[sflag:s0] =	ssyncadd.s32 @!p1 $0xFFFFF800  }
0x45: {  	v6 =	vor.u32 $0x100, v4;
	v7 =	vld [tilespmem:s13+$0x0]  }
0x46: {  	v8 =	vor.u32 $0x180, v4;
	v9 =	vld [tilespmem:s13+$0x80]  }
0x47: {  	v10 =	vld [tilespmem:s13+$0x100]  }
0x48: {  	v23 =	vld.idx.msk [tilespmem:v4+s14+$0x0], $0xffff  }
0x49: {  	v24 =	vld.idx.msk [tilespmem:v5+s14+$0x0], $0xffff  }
0x4a: {  	s15 =	simm.s32 $0x0;
	v25 =	vld.idx.msk [tilespmem:v6+s14+$0x0], $0xffff  }
0x4b: {  	v4 =	vmov s15;
	v26 =	vld.idx.msk [tilespmem:v8+s14+$0x0], $0xffff  }
0x4c: {  	v8 =	vld [tilespmem:s13+$0x180];
	v5 =	vor.u32 $0x80, v4  }
0x4d: {  	v11 =	vor.u32 $0x100, v4  }
0x4e: {  	v12 =	vor.u32 $0x180, v4;
	_ =	sdelay $0x1  }
0x4f: {  	v6 =	vld.idx.msk [tilespmem:v4+s14+$0x0], $0xffff;
	v13 =	vmul.bf16 v23, v7;
	v9 =	vmul.bf16 v24, v9  }
0x50: {  	v10 =	vmul.bf16 v25, v10;
	v8 =	vmul.bf16 v26, v8;
	v7 =	vld.idx.msk [tilespmem:v5+s14+$0x0], $0xffff  }
0x51: {  	v4 =	vld.idx.msk [tilespmem:v11+s14+$0x0], $0xffff  }
0x52: {  	v5 =	vld.idx.msk [tilespmem:v12+s14+$0x0], $0xffff;
	v9 =	vadd.bf16 v9, v13;
	v8 =	vadd.bf16 v8, v10  }
0x53: {  	v11 =	vld [tilespmem:s13+$0xFFFFFE80]  }
0x54: {  	v12 =	vld [tilespmem:s13+$0xFFFFFF80];
	v8 =	vadd.bf16 v8, v9  }
0x55: {  	s12 =	simm.s32 $0x4680;
	v10 =	vld [tilespmem:s13+$0xFFFFFE00]  }
0x56: {  	v9 =	vld [tilespmem:s13+$0xFFFFFF00];
	[tilespmem:s12+$0x0] =	vst v8  }
0x57: {  	v8 =	vld [tilespmem:s13+$0x10]  }
0x58: {  	v13 =	vld [tilespmem:s13+$0x90]  }
0x59: {  	v14 =	vld [tilespmem:s13+$0x110]  }
0x5a: {  	v11 =	vmul.bf16 v7, v11;
	v12 =	vmul.bf16 v5, v12;
	v15 =	vld [tilespmem:s13+$0x190]  }
0x5b: {  	v10 =	vmul.bf16 v6, v10;
	v9 =	vmul.bf16 v4, v9;
	_ =	sdelay $0x1  }
0x5c: {  	v10 =	vadd.bf16 v11, v10;
	v9 =	vadd.bf16 v12, v9  }
0x5d: {  	v8 =	vmul.bf16 v23, v8;
	v11 =	vmul.bf16 v24, v13  }
0x5e: {  	v12 =	vmul.bf16 v26, v15;
	v9 =	vadd.bf16 v9, v10;
	v10 =	vmul.bf16 v25, v14;
	_ =	sdelay $0x1  }
0x5f: {  	v8 =	vadd.bf16 v11, v8;
	[tilespmem:s12+$0xFFFFFF80] =	vst v9;
	v9 =	vadd.bf16 v12, v10  }
0x60: {  	v10 =	vld [tilespmem:s13+$0xFFFFFE10]  }
0x61: {  	v11 =	vld [tilespmem:s13+$0xFFFFFE90];
	v8 =	vadd.bf16 v9, v8  }
0x62: {  	v12 =	vld [tilespmem:s13+$0xFFFFFF90]  }
0x63: {  	v9 =	vld [tilespmem:s13+$0xFFFFFF10];
	[tilespmem:s12+$0x10] =	vst v8  }
0x64: {  	v8 =	vld [tilespmem:s13+$0x20]  }
0x65: {  	v13 =	vld [tilespmem:s13+$0xA0]  }
0x66: {  	v14 =	vld [tilespmem:s13+$0x120]  }
0x67: {  	v15 =	vld [tilespmem:s13+$0x1A0];
	v10 =	vmul.bf16 v6, v10;
	v11 =	vmul.bf16 v7, v11  }
0x68: {  	v12 =	vmul.bf16 v5, v12;
	v9 =	vmul.bf16 v4, v9;
	_ =	sdelay $0x1  }
0x69: {  	v10 =	vadd.bf16 v11, v10;
	v9 =	vadd.bf16 v12, v9  }
0x6a: {  	v8 =	vmul.bf16 v23, v8;
	v11 =	vmul.bf16 v24, v13  }
0x6b: {  	v12 =	vmul.bf16 v26, v15;
	v9 =	vadd.bf16 v9, v10;
	v10 =	vmul.bf16 v25, v14;
	_ =	sdelay $0x1  }
0x6c: {  	v8 =	vadd.bf16 v11, v8;
	[tilespmem:s12+$0xFFFFFF90] =	vst v9;
	v9 =	vadd.bf16 v12, v10  }
0x6d: {  	v10 =	vld [tilespmem:s13+$0xFFFFFE20]  }
0x6e: {  	v11 =	vld [tilespmem:s13+$0xFFFFFEA0];
	v8 =	vadd.bf16 v9, v8  }
0x6f: {  	v12 =	vld [tilespmem:s13+$0xFFFFFFA0]  }
0x70: {  	v9 =	vld [tilespmem:s13+$0xFFFFFF20];
	[tilespmem:s12+$0x20] =	vst v8  }
0x71: {  	v8 =	vld [tilespmem:s13+$0x30]  }
0x72: {  	v13 =	vld [tilespmem:s13+$0xB0]  }
0x73: {  	v14 =	vld [tilespmem:s13+$0x130]  }
0x74: {  	v15 =	vld [tilespmem:s13+$0x1B0];
	_ =	sdelay $0x1  }
0x75: {  	v10 =	vmul.bf16 v6, v10;
	v11 =	vmul.bf16 v7, v11  }
0x76: {  	v12 =	vmul.bf16 v5, v12;
	v9 =	vmul.bf16 v4, v9  }
0x77: {  	v8 =	vmul.bf16 v23, v8;
	v13 =	vmul.bf16 v24, v13  }
0x78: {  	s20 =	simm.s32 $0x2;
	v14 =	vmul.bf16 v25, v14;
	v15 =	vmul.bf16 v26, v15  }
0x79: {  	v16 =	vmov s20;
	v10 =	vadd.bf16 v11, v10;
	v9 =	vadd.bf16 v12, v9  }
0x7a: {  	v8 =	vadd.bf16 v13, v8;
	v11 =	vadd.bf16 v15, v14;
	_ =	sdelay $0x1  }
0x7b: {  	s1 =	simm.s32 $0x800;
	v9 =	vadd.bf16 v9, v10;
	v10 =	vadd.bf16 v11, v8  }
0x7c: {  	v20 =	vld [tilespmem:s1+$0x0]  }
0x7d: {  	v8 =	vld.idx.msk [tilespmem:v16+s14+$0x0], $0xffff;
	[tilespmem:s12+$0x30] =	vst v10  }
0x7e: {  	[tilespmem:s12+$0xFFFFFFA0] =	vst v9;
	v9 =	vor.u32 $0x80, v16;
	v12 =	vld [tilespmem:s13+$0x40]  }
0x7f: {  	v10 =	vor.u32 $0x100, v16;
	v14 =	vld [tilespmem:s13+$0xC0]  }
0x80: {  	v13 =	vor.u32 $0x180, v16;
	v15 =	vld [tilespmem:s13+$0x140]  }
0x81: {  	v16 =	vld [tilespmem:s13+$0x1C0]  }
0x82: {  	s24 =	simm.s32 $0x3;
	v27 =	vld [tilespmem:s1+$0x80]  }
0x83: {  	v18 =	vmov s24;
	v11 =	vld.idx.msk [tilespmem:v9+s14+$0x0], $0xffff  }
0x84: {  	v9 =	vld.idx.msk [tilespmem:v10+s14+$0x0], $0xffff  }
0x85: {  	v10 =	vld.idx.msk [tilespmem:v13+s14+$0x0], $0xffff;
	v13 =	vor.u32 $0x80, v18;
	v21 =	vmul.bf16 v23, v12;
	v14 =	vmul.bf16 v24, v14  }
0x86: {  	v19 =	vor.u32 $0x100, v18;
	v28 =	vld [tilespmem:s1+$0x100];
	v15 =	vmul.bf16 v25, v15;
	v16 =	vmul.bf16 v26, v16  }
0x87: {  	v22 =	vor.u32 $0x180, v18;
	v29 =	vld [tilespmem:s1+$0xFFFFFE00]  }
0x88: {  	v12 =	vld.idx.msk [tilespmem:v18+s14+$0x0], $0xffff;
	v14 =	vadd.bf16 v14, v21;
	v16 =	vadd.bf16 v16, v15  }
0x89: {  	v18 =	vld [tilespmem:s1+$0x180]  }
0x8a: {  	v15 =	vld.idx.msk [tilespmem:v13+s14+$0x0], $0xffff;
	v16 =	vadd.bf16 v16, v14  }
0x8b: {  	v13 =	vld.idx.msk [tilespmem:v19+s14+$0x0], $0xffff  }
0x8c: {  	v14 =	vld.idx.msk [tilespmem:v22+s14+$0x0], $0xffff;
	[tilespmem:s12+$0x40] =	vst v16  }
0x8d: {  	v16 =	vld [tilespmem:s13+$0x50]  }
0x8e: {  	v19 =	vld [tilespmem:s13+$0xD0]  }
0x8f: {  	v21 =	vld [tilespmem:s13+$0x150]  }
0x90: {  	v20 =	vmul.bf16 v12, v20;
	v22 =	vmul.bf16 v15, v27;
	v27 =	vld [tilespmem:s13+$0x1D0]  }
0x91: {  	v30 =	vld [tilespmem:s1+$0xFFFFFE80];
	v28 =	vmul.bf16 v13, v28;
	v18 =	vmul.bf16 v14, v18  }
0x92: {  	v31 =	vld [tilespmem:s1+$0xFFFFFF00]  }
0x93: {  	v17 =	vld [tilespmem:s13+$0xFFFFFE30];
	v20 =	vadd.bf16 v22, v20;
	v18 =	vadd.bf16 v18, v28  }
0x94: {  	v22 =	vld [tilespmem:s1+$0xFFFFFF80];
	v16 =	vmul.bf16 v23, v16;
	v19 =	vmul.bf16 v24, v19  }
0x95: {  	v32 =	vld [tilespmem:s13+$0xFFFFFFB0];
	v18 =	vadd.bf16 v18, v20;
	v20 =	vmul.bf16 v25, v21;
	v21 =	vmul.bf16 v26, v27  }
0x96: {  	s0 =	simm.s32 $0x4780;
	v28 =	vld [tilespmem:s13+$0xFFFFFEB0]  }
0x97: {  	v27 =	vld [tilespmem:s13+$0xFFFFFF30];
	v16 =	vadd.bf16 v19, v16;
	[tilespmem:s0+$0x0] =	vst v18;
	v18 =	vadd.bf16 v21, v20  }
0x98: {  	v19 =	vmul.bf16 v8, v29;
	v29 =	vmul.bf16 v9, v31;
	v21 =	vld [tilespmem:s1+$0x10]  }
0x99: {  	v20 =	vmul.bf16 v11, v30;
	v22 =	vmul.bf16 v10, v22;
	v30 =	vld [tilespmem:s1+$0x90];
	v16 =	vadd.bf16 v18, v16  }
0x9a: {  	v18 =	vld [tilespmem:s1+$0x110]  }
0x9b: {  	v19 =	vadd.bf16 v20, v19;
	v20 =	vadd.bf16 v22, v29;
	v22 =	vld [tilespmem:s1+$0x190];
	[tilespmem:s12+$0x50] =	vst v16  }
0x9c: {  	v16 =	vmul.bf16 v6, v17;
	v17 =	vmul.bf16 v7, v28;
	v28 =	vld [tilespmem:s13+$0x60]  }
0x9d: {  	v29 =	vmul.bf16 v5, v32;
	v27 =	vmul.bf16 v4, v27;
	v19 =	vadd.bf16 v20, v19;
	v20 =	vld [tilespmem:s13+$0xE0]  }
0x9e: {  	v31 =	vld [tilespmem:s13+$0x160]  }
0x9f: {  	v16 =	vadd.bf16 v17, v16;
	v17 =	vadd.bf16 v29, v27;
	[tilespmem:s0+$0xFFFFFF80] =	vst v19;
	v19 =	vld [tilespmem:s13+$0x1E0]  }
0xa0: {  	v21 =	vmul.bf16 v12, v21;
	v27 =	vmul.bf16 v15, v30;
	v29 =	vld [tilespmem:s1+$0xFFFFFE10]  }
0xa1: {  	v30 =	vld [tilespmem:s1+$0xFFFFFF10];
	v16 =	vadd.bf16 v17, v16;
	v17 =	vmul.bf16 v13, v18;
	v18 =	vmul.bf16 v14, v22  }
0xa2: {  	v22 =	vld [tilespmem:s1+$0xFFFFFE90]  }
0xa3: {  	[tilespmem:s12+$0xFFFFFFB0] =	vst v16;
	v16 =	vadd.bf16 v27, v21;
	v17 =	vadd.bf16 v18, v17;
	v18 =	vld [tilespmem:s1+$0xFFFFFF90]  }
0xa4: {  	v21 =	vld [tilespmem:s13+$0xFFFFFE40]  }
0xa5: {  	v31 =	vmul.bf16 v25, v31;
	v27 =	vld [tilespmem:s13+$0xFFFFFEC0];
	v19 =	vmul.bf16 v26, v19;
	v16 =	vadd.bf16 v17, v16  }
0xa6: {  	v28 =	vmul.bf16 v23, v28;
	v20 =	vmul.bf16 v24, v20;
	v48 =	vld [tilespmem:s13+$0xFFFFFFC0]  }
0xa7: {  	v17 =	vld [tilespmem:s13+$0xFFFFFF40];
	v29 =	vmul.bf16 v8, v29;
	v22 =	vmul.bf16 v11, v22;
	v19 =	vadd.bf16 v19, v31;
	[tilespmem:s0+$0x10] =	vst v16  }
0xa8: {  	v16 =	vadd.bf16 v20, v28;
	v20 =	vmul.bf16 v9, v30;
	v28 =	vld [tilespmem:s1+$0x20];
	v18 =	vmul.bf16 v10, v18  }
0xa9: {  	v22 =	vadd.bf16 v22, v29;
	v29 =	vld [tilespmem:s1+$0xA0]  }
0xaa: {  	v16 =	vadd.bf16 v19, v16;
	v19 =	vld [tilespmem:s1+$0x120];
	v18 =	vadd.bf16 v18, v20  }
0xab: {  	v20 =	vmul.bf16 v6, v21;
	v21 =	vmul.bf16 v7, v27;
	v27 =	vld [tilespmem:s1+$0x1A0]  }
0xac: {  	v30 =	vmul.bf16 v5, v48;
	v17 =	vmul.bf16 v4, v17;
	[tilespmem:s12+$0x60] =	vst v16;
	v16 =	vadd.bf16 v18, v22  }
0xad: {  	v31 =	vld [tilespmem:s13+$0x70]  }
0xae: {  	v18 =	vadd.bf16 v21, v20;
	v17 =	vadd.bf16 v30, v17;
	v30 =	vld [tilespmem:s13+$0xF0];
	[tilespmem:s0+$0xFFFFFF90] =	vst v16  }
0xaf: {  	v20 =	vmul.bf16 v12, v28;
	v21 =	vmul.bf16 v15, v29;
	v16 =	vld [tilespmem:s1+$0xFFFFFE20]  }
0xb0: {  	v17 =	vadd.bf16 v17, v18;
	v19 =	vmul.bf16 v13, v19;
	v18 =	vld [tilespmem:s1+$0xFFFFFEA0];
	v22 =	vmul.bf16 v14, v27  }
0xb1: {  	v27 =	vld [tilespmem:s1+$0xFFFFFF20]  }
0xb2: {  	[tilespmem:s12+$0xFFFFFFC0] =	vst v17;
	v17 =	vadd.bf16 v21, v20;
	v20 =	vld [tilespmem:s1+$0xFFFFFFA0];
	v19 =	vadd.bf16 v22, v19  }
0xb3: {  	v21 =	vld [tilespmem:s13+$0xFFFFFE50]  }
0xb4: {  	v22 =	vld [tilespmem:s13+$0xFFFFFF50];
	v17 =	vadd.bf16 v19, v17  }
0xb5: {  	v19 =	vld [tilespmem:s13+$0xFFFFFED0]  }
0xb6: {  	v16 =	vmul.bf16 v8, v16;
	v18 =	vmul.bf16 v11, v18;
	[tilespmem:s0+$0x20] =	vst v17;
	v17 =	vld [tilespmem:s13+$0xFFFFFFD0]  }
0xb7: {  	v27 =	vmul.bf16 v9, v27;
	v20 =	vmul.bf16 v10, v20;
	v28 =	vld [tilespmem:s1+$0x30]  }
0xb8: {  	s26 =	simm.s32 $0x5;
	v49 =	vld [tilespmem:s1+$0xB0]  }
0xb9: {  	v41 =	vmov s26;
	v16 =	vadd.bf16 v18, v16;
	v18 =	vadd.bf16 v20, v27;
	v20 =	vld [tilespmem:s1+$0x130]  }
0xba: {  	v45 =	vor.u32 $0x180, v41;
	s15 =	simm.s32 $0x4;
	v27 =	vld [tilespmem:s1+$0x1B0]  }
0xbb: {  	v33 =	vld [tilespmem:s13+$0x170];
	v29 =	vmov s15;
	v21 =	vmul.bf16 v6, v21;
	v19 =	vmul.bf16 v7, v19  }
0xbc: {  	v34 =	vld [tilespmem:s13+$0x1F0];
	s15 =	simm.s32 $0xC00;
	v22 =	vmul.bf16 v4, v22;
	v16 =	vadd.bf16 v18, v16;
	v17 =	vmul.bf16 v5, v17  }
0xbd: {  	v44 =	vld [tilespmem:s15+$0x0];
	v19 =	vadd.bf16 v19, v21  }
0xbe: {  	v46 =	vld [tilespmem:s15+$0x80];
	[tilespmem:s0+$0xFFFFFFA0] =	vst v16;
	v21 =	vmul.bf16 v15, v49;
	v16 =	vadd.bf16 v17, v22;
	v17 =	vmul.bf16 v12, v28  }
0xbf: {  	v51 =	vld [tilespmem:s15+$0x100];
	v20 =	vmul.bf16 v13, v20;
	v22 =	vmul.bf16 v14, v27  }
0xc0: {  	v31 =	vmul.bf16 v23, v31;
	v23 =	vld.idx.msk [tilespmem:v45+s14+$0x0], $0xffff;
	v16 =	vadd.bf16 v16, v19  }
0xc1: {  	v24 =	vmul.bf16 v24, v30;
	v30 =	vld [tilespmem:s15+$0x180];
	v17 =	vadd.bf16 v21, v17;
	v19 =	vadd.bf16 v22, v20  }
0xc2: {  	v18 =	vld.idx.msk [tilespmem:v29+s14+$0x0], $0xffff  }
0xc3: {  	v35 =	vld [tilespmem:s1+$0xFFFFFE30];
	[tilespmem:s12+$0xFFFFFFD0] =	vst v16;
	v16 =	vadd.bf16 v19, v17  }
0xc4: {  	v28 =	vld [tilespmem:s1+$0xFFFFFEB0]  }
0xc5: {  	v27 =	vld [tilespmem:s1+$0xFFFFFF30];
	[tilespmem:s0+$0x30] =	vst v16  }
0xc6: {  	v17 =	vor.u32 $0x80, v29;
	v20 =	vld [tilespmem:s1+$0x40]  }
0xc7: {  	v16 =	vor.u32 $0x100, v29;
	v22 =	vld [tilespmem:s1+$0xC0]  }
0xc8: {  	v21 =	vor.u32 $0x180, v29;
	v29 =	vld [tilespmem:s1+$0x140]  }
0xc9: {  	v40 =	vld [tilespmem:s1+$0x1C0]  }
0xca: {  	v50 =	vld [tilespmem:s1+$0xFFFFFFB0]  }
0xcb: {  	v19 =	vld.idx.msk [tilespmem:v17+s14+$0x0], $0xffff  }
0xcc: {  	v17 =	vld.idx.msk [tilespmem:v16+s14+$0x0], $0xffff  }
0xcd: {  	v16 =	vld.idx.msk [tilespmem:v21+s14+$0x0], $0xffff;
	v20 =	vmul.bf16 v12, v20;
	v21 =	vmul.bf16 v15, v22  }
0xce: {  	v42 =	vor.u32 $0x80, v41;
	v36 =	vld [tilespmem:s13+$0xFFFFFE60];
	v22 =	vmul.bf16 v13, v29;
	v29 =	vmul.bf16 v14, v40  }
0xcf: {  	v43 =	vor.u32 $0x100, v41;
	v37 =	vld [tilespmem:s13+$0xFFFFFEE0]  }
0xd0: {  	v38 =	vld [tilespmem:s13+$0xFFFFFF60];
	v47 =	vadd.bf16 v21, v20;
	v22 =	vadd.bf16 v29, v22  }
0xd1: {  	v39 =	vld [tilespmem:s13+$0xFFFFFFE0]  }
0xd2: {  	v21 =	vld.idx.msk [tilespmem:v41+s14+$0x0], $0xffff;
	v29 =	vadd.bf16 v22, v47  }
0xd3: {  	v25 =	vmul.bf16 v25, v33;
	v20 =	vld.idx.msk [tilespmem:v42+s14+$0x0], $0xffff  }
0xd4: {  	v26 =	vmul.bf16 v26, v34;
	v30 =	vmul.bf16 v23, v30;
	v22 =	vld.idx.msk [tilespmem:v43+s14+$0x0], $0xffff;
	[tilespmem:s0+$0x40] =	vst v29  }
0xd5: {  	v24 =	vadd.bf16 v24, v31;
	v27 =	vmul.bf16 v9, v27;
	v31 =	vmul.bf16 v10, v50;
	v52 =	vld [tilespmem:s1+$0x50]  }
0xd6: {  	v28 =	vmul.bf16 v11, v28;
	v29 =	vmul.bf16 v8, v35;
	v53 =	vld [tilespmem:s1+$0xD0]  }
0xd7: {  	v27 =	vadd.bf16 v31, v27;
	v54 =	vmul.bf16 v7, v37;
	v38 =	vmul.bf16 v4, v38;
	v55 =	vld [tilespmem:s1+$0x150]  }
0xd8: {  	v31 =	vmul.bf16 v21, v44;
	v56 =	vmul.bf16 v20, v46;
	v57 =	vld [tilespmem:s1+$0x1D0];
	v28 =	vadd.bf16 v28, v29  }
0xd9: {  	v25 =	vadd.bf16 v26, v25;
	v26 =	vld [tilespmem:s15+$0xFFFFFE00];
	v29 =	vmul.bf16 v6, v36;
	v40 =	vmul.bf16 v22, v51  }
0xda: {  	v58 =	vld [tilespmem:s15+$0xFFFFFE80];
	v31 =	vadd.bf16 v56, v31;
	v27 =	vadd.bf16 v27, v28;
	v28 =	vmul.bf16 v5, v39  }
0xdb: {  	v60 =	vld [tilespmem:s15+$0xFFFFFF80];
	v29 =	vadd.bf16 v54, v29;
	v30 =	vadd.bf16 v30, v40  }
0xdc: {  	v59 =	vld [tilespmem:s15+$0xFFFFFF00];
	[tilespmem:s0+$0xFFFFFFB0] =	vst v27;
	v27 =	vadd.bf16 v28, v38;
	v28 =	vmul.bf16 v12, v52;
	v32 =	vmul.bf16 v15, v53  }
0xdd: {  	v62 =	vmul.bf16 v13, v55;
	v63 =	vmul.bf16 v14, v57;
	v30 =	vadd.bf16 v30, v31;
	v61 =	vld [tilespmem:s1+$0xFFFFFE40]  }
0xde: {  	s20 =	simm.s32 $0x4880;
	v26 =	vmul.bf16 v18, v26;
	v31 =	vadd.bf16 v25, v24;
	v24 =	vld [tilespmem:s1+$0xFFFFFEC0];
	v27 =	vadd.bf16 v27, v29  }
0xdf: {  	v25 =	vld [tilespmem:s1+$0xFFFFFF40];
	v29 =	vmul.bf16 v19, v58;
	v35 =	vadd.bf16 v63, v62;
	[tilespmem:s20+$0x0] =	vst v30;
	v30 =	vadd.bf16 v32, v28  }
0xe0: {  	v33 =	vmul.bf16 v16, v60;
	[tilespmem:s12+$0x70] =	vst v31;
	v28 =	vld [tilespmem:s15+$0x10]  }
0xe1: {  	v32 =	vmul.bf16 v17, v59;
	v31 =	vadd.bf16 v29, v26;
	v29 =	vld [tilespmem:s15+$0x90];
	[tilespmem:s12+$0xFFFFFFE0] =	vst v27;
	v27 =	vadd.bf16 v35, v30  }
0xe2: {  	s24 =	simm.s32 $0x6;
	v30 =	vld [tilespmem:s15+$0x110];
	v26 =	vmul.bf16 v8, v61  }
.LBB2_3:
0xe3: {  	p2 =	slt.u32 s24, $0xE;
	v32 =	vadd.bf16 v33, v32;
	v33 =	vld [tilespmem:s15+$0x190];
	v24 =	vmul.bf16 v11, v24;
	[tilespmem:s0+$0x50] =	vst v27  }
0xe4: {  	v25 =	vmul.bf16 v9, v25;
	v27 =	vld [tilespmem:s1+$0x60]  }
0xe5: {  	v31 =	vadd.bf16 v32, v31;
	v24 =	vadd.bf16 v24, v26;
	v26 =	vld [tilespmem:s1+$0xE0]  }
0xe6: {  	v32 =	vld [tilespmem:s1+$0x160]  }
0xe7: {  	v28 =	vmul.bf16 v21, v28;
	v29 =	vmul.bf16 v20, v29;
	[tilespmem:s20+$0xFFFFFF80] =	vst v31;
	v31 =	vld [tilespmem:s1+$0x1E0]  }
0xe8: {  	v30 =	vmul.bf16 v22, v30;
	v34 =	vld [tilespmem:s15+$0xFFFFFE10];
	v33 =	vmul.bf16 v23, v33  }
0xe9: {  	v35 =	vld [tilespmem:s15+$0xFFFFFE90]  }
0xea: {  	v28 =	vadd.bf16 v29, v28;
	v36 =	vld [tilespmem:s15+$0xFFFFFF10];
	v29 =	vadd.bf16 v33, v30  }
0xeb: {  	v27 =	vmul.bf16 v12, v27;
	v26 =	vmul.bf16 v15, v26;
	v30 =	vld [tilespmem:s15+$0xFFFFFF90]  }
0xec: {  	v32 =	vmul.bf16 v13, v32;
	v28 =	vadd.bf16 v29, v28;
	v29 =	vld [tilespmem:s1+$0xFFFFFFC0];
	v31 =	vmul.bf16 v14, v31  }
0xed: {  	v33 =	vmul.bf16 v18, v34;
	v34 =	vld [tilespmem:s13+$0xFFFFFE70]  }
0xee: {  	v26 =	vadd.bf16 v26, v27;
	v35 =	vmul.bf16 v19, v35;
	[tilespmem:s20+$0x10] =	vst v28;
	v27 =	vadd.bf16 v31, v32;
	v28 =	vld [tilespmem:s13+$0xFFFFFEF0]  }
0xef: {  	v31 =	vmul.bf16 v17, v36;
	v32 =	vld [tilespmem:s15+$0x20]  }
0xf0: {  	v33 =	vadd.bf16 v35, v33;
	v30 =	vmul.bf16 v16, v30;
	v35 =	vld [tilespmem:s15+$0xA0];
	v26 =	vadd.bf16 v27, v26  }
0xf1: {  	v27 =	vld [tilespmem:s15+$0x120];
	v29 =	vmul.bf16 v10, v29  }
0xf2: {  	v30 =	vadd.bf16 v30, v31;
	v31 =	vld [tilespmem:s15+$0x1A0];
	[tilespmem:s0+$0x60] =	vst v26;
	v26 =	vmul.bf16 v6, v34;
	v6 =	vmovc v8;
	v8 =	vmov v18  }
0xf3: {  	v18 =	vadd.bf16 v29, v25;
	v25 =	vld [tilespmem:s1+$0x70];
	v28 =	vmul.bf16 v7, v28;
	v7 =	vmovc v11;
	v11 =	vmov v19  }
0xf4: {  	v19 =	vadd.bf16 v30, v33;
	v29 =	vld [tilespmem:s1+$0xF0]  }
0xf5: {  	v18 =	vadd.bf16 v18, v24;
	v24 =	vld [tilespmem:s1+$0x170];
	v26 =	vadd.bf16 v28, v26  }
0xf6: {  	[tilespmem:s20+$0xFFFFFF90] =	vst v19;
	v19 =	vld [tilespmem:s1+$0x1F0]  }
0xf7: {  	v30 =	vmul.bf16 v21, v32;
	v32 =	vmul.bf16 v20, v35;
	v28 =	vld [tilespmem:s15+$0xFFFFFE20];
	[tilespmem:s0+$0xFFFFFFC0] =	vst v18  }
0xf8: {  	v27 =	vmul.bf16 v22, v27;
	v31 =	vmul.bf16 v23, v31;
	v18 =	vld [tilespmem:s15+$0xFFFFFEA0]  }
0xf9: {  	v30 =	vadd.bf16 v32, v30;
	v33 =	vld [tilespmem:s15+$0xFFFFFF20]  }
0xfa: {  	v25 =	vmul.bf16 v12, v25;
	v12 =	vmovc v21;
	v27 =	vadd.bf16 v31, v27;
	v29 =	vmul.bf16 v15, v29;
	v32 =	vld [tilespmem:s15+$0xFFFFFFA0]  }
0xfb: {  	v15 =	vmovc v20;
	v24 =	vmul.bf16 v13, v24;
	v13 =	vmovc v22;
	v21 =	vld [tilespmem:s1+$0xFFFFFE50];
	v19 =	vmul.bf16 v14, v19;
	v14 =	vmov v23  }
0xfc: {  	v22 =	vadd.bf16 v27, v30;
	v20 =	vmul.bf16 v8, v28;
	v23 =	vld [tilespmem:s1+$0xFFFFFED0]  }
0xfd: {  	v25 =	vadd.bf16 v29, v25;
	v18 =	vmul.bf16 v11, v18;
	v27 =	vld [tilespmem:s1+$0xFFFFFF50];
	v19 =	vadd.bf16 v19, v24  }
0xfe: {  	v24 =	vmul.bf16 v17, v33;
	[tilespmem:s20+$0x20] =	vst v22;
	v22 =	vld [tilespmem:s1+$0xFFFFFFD0]  }
0xff: {  	v18 =	vadd.bf16 v18, v20;
	v20 =	vmul.bf16 v16, v32;
	v28 =	vld [tilespmem:s15+$0x30];
	v19 =	vadd.bf16 v19, v25  }
0x100: {  	v25 =	vmov s24;
	v29 =	vld [tilespmem:s15+$0xB0];
	v21 =	vmul.bf16 v6, v21  }
0x101: {  	v20 =	vadd.bf16 v20, v24;
	v24 =	vld [tilespmem:s15+$0x130];
	v23 =	vmul.bf16 v7, v23;
	[tilespmem:s0+$0x70] =	vst v19  }
0x102: {  	v19 =	vld [tilespmem:s15+$0x1B0];
	v27 =	vmul.bf16 v9, v27  }
0x103: {  	v20 =	vadd.bf16 v20, v18;
	v21 =	vadd.bf16 v23, v21;
	v22 =	vmul.bf16 v10, v22;
	v23 =	vld [tilespmem:s13+$0xFFFFFF70]  }
0x104: {  	v30 =	vld [tilespmem:s13+$0xFFFFFFF0];
	s13 =	smov.u32 s1;
	s1 =	smov.u32 s15  }
0x105: {  	v18 =	vld.idx.msk [tilespmem:v25+s14+$0x0], $0xffff;
	[tilespmem:s20+$0xFFFFFFA0] =	vst v20;
	v20 =	vadd.bf16 v22, v27  }
0x106: {  	v27 =	vmul.bf16 v12, v28;
	v28 =	vmul.bf16 v15, v29;
	v22 =	vld [tilespmem:s15+$0xFFFFFE30]  }
0x107: {  	v24 =	vmul.bf16 v13, v24;
	v29 =	vld [tilespmem:s15+$0xFFFFFEB0];
	v19 =	vmul.bf16 v14, v19;
	v20 =	vadd.bf16 v20, v21  }
0x108: {  	v21 =	vld [tilespmem:s15+$0xFFFFFF30];
	v23 =	vmul.bf16 v4, v23;
	v4 =	vmov v9;
	v9 =	vmov v17  }
0x109: {  	v27 =	vadd.bf16 v28, v27;
	v17 =	vld [tilespmem:s15+$0xFFFFFFB0];
	v19 =	vadd.bf16 v19, v24;
	[tilespmem:s0+$0xFFFFFFD0] =	vst v20;
	v20 =	vmul.bf16 v5, v30  }
0x10a: {  	v5 =	vmov v10;
	v10 =	vmov v16;
	v24 =	vld [tilespmem:s13+$0xFFFFFE60]  }
0x10b: {  	v16 =	vmul.bf16 v8, v22;
	v19 =	vadd.bf16 v19, v27;
	v22 =	vld [tilespmem:s13+$0xFFFFFEE0];
	v20 =	vadd.bf16 v20, v23  }
0x10c: {  	v23 =	vmul.bf16 v11, v29;
	v27 =	vld [tilespmem:s13+$0xFFFFFF60]  }
0x10d: {  	v28 =	vor.u32 $0x80, v25;
	v21 =	vmul.bf16 v9, v21;
	[tilespmem:s20+$0x30] =	vst v19;
	v29 =	vld [tilespmem:s13+$0xFFFFFFE0];
	v19 =	vadd.bf16 v20, v26  }
0x10e: {  	v20 =	vor.u32 $0x100, v25;
	v16 =	vadd.bf16 v23, v16;
	v17 =	vmul.bf16 v10, v17;
	v23 =	vld [tilespmem:s15+$0x40]  }
0x10f: {  	v25 =	vor.u32 $0x180, v25;
	v26 =	vld [tilespmem:s15+$0xC0];
	v24 =	vmul.bf16 v6, v24;
	[tilespmem:s12+$0xFFFFFFF0] =	vst v19;
	s12 =	smov.u32 s0;
	s0 =	smov.u32 s20  }
0x110: {  	v17 =	vadd.bf16 v17, v21;
	v21 =	vld [tilespmem:s15+$0x140];
	v22 =	vmul.bf16 v7, v22  }
0x111: {  	v30 =	vld [tilespmem:s15+$0x1C0];
	v27 =	vmul.bf16 v4, v27  }
0x112: {  	s26 =	sadd.s32 $0x1, s24;
	v19 =	vld.idx.msk [tilespmem:v28+s14+$0x0], $0xffff;
	v28 =	vadd.bf16 v17, v16;
	v22 =	vadd.bf16 v22, v24;
	v24 =	vmul.bf16 v5, v29  }
0x113: {  	v17 =	vld.idx.msk [tilespmem:v20+s14+$0x0], $0xffff;
	v20 =	vmov s26  }
0x114: {  	s15 =	sadd.s32 $0x400, s15;
	v16 =	vld.idx.msk [tilespmem:v25+s14+$0x0], $0xffff;
	v25 =	vor.u32 $0x80, v20;
	[tilespmem:s20+$0xFFFFFFB0] =	vst v28;
	v24 =	vadd.bf16 v24, v27  }
0x115: {  	v23 =	vmul.bf16 v12, v23;
	v27 =	vor.u32 $0x100, v20;
	v26 =	vmul.bf16 v15, v26;
	v28 =	vld [tilespmem:s15+$0x0]  }
0x116: {  	v29 =	vor.u32 $0x180, v20;
	v32 =	vmul.bf16 v13, v21;
	v31 =	vld [tilespmem:s15+$0x80];
	v30 =	vmul.bf16 v14, v30  }
0x117: {  	v22 =	vadd.bf16 v24, v22;
	v33 =	vld [tilespmem:s15+$0x100]  }
0x118: {  	v23 =	vadd.bf16 v26, v23;
	v21 =	vld.idx.msk [tilespmem:v20+s14+$0x0], $0xffff;
	v24 =	vadd.bf16 v30, v32  }
0x119: {  	v20 =	vld.idx.msk [tilespmem:v25+s14+$0x0], $0xffff;
	[tilespmem:s12+$0xFFFFFFE0] =	vst v22  }
0x11a: {  	v22 =	vld.idx.msk [tilespmem:v27+s14+$0x0], $0xffff;
	v24 =	vadd.bf16 v24, v23  }
0x11b: {  	v23 =	vld.idx.msk [tilespmem:v29+s14+$0x0], $0xffff  }
0x11c: {  	v25 =	vld [tilespmem:s15+$0x180];
	[tilespmem:s20+$0x40] =	vst v24  }
0x11d: {  	v24 =	vld [tilespmem:s1+$0x50]  }
0x11e: {  	v26 =	vld [tilespmem:s1+$0xD0]  }
0x11f: {  	v27 =	vld [tilespmem:s1+$0x150]  }
0x120: {  	v28 =	vmul.bf16 v21, v28;
	v29 =	vmul.bf16 v20, v31;
	v30 =	vld [tilespmem:s1+$0x1D0]  }
0x121: {  	v32 =	vmul.bf16 v22, v33;
	v31 =	vld [tilespmem:s15+$0xFFFFFE00];
	v25 =	vmul.bf16 v23, v25  }
0x122: {  	v33 =	vld [tilespmem:s15+$0xFFFFFE80]  }
0x123: {  	v28 =	vadd.bf16 v29, v28;
	v34 =	vld [tilespmem:s15+$0xFFFFFF00];
	v25 =	vadd.bf16 v25, v32  }
0x124: {  	v32 =	vmul.bf16 v12, v24;
	v26 =	vmul.bf16 v15, v26;
	v29 =	vld [tilespmem:s15+$0xFFFFFF80]  }
0x125: {  	v27 =	vmul.bf16 v13, v27;
	v25 =	vadd.bf16 v25, v28;
	v35 =	vld [tilespmem:s1+$0xFFFFFE40];
	v28 =	vmul.bf16 v14, v30  }
.Ltmp2:
0x126: {  	s20 =	sadd.s32 $0x100, s20;
	v30 =	vmul.bf16 v18, v31;
	v24 =	vld [tilespmem:s1+$0xFFFFFEC0];
	(pc) =	sbr.rel @p2 .LBB2_3-.Ltmp2, $4  }
0x127: {  	v26 =	vadd.bf16 v26, v32;
	v31 =	vmul.bf16 v19, v33;
	[tilespmem:s20+$0x0] =	vst v25;
	v25 =	vld [tilespmem:s1+$0xFFFFFF40];
	v27 =	vadd.bf16 v28, v27  }
0x128: {  	v32 =	vmul.bf16 v17, v34;
	v28 =	vld [tilespmem:s15+$0x10]  }
0x129: {  	v31 =	vadd.bf16 v31, v30;
	v33 =	vmul.bf16 v16, v29;
	v29 =	vld [tilespmem:s15+$0x90];
	v27 =	vadd.bf16 v27, v26  }
0x12a: {  	s24 =	sadd.s32 $0x2, s24;
	v30 =	vld [tilespmem:s15+$0x110];
	v26 =	vmul.bf16 v8, v35  }
0x12b: {  	v32 =	vadd.bf16 v33, v32;
	_ =	sdelay $0x1  }
0x12c: {  	v31 =	vadd.bf16 v32, v31  }
0x12d: {  	v51 =	vld [tilespmem:s15+$0x190]  }
0x12e: {  	[tilespmem:s20+$0xFFFFFF80] =	vst v31  }
0x12f: {  	v31 =	vld [tilespmem:s15+$0xFFFFFE10]  }
0x130: {  	v52 =	vld [tilespmem:s15+$0xFFFFFE90]  }
0x131: {  	v28 =	vmul.bf16 v21, v28;
	v29 =	vmul.bf16 v20, v29;
	v34 =	vld [tilespmem:s15+$0xFFFFFF10]  }
0x132: {  	v30 =	vmul.bf16 v22, v30;
	v33 =	vmul.bf16 v23, v51;
	v35 =	vld [tilespmem:s15+$0xFFFFFF90];
	_ =	sdelay $0x1  }
0x133: {  	v28 =	vadd.bf16 v29, v28;
	v53 =	vadd.bf16 v33, v30;
	_ =	sdelay $0x1  }
0x134: {  	v28 =	vadd.bf16 v53, v28;
	v54 =	vmul.bf16 v18, v31;
	v55 =	vmul.bf16 v19, v52  }
0x135: {  	v56 =	vmul.bf16 v17, v34;
	v57 =	vmul.bf16 v16, v35  }
0x136: {  	[tilespmem:s20+$0x10] =	vst v28  }
0x137: {  	v58 =	vld [tilespmem:s15+$0x20];
	v29 =	vadd.bf16 v55, v54;
	v28 =	vadd.bf16 v57, v56  }
0x138: {  	v59 =	vld [tilespmem:s15+$0xA0]  }
0x139: {  	v60 =	vld [tilespmem:s15+$0x120];
	v28 =	vadd.bf16 v28, v29  }
0x13a: {  	v61 =	vld [tilespmem:s15+$0x1A0]  }
0x13b: {  	[tilespmem:s20+$0xFFFFFF90] =	vst v28  }
0x13c: {  	v28 =	vld [tilespmem:s15+$0xFFFFFE20]  }
0x13d: {  	v63 =	vld [tilespmem:s15+$0xFFFFFEA0]  }
0x13e: {  	v62 =	vmul.bf16 v21, v58;
	v30 =	vmul.bf16 v20, v59;
	v36 =	vld [tilespmem:s15+$0xFFFFFF20]  }
0x13f: {  	v31 =	vmul.bf16 v22, v60;
	v33 =	vmul.bf16 v23, v61;
	v37 =	vld [tilespmem:s15+$0xFFFFFFA0];
	_ =	sdelay $0x1  }
0x140: {  	v29 =	vadd.bf16 v30, v62;
	v38 =	vadd.bf16 v33, v31;
	_ =	sdelay $0x1  }
0x141: {  	v29 =	vadd.bf16 v38, v29;
	v28 =	vmul.bf16 v18, v28;
	v39 =	vmul.bf16 v19, v63  }
0x142: {  	v40 =	vmul.bf16 v17, v36;
	v41 =	vmul.bf16 v16, v37  }
0x143: {  	[tilespmem:s20+$0x20] =	vst v29  }
0x144: {  	v42 =	vld [tilespmem:s15+$0x30];
	v28 =	vadd.bf16 v39, v28;
	v29 =	vadd.bf16 v41, v40  }
0x145: {  	v43 =	vld [tilespmem:s15+$0xB0]  }
0x146: {  	v44 =	vld [tilespmem:s15+$0x130];
	v28 =	vadd.bf16 v29, v28  }
0x147: {  	v45 =	vld [tilespmem:s15+$0x1B0]  }
0x148: {  	[tilespmem:s20+$0xFFFFFFA0] =	vst v28  }
0x149: {  	v28 =	vld [tilespmem:s15+$0xFFFFFE30]  }
0x14a: {  	v47 =	vld [tilespmem:s15+$0xFFFFFEB0]  }
0x14b: {  	v46 =	vmul.bf16 v21, v42;
	v30 =	vmul.bf16 v20, v43;
	v48 =	vld [tilespmem:s15+$0xFFFFFF30]  }
0x14c: {  	v31 =	vmul.bf16 v22, v44;
	v33 =	vmul.bf16 v23, v45;
	v49 =	vld [tilespmem:s15+$0xFFFFFFB0];
	_ =	sdelay $0x1  }
0x14d: {  	[tilespmem:s0+$0x50] =	vst v27;
	v53 =	vld [tilespmem:s1+$0xFFFFFFC0];
	v29 =	vadd.bf16 v30, v46;
	v50 =	vadd.bf16 v33, v31  }
0x14e: {  	v60 =	vld [tilespmem:s1+$0xE0]  }
0x14f: {  	v61 =	vld [tilespmem:s1+$0x160];
	v51 =	vadd.bf16 v50, v29;
	v28 =	vmul.bf16 v18, v28;
	v52 =	vmul.bf16 v19, v47  }
0x150: {  	v36 =	vld [tilespmem:s1+$0x1E0];
	v54 =	vmul.bf16 v17, v48;
	v55 =	vmul.bf16 v16, v49  }
0x151: {  	v29 =	vld [tilespmem:s1+$0x60];
	[tilespmem:s20+$0x30] =	vst v51  }
0x152: {  	v56 =	vld [tilespmem:s15+$0x40];
	v28 =	vadd.bf16 v52, v28;
	v27 =	vadd.bf16 v55, v54  }
0x153: {  	v57 =	vld [tilespmem:s15+$0xC0]  }
0x154: {  	v24 =	vmul.bf16 v11, v24;
	v58 =	vld [tilespmem:s15+$0x140];
	v27 =	vadd.bf16 v27, v28  }
0x155: {  	v25 =	vmul.bf16 v9, v25;
	v31 =	vmul.bf16 v10, v53;
	v59 =	vld [tilespmem:s15+$0x1C0]  }
0x156: {  	v24 =	vadd.bf16 v24, v26;
	[tilespmem:s20+$0xFFFFFFB0] =	vst v27  }
0x157: {  	v53 =	vmul.bf16 v13, v61;
	v25 =	vadd.bf16 v31, v25;
	v54 =	vmul.bf16 v14, v36;
	v62 =	vld [tilespmem:s15+$0xFFFFFE40]  }
0x158: {  	v29 =	vmul.bf16 v12, v29;
	v28 =	vmul.bf16 v15, v60;
	v40 =	vld [tilespmem:s15+$0xFFFFFEC0]  }
0x159: {  	v24 =	vadd.bf16 v25, v24;
	v63 =	vmul.bf16 v21, v56;
	v30 =	vmul.bf16 v20, v57;
	v43 =	vld [tilespmem:s15+$0xFFFFFF40]  }
0x15a: {  	v41 =	vmul.bf16 v22, v58;
	v42 =	vmul.bf16 v23, v59;
	v44 =	vld [tilespmem:s15+$0xFFFFFFC0]  }
0x15b: {  	[tilespmem:s0+$0xFFFFFFC0] =	vst v24;
	v28 =	vadd.bf16 v28, v29;
	v57 =	vadd.bf16 v54, v53  }
0x15c: {  	v46 =	vld [tilespmem:s1+$0xFFFFFE50];
	v45 =	vadd.bf16 v30, v63;
	v25 =	vadd.bf16 v42, v41  }
0x15d: {  	v47 =	vld [tilespmem:s1+$0xFFFFFED0];
	v28 =	vadd.bf16 v57, v28  }
0x15e: {  	v48 =	vld [tilespmem:s1+$0xFFFFFF50];
	v24 =	vadd.bf16 v25, v45;
	v26 =	vmul.bf16 v18, v62;
	v31 =	vmul.bf16 v19, v40  }
0x15f: {  	v49 =	vld [tilespmem:s1+$0xFFFFFFD0];
	[tilespmem:s0+$0x60] =	vst v28;
	v50 =	vmul.bf16 v17, v43;
	v51 =	vmul.bf16 v16, v44  }
0x160: {  	v35 =	vld [tilespmem:s1+$0x70];
	[tilespmem:s20+$0x40] =	vst v24  }
0x161: {  	v52 =	vld [tilespmem:s15+$0x50];
	v26 =	vadd.bf16 v31, v26;
	v24 =	vadd.bf16 v51, v50  }
0x162: {  	v37 =	vld [tilespmem:s15+$0xD0]  }
0x163: {  	v55 =	vld [tilespmem:s15+$0x150];
	v24 =	vadd.bf16 v24, v26  }
0x164: {  	v56 =	vld [tilespmem:s15+$0x1D0]  }
0x165: {  	v27 =	vmul.bf16 v8, v46;
	v30 =	vmul.bf16 v11, v47;
	v31 =	vld [tilespmem:s13+$0xFFFFFEF0];
	[tilespmem:s20+$0xFFFFFFC0] =	vst v24  }
0x166: {  	v32 =	vmul.bf16 v10, v49;
	v25 =	vmul.bf16 v9, v48;
	v59 =	vld [tilespmem:s15+$0xFFFFFE50]  }
0x167: {  	v62 =	vld [tilespmem:s15+$0xFFFFFED0]  }
0x168: {  	v58 =	vadd.bf16 v30, v27;
	v25 =	vadd.bf16 v32, v25;
	v38 =	vld [tilespmem:s15+$0xFFFFFF50]  }
0x169: {  	v60 =	vmul.bf16 v21, v52;
	v61 =	vmul.bf16 v20, v37;
	v39 =	vld [tilespmem:s15+$0xFFFFFFD0]  }
0x16a: {  	v50 =	vld [tilespmem:s1+$0xF0];
	v24 =	vadd.bf16 v25, v58;
	v63 =	vmul.bf16 v22, v55;
	v37 =	vmul.bf16 v23, v56  }
0x16b: {  	v51 =	vld [tilespmem:s1+$0x170]  }
0x16c: {  	v26 =	vld [tilespmem:s13+$0xFFFFFE70];
	[tilespmem:s0+$0xFFFFFFD0] =	vst v24;
	v40 =	vadd.bf16 v61, v60;
	v25 =	vadd.bf16 v37, v63  }
0x16d: {  	v41 =	vld [tilespmem:s1+$0xFFFFFE60];
	v27 =	vmul.bf16 v18, v59;
	v32 =	vmul.bf16 v19, v62  }
0x16e: {  	v42 =	vld [tilespmem:s1+$0xFFFFFEE0];
	v24 =	vadd.bf16 v25, v40;
	v45 =	vmul.bf16 v17, v38;
	v28 =	vmul.bf16 v16, v39  }
0x16f: {  	v43 =	vld [tilespmem:s1+$0xFFFFFF60]  }
0x170: {  	v44 =	vld [tilespmem:s1+$0xFFFFFFE0];
	[tilespmem:s20+$0x50] =	vst v24;
	v27 =	vadd.bf16 v32, v27;
	v24 =	vadd.bf16 v28, v45  }
0x171: {  	v46 =	vld [tilespmem:s15+$0x60]  }
0x172: {  	v47 =	vld [tilespmem:s15+$0xE0];
	v24 =	vadd.bf16 v24, v27  }
0x173: {  	v48 =	vld [tilespmem:s15+$0x160]  }
0x174: {  	v49 =	vld [tilespmem:s15+$0x1E0];
	v29 =	vmul.bf16 v8, v41;
	v30 =	vmul.bf16 v11, v42;
	[tilespmem:s20+$0xFFFFFFD0] =	vst v24  }
0x175: {  	v25 =	vmul.bf16 v9, v43;
	v33 =	vmul.bf16 v10, v44;
	v53 =	vld [tilespmem:s15+$0xFFFFFE60]  }
0x176: {  	v56 =	vld [tilespmem:s15+$0xFFFFFEE0]  }
0x177: {  	v52 =	vadd.bf16 v30, v29;
	v25 =	vadd.bf16 v33, v25;
	v57 =	vld [tilespmem:s15+$0xFFFFFF60]  }
0x178: {  	v54 =	vmul.bf16 v21, v46;
	v55 =	vmul.bf16 v20, v47;
	v58 =	vld [tilespmem:s15+$0xFFFFFFE0]  }
0x179: {  	v60 =	vld [tilespmem:s13+$0xFFFFFFF0];
	v24 =	vadd.bf16 v25, v52;
	v28 =	vmul.bf16 v22, v48;
	v32 =	vmul.bf16 v23, v49  }
0x17a: {  	v38 =	vld [tilespmem:s1+$0x1F0]  }
0x17b: {  	v59 =	vld [tilespmem:s13+$0xFFFFFF70];
	[tilespmem:s0+$0xFFFFFFE0] =	vst v24;
	v30 =	vadd.bf16 v55, v54;
	v28 =	vadd.bf16 v32, v28  }
0x17c: {  	v62 =	vld [tilespmem:s1+$0xFFFFFE70];
	v29 =	vmul.bf16 v18, v53;
	v63 =	vmul.bf16 v19, v56  }
0x17d: {  	v40 =	vld [tilespmem:s1+$0xFFFFFEF0];
	v61 =	vadd.bf16 v28, v30;
	v41 =	vmul.bf16 v17, v57;
	v25 =	vmul.bf16 v16, v58  }
0x17e: {  	v46 =	vld [tilespmem:s1+$0xFFFFFF70]  }
0x17f: {  	v49 =	vld [tilespmem:s1+$0xFFFFFFF0];
	[tilespmem:s20+$0x60] =	vst v61;
	v29 =	vadd.bf16 v63, v29;
	v24 =	vadd.bf16 v25, v41  }
0x180: {  	v42 =	vld [tilespmem:s15+$0x70]  }
0x181: {  	v43 =	vld [tilespmem:s15+$0xF0];
	v24 =	vadd.bf16 v24, v29  }
0x182: {  	v7 =	vmul.bf16 v7, v31;
	v6 =	vmul.bf16 v6, v26;
	v44 =	vld [tilespmem:s15+$0x170]  }
0x183: {  	v5 =	vmul.bf16 v5, v60;
	v4 =	vmul.bf16 v4, v59;
	v45 =	vld [tilespmem:s15+$0x1F0];
	[tilespmem:s20+$0xFFFFFFE0] =	vst v24  }
0x184: {  	v47 =	vmul.bf16 v12, v35;
	v48 =	vmul.bf16 v15, v50;
	v24 =	vld [tilespmem:s15+$0xFFFFFE70]  }
0x185: {  	v6 =	vadd.bf16 v7, v6;
	v50 =	vmul.bf16 v13, v51;
	v51 =	vmul.bf16 v14, v38;
	v52 =	vld [tilespmem:s15+$0xFFFFFEF0]  }
0x186: {  	v4 =	vadd.bf16 v5, v4;
	v12 =	vadd.bf16 v48, v47;
	v53 =	vld [tilespmem:s15+$0xFFFFFF70]  }
0x187: {  	v13 =	vadd.bf16 v51, v50;
	v5 =	vmul.bf16 v8, v62;
	v54 =	vmul.bf16 v11, v40;
	v55 =	vld [tilespmem:s15+$0xFFFFFFF0]  }
0x188: {  	v4 =	vadd.bf16 v4, v6;
	v60 =	vmul.bf16 v9, v46;
	v61 =	vmul.bf16 v10, v49  }
0x189: {  	v5 =	vadd.bf16 v54, v5;
	v56 =	vmul.bf16 v21, v42;
	v57 =	vmul.bf16 v20, v43  }
0x18a: {  	v9 =	vadd.bf16 v61, v60;
	v58 =	vmul.bf16 v22, v44;
	v59 =	vmul.bf16 v23, v45  }
0x18b: {  	v12 =	vadd.bf16 v13, v12;
	v62 =	vmul.bf16 v18, v24;
	v7 =	vmul.bf16 v19, v52  }
0x18c: {  	[tilespmem:s12+$0xFFFFFFF0] =	vst v4;
	v4 =	vadd.bf16 v9, v5;
	v63 =	vmul.bf16 v17, v53;
	v11 =	vmul.bf16 v16, v55  }
0x18d: {  	v13 =	vadd.bf16 v57, v56;
	v6 =	vadd.bf16 v59, v58  }
0x18e: {  	v7 =	vadd.bf16 v7, v62;
	v8 =	vadd.bf16 v11, v63  }
0x18f: {  	[tilespmem:s0+$0x70] =	vst v12;
	v6 =	vadd.bf16 v6, v13  }
0x190: {  	s15 =	sadd.s32 s6, s10;
	[tilespmem:s0+$0xFFFFFFF0] =	vst v4;
	v5 =	vadd.bf16 v8, v7  }
0x191: {  	s24 =	sshll.u32 s15, $0x8;
	[tilespmem:s20+$0x70] =	vst v6  }
0x192: {  	s26 =	simm.s32 $0x4600;
	s0 =	sadd.s32 s7, s24;
	[tilespmem:s20+$0xFFFFFFF0] =	vst v5  }
0x193: {  	[hbm4b:s0+s2] =	stream.linear.scatter [tilespmem:s26], [sflag:$0x7], $0x800, $0x38;
	[tilespmem:$0x5600] =	vst v63  }
0x194: {  	s0 =	sshll.u32 @!p0 s11, $0x6  }
0x195: {  	p2 =	sne.s32 s9, $0x30;
	s1 =	simm.s32 @!p0 $0x0;
	s0 =	sand.u32 @!p0 $0x1FFFFF80, s0  }
.Ltmp3:
0x196: {  	s11 =	simm.s32 @!p0 $0x4200;
	s0 =	sadd.s32 @!p0 s5, s0;
	(pc) =	sbr.rel @p2 .LBB2_6-.Ltmp3, $4  }
0x197: {  	[tilespmem:s11], [sflag:$0x3] =	stream.linear.gather @!p0 [hbm4b:s0+s1], $0x200, $0x38;
	[tilespmem:$0x5600] =	vst v63  }
0x198: {  	_ =	swait.ge [sflag:s28], $0x2000  }
0x199: {  	[sflag:s28] =	ssyncset.done $0x0  }
0x19a: {  	s11 =	sadd.s32 $0x3, s10;
	[sflag:s28] =	ssyncadd.s32 $0xFFFFE000  }
.Ltmp4:
0x19b: {  	(pc) =	sbr.rel .LBB2_7-.Ltmp4, $4  }
0x19c: {  	_ = 	snop  }
0x19d: {  	_ =	swait.ge [sflag:s29], $0x200  }
0x19e: {  	[sflag:s29] =	ssyncset.done $0x0  }
0x19f: {  	[sflag:s29] =	ssyncadd.s32 $0xFFFFFE00  }
.LBB2_6:
0x1a0: {  	s0 =	sadd.s32 s6, s11  }
0x1a1: {  	s0 =	sshll.u32 s0, $0x1  }
0x1a2: {  	s0 =	sand.u32 $0x1FFFFFFE, s0  }
0x1a3: {  	s1 =	simm.s32 $0x80;
	s0 =	sadd.s32 s4, s0  }
0x1a4: {  	[tilespmem:s1], [sflag:$0x2] =	stream.linear.gather [hbm4b:s0+s2], $0x10, $0x38;
	[tilespmem:$0x5600] =	vst v63  }
0x1a5: {  	_ =	swait.ge [sflag:s17], $0x10  }
0x1a6: {  	[sflag:s17] =	ssyncset.done $0x0  }
0x1a7: {  	[sflag:s17] =	ssyncadd.s32 $0xFFFFFFF0  }
0x1a8: {  	v4 =	vld [tilespmem:$0x0];
	_ =	sdelay $0x4  }
0x1a9: {  	[tilespmem:v0+s18+$0x0] =	vst.idx.msk $0xffff, v4;
	v5 =	vadd.s32 $0x1, v4  }
0x1aa: {  	[tilespmem:v1+s18+$0x0] =	vst.idx.msk $0xffff, v5;
	v5 =	vadd.s32 $0xC8, v4  }
0x1ab: {  	v4 =	vadd.s32 $0xC9, v4;
	[tilespmem:v2+s18+$0x0] =	vst.idx.msk $0xffff, v5  }
.Ltmp5:
0x1ac: {  	s26 =	simm.s32 $0x200;
	[tilespmem:v3+s18+$0x0] =	vst.idx.msk $0xffff, v4;
	(pc) =	sbr.rel @p1 .LBB2_8-.Ltmp5, $4  }
0x1ad: {  	[tilespmem:s26], [sflag:$0x5] =	stream.indirect.gather [hbm4b:s3+s19], $0x80, s18, s19, $0xb8;
	[tilespmem:$0x5600] =	vst v63  }
0x1ae: {  	_ =	swait.ge [sflag:s29], $0x200  }
0x1af: {  	[sflag:s29] =	ssyncset.done $0x0  }
0x1b0: {  	[sflag:s29] =	ssyncadd.s32 $0xFFFFFE00  }
.LBB2_7:
0x1b1: {  	_ =	swait.ge [sflag:s30], $0x800  }
0x1b2: {  	[sflag:s30] =	ssyncset.done $0x0  }
0x1b3: {  	[sflag:s30] =	ssyncadd.s32 $0xFFFFF800  }
.LBB2_8:
0x1b4: {  	s0 =	simm.s32 $0x1  }
0x1b5: {  	v4 =	vmov s0  }
0x1b6: {  	s13 =	simm.s32 $0x25F0;
	v5 =	vor.u32 $0x80, v4  }
0x1b7: {  	v7 =	vld [tilespmem:s13+$0xFFFFFE10];
	v6 =	vor.u32 $0x100, v4  }
0x1b8: {  	v9 =	vld [tilespmem:s13+$0xFFFFFE90];
	v8 =	vor.u32 $0x180, v4  }
0x1b9: {  	v10 =	vld [tilespmem:s13+$0xFFFFFF10]  }
0x1ba: {  	v23 =	vld.idx.msk [tilespmem:v4+s16+$0x0], $0xffff  }
0x1bb: {  	v24 =	vld.idx.msk [tilespmem:v5+s16+$0x0], $0xffff  }
0x1bc: {  	s15 =	simm.s32 $0x0;
	v25 =	vld.idx.msk [tilespmem:v6+s16+$0x0], $0xffff  }
0x1bd: {  	v4 =	vmov s15;
	v26 =	vld.idx.msk [tilespmem:v8+s16+$0x0], $0xffff  }
0x1be: {  	v5 =	vor.u32 $0x80, v4;
	v8 =	vld [tilespmem:s13+$0xFFFFFF90]  }
0x1bf: {  	v11 =	vor.u32 $0x100, v4  }
0x1c0: {  	v12 =	vor.u32 $0x180, v4;
	_ =	sdelay $0x1  }
0x1c1: {  	v6 =	vld.idx.msk [tilespmem:v4+s16+$0x0], $0xffff;
	v13 =	vmul.bf16 v23, v7;
	v9 =	vmul.bf16 v24, v9  }
0x1c2: {  	v7 =	vld.idx.msk [tilespmem:v5+s16+$0x0], $0xffff;
	v10 =	vmul.bf16 v25, v10;
	v8 =	vmul.bf16 v26, v8  }
0x1c3: {  	v4 =	vld.idx.msk [tilespmem:v11+s16+$0x0], $0xffff  }
0x1c4: {  	v5 =	vld.idx.msk [tilespmem:v12+s16+$0x0], $0xffff;
	v9 =	vadd.bf16 v9, v13;
	v8 =	vadd.bf16 v8, v10  }
0x1c5: {  	v11 =	vld [tilespmem:s13+$0xFFFFFC90]  }
0x1c6: {  	v12 =	vld [tilespmem:s13+$0xFFFFFD90];
	v8 =	vadd.bf16 v8, v9  }
0x1c7: {  	s12 =	simm.s32 $0x4EF0;
	v10 =	vld [tilespmem:s13+$0xFFFFFC10]  }
0x1c8: {  	v9 =	vld [tilespmem:s13+$0xFFFFFD10];
	[tilespmem:s12+$0xFFFFFF90] =	vst v8  }
0x1c9: {  	v8 =	vld [tilespmem:s13+$0xFFFFFE20]  }
0x1ca: {  	v13 =	vld [tilespmem:s13+$0xFFFFFEA0]  }
0x1cb: {  	v14 =	vld [tilespmem:s13+$0xFFFFFF20]  }
0x1cc: {  	v11 =	vmul.bf16 v7, v11;
	v12 =	vmul.bf16 v5, v12;
	v15 =	vld [tilespmem:s13+$0xFFFFFFA0]  }
0x1cd: {  	v10 =	vmul.bf16 v6, v10;
	v9 =	vmul.bf16 v4, v9;
	_ =	sdelay $0x1  }
0x1ce: {  	v10 =	vadd.bf16 v11, v10;
	v9 =	vadd.bf16 v12, v9  }
0x1cf: {  	v8 =	vmul.bf16 v23, v8;
	v11 =	vmul.bf16 v24, v13  }
0x1d0: {  	v12 =	vmul.bf16 v26, v15;
	v9 =	vadd.bf16 v9, v10;
	v10 =	vmul.bf16 v25, v14;
	_ =	sdelay $0x1  }
0x1d1: {  	v8 =	vadd.bf16 v11, v8;
	[tilespmem:s12+$0xFFFFFF10] =	vst v9;
	v9 =	vadd.bf16 v12, v10  }
0x1d2: {  	v10 =	vld [tilespmem:s13+$0xFFFFFC20]  }
0x1d3: {  	v11 =	vld [tilespmem:s13+$0xFFFFFCA0];
	v8 =	vadd.bf16 v9, v8  }
0x1d4: {  	v12 =	vld [tilespmem:s13+$0xFFFFFDA0]  }
0x1d5: {  	v9 =	vld [tilespmem:s13+$0xFFFFFD20];
	[tilespmem:s12+$0xFFFFFFA0] =	vst v8  }
0x1d6: {  	v8 =	vld [tilespmem:s13+$0xFFFFFE30]  }
0x1d7: {  	v13 =	vld [tilespmem:s13+$0xFFFFFEB0]  }
0x1d8: {  	v14 =	vld [tilespmem:s13+$0xFFFFFF30]  }
0x1d9: {  	v15 =	vld [tilespmem:s13+$0xFFFFFFB0];
	v10 =	vmul.bf16 v6, v10;
	v11 =	vmul.bf16 v7, v11  }
0x1da: {  	v12 =	vmul.bf16 v5, v12;
	v9 =	vmul.bf16 v4, v9;
	_ =	sdelay $0x1  }
0x1db: {  	v10 =	vadd.bf16 v11, v10;
	v9 =	vadd.bf16 v12, v9  }
0x1dc: {  	v8 =	vmul.bf16 v23, v8;
	v11 =	vmul.bf16 v24, v13  }
0x1dd: {  	v12 =	vmul.bf16 v26, v15;
	v9 =	vadd.bf16 v9, v10;
	v10 =	vmul.bf16 v25, v14;
	_ =	sdelay $0x1  }
0x1de: {  	v8 =	vadd.bf16 v11, v8;
	[tilespmem:s12+$0xFFFFFF20] =	vst v9;
	v9 =	vadd.bf16 v12, v10  }
0x1df: {  	v10 =	vld [tilespmem:s13+$0xFFFFFC30]  }
0x1e0: {  	v11 =	vld [tilespmem:s13+$0xFFFFFCB0];
	v8 =	vadd.bf16 v9, v8  }
0x1e1: {  	v12 =	vld [tilespmem:s13+$0xFFFFFDB0]  }
0x1e2: {  	v9 =	vld [tilespmem:s13+$0xFFFFFD30];
	[tilespmem:s12+$0xFFFFFFB0] =	vst v8  }
0x1e3: {  	v8 =	vld [tilespmem:s13+$0xFFFFFE40]  }
0x1e4: {  	v13 =	vld [tilespmem:s13+$0xFFFFFEC0]  }
0x1e5: {  	v14 =	vld [tilespmem:s13+$0xFFFFFF40]  }
0x1e6: {  	v15 =	vld [tilespmem:s13+$0xFFFFFFC0];
	_ =	sdelay $0x1  }
0x1e7: {  	v10 =	vmul.bf16 v6, v10;
	v11 =	vmul.bf16 v7, v11  }
0x1e8: {  	v12 =	vmul.bf16 v5, v12;
	v9 =	vmul.bf16 v4, v9  }
0x1e9: {  	v8 =	vmul.bf16 v23, v8;
	v13 =	vmul.bf16 v24, v13  }
0x1ea: {  	s20 =	simm.s32 $0x2;
	v14 =	vmul.bf16 v25, v14;
	v15 =	vmul.bf16 v26, v15  }
0x1eb: {  	v16 =	vmov s20;
	v10 =	vadd.bf16 v11, v10;
	v9 =	vadd.bf16 v12, v9  }
0x1ec: {  	v8 =	vadd.bf16 v13, v8;
	v11 =	vadd.bf16 v15, v14;
	_ =	sdelay $0x1  }
0x1ed: {  	s1 =	simm.s32 $0x29F0;
	v9 =	vadd.bf16 v9, v10;
	v10 =	vadd.bf16 v11, v8  }
0x1ee: {  	v20 =	vld [tilespmem:s1+$0xFFFFFE10]  }
0x1ef: {  	v8 =	vld.idx.msk [tilespmem:v16+s16+$0x0], $0xffff;
	[tilespmem:s12+$0xFFFFFFC0] =	vst v10  }
0x1f0: {  	[tilespmem:s12+$0xFFFFFF30] =	vst v9;
	v9 =	vor.u32 $0x80, v16;
	v12 =	vld [tilespmem:s13+$0xFFFFFE50]  }
0x1f1: {  	v10 =	vor.u32 $0x100, v16;
	v14 =	vld [tilespmem:s13+$0xFFFFFED0]  }
0x1f2: {  	v13 =	vor.u32 $0x180, v16;
	v15 =	vld [tilespmem:s13+$0xFFFFFF50]  }
0x1f3: {  	v16 =	vld [tilespmem:s13+$0xFFFFFFD0]  }
0x1f4: {  	s24 =	simm.s32 $0x3;
	v27 =	vld [tilespmem:s1+$0xFFFFFE90]  }
0x1f5: {  	v18 =	vmov s24;
	v11 =	vld.idx.msk [tilespmem:v9+s16+$0x0], $0xffff  }
0x1f6: {  	v9 =	vld.idx.msk [tilespmem:v10+s16+$0x0], $0xffff  }
0x1f7: {  	v10 =	vld.idx.msk [tilespmem:v13+s16+$0x0], $0xffff;
	v13 =	vor.u32 $0x80, v18;
	v21 =	vmul.bf16 v23, v12;
	v14 =	vmul.bf16 v24, v14  }
0x1f8: {  	v28 =	vld [tilespmem:s1+$0xFFFFFF10];
	v19 =	vor.u32 $0x100, v18;
	v15 =	vmul.bf16 v25, v15;
	v16 =	vmul.bf16 v26, v16  }
0x1f9: {  	v29 =	vld [tilespmem:s1+$0xFFFFFC10];
	v22 =	vor.u32 $0x180, v18  }
0x1fa: {  	v12 =	vld.idx.msk [tilespmem:v18+s16+$0x0], $0xffff;
	v14 =	vadd.bf16 v14, v21;
	v16 =	vadd.bf16 v16, v15  }
0x1fb: {  	v18 =	vld [tilespmem:s1+$0xFFFFFF90]  }
0x1fc: {  	v15 =	vld.idx.msk [tilespmem:v13+s16+$0x0], $0xffff;
	v16 =	vadd.bf16 v16, v14  }
0x1fd: {  	v13 =	vld.idx.msk [tilespmem:v19+s16+$0x0], $0xffff  }
0x1fe: {  	v14 =	vld.idx.msk [tilespmem:v22+s16+$0x0], $0xffff;
	[tilespmem:s12+$0xFFFFFFD0] =	vst v16  }
0x1ff: {  	v16 =	vld [tilespmem:s13+$0xFFFFFE60]  }
0x200: {  	v19 =	vld [tilespmem:s13+$0xFFFFFEE0]  }
0x201: {  	v21 =	vld [tilespmem:s13+$0xFFFFFF60]  }
0x202: {  	v20 =	vmul.bf16 v12, v20;
	v22 =	vmul.bf16 v15, v27;
	v27 =	vld [tilespmem:s13+$0xFFFFFFE0]  }
0x203: {  	v30 =	vld [tilespmem:s1+$0xFFFFFC90];
	v28 =	vmul.bf16 v13, v28;
	v18 =	vmul.bf16 v14, v18  }
0x204: {  	v31 =	vld [tilespmem:s1+$0xFFFFFD10]  }
0x205: {  	v17 =	vld [tilespmem:s13+$0xFFFFFC40];
	v20 =	vadd.bf16 v22, v20;
	v18 =	vadd.bf16 v18, v28  }
0x206: {  	v22 =	vld [tilespmem:s1+$0xFFFFFD90];
	v16 =	vmul.bf16 v23, v16;
	v19 =	vmul.bf16 v24, v19  }
0x207: {  	v32 =	vld [tilespmem:s13+$0xFFFFFDC0];
	v18 =	vadd.bf16 v18, v20;
	v20 =	vmul.bf16 v25, v21;
	v21 =	vmul.bf16 v26, v27  }
0x208: {  	s0 =	simm.s32 $0x4FF0;
	v28 =	vld [tilespmem:s13+$0xFFFFFCC0]  }
0x209: {  	v27 =	vld [tilespmem:s13+$0xFFFFFD40];
	v16 =	vadd.bf16 v19, v16;
	[tilespmem:s0+$0xFFFFFF90] =	vst v18;
	v18 =	vadd.bf16 v21, v20  }
0x20a: {  	v19 =	vmul.bf16 v8, v29;
	v29 =	vmul.bf16 v9, v31;
	v21 =	vld [tilespmem:s1+$0xFFFFFE20]  }
0x20b: {  	v20 =	vmul.bf16 v11, v30;
	v22 =	vmul.bf16 v10, v22;
	v30 =	vld [tilespmem:s1+$0xFFFFFEA0];
	v16 =	vadd.bf16 v18, v16  }
0x20c: {  	v18 =	vld [tilespmem:s1+$0xFFFFFF20]  }
0x20d: {  	v19 =	vadd.bf16 v20, v19;
	v20 =	vadd.bf16 v22, v29;
	v22 =	vld [tilespmem:s1+$0xFFFFFFA0];
	[tilespmem:s12+$0xFFFFFFE0] =	vst v16  }
0x20e: {  	v16 =	vmul.bf16 v6, v17;
	v17 =	vmul.bf16 v7, v28;
	v28 =	vld [tilespmem:s13+$0xFFFFFE70]  }
0x20f: {  	v29 =	vmul.bf16 v5, v32;
	v27 =	vmul.bf16 v4, v27;
	v19 =	vadd.bf16 v20, v19;
	v20 =	vld [tilespmem:s13+$0xFFFFFEF0]  }
0x210: {  	v31 =	vld [tilespmem:s13+$0xFFFFFF70]  }
0x211: {  	v16 =	vadd.bf16 v17, v16;
	v17 =	vadd.bf16 v29, v27;
	[tilespmem:s0+$0xFFFFFF10] =	vst v19;
	v19 =	vld [tilespmem:s13+$0xFFFFFFF0]  }
0x212: {  	v21 =	vmul.bf16 v12, v21;
	v27 =	vmul.bf16 v15, v30;
	v29 =	vld [tilespmem:s1+$0xFFFFFC20]  }
0x213: {  	v30 =	vld [tilespmem:s1+$0xFFFFFD20];
	v16 =	vadd.bf16 v17, v16;
	v17 =	vmul.bf16 v13, v18;
	v18 =	vmul.bf16 v14, v22  }
0x214: {  	v22 =	vld [tilespmem:s1+$0xFFFFFCA0]  }
0x215: {  	[tilespmem:s12+$0xFFFFFF40] =	vst v16;
	v16 =	vadd.bf16 v27, v21;
	v17 =	vadd.bf16 v18, v17;
	v18 =	vld [tilespmem:s1+$0xFFFFFDA0]  }
0x216: {  	v21 =	vld [tilespmem:s13+$0xFFFFFC50]  }
0x217: {  	v31 =	vmul.bf16 v25, v31;
	v27 =	vld [tilespmem:s13+$0xFFFFFCD0];
	v19 =	vmul.bf16 v26, v19;
	v16 =	vadd.bf16 v17, v16  }
0x218: {  	v28 =	vmul.bf16 v23, v28;
	v20 =	vmul.bf16 v24, v20;
	v48 =	vld [tilespmem:s13+$0xFFFFFDD0]  }
0x219: {  	v17 =	vld [tilespmem:s13+$0xFFFFFD50];
	v29 =	vmul.bf16 v8, v29;
	v22 =	vmul.bf16 v11, v22;
	v19 =	vadd.bf16 v19, v31;
	[tilespmem:s0+$0xFFFFFFA0] =	vst v16  }
0x21a: {  	v16 =	vadd.bf16 v20, v28;
	v20 =	vmul.bf16 v9, v30;
	v28 =	vld [tilespmem:s1+$0xFFFFFE30];
	v18 =	vmul.bf16 v10, v18  }
0x21b: {  	v22 =	vadd.bf16 v22, v29;
	v29 =	vld [tilespmem:s1+$0xFFFFFEB0]  }
0x21c: {  	v16 =	vadd.bf16 v19, v16;
	v19 =	vld [tilespmem:s1+$0xFFFFFF30];
	v18 =	vadd.bf16 v18, v20  }
0x21d: {  	v20 =	vmul.bf16 v6, v21;
	v21 =	vmul.bf16 v7, v27;
	v27 =	vld [tilespmem:s1+$0xFFFFFFB0]  }
0x21e: {  	v30 =	vmul.bf16 v5, v48;
	v17 =	vmul.bf16 v4, v17;
	[tilespmem:s12+$0xFFFFFFF0] =	vst v16;
	v16 =	vadd.bf16 v18, v22  }
0x21f: {  	v31 =	vld [tilespmem:s13+$0xFFFFFE80]  }
0x220: {  	v18 =	vadd.bf16 v21, v20;
	v17 =	vadd.bf16 v30, v17;
	v30 =	vld [tilespmem:s13+$0xFFFFFF00];
	[tilespmem:s0+$0xFFFFFF20] =	vst v16  }
0x221: {  	v20 =	vmul.bf16 v12, v28;
	v21 =	vmul.bf16 v15, v29;
	v16 =	vld [tilespmem:s1+$0xFFFFFC30]  }
0x222: {  	v17 =	vadd.bf16 v17, v18;
	v19 =	vmul.bf16 v13, v19;
	v18 =	vld [tilespmem:s1+$0xFFFFFCB0];
	v22 =	vmul.bf16 v14, v27  }
0x223: {  	v27 =	vld [tilespmem:s1+$0xFFFFFD30]  }
0x224: {  	[tilespmem:s12+$0xFFFFFF50] =	vst v17;
	v17 =	vadd.bf16 v21, v20;
	v20 =	vld [tilespmem:s1+$0xFFFFFDB0];
	v19 =	vadd.bf16 v22, v19  }
0x225: {  	v21 =	vld [tilespmem:s13+$0xFFFFFC60]  }
0x226: {  	v22 =	vld [tilespmem:s13+$0xFFFFFD60];
	v17 =	vadd.bf16 v19, v17  }
0x227: {  	v19 =	vld [tilespmem:s13+$0xFFFFFCE0]  }
0x228: {  	v16 =	vmul.bf16 v8, v16;
	v18 =	vmul.bf16 v11, v18;
	[tilespmem:s0+$0xFFFFFFB0] =	vst v17;
	v17 =	vld [tilespmem:s13+$0xFFFFFDE0]  }
0x229: {  	v27 =	vmul.bf16 v9, v27;
	v20 =	vmul.bf16 v10, v20;
	v28 =	vld [tilespmem:s1+$0xFFFFFE40]  }
0x22a: {  	s26 =	simm.s32 $0x5;
	v49 =	vld [tilespmem:s1+$0xFFFFFEC0]  }
0x22b: {  	v41 =	vmov s26;
	v16 =	vadd.bf16 v18, v16;
	v18 =	vadd.bf16 v20, v27;
	v20 =	vld [tilespmem:s1+$0xFFFFFF40]  }
0x22c: {  	v45 =	vor.u32 $0x180, v41;
	s15 =	simm.s32 $0x4;
	v27 =	vld [tilespmem:s1+$0xFFFFFFC0]  }
0x22d: {  	v33 =	vld [tilespmem:s13+$0xFFFFFF80];
	v29 =	vmov s15;
	v21 =	vmul.bf16 v6, v21;
	v19 =	vmul.bf16 v7, v19  }
0x22e: {  	v34 =	vld [tilespmem:s13+$0x0];
	s15 =	simm.s32 $0x2DF0;
	v22 =	vmul.bf16 v4, v22;
	v16 =	vadd.bf16 v18, v16;
	v17 =	vmul.bf16 v5, v17  }
0x22f: {  	v44 =	vld [tilespmem:s15+$0xFFFFFE10];
	v19 =	vadd.bf16 v19, v21  }
0x230: {  	v46 =	vld [tilespmem:s15+$0xFFFFFE90];
	[tilespmem:s0+$0xFFFFFF30] =	vst v16;
	v21 =	vmul.bf16 v15, v49;
	v16 =	vadd.bf16 v17, v22;
	v17 =	vmul.bf16 v12, v28  }
0x231: {  	v51 =	vld [tilespmem:s15+$0xFFFFFF10];
	v20 =	vmul.bf16 v13, v20;
	v22 =	vmul.bf16 v14, v27  }
0x232: {  	v31 =	vmul.bf16 v23, v31;
	v23 =	vld.idx.msk [tilespmem:v45+s16+$0x0], $0xffff;
	v16 =	vadd.bf16 v16, v19  }
0x233: {  	v24 =	vmul.bf16 v24, v30;
	v30 =	vld [tilespmem:s15+$0xFFFFFF90];
	v17 =	vadd.bf16 v21, v17;
	v19 =	vadd.bf16 v22, v20  }
0x234: {  	v18 =	vld.idx.msk [tilespmem:v29+s16+$0x0], $0xffff  }
0x235: {  	v35 =	vld [tilespmem:s1+$0xFFFFFC40];
	[tilespmem:s12+$0xFFFFFF60] =	vst v16;
	v16 =	vadd.bf16 v19, v17  }
0x236: {  	v28 =	vld [tilespmem:s1+$0xFFFFFCC0]  }
0x237: {  	v27 =	vld [tilespmem:s1+$0xFFFFFD40];
	[tilespmem:s0+$0xFFFFFFC0] =	vst v16  }
0x238: {  	v17 =	vor.u32 $0x80, v29;
	v20 =	vld [tilespmem:s1+$0xFFFFFE50]  }
0x239: {  	v16 =	vor.u32 $0x100, v29;
	v22 =	vld [tilespmem:s1+$0xFFFFFED0]  }
0x23a: {  	v21 =	vor.u32 $0x180, v29;
	v29 =	vld [tilespmem:s1+$0xFFFFFF50]  }
0x23b: {  	v40 =	vld [tilespmem:s1+$0xFFFFFFD0]  }
0x23c: {  	v50 =	vld [tilespmem:s1+$0xFFFFFDC0]  }
0x23d: {  	v19 =	vld.idx.msk [tilespmem:v17+s16+$0x0], $0xffff  }
0x23e: {  	v17 =	vld.idx.msk [tilespmem:v16+s16+$0x0], $0xffff  }
0x23f: {  	v16 =	vld.idx.msk [tilespmem:v21+s16+$0x0], $0xffff;
	v20 =	vmul.bf16 v12, v20;
	v21 =	vmul.bf16 v15, v22  }
0x240: {  	v42 =	vor.u32 $0x80, v41;
	v36 =	vld [tilespmem:s13+$0xFFFFFC70];
	v22 =	vmul.bf16 v13, v29;
	v29 =	vmul.bf16 v14, v40  }
0x241: {  	v43 =	vor.u32 $0x100, v41;
	v37 =	vld [tilespmem:s13+$0xFFFFFCF0]  }
0x242: {  	v38 =	vld [tilespmem:s13+$0xFFFFFD70];
	v47 =	vadd.bf16 v21, v20;
	v22 =	vadd.bf16 v29, v22  }
0x243: {  	v39 =	vld [tilespmem:s13+$0xFFFFFDF0]  }
0x244: {  	v21 =	vld.idx.msk [tilespmem:v41+s16+$0x0], $0xffff;
	v29 =	vadd.bf16 v22, v47  }
0x245: {  	v25 =	vmul.bf16 v25, v33;
	v20 =	vld.idx.msk [tilespmem:v42+s16+$0x0], $0xffff  }
0x246: {  	v26 =	vmul.bf16 v26, v34;
	v30 =	vmul.bf16 v23, v30;
	v22 =	vld.idx.msk [tilespmem:v43+s16+$0x0], $0xffff;
	[tilespmem:s0+$0xFFFFFFD0] =	vst v29  }
0x247: {  	v24 =	vadd.bf16 v24, v31;
	v27 =	vmul.bf16 v9, v27;
	v31 =	vmul.bf16 v10, v50;
	v52 =	vld [tilespmem:s1+$0xFFFFFE60]  }
0x248: {  	v28 =	vmul.bf16 v11, v28;
	v29 =	vmul.bf16 v8, v35;
	v53 =	vld [tilespmem:s1+$0xFFFFFEE0]  }
0x249: {  	v27 =	vadd.bf16 v31, v27;
	v54 =	vmul.bf16 v7, v37;
	v38 =	vmul.bf16 v4, v38;
	v55 =	vld [tilespmem:s1+$0xFFFFFF60]  }
0x24a: {  	v31 =	vmul.bf16 v21, v44;
	v56 =	vmul.bf16 v20, v46;
	v57 =	vld [tilespmem:s1+$0xFFFFFFE0];
	v28 =	vadd.bf16 v28, v29  }
0x24b: {  	v25 =	vadd.bf16 v26, v25;
	v26 =	vld [tilespmem:s15+$0xFFFFFC10];
	v29 =	vmul.bf16 v6, v36;
	v40 =	vmul.bf16 v22, v51  }
0x24c: {  	v58 =	vld [tilespmem:s15+$0xFFFFFC90];
	v31 =	vadd.bf16 v56, v31;
	v27 =	vadd.bf16 v27, v28;
	v28 =	vmul.bf16 v5, v39  }
0x24d: {  	v60 =	vld [tilespmem:s15+$0xFFFFFD90];
	v29 =	vadd.bf16 v54, v29;
	v30 =	vadd.bf16 v30, v40  }
0x24e: {  	v59 =	vld [tilespmem:s15+$0xFFFFFD10];
	[tilespmem:s0+$0xFFFFFF40] =	vst v27;
	v27 =	vadd.bf16 v28, v38;
	v28 =	vmul.bf16 v12, v52;
	v32 =	vmul.bf16 v15, v53  }
0x24f: {  	v62 =	vmul.bf16 v13, v55;
	v63 =	vmul.bf16 v14, v57;
	v30 =	vadd.bf16 v30, v31;
	v61 =	vld [tilespmem:s1+$0xFFFFFC50]  }
0x250: {  	s20 =	simm.s32 $0x50F0;
	v26 =	vmul.bf16 v18, v26;
	v31 =	vadd.bf16 v25, v24;
	v24 =	vld [tilespmem:s1+$0xFFFFFCD0];
	v27 =	vadd.bf16 v27, v29  }
0x251: {  	v25 =	vld [tilespmem:s1+$0xFFFFFD50];
	v29 =	vmul.bf16 v19, v58;
	v35 =	vadd.bf16 v63, v62;
	[tilespmem:s20+$0xFFFFFF90] =	vst v30;
	v30 =	vadd.bf16 v32, v28  }
0x252: {  	v33 =	vmul.bf16 v16, v60;
	[tilespmem:s12+$0x0] =	vst v31;
	v28 =	vld [tilespmem:s15+$0xFFFFFE20]  }
0x253: {  	v32 =	vmul.bf16 v17, v59;
	v31 =	vadd.bf16 v29, v26;
	v29 =	vld [tilespmem:s15+$0xFFFFFEA0];
	[tilespmem:s12+$0xFFFFFF70] =	vst v27;
	v27 =	vadd.bf16 v35, v30  }
0x254: {  	s24 =	simm.s32 $0x6;
	v30 =	vld [tilespmem:s15+$0xFFFFFF20];
	v26 =	vmul.bf16 v8, v61  }
.LBB2_9:
0x255: {  	p1 =	slt.u32 s24, $0xE;
	v32 =	vadd.bf16 v33, v32;
	v33 =	vld [tilespmem:s15+$0xFFFFFFA0];
	v24 =	vmul.bf16 v11, v24;
	[tilespmem:s0+$0xFFFFFFE0] =	vst v27  }
0x256: {  	v25 =	vmul.bf16 v9, v25;
	v27 =	vld [tilespmem:s1+$0xFFFFFE70]  }
0x257: {  	v31 =	vadd.bf16 v32, v31;
	v24 =	vadd.bf16 v24, v26;
	v26 =	vld [tilespmem:s1+$0xFFFFFEF0]  }
0x258: {  	v32 =	vld [tilespmem:s1+$0xFFFFFF70]  }
0x259: {  	v28 =	vmul.bf16 v21, v28;
	v29 =	vmul.bf16 v20, v29;
	[tilespmem:s20+$0xFFFFFF10] =	vst v31;
	v31 =	vld [tilespmem:s1+$0xFFFFFFF0]  }
0x25a: {  	v30 =	vmul.bf16 v22, v30;
	v34 =	vld [tilespmem:s15+$0xFFFFFC20];
	v33 =	vmul.bf16 v23, v33  }
0x25b: {  	v35 =	vld [tilespmem:s15+$0xFFFFFCA0]  }
0x25c: {  	v28 =	vadd.bf16 v29, v28;
	v36 =	vld [tilespmem:s15+$0xFFFFFD20];
	v29 =	vadd.bf16 v33, v30  }
0x25d: {  	v27 =	vmul.bf16 v12, v27;
	v26 =	vmul.bf16 v15, v26;
	v30 =	vld [tilespmem:s15+$0xFFFFFDA0]  }
0x25e: {  	v32 =	vmul.bf16 v13, v32;
	v28 =	vadd.bf16 v29, v28;
	v29 =	vld [tilespmem:s1+$0xFFFFFDD0];
	v31 =	vmul.bf16 v14, v31  }
0x25f: {  	v33 =	vmul.bf16 v18, v34;
	v34 =	vld [tilespmem:s13+$0xFFFFFC80]  }
0x260: {  	v26 =	vadd.bf16 v26, v27;
	v35 =	vmul.bf16 v19, v35;
	[tilespmem:s20+$0xFFFFFFA0] =	vst v28;
	v27 =	vadd.bf16 v31, v32;
	v28 =	vld [tilespmem:s13+$0xFFFFFD00]  }
0x261: {  	v31 =	vmul.bf16 v17, v36;
	v32 =	vld [tilespmem:s15+$0xFFFFFE30]  }
0x262: {  	v33 =	vadd.bf16 v35, v33;
	v30 =	vmul.bf16 v16, v30;
	v35 =	vld [tilespmem:s15+$0xFFFFFEB0];
	v26 =	vadd.bf16 v27, v26  }
0x263: {  	v27 =	vld [tilespmem:s15+$0xFFFFFF30];
	v29 =	vmul.bf16 v10, v29  }
0x264: {  	v30 =	vadd.bf16 v30, v31;
	v31 =	vld [tilespmem:s15+$0xFFFFFFB0];
	[tilespmem:s0+$0xFFFFFFF0] =	vst v26;
	v26 =	vmul.bf16 v6, v34;
	v6 =	vmovc v8;
	v8 =	vmov v18  }
0x265: {  	v18 =	vadd.bf16 v29, v25;
	v25 =	vld [tilespmem:s1+$0xFFFFFE80];
	v28 =	vmul.bf16 v7, v28;
	v7 =	vmovc v11;
	v11 =	vmov v19  }
0x266: {  	v19 =	vadd.bf16 v30, v33;
	v29 =	vld [tilespmem:s1+$0xFFFFFF00]  }
0x267: {  	v18 =	vadd.bf16 v18, v24;
	v24 =	vld [tilespmem:s1+$0xFFFFFF80];
	v26 =	vadd.bf16 v28, v26  }
0x268: {  	[tilespmem:s20+$0xFFFFFF20] =	vst v19;
	v19 =	vld [tilespmem:s1+$0x0]  }
0x269: {  	v30 =	vmul.bf16 v21, v32;
	v32 =	vmul.bf16 v20, v35;
	v28 =	vld [tilespmem:s15+$0xFFFFFC30];
	[tilespmem:s0+$0xFFFFFF50] =	vst v18  }
0x26a: {  	v27 =	vmul.bf16 v22, v27;
	v31 =	vmul.bf16 v23, v31;
	v18 =	vld [tilespmem:s15+$0xFFFFFCB0]  }
0x26b: {  	v30 =	vadd.bf16 v32, v30;
	v33 =	vld [tilespmem:s15+$0xFFFFFD30]  }
0x26c: {  	v25 =	vmul.bf16 v12, v25;
	v12 =	vmovc v21;
	v27 =	vadd.bf16 v31, v27;
	v29 =	vmul.bf16 v15, v29;
	v32 =	vld [tilespmem:s15+$0xFFFFFDB0]  }
0x26d: {  	v15 =	vmovc v20;
	v24 =	vmul.bf16 v13, v24;
	v13 =	vmovc v22;
	v21 =	vld [tilespmem:s1+$0xFFFFFC60];
	v19 =	vmul.bf16 v14, v19;
	v14 =	vmov v23  }
0x26e: {  	v22 =	vadd.bf16 v27, v30;
	v20 =	vmul.bf16 v8, v28;
	v23 =	vld [tilespmem:s1+$0xFFFFFCE0]  }
0x26f: {  	v25 =	vadd.bf16 v29, v25;
	v18 =	vmul.bf16 v11, v18;
	v27 =	vld [tilespmem:s1+$0xFFFFFD60];
	v19 =	vadd.bf16 v19, v24  }
0x270: {  	v24 =	vmul.bf16 v17, v33;
	[tilespmem:s20+$0xFFFFFFB0] =	vst v22;
	v22 =	vld [tilespmem:s1+$0xFFFFFDE0]  }
0x271: {  	v18 =	vadd.bf16 v18, v20;
	v20 =	vmul.bf16 v16, v32;
	v28 =	vld [tilespmem:s15+$0xFFFFFE40];
	v19 =	vadd.bf16 v19, v25  }
0x272: {  	v25 =	vmov s24;
	v29 =	vld [tilespmem:s15+$0xFFFFFEC0];
	v21 =	vmul.bf16 v6, v21  }
0x273: {  	v20 =	vadd.bf16 v20, v24;
	v24 =	vld [tilespmem:s15+$0xFFFFFF40];
	v23 =	vmul.bf16 v7, v23;
	[tilespmem:s0+$0x0] =	vst v19  }
0x274: {  	v19 =	vld [tilespmem:s15+$0xFFFFFFC0];
	v27 =	vmul.bf16 v9, v27  }
0x275: {  	v20 =	vadd.bf16 v20, v18;
	v21 =	vadd.bf16 v23, v21;
	v22 =	vmul.bf16 v10, v22;
	v23 =	vld [tilespmem:s13+$0xFFFFFD80]  }
0x276: {  	v30 =	vld [tilespmem:s13+$0xFFFFFE00];
	s13 =	smov.u32 s1;
	s1 =	smov.u32 s15  }
0x277: {  	v18 =	vld.idx.msk [tilespmem:v25+s16+$0x0], $0xffff;
	[tilespmem:s20+$0xFFFFFF30] =	vst v20;
	v20 =	vadd.bf16 v22, v27  }
0x278: {  	v27 =	vmul.bf16 v12, v28;
	v28 =	vmul.bf16 v15, v29;
	v22 =	vld [tilespmem:s15+$0xFFFFFC40]  }
0x279: {  	v24 =	vmul.bf16 v13, v24;
	v29 =	vld [tilespmem:s15+$0xFFFFFCC0];
	v19 =	vmul.bf16 v14, v19;
	v20 =	vadd.bf16 v20, v21  }
0x27a: {  	v21 =	vld [tilespmem:s15+$0xFFFFFD40];
	v23 =	vmul.bf16 v4, v23;
	v4 =	vmov v9;
	v9 =	vmov v17  }
0x27b: {  	v27 =	vadd.bf16 v28, v27;
	v17 =	vld [tilespmem:s15+$0xFFFFFDC0];
	v19 =	vadd.bf16 v19, v24;
	[tilespmem:s0+$0xFFFFFF60] =	vst v20;
	v20 =	vmul.bf16 v5, v30  }
0x27c: {  	v5 =	vmov v10;
	v10 =	vmov v16;
	v24 =	vld [tilespmem:s13+$0xFFFFFC70]  }
0x27d: {  	v16 =	vmul.bf16 v8, v22;
	v19 =	vadd.bf16 v19, v27;
	v22 =	vld [tilespmem:s13+$0xFFFFFCF0];
	v20 =	vadd.bf16 v20, v23  }
0x27e: {  	v23 =	vmul.bf16 v11, v29;
	v27 =	vld [tilespmem:s13+$0xFFFFFD70]  }
0x27f: {  	v28 =	vor.u32 $0x80, v25;
	v21 =	vmul.bf16 v9, v21;
	[tilespmem:s20+$0xFFFFFFC0] =	vst v19;
	v29 =	vld [tilespmem:s13+$0xFFFFFDF0];
	v19 =	vadd.bf16 v20, v26  }
0x280: {  	v20 =	vor.u32 $0x100, v25;
	v16 =	vadd.bf16 v23, v16;
	v17 =	vmul.bf16 v10, v17;
	v23 =	vld [tilespmem:s15+$0xFFFFFE50]  }
0x281: {  	v25 =	vor.u32 $0x180, v25;
	v26 =	vld [tilespmem:s15+$0xFFFFFED0];
	v24 =	vmul.bf16 v6, v24;
	[tilespmem:s12+$0xFFFFFF80] =	vst v19;
	s12 =	smov.u32 s0;
	s0 =	smov.u32 s20  }
0x282: {  	v17 =	vadd.bf16 v17, v21;
	v21 =	vld [tilespmem:s15+$0xFFFFFF50];
	v22 =	vmul.bf16 v7, v22  }
0x283: {  	v30 =	vld [tilespmem:s15+$0xFFFFFFD0];
	v27 =	vmul.bf16 v4, v27  }
0x284: {  	s26 =	sadd.s32 $0x1, s24;
	v19 =	vld.idx.msk [tilespmem:v28+s16+$0x0], $0xffff;
	v28 =	vadd.bf16 v17, v16;
	v22 =	vadd.bf16 v22, v24;
	v24 =	vmul.bf16 v5, v29  }
0x285: {  	v17 =	vld.idx.msk [tilespmem:v20+s16+$0x0], $0xffff;
	v20 =	vmov s26  }
0x286: {  	s15 =	sadd.s32 $0x400, s15;
	v16 =	vld.idx.msk [tilespmem:v25+s16+$0x0], $0xffff;
	v25 =	vor.u32 $0x80, v20;
	[tilespmem:s20+$0xFFFFFF40] =	vst v28;
	v24 =	vadd.bf16 v24, v27  }
0x287: {  	v23 =	vmul.bf16 v12, v23;
	v27 =	vor.u32 $0x100, v20;
	v26 =	vmul.bf16 v15, v26;
	v28 =	vld [tilespmem:s15+$0xFFFFFE10]  }
0x288: {  	v29 =	vor.u32 $0x180, v20;
	v32 =	vmul.bf16 v13, v21;
	v31 =	vld [tilespmem:s15+$0xFFFFFE90];
	v30 =	vmul.bf16 v14, v30  }
0x289: {  	v22 =	vadd.bf16 v24, v22;
	v33 =	vld [tilespmem:s15+$0xFFFFFF10]  }
0x28a: {  	v23 =	vadd.bf16 v26, v23;
	v21 =	vld.idx.msk [tilespmem:v20+s16+$0x0], $0xffff;
	v24 =	vadd.bf16 v30, v32  }
0x28b: {  	v20 =	vld.idx.msk [tilespmem:v25+s16+$0x0], $0xffff;
	[tilespmem:s12+$0xFFFFFF70] =	vst v22  }
0x28c: {  	v22 =	vld.idx.msk [tilespmem:v27+s16+$0x0], $0xffff;
	v24 =	vadd.bf16 v24, v23  }
0x28d: {  	v23 =	vld.idx.msk [tilespmem:v29+s16+$0x0], $0xffff  }
0x28e: {  	v25 =	vld [tilespmem:s15+$0xFFFFFF90];
	[tilespmem:s20+$0xFFFFFFD0] =	vst v24  }
0x28f: {  	v24 =	vld [tilespmem:s1+$0xFFFFFE60]  }
0x290: {  	v26 =	vld [tilespmem:s1+$0xFFFFFEE0]  }
0x291: {  	v27 =	vld [tilespmem:s1+$0xFFFFFF60]  }
0x292: {  	v28 =	vmul.bf16 v21, v28;
	v29 =	vmul.bf16 v20, v31;
	v30 =	vld [tilespmem:s1+$0xFFFFFFE0]  }
0x293: {  	v32 =	vmul.bf16 v22, v33;
	v31 =	vld [tilespmem:s15+$0xFFFFFC10];
	v25 =	vmul.bf16 v23, v25  }
0x294: {  	v33 =	vld [tilespmem:s15+$0xFFFFFC90]  }
0x295: {  	v28 =	vadd.bf16 v29, v28;
	v34 =	vld [tilespmem:s15+$0xFFFFFD10];
	v25 =	vadd.bf16 v25, v32  }
0x296: {  	v32 =	vmul.bf16 v12, v24;
	v26 =	vmul.bf16 v15, v26;
	v29 =	vld [tilespmem:s15+$0xFFFFFD90]  }
0x297: {  	v27 =	vmul.bf16 v13, v27;
	v25 =	vadd.bf16 v25, v28;
	v35 =	vld [tilespmem:s1+$0xFFFFFC50];
	v28 =	vmul.bf16 v14, v30  }
.Ltmp6:
0x298: {  	s20 =	sadd.s32 $0x100, s20;
	v30 =	vmul.bf16 v18, v31;
	v24 =	vld [tilespmem:s1+$0xFFFFFCD0];
	(pc) =	sbr.rel @p1 .LBB2_9-.Ltmp6, $4  }
0x299: {  	v26 =	vadd.bf16 v26, v32;
	v31 =	vmul.bf16 v19, v33;
	[tilespmem:s20+$0xFFFFFF90] =	vst v25;
	v25 =	vld [tilespmem:s1+$0xFFFFFD50];
	v27 =	vadd.bf16 v28, v27  }
0x29a: {  	v32 =	vmul.bf16 v17, v34;
	v28 =	vld [tilespmem:s15+$0xFFFFFE20]  }
0x29b: {  	v31 =	vadd.bf16 v31, v30;
	v33 =	vmul.bf16 v16, v29;
	v29 =	vld [tilespmem:s15+$0xFFFFFEA0];
	v27 =	vadd.bf16 v27, v26  }
0x29c: {  	s24 =	sadd.s32 $0x2, s24;
	v30 =	vld [tilespmem:s15+$0xFFFFFF20];
	v26 =	vmul.bf16 v8, v35  }
0x29d: {  	v32 =	vadd.bf16 v33, v32;
	_ =	sdelay $0x1  }
0x29e: {  	v31 =	vadd.bf16 v32, v31  }
0x29f: {  	v51 =	vld [tilespmem:s15+$0xFFFFFFA0]  }
0x2a0: {  	[tilespmem:s20+$0xFFFFFF10] =	vst v31  }
0x2a1: {  	v31 =	vld [tilespmem:s15+$0xFFFFFC20]  }
0x2a2: {  	v52 =	vld [tilespmem:s15+$0xFFFFFCA0]  }
0x2a3: {  	v28 =	vmul.bf16 v21, v28;
	v29 =	vmul.bf16 v20, v29;
	v34 =	vld [tilespmem:s15+$0xFFFFFD20]  }
0x2a4: {  	v30 =	vmul.bf16 v22, v30;
	v33 =	vmul.bf16 v23, v51;
	v35 =	vld [tilespmem:s15+$0xFFFFFDA0];
	_ =	sdelay $0x1  }
0x2a5: {  	v28 =	vadd.bf16 v29, v28;
	v53 =	vadd.bf16 v33, v30;
	_ =	sdelay $0x1  }
0x2a6: {  	v28 =	vadd.bf16 v53, v28;
	v54 =	vmul.bf16 v18, v31;
	v55 =	vmul.bf16 v19, v52  }
0x2a7: {  	v56 =	vmul.bf16 v17, v34;
	v57 =	vmul.bf16 v16, v35  }
0x2a8: {  	[tilespmem:s20+$0xFFFFFFA0] =	vst v28  }
0x2a9: {  	v58 =	vld [tilespmem:s15+$0xFFFFFE30];
	v29 =	vadd.bf16 v55, v54;
	v28 =	vadd.bf16 v57, v56  }
0x2aa: {  	v59 =	vld [tilespmem:s15+$0xFFFFFEB0]  }
0x2ab: {  	v60 =	vld [tilespmem:s15+$0xFFFFFF30];
	v28 =	vadd.bf16 v28, v29  }
0x2ac: {  	v61 =	vld [tilespmem:s15+$0xFFFFFFB0]  }
0x2ad: {  	[tilespmem:s20+$0xFFFFFF20] =	vst v28  }
0x2ae: {  	v28 =	vld [tilespmem:s15+$0xFFFFFC30]  }
0x2af: {  	v63 =	vld [tilespmem:s15+$0xFFFFFCB0]  }
0x2b0: {  	v62 =	vmul.bf16 v21, v58;
	v30 =	vmul.bf16 v20, v59;
	v36 =	vld [tilespmem:s15+$0xFFFFFD30]  }
0x2b1: {  	v31 =	vmul.bf16 v22, v60;
	v33 =	vmul.bf16 v23, v61;
	v37 =	vld [tilespmem:s15+$0xFFFFFDB0];
	_ =	sdelay $0x1  }
0x2b2: {  	v29 =	vadd.bf16 v30, v62;
	v38 =	vadd.bf16 v33, v31;
	_ =	sdelay $0x1  }
0x2b3: {  	v29 =	vadd.bf16 v38, v29;
	v28 =	vmul.bf16 v18, v28;
	v39 =	vmul.bf16 v19, v63  }
0x2b4: {  	v40 =	vmul.bf16 v17, v36;
	v41 =	vmul.bf16 v16, v37  }
0x2b5: {  	[tilespmem:s20+$0xFFFFFFB0] =	vst v29  }
0x2b6: {  	v42 =	vld [tilespmem:s15+$0xFFFFFE40];
	v28 =	vadd.bf16 v39, v28;
	v29 =	vadd.bf16 v41, v40  }
0x2b7: {  	v43 =	vld [tilespmem:s15+$0xFFFFFEC0]  }
0x2b8: {  	v44 =	vld [tilespmem:s15+$0xFFFFFF40];
	v28 =	vadd.bf16 v29, v28  }
0x2b9: {  	v45 =	vld [tilespmem:s15+$0xFFFFFFC0]  }
0x2ba: {  	[tilespmem:s20+$0xFFFFFF30] =	vst v28  }
0x2bb: {  	v28 =	vld [tilespmem:s15+$0xFFFFFC40]  }
0x2bc: {  	v47 =	vld [tilespmem:s15+$0xFFFFFCC0]  }
0x2bd: {  	v46 =	vmul.bf16 v21, v42;
	v30 =	vmul.bf16 v20, v43;
	v48 =	vld [tilespmem:s15+$0xFFFFFD40]  }
0x2be: {  	v31 =	vmul.bf16 v22, v44;
	v33 =	vmul.bf16 v23, v45;
	v49 =	vld [tilespmem:s15+$0xFFFFFDC0];
	_ =	sdelay $0x1  }
0x2bf: {  	[tilespmem:s0+$0xFFFFFFE0] =	vst v27;
	v53 =	vld [tilespmem:s1+$0xFFFFFDD0];
	v29 =	vadd.bf16 v30, v46;
	v50 =	vadd.bf16 v33, v31  }
0x2c0: {  	v60 =	vld [tilespmem:s1+$0xFFFFFEF0]  }
0x2c1: {  	v61 =	vld [tilespmem:s1+$0xFFFFFF70];
	v51 =	vadd.bf16 v50, v29;
	v28 =	vmul.bf16 v18, v28;
	v52 =	vmul.bf16 v19, v47  }
0x2c2: {  	v36 =	vld [tilespmem:s1+$0xFFFFFFF0];
	v54 =	vmul.bf16 v17, v48;
	v55 =	vmul.bf16 v16, v49  }
0x2c3: {  	v29 =	vld [tilespmem:s1+$0xFFFFFE70];
	[tilespmem:s20+$0xFFFFFFC0] =	vst v51  }
0x2c4: {  	v56 =	vld [tilespmem:s15+$0xFFFFFE50];
	v28 =	vadd.bf16 v52, v28;
	v27 =	vadd.bf16 v55, v54  }
0x2c5: {  	v57 =	vld [tilespmem:s15+$0xFFFFFED0]  }
0x2c6: {  	v24 =	vmul.bf16 v11, v24;
	v58 =	vld [tilespmem:s15+$0xFFFFFF50];
	v27 =	vadd.bf16 v27, v28  }
0x2c7: {  	v25 =	vmul.bf16 v9, v25;
	v31 =	vmul.bf16 v10, v53;
	v59 =	vld [tilespmem:s15+$0xFFFFFFD0]  }
0x2c8: {  	v24 =	vadd.bf16 v24, v26;
	[tilespmem:s20+$0xFFFFFF40] =	vst v27  }
0x2c9: {  	v53 =	vmul.bf16 v13, v61;
	v25 =	vadd.bf16 v31, v25;
	v54 =	vmul.bf16 v14, v36;
	v62 =	vld [tilespmem:s15+$0xFFFFFC50]  }
0x2ca: {  	v29 =	vmul.bf16 v12, v29;
	v28 =	vmul.bf16 v15, v60;
	v40 =	vld [tilespmem:s15+$0xFFFFFCD0]  }
0x2cb: {  	v24 =	vadd.bf16 v25, v24;
	v63 =	vmul.bf16 v21, v56;
	v30 =	vmul.bf16 v20, v57;
	v43 =	vld [tilespmem:s15+$0xFFFFFD50]  }
0x2cc: {  	v41 =	vmul.bf16 v22, v58;
	v42 =	vmul.bf16 v23, v59;
	v44 =	vld [tilespmem:s15+$0xFFFFFDD0]  }
0x2cd: {  	[tilespmem:s0+$0xFFFFFF50] =	vst v24;
	v28 =	vadd.bf16 v28, v29;
	v57 =	vadd.bf16 v54, v53  }
0x2ce: {  	v46 =	vld [tilespmem:s1+$0xFFFFFC60];
	v45 =	vadd.bf16 v30, v63;
	v25 =	vadd.bf16 v42, v41  }
0x2cf: {  	v47 =	vld [tilespmem:s1+$0xFFFFFCE0];
	v28 =	vadd.bf16 v57, v28  }
0x2d0: {  	v48 =	vld [tilespmem:s1+$0xFFFFFD60];
	v24 =	vadd.bf16 v25, v45;
	v26 =	vmul.bf16 v18, v62;
	v31 =	vmul.bf16 v19, v40  }
0x2d1: {  	v49 =	vld [tilespmem:s1+$0xFFFFFDE0];
	[tilespmem:s0+$0xFFFFFFF0] =	vst v28;
	v50 =	vmul.bf16 v17, v43;
	v51 =	vmul.bf16 v16, v44  }
0x2d2: {  	v35 =	vld [tilespmem:s1+$0xFFFFFE80];
	[tilespmem:s20+$0xFFFFFFD0] =	vst v24  }
0x2d3: {  	v52 =	vld [tilespmem:s15+$0xFFFFFE60];
	v26 =	vadd.bf16 v31, v26;
	v24 =	vadd.bf16 v51, v50  }
0x2d4: {  	v37 =	vld [tilespmem:s15+$0xFFFFFEE0]  }
0x2d5: {  	v55 =	vld [tilespmem:s15+$0xFFFFFF60];
	v24 =	vadd.bf16 v24, v26  }
0x2d6: {  	v56 =	vld [tilespmem:s15+$0xFFFFFFE0]  }
0x2d7: {  	v27 =	vmul.bf16 v8, v46;
	v30 =	vmul.bf16 v11, v47;
	v31 =	vld [tilespmem:s13+$0xFFFFFD00];
	[tilespmem:s20+$0xFFFFFF50] =	vst v24  }
0x2d8: {  	v32 =	vmul.bf16 v10, v49;
	v25 =	vmul.bf16 v9, v48;
	v59 =	vld [tilespmem:s15+$0xFFFFFC60]  }
0x2d9: {  	v62 =	vld [tilespmem:s15+$0xFFFFFCE0]  }
0x2da: {  	v58 =	vadd.bf16 v30, v27;
	v25 =	vadd.bf16 v32, v25;
	v38 =	vld [tilespmem:s15+$0xFFFFFD60]  }
0x2db: {  	v60 =	vmul.bf16 v21, v52;
	v61 =	vmul.bf16 v20, v37;
	v39 =	vld [tilespmem:s15+$0xFFFFFDE0]  }
0x2dc: {  	v50 =	vld [tilespmem:s1+$0xFFFFFF00];
	v24 =	vadd.bf16 v25, v58;
	v63 =	vmul.bf16 v22, v55;
	v37 =	vmul.bf16 v23, v56  }
0x2dd: {  	v51 =	vld [tilespmem:s1+$0xFFFFFF80]  }
0x2de: {  	v26 =	vld [tilespmem:s13+$0xFFFFFC80];
	[tilespmem:s0+$0xFFFFFF60] =	vst v24;
	v40 =	vadd.bf16 v61, v60;
	v25 =	vadd.bf16 v37, v63  }
0x2df: {  	v41 =	vld [tilespmem:s1+$0xFFFFFC70];
	v27 =	vmul.bf16 v18, v59;
	v32 =	vmul.bf16 v19, v62  }
0x2e0: {  	v42 =	vld [tilespmem:s1+$0xFFFFFCF0];
	v24 =	vadd.bf16 v25, v40;
	v45 =	vmul.bf16 v17, v38;
	v28 =	vmul.bf16 v16, v39  }
0x2e1: {  	v43 =	vld [tilespmem:s1+$0xFFFFFD70]  }
0x2e2: {  	v44 =	vld [tilespmem:s1+$0xFFFFFDF0];
	[tilespmem:s20+$0xFFFFFFE0] =	vst v24;
	v27 =	vadd.bf16 v32, v27;
	v24 =	vadd.bf16 v28, v45  }
0x2e3: {  	v46 =	vld [tilespmem:s15+$0xFFFFFE70]  }
0x2e4: {  	v47 =	vld [tilespmem:s15+$0xFFFFFEF0];
	v24 =	vadd.bf16 v24, v27  }
0x2e5: {  	v48 =	vld [tilespmem:s15+$0xFFFFFF70]  }
0x2e6: {  	v49 =	vld [tilespmem:s15+$0xFFFFFFF0];
	v29 =	vmul.bf16 v8, v41;
	v30 =	vmul.bf16 v11, v42;
	[tilespmem:s20+$0xFFFFFF60] =	vst v24  }
0x2e7: {  	v25 =	vmul.bf16 v9, v43;
	v33 =	vmul.bf16 v10, v44;
	v53 =	vld [tilespmem:s15+$0xFFFFFC70]  }
0x2e8: {  	v56 =	vld [tilespmem:s15+$0xFFFFFCF0]  }
0x2e9: {  	v52 =	vadd.bf16 v30, v29;
	v25 =	vadd.bf16 v33, v25;
	v57 =	vld [tilespmem:s15+$0xFFFFFD70]  }
0x2ea: {  	v54 =	vmul.bf16 v21, v46;
	v55 =	vmul.bf16 v20, v47;
	v58 =	vld [tilespmem:s15+$0xFFFFFDF0]  }
0x2eb: {  	v60 =	vld [tilespmem:s13+$0xFFFFFE00];
	v24 =	vadd.bf16 v25, v52;
	v28 =	vmul.bf16 v22, v48;
	v32 =	vmul.bf16 v23, v49  }
0x2ec: {  	v38 =	vld [tilespmem:s1+$0x0]  }
0x2ed: {  	v59 =	vld [tilespmem:s13+$0xFFFFFD80];
	[tilespmem:s0+$0xFFFFFF70] =	vst v24;
	v30 =	vadd.bf16 v55, v54;
	v28 =	vadd.bf16 v32, v28  }
0x2ee: {  	v62 =	vld [tilespmem:s1+$0xFFFFFC80];
	v29 =	vmul.bf16 v18, v53;
	v63 =	vmul.bf16 v19, v56  }
0x2ef: {  	v40 =	vld [tilespmem:s1+$0xFFFFFD00];
	v61 =	vadd.bf16 v28, v30;
	v41 =	vmul.bf16 v17, v57;
	v25 =	vmul.bf16 v16, v58  }
0x2f0: {  	v46 =	vld [tilespmem:s1+$0xFFFFFD80]  }
0x2f1: {  	v49 =	vld [tilespmem:s1+$0xFFFFFE00];
	[tilespmem:s20+$0xFFFFFFF0] =	vst v61;
	v29 =	vadd.bf16 v63, v29;
	v24 =	vadd.bf16 v25, v41  }
0x2f2: {  	v42 =	vld [tilespmem:s15+$0xFFFFFE80]  }
0x2f3: {  	v43 =	vld [tilespmem:s15+$0xFFFFFF00];
	v24 =	vadd.bf16 v24, v29  }
0x2f4: {  	v7 =	vmul.bf16 v7, v31;
	v6 =	vmul.bf16 v6, v26;
	v44 =	vld [tilespmem:s15+$0xFFFFFF80]  }
0x2f5: {  	v5 =	vmul.bf16 v5, v60;
	v4 =	vmul.bf16 v4, v59;
	v45 =	vld [tilespmem:s15+$0x0];
	[tilespmem:s20+$0xFFFFFF70] =	vst v24  }
0x2f6: {  	v47 =	vmul.bf16 v12, v35;
	v48 =	vmul.bf16 v15, v50;
	v24 =	vld [tilespmem:s15+$0xFFFFFC80]  }
0x2f7: {  	v6 =	vadd.bf16 v7, v6;
	v50 =	vmul.bf16 v13, v51;
	v51 =	vmul.bf16 v14, v38;
	v52 =	vld [tilespmem:s15+$0xFFFFFD00]  }
0x2f8: {  	v4 =	vadd.bf16 v5, v4;
	v12 =	vadd.bf16 v48, v47;
	v53 =	vld [tilespmem:s15+$0xFFFFFD80]  }
0x2f9: {  	v13 =	vadd.bf16 v51, v50;
	v5 =	vmul.bf16 v8, v62;
	v54 =	vmul.bf16 v11, v40;
	v55 =	vld [tilespmem:s15+$0xFFFFFE00]  }
0x2fa: {  	v4 =	vadd.bf16 v4, v6;
	v60 =	vmul.bf16 v9, v46;
	v61 =	vmul.bf16 v10, v49  }
0x2fb: {  	v5 =	vadd.bf16 v54, v5;
	v56 =	vmul.bf16 v21, v42;
	v57 =	vmul.bf16 v20, v43  }
0x2fc: {  	v9 =	vadd.bf16 v61, v60;
	v58 =	vmul.bf16 v22, v44;
	v59 =	vmul.bf16 v23, v45  }
0x2fd: {  	v12 =	vadd.bf16 v13, v12;
	v62 =	vmul.bf16 v18, v24;
	v7 =	vmul.bf16 v19, v52  }
0x2fe: {  	[tilespmem:s12+$0xFFFFFF80] =	vst v4;
	v4 =	vadd.bf16 v9, v5;
	v63 =	vmul.bf16 v17, v53;
	v11 =	vmul.bf16 v16, v55  }
0x2ff: {  	v13 =	vadd.bf16 v57, v56;
	v6 =	vadd.bf16 v59, v58  }
0x300: {  	v7 =	vadd.bf16 v7, v62;
	v8 =	vadd.bf16 v11, v63  }
.Ltmp7:
0x301: {  	s24 =	sadd.s32 s10, s8;
	[tilespmem:s0+$0x0] =	vst v12;
	v6 =	vadd.bf16 v6, v13;
	(pc) =	sbr.rel @p0 .LBB2_12-.Ltmp7, $4  }
0x302: {  	s1 =	sshll.u32 s24, $0x8;
	[tilespmem:s0+$0xFFFFFF80] =	vst v4;
	v5 =	vadd.bf16 v8, v7  }
0x303: {  	s26 =	sand.u32 $0x1FFFFF00, s1;
	[tilespmem:s20+$0x0] =	vst v6  }
0x304: {  	s0 =	sadd.s32 s7, s26;
	[tilespmem:s20+$0xFFFFFF80] =	vst v5  }
0x305: {  	[hbm4b:s0+s2] =	stream.linear.scatter [tilespmem:s31], [sflag:$0x8], $0x800, $0x38;
	[tilespmem:$0x5600] =	vst v63  }
.Ltmp8:
0x306: {  	s0 =	sadd.s32 s6, s11;
	(pc) =	sbr.rel .LBB2_2-.Ltmp8, $4  }
0x307: {  	s0 =	sshll.u32 s0, $0x6  }
0x308: {  	s0 =	sand.u32 $0x1FFFFFC0, s0  }
0x309: {  	s9 =	sadd.s32 $0x1, s9;
	s0 =	sadd.s32 s5, s0  }
0x30a: {  	[tilespmem:s16], [sflag:$0x4] =	stream.linear.gather [hbm4b:s0+s2], $0x200, $0x38;
	[tilespmem:$0x5600] =	vst v63  }
.LBB2_13:
0x30b: {  	_ =	sfence.sel $0x180000  }
0x30c: {  	[bflag:$0x0] =	sbarrier.arrive $0xFFFF  }
0x30d: {  	_ =	strace $0x9000004A  }
0x30e: {  	s0 =	stileid.u32;
	[bflag:$0x2] =	sbarrier.arrive $0xFFFF  }
0x30f: {  	p0 =	sne.s32 s0, $0x0;
	s0 =	rddreg [dreg:$0x1]  }
0x310: {  	s0 =	sadd.s32 @!p0 $0x100000, s0  }
0x311: {  	[sflag:s0] =	ssyncadd.tile.s32 @!p0 $0x1;
	_ =	shalt  }
.Lfunc_end2:
_tile_overlayer_lowered:
.L_overlay_start_2:
0x312: {  	(tag) =	ssettag $0x2  }
0x313: {  	s0 =	rddreg [dreg:$0x0];
	s2 =	stileid.u32  }
0x314: {  	s1 =	rddreg [dreg:$0x1];
	p0 =	sne.s32 s2, $0x0  }
0x315: {  	s3 =	rddreg [dreg:$0x2];
	[bflag:$0x3] =	sbarrier.arrive $0xFFFF;
	s2 =	simm.s32 @!p0 $0x1C09  }
0x316: {  	[timem:s3], [sflag:s2] =	dma.local @!p0 [hbm:s0], s1  }
0x317: {  	s0 =	simm.s32 @!p0 $0x9  }
0x318: {  	_ =	swait.ge @!p0 [sflag:s0], s1  }
0x319: {  	s1 =	ssub.s32 @!p0 $0x0, s1;
	[sflag:s0] =	ssyncset.done @!p0 $0x0  }
0x31a: {  	[sflag:s0] =	ssyncadd.s32 @!p0 s1  }
0x31b: {  	[bflag:$0x3] =	sbarrier.arrive $0xFFFF  }
0x31c: {  	_ =	shalt  }

// kernel: kernel.7.cloned.1.call-start
scs
__scs_entry_jumppad:
0x0: {  	(pc) =	sbr.rel $0x88, $3  }
0x1: {  	(tag) =	ssettag $0x0;
	lr =	simm.s32 $0x1  }
0x2: {  	[smem:$0x3F9F] =	sst lr;
	_ =	strace $0xD0000000  }
0x3: {  	_ = 	snop  }
0x4: {  	_ = 	snop  }
0x5: {  	_ = 	snop  }
0x6: {  	_ = 	snop  }
0x7: {  	_ = 	snop  }
__scs_overlays_trampoline_lowered:
0x8: {  	[smem:$0x3FAE] =	sst s0  }
0x9: {  	[smem:$0x3FAF] =	sst s1  }
0xa: {  	[smem:$0x3FB0] =	sst s2  }
0xb: {  	[smem:$0x3FB1] =	sst s3  }
0xc: {  	[smem:$0x3FB2] =	sst s4  }
0xd: {  	[smem:$0x3FB3] =	sst s5  }
0xe: {  	[smem:$0x3FB4] =	sst s6  }
0xf: {  	[smem:$0x3FB5] =	sst s7  }
0x10: {  	[smem:$0x3FB6] =	sst s8  }
0x11: {  	[smem:$0x3FB7] =	sst s9;
	s0 =	simm.s32 @!p0 $0x0  }
0x12: {  	s1 =	sld [smem:$0x3F9D];
	s0 =	simm.s32 @p0 $0x1  }
0x13: {  	[smem:$0x3FB8] =	sst s0;
	s0 =	simm.s32 @!p1 $0x0  }
0x14: {  	s2 =	sld [smem:$0x3F9C];
	s0 =	simm.s32 @p1 $0x1  }
0x15: {  	[smem:$0x3FB9] =	sst s0;
	s0 =	simm.s32 @!p2 $0x0  }
0x16: {  	s3 =	sld [smem:$0x3FDB];
	s0 =	simm.s32 @p2 $0x1  }
0x17: {  	s4 =	simm.s32 $0x1BF5;
	[smem:$0x3FBB] =	sst s0  }
0x18: {  	s0 =	sld [smem:$0x3F9E];
	_ =	swait.ge [sflag:s4], $0x0  }
0x19: {  	s7 =	sld [smem:$0x3F9F]  }
0x1a: {  	s8 =	sadd.s32 $0xFFFFE003, lr  }
0x1b: {  	s9 =	sadd.s32 $0xFFFFFEF7, lr;
	s5 =	simm.s32 $0xFFFFFFFF;
	p2 =	slt.u32 s8, $0xFFFFF086  }
0x1c: {  	p1 =	slt.u32 s9, $0xF7A;
	s5 =	simm.s32 @!p2 $0x0  }
0x1d: {  	s5 =	simm.s32 @p1 $0x1;
	p0 =	seq.s32 s7, s2  }
0x1e: {  	s7 =	smul.u32 @!p0 $0xF7A, s2;
	p2 =	seq.s32 @!p0 s5, $0x0  }
0x1f: {  	s9 =	smul.u32 $0xF7A, s1;
	s8 =	simm.s32 @!p0 $0x1BF5;
	p2 =	por !p2, p0  }
0x20: {  	[sflag:s8] =	ssyncset.s32 @!p0 $0xFFFFF086;
	s6 =	sadd.s32 @!p0 s3, s7;
	s7 =	simm.s32 @!p0 $0x108  }
0x21: {  	s3 =	sadd.s32 s3, s9;
	s6 =	sadd.s32 @!p0 $0x88, s6;
	s7 =	simm.s32 @p2 $0x1082  }
0x22: {  	[simem:s7], [sflag:s8] =	dma.local @!p0 [hbm:s6], $0xF7A  }
0x23: {  	s9 =	sor.u32 $0xD0000000, s2;
	s6 =	simm.s32 $0x108;
	_ =	swait.ge @!p0 [sflag:s8], $0x0  }
0x24: {  	s3 =	sadd.s32 $0x88, s3;
	s6 =	simm.s32 @!p1 $0x1082;
	[sflag:s4] =	ssyncset.s32 $0xFFFFF086  }
0x25: {  	[simem:s6], [sflag:s4] =	dma.local [hbm:s3], $0xF7A  }
0x26: {  	[smem:$0x3F9F] =	sst s1;
	(tag) =	ssettag s2;
	_ =	strace s9  }
0x27: {  	s1 =	sld [smem:$0x3FAF]  }
0x28: {  	s2 =	sld [smem:$0x3FB0]  }
0x29: {  	s4 =	sld [smem:$0x3FB2]  }
0x2a: {  	p0 =	seq.s32 s5, $0x0;
	s5 =	sld [smem:$0x3FB3]  }
0x2b: {  	s6 =	sld [smem:$0x3FB4]  }
0x2c: {  	s7 =	sld [smem:$0x3FB5]  }
0x2d: {  	s3 =	simm.s32 $0x108;
	s8 =	sld [smem:$0x3FB6]  }
0x2e: {  	s3 =	simm.s32 @!p0 $0x1082;
	s9 =	sld [smem:$0x3FB7]  }
0x2f: {  	lr =	sadd.s32 s0, s3;
	s0 =	sld [smem:$0x3FAE]  }
0x30: {  	s3 =	sld [smem:$0x3FB1]  }
0x31: {  	[smem:$0x3FBA] =	sst s10  }
0x32: {  	s10 =	sld [smem:$0x3FB8];
	_ =	sdelay $0x3  }
0x33: {  	p0 =	seq.s32 s10, $0x1;
	s10 =	sld [smem:$0x3FBA];
	_ =	sdelay $0x3  }
0x34: {  	[smem:$0x3FBA] =	sst s10  }
0x35: {  	s10 =	sld [smem:$0x3FB9];
	_ =	sdelay $0x3  }
0x36: {  	p1 =	seq.s32 s10, $0x1;
	s10 =	sld [smem:$0x3FBA];
	_ =	sdelay $0x3  }
0x37: {  	[smem:$0x3FBA] =	sst s10  }
0x38: {  	s10 =	sld [smem:$0x3FBB]  }
0x39: {  	_ = 	snop;
	(pc) =	sbr.ind lr, $3  }
0x3a: {  	_ = 	snop  }
0x3b: {  	_ = 	snop  }
0x3c: {  	p2 =	seq.s32 s10, $0x1;
	s10 =	sld [smem:$0x3FBA]  }
0x3d: {  	_ =	shalt  }
0x3e: {  	_ =	shalt  }
0x3f: {  	_ =	shalt  }
0x40: {  	_ =	shalt  }
0x41: {  	_ =	shalt  }
0x42: {  	_ =	shalt  }
0x43: {  	_ =	shalt  }
0x44: {  	_ =	shalt  }
0x45: {  	_ =	shalt  }
0x46: {  	_ =	shalt  }
0x47: {  	_ =	shalt  }
0x48: {  	_ =	shalt  }
0x49: {  	_ =	shalt  }
0x4a: {  	_ =	shalt  }
0x4b: {  	_ =	shalt  }
0x4c: {  	_ =	shalt  }
0x4d: {  	_ =	shalt  }
0x4e: {  	_ =	shalt  }
0x4f: {  	_ =	shalt  }
0x50: {  	_ =	shalt  }
0x51: {  	_ =	shalt  }
0x52: {  	_ =	shalt  }
0x53: {  	_ =	shalt  }
0x54: {  	_ =	shalt  }
0x55: {  	_ =	shalt  }
0x56: {  	_ =	shalt  }
0x57: {  	_ =	shalt  }
0x58: {  	_ =	shalt  }
0x59: {  	_ =	shalt  }
0x5a: {  	_ =	shalt  }
0x5b: {  	_ =	shalt  }
0x5c: {  	_ =	shalt  }
0x5d: {  	_ =	shalt  }
0x5e: {  	_ =	shalt  }
0x5f: {  	_ =	shalt  }
0x60: {  	_ =	shalt  }
0x61: {  	_ =	shalt  }
0x62: {  	_ =	shalt  }
0x63: {  	_ =	shalt  }
0x64: {  	_ =	shalt  }
0x65: {  	_ =	shalt  }
0x66: {  	_ =	shalt  }
0x67: {  	_ =	shalt  }
0x68: {  	_ =	shalt  }
0x69: {  	_ =	shalt  }
0x6a: {  	_ =	shalt  }
0x6b: {  	_ =	shalt  }
0x6c: {  	_ =	shalt  }
0x6d: {  	_ =	shalt  }
0x6e: {  	_ =	shalt  }
0x6f: {  	_ =	shalt  }
0x70: {  	_ =	shalt  }
0x71: {  	_ =	shalt  }
0x72: {  	_ =	shalt  }
0x73: {  	_ =	shalt  }
0x74: {  	_ =	shalt  }
0x75: {  	_ =	shalt  }
0x76: {  	_ =	shalt  }
0x77: {  	_ =	shalt  }
0x78: {  	_ =	shalt  }
0x79: {  	_ =	shalt  }
0x7a: {  	_ =	shalt  }
0x7b: {  	_ =	shalt  }
0x7c: {  	_ =	shalt  }
0x7d: {  	_ =	shalt  }
0x7e: {  	_ =	shalt  }
0x7f: {  	_ =	shalt  }
0x80: {  	_ =	shalt  }
0x81: {  	_ =	shalt  }
0x82: {  	_ =	shalt  }
0x83: {  	_ =	shalt  }
0x84: {  	_ =	shalt  }
0x85: {  	_ =	shalt  }
0x86: {  	_ =	shalt  }
0x87: {  	_ =	shalt  }
.Lfunc_end0:
.L_simem_size_0:
called_computation.2_lowered:
.L_overlay_start_0:
0x88: {  	s2 =	sld [smem:$0x3FD9]  }
0x89: {  	s3 =	sld [smem:$0x3FFE];
	_ =	sdelay $0x1  }
0x8a: {  	s1 =	srdreg.scid  }
0x8b: {  	s0 =	sand.u32 $0x1, s1  }
0x8c: {  	s17 =	sshll.u32 s0, $0xA;
	s2 =	sadd.s32 s3, s2  }
0x8d: {  	s2 =	sadd.s32 s2, s17  }
0x8e: {  	[smem:$0x3FC6] =	sst s2  }
0x8f: {  	_ = 	snop  }
0x90: {  	s2 =	sld [smem:$0x3FD0];
	(tm) =	ssettm $0x1  }
0x91: {  	s18 =	sld [smem:$0x3FFB];
	_ =	sdelay $0x3  }
0x92: {  	_ =	strace s18  }
0x93: {  	s3 =	sld [smem:$0x3FFC];
	_ =	sdelay $0x3  }
0x94: {  	_ =	strace s3  }
0x95: {  	s3 =	sld [smem:$0x3FFD];
	_ =	sdelay $0x3  }
0x96: {  	_ =	strace s3  }
0x97: {  	_ =	strace $0x8FFFFFFF  }
0x98: {  	s19 =	sld [smem:$0x3FDB];
	_ =	sdelay $0x1  }
0x99: {  	s4 =	simm.s32 $_scs_section_size  }
0x9a: {  	s5 =	simm.s32 $_size__tile_overlayer_lowered;
	s6 =	simm.s32 $_tile_overlayer_lowered  }
0x9b: {  	s22 =	simm.s32 $0x1BFF;
	s21 =	sshll.u32 s6, $0x1;
	s3 =	sadd.s32 s4, s19  }
0x9c: {  	s7 =	simm.s32 $0x0;
	s20 =	sshll.u32 s5, $0x1;
	s5 =	sadd.s32 s21, s3  }
0x9d: {  	[timem:s7], [sflag:s22] =	dma.local [hbm:s5], s20  }
0x9e: {  	_ =	swait.ge [sflag:s22], s20  }
0x9f: {  	s4 =	ssub.s32 $0x0, s20;
	[sflag:s22] =	ssyncset.done $0x0  }
0xa0: {  	[sflag:s22] =	ssyncadd.s32 s4;
	_ =	sdelay $0x1  }
0xa1: {  	s23 =	simm.s32 $0x1B8B  }
0xa2: {  	_ =	swait.ge [sflag:s23], $0x1  }
0xa3: {  	[sflag:s23] =	ssyncset.done $0x0  }
0xa4: {  	s25 =	simm.s32 $0x1B8E;
	s24 =	sld [smem:$0x3FFE];
	[sflag:s23] =	ssyncadd.s32 $0xFFFFFFFF  }
0xa5: {  	s26 =	simm.s32 $execute0_lowered;
	[smem:$0x3FD2] =	sst s25  }
0xa6: {  	s5 =	sshll.u32 s26, $0x1;
	_ =	strace $0x80000046;
	[dreg:$0x1] =	wrdreg $0xFFFFFFFF  }
0xa7: {  	s28 =	simm.s32 $_size_execute0_lowered;
	s3 =	sadd.s32 s3, s5;
	[dreg:$0x0] =	wrdreg $0x0  }
0xa8: {  	s5 =	sshll.u32 s28, $0x1;
	[dreg:$0x2] =	wrdreg s3  }
0xa9: {  	[dreg:$0x3] =	wrdreg s5  }
0xaa: {  	[dreg:$0x4] =	wrdreg $0xC0  }
0xab: {  	_ =	task [dreg:s7], $0x5FFFF  }
0xac: {  	[dreg:$0x1] =	wrdreg $0xFFFFFFFF  }
0xad: {  	[dreg:$0x0] =	wrdreg $0x60  }
0xae: {  	[dreg:$0x2] =	wrdreg s24  }
0xaf: {  	[dreg:$0x3] =	wrdreg s2  }
0xb0: {  	[dreg:$0x4] =	wrdreg $0xA  }
0xb1: {  	_ =	task.clear_ibuf [dreg:s7], $0x5FFFF;
	_ =	strace $0x90000046  }
0xb2: {  	s29 =	simm.s32 $0xA;
	_ =	strace $0x80000048  }
0xb3: {  	_ =	swait.ge [sflag:s29], $0x1  }
0xb4: {  	[sflag:s29] =	ssyncadd.s32 $0xFFFFFFFF  }
0xb5: {  	_ =	strace $0x90000048  }
0xb6: {  	_ =	sfence  }
0xb7: {  	s30 =	sld [smem:$0x0];
	_ =	sdelay $0x2  }
0xb8: {  	s31 =	sshll.u32 s1, $0xD;
	s1 =	sshrl.u32 s1, $0x2  }
0xb9: {  	s3 =	sand.u32 $0x4000, s31;
	s1 =	sadd.s32 s1, s30  }
0xba: {  	s0 =	sor.u32 s3, s0;
	s1 =	sshll.u32 s1, $0x11  }
0xbb: {  	s0 =	sor.u32 s1, s0  }
0xbc: {  	s0 =	sadd.s32 $0x8F2B, s0  }
0xbd: {  	[sflag:s0] =	ssyncadd.remote.s32 $0x1  }
0xbe: {  	_ =	sfence.sel $0xFFFF  }
0xbf: {  	[dreg:$0x0] =	wrdreg $0xFFFFFFFF;
	(pc) =	sbr.abs _section_cstart, $3  }
0xc0: {  	[dreg:$0x1] =	wrdreg $0xFFFFFFFF  }
0xc1: {  	_ =	task.clear_ibuf [dreg:s7], $0x2FFFF;
	_ =	strace $0x9FFFFFFF  }
0xc2: {  	(tm) =	ssettm $0x7FFFFFFF  }
0xc3: {  	_ =	shalt  }
tec
execute0_lowered:
.L_overlay_start_1:
0x0: {  	(tag) =	ssettag $0x1  }
0x1: {  	s0 =	rddreg [dreg:$0x0]  }
0x2: {  	s2 =	rddreg [dreg:$0x1]  }
0x3: {  	s3 =	simm.s32 $0x0;
	s1 =	srdreg.scid;
	s4 =	stileid.u32  }
0x4: {  	s14 =	simm.s32 $0x4200;
	s16 =	simm.s32 $0x4400;
	s17 =	simm.s32 $0x1  }
0x5: {  	s18 =	simm.s32 $0x100;
	s19 =	simm.s32 $0x40;
	s21 =	simm.s32 $0x5  }
0x6: {  	s28 =	simm.s32 $0x6;
	s29 =	simm.s32 $0x4;
	s30 =	simm.s32 $0x8  }
0x7: {  	s31 =	simm.s32 $0x4E00;
	s1 =	sand.u32 $0x1, s1;
	s4 =	sshll.u32 s4, $0x1  }
0x8: {  	[smem:$0x7FF] =	sst s3;
	s5 =	sadd.s32 $0x42200, s0;
	s8 =	sor.u32 s1, s4  }
0x9: {  	s7 =	sadd.s32 $0x43C00, s0;
	s22 =	ssub.s32 $0x2, s1;
	s6 =	smul.u32 $0x62, s8  }
0xa: {  	_ =	strace $0x80000047;
	s23 =	smul.u32 $0xC4, s8;
	s9 =	sshrl.u32 s22, $0x1  }
0xb: {  	s4 =	sadd.s32 $0xA5C00, s0;
	s10 =	smul.u32 $0x1880, s8;
	s0 =	ssub.s32 s22, s9  }
0xc: {  	s22 =	simm.s32 $0x2;
	s8 =	sor.u32 $0x1, s6;
	s1 =	sadd.s32 s5, s23  }
.Ltmp0:
0xd: {  	s25 =	sadd.s32 s7, s10;
	[dreg:$0x3] =	wrdreg s1;
	(pc) =	sbr.rel .LBB2_1-.Ltmp0, $4  }
0xe: {  	v0 =	vlaneseq.u32;
	s0 =	smax.u32 s0, $0x1;
	s24 =	sshll.u32 s8, $0x1;
	[dreg:$0x4] =	wrdreg s25  }
0xf: {  	v0 =	vmul.u32 $0x4, v0;
	s26 =	sshll.u32 s8, $0x6;
	[dreg:$0x7] =	wrdreg s0;
	s1 =	sadd.s32 s5, s24  }
0x10: {  	s23 =	simm.s32 $0x180;
	[dreg:$0x5] =	wrdreg s1;
	s1 =	sadd.s32 s7, s26  }
0x11: {  	v1 =	vor.u32 $0x1, v0;
	v2 =	vor.u32 $0x2, v0;
	v3 =	vor.u32 $0x3, v0;
	s25 =	simm.s32 $0x3;
	[dreg:$0x6] =	wrdreg s1;
	s1 =	simm.s32 $0x0  }
.LBB2_12:
0x12: {  	s0 =	simm.s32 $0x7  }
0x13: {  	_ =	swait.ge [sflag:s0], $0x800  }
0x14: {  	[sflag:s0] =	ssyncset.done $0x0  }
0x15: {  	[sflag:s0] =	ssyncadd.s32 $0xFFFFF800  }
0x16: {  	_ =	swait.ge [sflag:s30], $0x800  }
0x17: {  	s1 =	rddreg [dreg:$0x8]  }
0x18: {  	s26 =	rddreg [dreg:$0x7];
	s1 =	sadd.s32 $0x1, s1  }
0x19: {  	p0 =	sne.s32 s1, s26  }
.Ltmp1:
0x1a: {  	_ = 	snop;
	(pc) =	sbr.rel @!p0 .LBB2_13-.Ltmp1, $3  }
0x1b: {  	_ =	sdelay $0x1  }
0x1c: {  	[sflag:s30] =	ssyncset.done $0x0  }
0x1d: {  	[sflag:s30] =	ssyncadd.s32 $0xFFFFF800  }
.LBB2_1:
0x1e: {  	[dreg:$0x8] =	wrdreg s1  }
0x1f: {  	s0 =	rddreg [dreg:$0x3]  }
0x20: {  	[tilespmem:s3], [sflag:$0x1] =	stream.linear.gather [hbm4b:s0+s3], $0x10, $0x38;
	[tilespmem:$0x5600] =	vst v63  }
0x21: {  	s13 =	rddreg [dreg:$0x4]  }
0x22: {  	[tilespmem:s14], [sflag:$0x3] =	stream.linear.gather [hbm4b:s13+s3], $0x200, $0x38;
	[tilespmem:$0x5600] =	vst v63  }
0x23: {  	s15 =	rddreg [dreg:$0x5];
	s20 =	simm.s32 $0x80  }
0x24: {  	[tilespmem:s20], [sflag:$0x2] =	stream.linear.gather [hbm4b:s15+s3], $0x10, $0x38;
	[tilespmem:$0x5600] =	vst v63  }
0x25: {  	s24 =	rddreg [dreg:$0x6]  }
0x26: {  	[tilespmem:s16], [sflag:$0x4] =	stream.linear.gather [hbm4b:s24+s3], $0x200, $0x38;
	[tilespmem:$0x5600] =	vst v63  }
0x27: {  	_ =	swait.ge [sflag:s17], $0x10  }
0x28: {  	[sflag:s17] =	ssyncset.done $0x0  }
0x29: {  	[sflag:s17] =	ssyncadd.s32 $0xFFFFFFF0  }
0x2a: {  	v4 =	vld [tilespmem:$0x0];
	_ =	sdelay $0x4  }
0x2b: {  	[tilespmem:v0+s18+$0x0] =	vst.idx.msk $0xffff, v4;
	v5 =	vadd.s32 $0x1, v4  }
0x2c: {  	[tilespmem:v1+s18+$0x0] =	vst.idx.msk $0xffff, v5;
	v5 =	vadd.s32 $0xC8, v4  }
0x2d: {  	v4 =	vadd.s32 $0xC9, v4;
	[tilespmem:v2+s18+$0x0] =	vst.idx.msk $0xffff, v5  }
0x2e: {  	s26 =	simm.s32 $0x200;
	s9 =	simm.s32 $0x0;
	[tilespmem:v3+s18+$0x0] =	vst.idx.msk $0xffff, v4  }
0x2f: {  	[tilespmem:s26], [sflag:$0x5] =	stream.indirect.gather [hbm4b:s4+s19], $0x80, s18, s19, $0xb8;
	[tilespmem:$0x5600] =	vst v63  }
.LBB2_2:
0x30: {  	s10 =	sshll.u32 s9, $0x1  }
0x31: {  	p0 =	seq.s32 s9, $0x30;
	s0 =	sadd.s32 $0x2, s10  }
0x32: {  	s11 =	sadd.s32 @!p0 s6, s0  }
0x33: {  	_ =	swait.ge [sflag:s21], $0x2000;
	s0 =	sshll.u32 @!p0 s11, $0x1  }
0x34: {  	[sflag:s21] =	ssyncset.done $0x0;
	s0 =	sand.u32 @!p0 $0x1FFFFFFC, s0  }
0x35: {  	s1 =	simm.s32 @!p0 $0x0;
	[sflag:s21] =	ssyncadd.s32 $0xFFFFE000;
	s0 =	sadd.s32 @!p0 s5, s0  }
0x36: {  	[tilespmem:s1], [sflag:$0x1] =	stream.linear.gather @!p0 [hbm4b:s0+s1], $0x10, $0x38;
	[tilespmem:$0x5600] =	vst v63  }
0x37: {  	_ =	swait.ge [sflag:s22], $0x10  }
0x38: {  	[sflag:s22] =	ssyncset.done $0x0  }
0x39: {  	[sflag:s22] =	ssyncadd.s32 $0xFFFFFFF0  }
0x3a: {  	v4 =	vld [tilespmem:$0x80];
	_ =	sdelay $0x4  }
0x3b: {  	[tilespmem:v0+s23+$0x0] =	vst.idx.msk $0xffff, v4;
	v5 =	vadd.s32 $0x1, v4  }
0x3c: {  	[tilespmem:v1+s23+$0x0] =	vst.idx.msk $0xffff, v5;
	v5 =	vadd.s32 $0xC8, v4  }
0x3d: {  	v4 =	vadd.s32 $0xC9, v4;
	[tilespmem:v2+s23+$0x0] =	vst.idx.msk $0xffff, v5  }
0x3e: {  	s12 =	simm.s32 $0x2200;
	[tilespmem:v3+s23+$0x0] =	vst.idx.msk $0xffff, v4  }
0x3f: {  	[tilespmem:s12], [sflag:$0x6] =	stream.indirect.gather [hbm4b:s4+s19], $0x80, s23, s19, $0xb8;
	[tilespmem:$0x5600] =	vst v63  }
0x40: {  	_ =	swait.ge [sflag:s25], $0x200  }
0x41: {  	p1 =	seq.s32 s9, $0x0;
	[sflag:s25] =	ssyncset.done $0x0  }
0x42: {  	s0 =	simm.s32 @!p1 $0x7;
	[sflag:s25] =	ssyncadd.s32 $0xFFFFFE00  }
0x43: {  	s13 =	simm.s32 $0x1;
	_ =	swait.ge @!p1 [sflag:s0], $0x800  }
0x44: {  	v4 =	vmov s13;
	[sflag:s0] =	ssyncset.done @!p1 $0x0  }
0x45: {  	s13 =	simm.s32 $0x400;
	v5 =	vor.u32 $0x80, v4;
	[sflag:s0] =	ssyncadd.s32 @!p1 $0xFFFFF800  }
0x46: {  	v6 =	vor.u32 $0x100, v4;
	v7 =	vld [tilespmem:s13+$0x0]  }
0x47: {  	v8 =	vor.u32 $0x180, v4;
	v9 =	vld [tilespmem:s13+$0x80]  }
0x48: {  	v10 =	vld [tilespmem:s13+$0x100]  }
0x49: {  	v23 =	vld.idx.msk [tilespmem:v4+s14+$0x0], $0xffff  }
0x4a: {  	v24 =	vld.idx.msk [tilespmem:v5+s14+$0x0], $0xffff  }
0x4b: {  	s15 =	simm.s32 $0x0;
	v25 =	vld.idx.msk [tilespmem:v6+s14+$0x0], $0xffff  }
0x4c: {  	v4 =	vmov s15;
	v26 =	vld.idx.msk [tilespmem:v8+s14+$0x0], $0xffff  }
0x4d: {  	v8 =	vld [tilespmem:s13+$0x180];
	v5 =	vor.u32 $0x80, v4  }
0x4e: {  	v11 =	vor.u32 $0x100, v4  }
0x4f: {  	v12 =	vor.u32 $0x180, v4;
	_ =	sdelay $0x1  }
0x50: {  	v6 =	vld.idx.msk [tilespmem:v4+s14+$0x0], $0xffff;
	v13 =	vmul.bf16 v23, v7;
	v9 =	vmul.bf16 v24, v9  }
0x51: {  	v10 =	vmul.bf16 v25, v10;
	v8 =	vmul.bf16 v26, v8;
	v7 =	vld.idx.msk [tilespmem:v5+s14+$0x0], $0xffff  }
0x52: {  	v4 =	vld.idx.msk [tilespmem:v11+s14+$0x0], $0xffff  }
0x53: {  	v5 =	vld.idx.msk [tilespmem:v12+s14+$0x0], $0xffff;
	v9 =	vadd.bf16 v9, v13;
	v8 =	vadd.bf16 v8, v10  }
0x54: {  	v11 =	vld [tilespmem:s13+$0xFFFFFE80]  }
0x55: {  	v12 =	vld [tilespmem:s13+$0xFFFFFF80];
	v8 =	vadd.bf16 v8, v9  }
0x56: {  	s12 =	simm.s32 $0x4680;
	v10 =	vld [tilespmem:s13+$0xFFFFFE00]  }
0x57: {  	v9 =	vld [tilespmem:s13+$0xFFFFFF00];
	[tilespmem:s12+$0x0] =	vst v8  }
0x58: {  	v8 =	vld [tilespmem:s13+$0x10]  }
0x59: {  	v13 =	vld [tilespmem:s13+$0x90]  }
0x5a: {  	v14 =	vld [tilespmem:s13+$0x110]  }
0x5b: {  	v11 =	vmul.bf16 v7, v11;
	v12 =	vmul.bf16 v5, v12;
	v15 =	vld [tilespmem:s13+$0x190]  }
0x5c: {  	v10 =	vmul.bf16 v6, v10;
	v9 =	vmul.bf16 v4, v9;
	_ =	sdelay $0x1  }
0x5d: {  	v10 =	vadd.bf16 v11, v10;
	v9 =	vadd.bf16 v12, v9  }
0x5e: {  	v8 =	vmul.bf16 v23, v8;
	v11 =	vmul.bf16 v24, v13  }
0x5f: {  	v12 =	vmul.bf16 v26, v15;
	v9 =	vadd.bf16 v9, v10;
	v10 =	vmul.bf16 v25, v14;
	_ =	sdelay $0x1  }
0x60: {  	v8 =	vadd.bf16 v11, v8;
	[tilespmem:s12+$0xFFFFFF80] =	vst v9;
	v9 =	vadd.bf16 v12, v10  }
0x61: {  	v10 =	vld [tilespmem:s13+$0xFFFFFE10]  }
0x62: {  	v11 =	vld [tilespmem:s13+$0xFFFFFE90];
	v8 =	vadd.bf16 v9, v8  }
0x63: {  	v12 =	vld [tilespmem:s13+$0xFFFFFF90]  }
0x64: {  	v9 =	vld [tilespmem:s13+$0xFFFFFF10];
	[tilespmem:s12+$0x10] =	vst v8  }
0x65: {  	v8 =	vld [tilespmem:s13+$0x20]  }
0x66: {  	v13 =	vld [tilespmem:s13+$0xA0]  }
0x67: {  	v14 =	vld [tilespmem:s13+$0x120]  }
0x68: {  	v15 =	vld [tilespmem:s13+$0x1A0];
	v10 =	vmul.bf16 v6, v10;
	v11 =	vmul.bf16 v7, v11  }
0x69: {  	v12 =	vmul.bf16 v5, v12;
	v9 =	vmul.bf16 v4, v9;
	_ =	sdelay $0x1  }
0x6a: {  	v10 =	vadd.bf16 v11, v10;
	v9 =	vadd.bf16 v12, v9  }
0x6b: {  	v8 =	vmul.bf16 v23, v8;
	v11 =	vmul.bf16 v24, v13  }
0x6c: {  	v12 =	vmul.bf16 v26, v15;
	v9 =	vadd.bf16 v9, v10;
	v10 =	vmul.bf16 v25, v14;
	_ =	sdelay $0x1  }
0x6d: {  	v8 =	vadd.bf16 v11, v8;
	[tilespmem:s12+$0xFFFFFF90] =	vst v9;
	v9 =	vadd.bf16 v12, v10  }
0x6e: {  	v10 =	vld [tilespmem:s13+$0xFFFFFE20]  }
0x6f: {  	v11 =	vld [tilespmem:s13+$0xFFFFFEA0];
	v8 =	vadd.bf16 v9, v8  }
0x70: {  	v12 =	vld [tilespmem:s13+$0xFFFFFFA0]  }
0x71: {  	v9 =	vld [tilespmem:s13+$0xFFFFFF20];
	[tilespmem:s12+$0x20] =	vst v8  }
0x72: {  	v8 =	vld [tilespmem:s13+$0x30]  }
0x73: {  	v13 =	vld [tilespmem:s13+$0xB0]  }
0x74: {  	v14 =	vld [tilespmem:s13+$0x130]  }
0x75: {  	v15 =	vld [tilespmem:s13+$0x1B0];
	_ =	sdelay $0x1  }
0x76: {  	v10 =	vmul.bf16 v6, v10;
	v11 =	vmul.bf16 v7, v11  }
0x77: {  	v12 =	vmul.bf16 v5, v12;
	v9 =	vmul.bf16 v4, v9  }
0x78: {  	v8 =	vmul.bf16 v23, v8;
	v13 =	vmul.bf16 v24, v13  }
0x79: {  	s20 =	simm.s32 $0x2;
	v14 =	vmul.bf16 v25, v14;
	v15 =	vmul.bf16 v26, v15  }
0x7a: {  	v16 =	vmov s20;
	v10 =	vadd.bf16 v11, v10;
	v9 =	vadd.bf16 v12, v9  }
0x7b: {  	v8 =	vadd.bf16 v13, v8;
	v11 =	vadd.bf16 v15, v14;
	_ =	sdelay $0x1  }
0x7c: {  	s1 =	simm.s32 $0x800;
	v9 =	vadd.bf16 v9, v10;
	v10 =	vadd.bf16 v11, v8  }
0x7d: {  	v20 =	vld [tilespmem:s1+$0x0]  }
0x7e: {  	v8 =	vld.idx.msk [tilespmem:v16+s14+$0x0], $0xffff;
	[tilespmem:s12+$0x30] =	vst v10  }
0x7f: {  	[tilespmem:s12+$0xFFFFFFA0] =	vst v9;
	v9 =	vor.u32 $0x80, v16;
	v12 =	vld [tilespmem:s13+$0x40]  }
0x80: {  	v10 =	vor.u32 $0x100, v16;
	v14 =	vld [tilespmem:s13+$0xC0]  }
0x81: {  	v13 =	vor.u32 $0x180, v16;
	v15 =	vld [tilespmem:s13+$0x140]  }
0x82: {  	v16 =	vld [tilespmem:s13+$0x1C0]  }
0x83: {  	s24 =	simm.s32 $0x3;
	v27 =	vld [tilespmem:s1+$0x80]  }
0x84: {  	v18 =	vmov s24;
	v11 =	vld.idx.msk [tilespmem:v9+s14+$0x0], $0xffff  }
0x85: {  	v9 =	vld.idx.msk [tilespmem:v10+s14+$0x0], $0xffff  }
0x86: {  	v10 =	vld.idx.msk [tilespmem:v13+s14+$0x0], $0xffff;
	v13 =	vor.u32 $0x80, v18;
	v21 =	vmul.bf16 v23, v12;
	v14 =	vmul.bf16 v24, v14  }
0x87: {  	v19 =	vor.u32 $0x100, v18;
	v28 =	vld [tilespmem:s1+$0x100];
	v15 =	vmul.bf16 v25, v15;
	v16 =	vmul.bf16 v26, v16  }
0x88: {  	v22 =	vor.u32 $0x180, v18;
	v29 =	vld [tilespmem:s1+$0xFFFFFE00]  }
0x89: {  	v12 =	vld.idx.msk [tilespmem:v18+s14+$0x0], $0xffff;
	v14 =	vadd.bf16 v14, v21;
	v16 =	vadd.bf16 v16, v15  }
0x8a: {  	v18 =	vld [tilespmem:s1+$0x180]  }
0x8b: {  	v15 =	vld.idx.msk [tilespmem:v13+s14+$0x0], $0xffff;
	v16 =	vadd.bf16 v16, v14  }
0x8c: {  	v13 =	vld.idx.msk [tilespmem:v19+s14+$0x0], $0xffff  }
0x8d: {  	v14 =	vld.idx.msk [tilespmem:v22+s14+$0x0], $0xffff;
	[tilespmem:s12+$0x40] =	vst v16  }
0x8e: {  	v16 =	vld [tilespmem:s13+$0x50]  }
0x8f: {  	v19 =	vld [tilespmem:s13+$0xD0]  }
0x90: {  	v21 =	vld [tilespmem:s13+$0x150]  }
0x91: {  	v20 =	vmul.bf16 v12, v20;
	v22 =	vmul.bf16 v15, v27;
	v27 =	vld [tilespmem:s13+$0x1D0]  }
0x92: {  	v30 =	vld [tilespmem:s1+$0xFFFFFE80];
	v28 =	vmul.bf16 v13, v28;
	v18 =	vmul.bf16 v14, v18  }
0x93: {  	v31 =	vld [tilespmem:s1+$0xFFFFFF00]  }
0x94: {  	v17 =	vld [tilespmem:s13+$0xFFFFFE30];
	v20 =	vadd.bf16 v22, v20;
	v18 =	vadd.bf16 v18, v28  }
0x95: {  	v22 =	vld [tilespmem:s1+$0xFFFFFF80];
	v16 =	vmul.bf16 v23, v16;
	v19 =	vmul.bf16 v24, v19  }
0x96: {  	v32 =	vld [tilespmem:s13+$0xFFFFFFB0];
	v18 =	vadd.bf16 v18, v20;
	v20 =	vmul.bf16 v25, v21;
	v21 =	vmul.bf16 v26, v27  }
0x97: {  	s0 =	simm.s32 $0x4780;
	v28 =	vld [tilespmem:s13+$0xFFFFFEB0]  }
0x98: {  	v27 =	vld [tilespmem:s13+$0xFFFFFF30];
	v16 =	vadd.bf16 v19, v16;
	[tilespmem:s0+$0x0] =	vst v18;
	v18 =	vadd.bf16 v21, v20  }
0x99: {  	v19 =	vmul.bf16 v8, v29;
	v29 =	vmul.bf16 v9, v31;
	v21 =	vld [tilespmem:s1+$0x10]  }
0x9a: {  	v20 =	vmul.bf16 v11, v30;
	v22 =	vmul.bf16 v10, v22;
	v30 =	vld [tilespmem:s1+$0x90];
	v16 =	vadd.bf16 v18, v16  }
0x9b: {  	v18 =	vld [tilespmem:s1+$0x110]  }
0x9c: {  	v19 =	vadd.bf16 v20, v19;
	v20 =	vadd.bf16 v22, v29;
	v22 =	vld [tilespmem:s1+$0x190];
	[tilespmem:s12+$0x50] =	vst v16  }
0x9d: {  	v16 =	vmul.bf16 v6, v17;
	v17 =	vmul.bf16 v7, v28;
	v28 =	vld [tilespmem:s13+$0x60]  }
0x9e: {  	v29 =	vmul.bf16 v5, v32;
	v27 =	vmul.bf16 v4, v27;
	v19 =	vadd.bf16 v20, v19;
	v20 =	vld [tilespmem:s13+$0xE0]  }
0x9f: {  	v31 =	vld [tilespmem:s13+$0x160]  }
0xa0: {  	v16 =	vadd.bf16 v17, v16;
	v17 =	vadd.bf16 v29, v27;
	[tilespmem:s0+$0xFFFFFF80] =	vst v19;
	v19 =	vld [tilespmem:s13+$0x1E0]  }
0xa1: {  	v21 =	vmul.bf16 v12, v21;
	v27 =	vmul.bf16 v15, v30;
	v29 =	vld [tilespmem:s1+$0xFFFFFE10]  }
0xa2: {  	v30 =	vld [tilespmem:s1+$0xFFFFFF10];
	v16 =	vadd.bf16 v17, v16;
	v17 =	vmul.bf16 v13, v18;
	v18 =	vmul.bf16 v14, v22  }
0xa3: {  	v22 =	vld [tilespmem:s1+$0xFFFFFE90]  }
0xa4: {  	[tilespmem:s12+$0xFFFFFFB0] =	vst v16;
	v16 =	vadd.bf16 v27, v21;
	v17 =	vadd.bf16 v18, v17;
	v18 =	vld [tilespmem:s1+$0xFFFFFF90]  }
0xa5: {  	v21 =	vld [tilespmem:s13+$0xFFFFFE40]  }
0xa6: {  	v31 =	vmul.bf16 v25, v31;
	v27 =	vld [tilespmem:s13+$0xFFFFFEC0];
	v19 =	vmul.bf16 v26, v19;
	v16 =	vadd.bf16 v17, v16  }
0xa7: {  	v28 =	vmul.bf16 v23, v28;
	v20 =	vmul.bf16 v24, v20;
	v48 =	vld [tilespmem:s13+$0xFFFFFFC0]  }
0xa8: {  	v17 =	vld [tilespmem:s13+$0xFFFFFF40];
	v29 =	vmul.bf16 v8, v29;
	v22 =	vmul.bf16 v11, v22;
	v19 =	vadd.bf16 v19, v31;
	[tilespmem:s0+$0x10] =	vst v16  }
0xa9: {  	v16 =	vadd.bf16 v20, v28;
	v20 =	vmul.bf16 v9, v30;
	v28 =	vld [tilespmem:s1+$0x20];
	v18 =	vmul.bf16 v10, v18  }
0xaa: {  	v22 =	vadd.bf16 v22, v29;
	v29 =	vld [tilespmem:s1+$0xA0]  }
0xab: {  	v16 =	vadd.bf16 v19, v16;
	v19 =	vld [tilespmem:s1+$0x120];
	v18 =	vadd.bf16 v18, v20  }
0xac: {  	v20 =	vmul.bf16 v6, v21;
	v21 =	vmul.bf16 v7, v27;
	v27 =	vld [tilespmem:s1+$0x1A0]  }
0xad: {  	v30 =	vmul.bf16 v5, v48;
	v17 =	vmul.bf16 v4, v17;
	[tilespmem:s12+$0x60] =	vst v16;
	v16 =	vadd.bf16 v18, v22  }
0xae: {  	v31 =	vld [tilespmem:s13+$0x70]  }
0xaf: {  	v18 =	vadd.bf16 v21, v20;
	v17 =	vadd.bf16 v30, v17;
	v30 =	vld [tilespmem:s13+$0xF0];
	[tilespmem:s0+$0xFFFFFF90] =	vst v16  }
0xb0: {  	v20 =	vmul.bf16 v12, v28;
	v21 =	vmul.bf16 v15, v29;
	v16 =	vld [tilespmem:s1+$0xFFFFFE20]  }
0xb1: {  	v17 =	vadd.bf16 v17, v18;
	v19 =	vmul.bf16 v13, v19;
	v18 =	vld [tilespmem:s1+$0xFFFFFEA0];
	v22 =	vmul.bf16 v14, v27  }
0xb2: {  	v27 =	vld [tilespmem:s1+$0xFFFFFF20]  }
0xb3: {  	[tilespmem:s12+$0xFFFFFFC0] =	vst v17;
	v17 =	vadd.bf16 v21, v20;
	v20 =	vld [tilespmem:s1+$0xFFFFFFA0];
	v19 =	vadd.bf16 v22, v19  }
0xb4: {  	v21 =	vld [tilespmem:s13+$0xFFFFFE50]  }
0xb5: {  	v22 =	vld [tilespmem:s13+$0xFFFFFF50];
	v17 =	vadd.bf16 v19, v17  }
0xb6: {  	v19 =	vld [tilespmem:s13+$0xFFFFFED0]  }
0xb7: {  	v16 =	vmul.bf16 v8, v16;
	v18 =	vmul.bf16 v11, v18;
	[tilespmem:s0+$0x20] =	vst v17;
	v17 =	vld [tilespmem:s13+$0xFFFFFFD0]  }
0xb8: {  	v27 =	vmul.bf16 v9, v27;
	v20 =	vmul.bf16 v10, v20;
	v28 =	vld [tilespmem:s1+$0x30]  }
0xb9: {  	s26 =	simm.s32 $0x5;
	v49 =	vld [tilespmem:s1+$0xB0]  }
0xba: {  	v41 =	vmov s26;
	v16 =	vadd.bf16 v18, v16;
	v18 =	vadd.bf16 v20, v27;
	v20 =	vld [tilespmem:s1+$0x130]  }
0xbb: {  	v45 =	vor.u32 $0x180, v41;
	s15 =	simm.s32 $0x4;
	v27 =	vld [tilespmem:s1+$0x1B0]  }
0xbc: {  	v33 =	vld [tilespmem:s13+$0x170];
	v29 =	vmov s15;
	v21 =	vmul.bf16 v6, v21;
	v19 =	vmul.bf16 v7, v19  }
0xbd: {  	v34 =	vld [tilespmem:s13+$0x1F0];
	s15 =	simm.s32 $0xC00;
	v22 =	vmul.bf16 v4, v22;
	v16 =	vadd.bf16 v18, v16;
	v17 =	vmul.bf16 v5, v17  }
0xbe: {  	v44 =	vld [tilespmem:s15+$0x0];
	v19 =	vadd.bf16 v19, v21  }
0xbf: {  	v46 =	vld [tilespmem:s15+$0x80];
	[tilespmem:s0+$0xFFFFFFA0] =	vst v16;
	v21 =	vmul.bf16 v15, v49;
	v16 =	vadd.bf16 v17, v22;
	v17 =	vmul.bf16 v12, v28  }
0xc0: {  	v51 =	vld [tilespmem:s15+$0x100];
	v20 =	vmul.bf16 v13, v20;
	v22 =	vmul.bf16 v14, v27  }
0xc1: {  	v31 =	vmul.bf16 v23, v31;
	v23 =	vld.idx.msk [tilespmem:v45+s14+$0x0], $0xffff;
	v16 =	vadd.bf16 v16, v19  }
0xc2: {  	v24 =	vmul.bf16 v24, v30;
	v30 =	vld [tilespmem:s15+$0x180];
	v17 =	vadd.bf16 v21, v17;
	v19 =	vadd.bf16 v22, v20  }
0xc3: {  	v18 =	vld.idx.msk [tilespmem:v29+s14+$0x0], $0xffff  }
0xc4: {  	v35 =	vld [tilespmem:s1+$0xFFFFFE30];
	[tilespmem:s12+$0xFFFFFFD0] =	vst v16;
	v16 =	vadd.bf16 v19, v17  }
0xc5: {  	v28 =	vld [tilespmem:s1+$0xFFFFFEB0]  }
0xc6: {  	v27 =	vld [tilespmem:s1+$0xFFFFFF30];
	[tilespmem:s0+$0x30] =	vst v16  }
0xc7: {  	v17 =	vor.u32 $0x80, v29;
	v20 =	vld [tilespmem:s1+$0x40]  }
0xc8: {  	v16 =	vor.u32 $0x100, v29;
	v22 =	vld [tilespmem:s1+$0xC0]  }
0xc9: {  	v21 =	vor.u32 $0x180, v29;
	v29 =	vld [tilespmem:s1+$0x140]  }
0xca: {  	v40 =	vld [tilespmem:s1+$0x1C0]  }
0xcb: {  	v50 =	vld [tilespmem:s1+$0xFFFFFFB0]  }
0xcc: {  	v19 =	vld.idx.msk [tilespmem:v17+s14+$0x0], $0xffff  }
0xcd: {  	v17 =	vld.idx.msk [tilespmem:v16+s14+$0x0], $0xffff  }
0xce: {  	v16 =	vld.idx.msk [tilespmem:v21+s14+$0x0], $0xffff;
	v20 =	vmul.bf16 v12, v20;
	v21 =	vmul.bf16 v15, v22  }
0xcf: {  	v42 =	vor.u32 $0x80, v41;
	v36 =	vld [tilespmem:s13+$0xFFFFFE60];
	v22 =	vmul.bf16 v13, v29;
	v29 =	vmul.bf16 v14, v40  }
0xd0: {  	v43 =	vor.u32 $0x100, v41;
	v37 =	vld [tilespmem:s13+$0xFFFFFEE0]  }
0xd1: {  	v38 =	vld [tilespmem:s13+$0xFFFFFF60];
	v47 =	vadd.bf16 v21, v20;
	v22 =	vadd.bf16 v29, v22  }
0xd2: {  	v39 =	vld [tilespmem:s13+$0xFFFFFFE0]  }
0xd3: {  	v21 =	vld.idx.msk [tilespmem:v41+s14+$0x0], $0xffff;
	v29 =	vadd.bf16 v22, v47  }
0xd4: {  	v25 =	vmul.bf16 v25, v33;
	v20 =	vld.idx.msk [tilespmem:v42+s14+$0x0], $0xffff  }
0xd5: {  	v26 =	vmul.bf16 v26, v34;
	v30 =	vmul.bf16 v23, v30;
	v22 =	vld.idx.msk [tilespmem:v43+s14+$0x0], $0xffff;
	[tilespmem:s0+$0x40] =	vst v29  }
0xd6: {  	v24 =	vadd.bf16 v24, v31;
	v27 =	vmul.bf16 v9, v27;
	v31 =	vmul.bf16 v10, v50;
	v52 =	vld [tilespmem:s1+$0x50]  }
0xd7: {  	v28 =	vmul.bf16 v11, v28;
	v29 =	vmul.bf16 v8, v35;
	v53 =	vld [tilespmem:s1+$0xD0]  }
0xd8: {  	v27 =	vadd.bf16 v31, v27;
	v54 =	vmul.bf16 v7, v37;
	v38 =	vmul.bf16 v4, v38;
	v55 =	vld [tilespmem:s1+$0x150]  }
0xd9: {  	v31 =	vmul.bf16 v21, v44;
	v56 =	vmul.bf16 v20, v46;
	v57 =	vld [tilespmem:s1+$0x1D0];
	v28 =	vadd.bf16 v28, v29  }
0xda: {  	v25 =	vadd.bf16 v26, v25;
	v26 =	vld [tilespmem:s15+$0xFFFFFE00];
	v29 =	vmul.bf16 v6, v36;
	v40 =	vmul.bf16 v22, v51  }
0xdb: {  	v58 =	vld [tilespmem:s15+$0xFFFFFE80];
	v31 =	vadd.bf16 v56, v31;
	v27 =	vadd.bf16 v27, v28;
	v28 =	vmul.bf16 v5, v39  }
0xdc: {  	v60 =	vld [tilespmem:s15+$0xFFFFFF80];
	v29 =	vadd.bf16 v54, v29;
	v30 =	vadd.bf16 v30, v40  }
0xdd: {  	v59 =	vld [tilespmem:s15+$0xFFFFFF00];
	[tilespmem:s0+$0xFFFFFFB0] =	vst v27;
	v27 =	vadd.bf16 v28, v38;
	v28 =	vmul.bf16 v12, v52;
	v32 =	vmul.bf16 v15, v53  }
0xde: {  	v62 =	vmul.bf16 v13, v55;
	v63 =	vmul.bf16 v14, v57;
	v30 =	vadd.bf16 v30, v31;
	v61 =	vld [tilespmem:s1+$0xFFFFFE40]  }
0xdf: {  	s20 =	simm.s32 $0x4880;
	v26 =	vmul.bf16 v18, v26;
	v31 =	vadd.bf16 v25, v24;
	v24 =	vld [tilespmem:s1+$0xFFFFFEC0];
	v27 =	vadd.bf16 v27, v29  }
0xe0: {  	v25 =	vld [tilespmem:s1+$0xFFFFFF40];
	v29 =	vmul.bf16 v19, v58;
	v35 =	vadd.bf16 v63, v62;
	[tilespmem:s20+$0x0] =	vst v30;
	v30 =	vadd.bf16 v32, v28  }
0xe1: {  	v33 =	vmul.bf16 v16, v60;
	[tilespmem:s12+$0x70] =	vst v31;
	v28 =	vld [tilespmem:s15+$0x10]  }
0xe2: {  	v32 =	vmul.bf16 v17, v59;
	v31 =	vadd.bf16 v29, v26;
	v29 =	vld [tilespmem:s15+$0x90];
	[tilespmem:s12+$0xFFFFFFE0] =	vst v27;
	v27 =	vadd.bf16 v35, v30  }
0xe3: {  	s24 =	simm.s32 $0x6;
	v30 =	vld [tilespmem:s15+$0x110];
	v26 =	vmul.bf16 v8, v61  }
.LBB2_3:
0xe4: {  	p2 =	slt.u32 s24, $0xE;
	v32 =	vadd.bf16 v33, v32;
	v33 =	vld [tilespmem:s15+$0x190];
	v24 =	vmul.bf16 v11, v24;
	[tilespmem:s0+$0x50] =	vst v27  }
0xe5: {  	v25 =	vmul.bf16 v9, v25;
	v27 =	vld [tilespmem:s1+$0x60]  }
0xe6: {  	v31 =	vadd.bf16 v32, v31;
	v24 =	vadd.bf16 v24, v26;
	v26 =	vld [tilespmem:s1+$0xE0]  }
0xe7: {  	v32 =	vld [tilespmem:s1+$0x160]  }
0xe8: {  	v28 =	vmul.bf16 v21, v28;
	v29 =	vmul.bf16 v20, v29;
	[tilespmem:s20+$0xFFFFFF80] =	vst v31;
	v31 =	vld [tilespmem:s1+$0x1E0]  }
0xe9: {  	v30 =	vmul.bf16 v22, v30;
	v34 =	vld [tilespmem:s15+$0xFFFFFE10];
	v33 =	vmul.bf16 v23, v33  }
0xea: {  	v35 =	vld [tilespmem:s15+$0xFFFFFE90]  }
0xeb: {  	v28 =	vadd.bf16 v29, v28;
	v36 =	vld [tilespmem:s15+$0xFFFFFF10];
	v29 =	vadd.bf16 v33, v30  }
0xec: {  	v27 =	vmul.bf16 v12, v27;
	v26 =	vmul.bf16 v15, v26;
	v30 =	vld [tilespmem:s15+$0xFFFFFF90]  }
0xed: {  	v32 =	vmul.bf16 v13, v32;
	v28 =	vadd.bf16 v29, v28;
	v29 =	vld [tilespmem:s1+$0xFFFFFFC0];
	v31 =	vmul.bf16 v14, v31  }
0xee: {  	v33 =	vmul.bf16 v18, v34;
	v34 =	vld [tilespmem:s13+$0xFFFFFE70]  }
0xef: {  	v26 =	vadd.bf16 v26, v27;
	v35 =	vmul.bf16 v19, v35;
	[tilespmem:s20+$0x10] =	vst v28;
	v27 =	vadd.bf16 v31, v32;
	v28 =	vld [tilespmem:s13+$0xFFFFFEF0]  }
0xf0: {  	v31 =	vmul.bf16 v17, v36;
	v32 =	vld [tilespmem:s15+$0x20]  }
0xf1: {  	v33 =	vadd.bf16 v35, v33;
	v30 =	vmul.bf16 v16, v30;
	v35 =	vld [tilespmem:s15+$0xA0];
	v26 =	vadd.bf16 v27, v26  }
0xf2: {  	v27 =	vld [tilespmem:s15+$0x120];
	v29 =	vmul.bf16 v10, v29  }
0xf3: {  	v30 =	vadd.bf16 v30, v31;
	v31 =	vld [tilespmem:s15+$0x1A0];
	[tilespmem:s0+$0x60] =	vst v26;
	v26 =	vmul.bf16 v6, v34;
	v6 =	vmovc v8;
	v8 =	vmov v18  }
0xf4: {  	v18 =	vadd.bf16 v29, v25;
	v25 =	vld [tilespmem:s1+$0x70];
	v28 =	vmul.bf16 v7, v28;
	v7 =	vmovc v11;
	v11 =	vmov v19  }
0xf5: {  	v19 =	vadd.bf16 v30, v33;
	v29 =	vld [tilespmem:s1+$0xF0]  }
0xf6: {  	v18 =	vadd.bf16 v18, v24;
	v24 =	vld [tilespmem:s1+$0x170];
	v26 =	vadd.bf16 v28, v26  }
0xf7: {  	[tilespmem:s20+$0xFFFFFF90] =	vst v19;
	v19 =	vld [tilespmem:s1+$0x1F0]  }
0xf8: {  	v30 =	vmul.bf16 v21, v32;
	v32 =	vmul.bf16 v20, v35;
	v28 =	vld [tilespmem:s15+$0xFFFFFE20];
	[tilespmem:s0+$0xFFFFFFC0] =	vst v18  }
0xf9: {  	v27 =	vmul.bf16 v22, v27;
	v31 =	vmul.bf16 v23, v31;
	v18 =	vld [tilespmem:s15+$0xFFFFFEA0]  }
0xfa: {  	v30 =	vadd.bf16 v32, v30;
	v33 =	vld [tilespmem:s15+$0xFFFFFF20]  }
0xfb: {  	v25 =	vmul.bf16 v12, v25;
	v12 =	vmovc v21;
	v27 =	vadd.bf16 v31, v27;
	v29 =	vmul.bf16 v15, v29;
	v32 =	vld [tilespmem:s15+$0xFFFFFFA0]  }
0xfc: {  	v15 =	vmovc v20;
	v24 =	vmul.bf16 v13, v24;
	v13 =	vmovc v22;
	v21 =	vld [tilespmem:s1+$0xFFFFFE50];
	v19 =	vmul.bf16 v14, v19;
	v14 =	vmov v23  }
0xfd: {  	v22 =	vadd.bf16 v27, v30;
	v20 =	vmul.bf16 v8, v28;
	v23 =	vld [tilespmem:s1+$0xFFFFFED0]  }
0xfe: {  	v25 =	vadd.bf16 v29, v25;
	v18 =	vmul.bf16 v11, v18;
	v27 =	vld [tilespmem:s1+$0xFFFFFF50];
	v19 =	vadd.bf16 v19, v24  }
0xff: {  	v24 =	vmul.bf16 v17, v33;
	[tilespmem:s20+$0x20] =	vst v22;
	v22 =	vld [tilespmem:s1+$0xFFFFFFD0]  }
0x100: {  	v18 =	vadd.bf16 v18, v20;
	v20 =	vmul.bf16 v16, v32;
	v28 =	vld [tilespmem:s15+$0x30];
	v19 =	vadd.bf16 v19, v25  }
0x101: {  	v25 =	vmov s24;
	v29 =	vld [tilespmem:s15+$0xB0];
	v21 =	vmul.bf16 v6, v21  }
0x102: {  	v20 =	vadd.bf16 v20, v24;
	v24 =	vld [tilespmem:s15+$0x130];
	v23 =	vmul.bf16 v7, v23;
	[tilespmem:s0+$0x70] =	vst v19  }
0x103: {  	v19 =	vld [tilespmem:s15+$0x1B0];
	v27 =	vmul.bf16 v9, v27  }
0x104: {  	v20 =	vadd.bf16 v20, v18;
	v21 =	vadd.bf16 v23, v21;
	v22 =	vmul.bf16 v10, v22;
	v23 =	vld [tilespmem:s13+$0xFFFFFF70]  }
0x105: {  	v30 =	vld [tilespmem:s13+$0xFFFFFFF0];
	s13 =	smov.u32 s1;
	s1 =	smov.u32 s15  }
0x106: {  	v18 =	vld.idx.msk [tilespmem:v25+s14+$0x0], $0xffff;
	[tilespmem:s20+$0xFFFFFFA0] =	vst v20;
	v20 =	vadd.bf16 v22, v27  }
0x107: {  	v27 =	vmul.bf16 v12, v28;
	v28 =	vmul.bf16 v15, v29;
	v22 =	vld [tilespmem:s15+$0xFFFFFE30]  }
0x108: {  	v24 =	vmul.bf16 v13, v24;
	v29 =	vld [tilespmem:s15+$0xFFFFFEB0];
	v19 =	vmul.bf16 v14, v19;
	v20 =	vadd.bf16 v20, v21  }
0x109: {  	v21 =	vld [tilespmem:s15+$0xFFFFFF30];
	v23 =	vmul.bf16 v4, v23;
	v4 =	vmov v9;
	v9 =	vmov v17  }
0x10a: {  	v27 =	vadd.bf16 v28, v27;
	v17 =	vld [tilespmem:s15+$0xFFFFFFB0];
	v19 =	vadd.bf16 v19, v24;
	[tilespmem:s0+$0xFFFFFFD0] =	vst v20;
	v20 =	vmul.bf16 v5, v30  }
0x10b: {  	v5 =	vmov v10;
	v10 =	vmov v16;
	v24 =	vld [tilespmem:s13+$0xFFFFFE60]  }
0x10c: {  	v16 =	vmul.bf16 v8, v22;
	v19 =	vadd.bf16 v19, v27;
	v22 =	vld [tilespmem:s13+$0xFFFFFEE0];
	v20 =	vadd.bf16 v20, v23  }
0x10d: {  	v23 =	vmul.bf16 v11, v29;
	v27 =	vld [tilespmem:s13+$0xFFFFFF60]  }
0x10e: {  	v28 =	vor.u32 $0x80, v25;
	v21 =	vmul.bf16 v9, v21;
	[tilespmem:s20+$0x30] =	vst v19;
	v29 =	vld [tilespmem:s13+$0xFFFFFFE0];
	v19 =	vadd.bf16 v20, v26  }
0x10f: {  	v20 =	vor.u32 $0x100, v25;
	v16 =	vadd.bf16 v23, v16;
	v17 =	vmul.bf16 v10, v17;
	v23 =	vld [tilespmem:s15+$0x40]  }
0x110: {  	v25 =	vor.u32 $0x180, v25;
	v26 =	vld [tilespmem:s15+$0xC0];
	v24 =	vmul.bf16 v6, v24;
	[tilespmem:s12+$0xFFFFFFF0] =	vst v19;
	s12 =	smov.u32 s0;
	s0 =	smov.u32 s20  }
0x111: {  	v17 =	vadd.bf16 v17, v21;
	v21 =	vld [tilespmem:s15+$0x140];
	v22 =	vmul.bf16 v7, v22  }
0x112: {  	v30 =	vld [tilespmem:s15+$0x1C0];
	v27 =	vmul.bf16 v4, v27  }
0x113: {  	s26 =	sadd.s32 $0x1, s24;
	v19 =	vld.idx.msk [tilespmem:v28+s14+$0x0], $0xffff;
	v28 =	vadd.bf16 v17, v16;
	v22 =	vadd.bf16 v22, v24;
	v24 =	vmul.bf16 v5, v29  }
0x114: {  	v17 =	vld.idx.msk [tilespmem:v20+s14+$0x0], $0xffff;
	v20 =	vmov s26  }
0x115: {  	s15 =	sadd.s32 $0x400, s15;
	v16 =	vld.idx.msk [tilespmem:v25+s14+$0x0], $0xffff;
	v25 =	vor.u32 $0x80, v20;
	[tilespmem:s20+$0xFFFFFFB0] =	vst v28;
	v24 =	vadd.bf16 v24, v27  }
0x116: {  	v23 =	vmul.bf16 v12, v23;
	v27 =	vor.u32 $0x100, v20;
	v26 =	vmul.bf16 v15, v26;
	v28 =	vld [tilespmem:s15+$0x0]  }
0x117: {  	v29 =	vor.u32 $0x180, v20;
	v32 =	vmul.bf16 v13, v21;
	v31 =	vld [tilespmem:s15+$0x80];
	v30 =	vmul.bf16 v14, v30  }
0x118: {  	v22 =	vadd.bf16 v24, v22;
	v33 =	vld [tilespmem:s15+$0x100]  }
0x119: {  	v23 =	vadd.bf16 v26, v23;
	v21 =	vld.idx.msk [tilespmem:v20+s14+$0x0], $0xffff;
	v24 =	vadd.bf16 v30, v32  }
0x11a: {  	v20 =	vld.idx.msk [tilespmem:v25+s14+$0x0], $0xffff;
	[tilespmem:s12+$0xFFFFFFE0] =	vst v22  }
0x11b: {  	v22 =	vld.idx.msk [tilespmem:v27+s14+$0x0], $0xffff;
	v24 =	vadd.bf16 v24, v23  }
0x11c: {  	v23 =	vld.idx.msk [tilespmem:v29+s14+$0x0], $0xffff  }
0x11d: {  	v25 =	vld [tilespmem:s15+$0x180];
	[tilespmem:s20+$0x40] =	vst v24  }
0x11e: {  	v24 =	vld [tilespmem:s1+$0x50]  }
0x11f: {  	v26 =	vld [tilespmem:s1+$0xD0]  }
0x120: {  	v27 =	vld [tilespmem:s1+$0x150]  }
0x121: {  	v28 =	vmul.bf16 v21, v28;
	v29 =	vmul.bf16 v20, v31;
	v30 =	vld [tilespmem:s1+$0x1D0]  }
0x122: {  	v32 =	vmul.bf16 v22, v33;
	v31 =	vld [tilespmem:s15+$0xFFFFFE00];
	v25 =	vmul.bf16 v23, v25  }
0x123: {  	v33 =	vld [tilespmem:s15+$0xFFFFFE80]  }
0x124: {  	v28 =	vadd.bf16 v29, v28;
	v34 =	vld [tilespmem:s15+$0xFFFFFF00];
	v25 =	vadd.bf16 v25, v32  }
0x125: {  	v32 =	vmul.bf16 v12, v24;
	v26 =	vmul.bf16 v15, v26;
	v29 =	vld [tilespmem:s15+$0xFFFFFF80]  }
0x126: {  	v27 =	vmul.bf16 v13, v27;
	v25 =	vadd.bf16 v25, v28;
	v35 =	vld [tilespmem:s1+$0xFFFFFE40];
	v28 =	vmul.bf16 v14, v30  }
.Ltmp2:
0x127: {  	s20 =	sadd.s32 $0x100, s20;
	v30 =	vmul.bf16 v18, v31;
	v24 =	vld [tilespmem:s1+$0xFFFFFEC0];
	(pc) =	sbr.rel @p2 .LBB2_3-.Ltmp2, $4  }
0x128: {  	v26 =	vadd.bf16 v26, v32;
	v31 =	vmul.bf16 v19, v33;
	[tilespmem:s20+$0x0] =	vst v25;
	v25 =	vld [tilespmem:s1+$0xFFFFFF40];
	v27 =	vadd.bf16 v28, v27  }
0x129: {  	v32 =	vmul.bf16 v17, v34;
	v28 =	vld [tilespmem:s15+$0x10]  }
0x12a: {  	v31 =	vadd.bf16 v31, v30;
	v33 =	vmul.bf16 v16, v29;
	v29 =	vld [tilespmem:s15+$0x90];
	v27 =	vadd.bf16 v27, v26  }
0x12b: {  	s24 =	sadd.s32 $0x2, s24;
	v30 =	vld [tilespmem:s15+$0x110];
	v26 =	vmul.bf16 v8, v35  }
0x12c: {  	v32 =	vadd.bf16 v33, v32;
	_ =	sdelay $0x1  }
0x12d: {  	v31 =	vadd.bf16 v32, v31  }
0x12e: {  	v51 =	vld [tilespmem:s15+$0x190]  }
0x12f: {  	[tilespmem:s20+$0xFFFFFF80] =	vst v31  }
0x130: {  	v31 =	vld [tilespmem:s15+$0xFFFFFE10]  }
0x131: {  	v52 =	vld [tilespmem:s15+$0xFFFFFE90]  }
0x132: {  	v28 =	vmul.bf16 v21, v28;
	v29 =	vmul.bf16 v20, v29;
	v34 =	vld [tilespmem:s15+$0xFFFFFF10]  }
0x133: {  	v30 =	vmul.bf16 v22, v30;
	v33 =	vmul.bf16 v23, v51;
	v35 =	vld [tilespmem:s15+$0xFFFFFF90];
	_ =	sdelay $0x1  }
0x134: {  	v28 =	vadd.bf16 v29, v28;
	v53 =	vadd.bf16 v33, v30;
	_ =	sdelay $0x1  }
0x135: {  	v28 =	vadd.bf16 v53, v28;
	v54 =	vmul.bf16 v18, v31;
	v55 =	vmul.bf16 v19, v52  }
0x136: {  	v56 =	vmul.bf16 v17, v34;
	v57 =	vmul.bf16 v16, v35  }
0x137: {  	[tilespmem:s20+$0x10] =	vst v28  }
0x138: {  	v58 =	vld [tilespmem:s15+$0x20];
	v29 =	vadd.bf16 v55, v54;
	v28 =	vadd.bf16 v57, v56  }
0x139: {  	v59 =	vld [tilespmem:s15+$0xA0]  }
0x13a: {  	v60 =	vld [tilespmem:s15+$0x120];
	v28 =	vadd.bf16 v28, v29  }
0x13b: {  	v61 =	vld [tilespmem:s15+$0x1A0]  }
0x13c: {  	[tilespmem:s20+$0xFFFFFF90] =	vst v28  }
0x13d: {  	v28 =	vld [tilespmem:s15+$0xFFFFFE20]  }
0x13e: {  	v63 =	vld [tilespmem:s15+$0xFFFFFEA0]  }
0x13f: {  	v62 =	vmul.bf16 v21, v58;
	v30 =	vmul.bf16 v20, v59;
	v36 =	vld [tilespmem:s15+$0xFFFFFF20]  }
0x140: {  	v31 =	vmul.bf16 v22, v60;
	v33 =	vmul.bf16 v23, v61;
	v37 =	vld [tilespmem:s15+$0xFFFFFFA0];
	_ =	sdelay $0x1  }
0x141: {  	v29 =	vadd.bf16 v30, v62;
	v38 =	vadd.bf16 v33, v31;
	_ =	sdelay $0x1  }
0x142: {  	v29 =	vadd.bf16 v38, v29;
	v28 =	vmul.bf16 v18, v28;
	v39 =	vmul.bf16 v19, v63  }
0x143: {  	v40 =	vmul.bf16 v17, v36;
	v41 =	vmul.bf16 v16, v37  }
0x144: {  	[tilespmem:s20+$0x20] =	vst v29  }
0x145: {  	v42 =	vld [tilespmem:s15+$0x30];
	v28 =	vadd.bf16 v39, v28;
	v29 =	vadd.bf16 v41, v40  }
0x146: {  	v43 =	vld [tilespmem:s15+$0xB0]  }
0x147: {  	v44 =	vld [tilespmem:s15+$0x130];
	v28 =	vadd.bf16 v29, v28  }
0x148: {  	v45 =	vld [tilespmem:s15+$0x1B0]  }
0x149: {  	[tilespmem:s20+$0xFFFFFFA0] =	vst v28  }
0x14a: {  	v28 =	vld [tilespmem:s15+$0xFFFFFE30]  }
0x14b: {  	v47 =	vld [tilespmem:s15+$0xFFFFFEB0]  }
0x14c: {  	v46 =	vmul.bf16 v21, v42;
	v30 =	vmul.bf16 v20, v43;
	v48 =	vld [tilespmem:s15+$0xFFFFFF30]  }
0x14d: {  	v31 =	vmul.bf16 v22, v44;
	v33 =	vmul.bf16 v23, v45;
	v49 =	vld [tilespmem:s15+$0xFFFFFFB0];
	_ =	sdelay $0x1  }
0x14e: {  	[tilespmem:s0+$0x50] =	vst v27;
	v53 =	vld [tilespmem:s1+$0xFFFFFFC0];
	v29 =	vadd.bf16 v30, v46;
	v50 =	vadd.bf16 v33, v31  }
0x14f: {  	v60 =	vld [tilespmem:s1+$0xE0]  }
0x150: {  	v61 =	vld [tilespmem:s1+$0x160];
	v51 =	vadd.bf16 v50, v29;
	v28 =	vmul.bf16 v18, v28;
	v52 =	vmul.bf16 v19, v47  }
0x151: {  	v36 =	vld [tilespmem:s1+$0x1E0];
	v54 =	vmul.bf16 v17, v48;
	v55 =	vmul.bf16 v16, v49  }
0x152: {  	v29 =	vld [tilespmem:s1+$0x60];
	[tilespmem:s20+$0x30] =	vst v51  }
0x153: {  	v56 =	vld [tilespmem:s15+$0x40];
	v28 =	vadd.bf16 v52, v28;
	v27 =	vadd.bf16 v55, v54  }
0x154: {  	v57 =	vld [tilespmem:s15+$0xC0]  }
0x155: {  	v24 =	vmul.bf16 v11, v24;
	v58 =	vld [tilespmem:s15+$0x140];
	v27 =	vadd.bf16 v27, v28  }
0x156: {  	v25 =	vmul.bf16 v9, v25;
	v31 =	vmul.bf16 v10, v53;
	v59 =	vld [tilespmem:s15+$0x1C0]  }
0x157: {  	v24 =	vadd.bf16 v24, v26;
	[tilespmem:s20+$0xFFFFFFB0] =	vst v27  }
0x158: {  	v53 =	vmul.bf16 v13, v61;
	v25 =	vadd.bf16 v31, v25;
	v54 =	vmul.bf16 v14, v36;
	v62 =	vld [tilespmem:s15+$0xFFFFFE40]  }
0x159: {  	v29 =	vmul.bf16 v12, v29;
	v28 =	vmul.bf16 v15, v60;
	v40 =	vld [tilespmem:s15+$0xFFFFFEC0]  }
0x15a: {  	v24 =	vadd.bf16 v25, v24;
	v63 =	vmul.bf16 v21, v56;
	v30 =	vmul.bf16 v20, v57;
	v43 =	vld [tilespmem:s15+$0xFFFFFF40]  }
0x15b: {  	v41 =	vmul.bf16 v22, v58;
	v42 =	vmul.bf16 v23, v59;
	v44 =	vld [tilespmem:s15+$0xFFFFFFC0]  }
0x15c: {  	[tilespmem:s0+$0xFFFFFFC0] =	vst v24;
	v28 =	vadd.bf16 v28, v29;
	v57 =	vadd.bf16 v54, v53  }
0x15d: {  	v46 =	vld [tilespmem:s1+$0xFFFFFE50];
	v45 =	vadd.bf16 v30, v63;
	v25 =	vadd.bf16 v42, v41  }
0x15e: {  	v47 =	vld [tilespmem:s1+$0xFFFFFED0];
	v28 =	vadd.bf16 v57, v28  }
0x15f: {  	v48 =	vld [tilespmem:s1+$0xFFFFFF50];
	v24 =	vadd.bf16 v25, v45;
	v26 =	vmul.bf16 v18, v62;
	v31 =	vmul.bf16 v19, v40  }
0x160: {  	v49 =	vld [tilespmem:s1+$0xFFFFFFD0];
	[tilespmem:s0+$0x60] =	vst v28;
	v50 =	vmul.bf16 v17, v43;
	v51 =	vmul.bf16 v16, v44  }
0x161: {  	v35 =	vld [tilespmem:s1+$0x70];
	[tilespmem:s20+$0x40] =	vst v24  }
0x162: {  	v52 =	vld [tilespmem:s15+$0x50];
	v26 =	vadd.bf16 v31, v26;
	v24 =	vadd.bf16 v51, v50  }
0x163: {  	v37 =	vld [tilespmem:s15+$0xD0]  }
0x164: {  	v55 =	vld [tilespmem:s15+$0x150];
	v24 =	vadd.bf16 v24, v26  }
0x165: {  	v56 =	vld [tilespmem:s15+$0x1D0]  }
0x166: {  	v27 =	vmul.bf16 v8, v46;
	v30 =	vmul.bf16 v11, v47;
	v31 =	vld [tilespmem:s13+$0xFFFFFEF0];
	[tilespmem:s20+$0xFFFFFFC0] =	vst v24  }
0x167: {  	v32 =	vmul.bf16 v10, v49;
	v25 =	vmul.bf16 v9, v48;
	v59 =	vld [tilespmem:s15+$0xFFFFFE50]  }
0x168: {  	v62 =	vld [tilespmem:s15+$0xFFFFFED0]  }
0x169: {  	v58 =	vadd.bf16 v30, v27;
	v25 =	vadd.bf16 v32, v25;
	v38 =	vld [tilespmem:s15+$0xFFFFFF50]  }
0x16a: {  	v60 =	vmul.bf16 v21, v52;
	v61 =	vmul.bf16 v20, v37;
	v39 =	vld [tilespmem:s15+$0xFFFFFFD0]  }
0x16b: {  	v50 =	vld [tilespmem:s1+$0xF0];
	v24 =	vadd.bf16 v25, v58;
	v63 =	vmul.bf16 v22, v55;
	v37 =	vmul.bf16 v23, v56  }
0x16c: {  	v51 =	vld [tilespmem:s1+$0x170]  }
0x16d: {  	v26 =	vld [tilespmem:s13+$0xFFFFFE70];
	[tilespmem:s0+$0xFFFFFFD0] =	vst v24;
	v40 =	vadd.bf16 v61, v60;
	v25 =	vadd.bf16 v37, v63  }
0x16e: {  	v41 =	vld [tilespmem:s1+$0xFFFFFE60];
	v27 =	vmul.bf16 v18, v59;
	v32 =	vmul.bf16 v19, v62  }
0x16f: {  	v42 =	vld [tilespmem:s1+$0xFFFFFEE0];
	v24 =	vadd.bf16 v25, v40;
	v45 =	vmul.bf16 v17, v38;
	v28 =	vmul.bf16 v16, v39  }
0x170: {  	v43 =	vld [tilespmem:s1+$0xFFFFFF60]  }
0x171: {  	v44 =	vld [tilespmem:s1+$0xFFFFFFE0];
	[tilespmem:s20+$0x50] =	vst v24;
	v27 =	vadd.bf16 v32, v27;
	v24 =	vadd.bf16 v28, v45  }
0x172: {  	v46 =	vld [tilespmem:s15+$0x60]  }
0x173: {  	v47 =	vld [tilespmem:s15+$0xE0];
	v24 =	vadd.bf16 v24, v27  }
0x174: {  	v48 =	vld [tilespmem:s15+$0x160]  }
0x175: {  	v49 =	vld [tilespmem:s15+$0x1E0];
	v29 =	vmul.bf16 v8, v41;
	v30 =	vmul.bf16 v11, v42;
	[tilespmem:s20+$0xFFFFFFD0] =	vst v24  }
0x176: {  	v25 =	vmul.bf16 v9, v43;
	v33 =	vmul.bf16 v10, v44;
	v53 =	vld [tilespmem:s15+$0xFFFFFE60]  }
0x177: {  	v56 =	vld [tilespmem:s15+$0xFFFFFEE0]  }
0x178: {  	v52 =	vadd.bf16 v30, v29;
	v25 =	vadd.bf16 v33, v25;
	v57 =	vld [tilespmem:s15+$0xFFFFFF60]  }
0x179: {  	v54 =	vmul.bf16 v21, v46;
	v55 =	vmul.bf16 v20, v47;
	v58 =	vld [tilespmem:s15+$0xFFFFFFE0]  }
0x17a: {  	v60 =	vld [tilespmem:s13+$0xFFFFFFF0];
	v24 =	vadd.bf16 v25, v52;
	v28 =	vmul.bf16 v22, v48;
	v32 =	vmul.bf16 v23, v49  }
0x17b: {  	v38 =	vld [tilespmem:s1+$0x1F0]  }
0x17c: {  	v59 =	vld [tilespmem:s13+$0xFFFFFF70];
	[tilespmem:s0+$0xFFFFFFE0] =	vst v24;
	v30 =	vadd.bf16 v55, v54;
	v28 =	vadd.bf16 v32, v28  }
0x17d: {  	v62 =	vld [tilespmem:s1+$0xFFFFFE70];
	v29 =	vmul.bf16 v18, v53;
	v63 =	vmul.bf16 v19, v56  }
0x17e: {  	v40 =	vld [tilespmem:s1+$0xFFFFFEF0];
	v61 =	vadd.bf16 v28, v30;
	v41 =	vmul.bf16 v17, v57;
	v25 =	vmul.bf16 v16, v58  }
0x17f: {  	v46 =	vld [tilespmem:s1+$0xFFFFFF70]  }
0x180: {  	v49 =	vld [tilespmem:s1+$0xFFFFFFF0];
	[tilespmem:s20+$0x60] =	vst v61;
	v29 =	vadd.bf16 v63, v29;
	v24 =	vadd.bf16 v25, v41  }
0x181: {  	v42 =	vld [tilespmem:s15+$0x70]  }
0x182: {  	v43 =	vld [tilespmem:s15+$0xF0];
	v24 =	vadd.bf16 v24, v29  }
0x183: {  	v7 =	vmul.bf16 v7, v31;
	v6 =	vmul.bf16 v6, v26;
	v44 =	vld [tilespmem:s15+$0x170]  }
0x184: {  	v5 =	vmul.bf16 v5, v60;
	v4 =	vmul.bf16 v4, v59;
	v45 =	vld [tilespmem:s15+$0x1F0];
	[tilespmem:s20+$0xFFFFFFE0] =	vst v24  }
0x185: {  	v47 =	vmul.bf16 v12, v35;
	v48 =	vmul.bf16 v15, v50;
	v24 =	vld [tilespmem:s15+$0xFFFFFE70]  }
0x186: {  	v6 =	vadd.bf16 v7, v6;
	v50 =	vmul.bf16 v13, v51;
	v51 =	vmul.bf16 v14, v38;
	v52 =	vld [tilespmem:s15+$0xFFFFFEF0]  }
0x187: {  	v4 =	vadd.bf16 v5, v4;
	v12 =	vadd.bf16 v48, v47;
	v53 =	vld [tilespmem:s15+$0xFFFFFF70]  }
0x188: {  	v13 =	vadd.bf16 v51, v50;
	v5 =	vmul.bf16 v8, v62;
	v54 =	vmul.bf16 v11, v40;
	v55 =	vld [tilespmem:s15+$0xFFFFFFF0]  }
0x189: {  	v4 =	vadd.bf16 v4, v6;
	v60 =	vmul.bf16 v9, v46;
	v61 =	vmul.bf16 v10, v49  }
0x18a: {  	v5 =	vadd.bf16 v54, v5;
	v56 =	vmul.bf16 v21, v42;
	v57 =	vmul.bf16 v20, v43  }
0x18b: {  	v9 =	vadd.bf16 v61, v60;
	v58 =	vmul.bf16 v22, v44;
	v59 =	vmul.bf16 v23, v45  }
0x18c: {  	v12 =	vadd.bf16 v13, v12;
	v62 =	vmul.bf16 v18, v24;
	v7 =	vmul.bf16 v19, v52  }
0x18d: {  	[tilespmem:s12+$0xFFFFFFF0] =	vst v4;
	v4 =	vadd.bf16 v9, v5;
	v63 =	vmul.bf16 v17, v53;
	v11 =	vmul.bf16 v16, v55  }
0x18e: {  	v13 =	vadd.bf16 v57, v56;
	v6 =	vadd.bf16 v59, v58  }
0x18f: {  	v7 =	vadd.bf16 v7, v62;
	v8 =	vadd.bf16 v11, v63  }
0x190: {  	[tilespmem:s0+$0x70] =	vst v12;
	v6 =	vadd.bf16 v6, v13  }
0x191: {  	s15 =	sadd.s32 s6, s10;
	[tilespmem:s0+$0xFFFFFFF0] =	vst v4;
	v5 =	vadd.bf16 v8, v7  }
0x192: {  	s24 =	sshll.u32 s15, $0x8;
	[tilespmem:s20+$0x70] =	vst v6  }
0x193: {  	s26 =	simm.s32 $0x4600;
	s0 =	sadd.s32 s2, s24;
	[tilespmem:s20+$0xFFFFFFF0] =	vst v5  }
0x194: {  	[hbm4b:s0+s3] =	stream.linear.scatter [tilespmem:s26], [sflag:$0x7], $0x800, $0x38;
	[tilespmem:$0x5600] =	vst v63  }
0x195: {  	s0 =	sshll.u32 @!p0 s11, $0x6  }
0x196: {  	p2 =	sne.s32 s9, $0x30;
	s1 =	simm.s32 @!p0 $0x0;
	s0 =	sand.u32 @!p0 $0x1FFFFF80, s0  }
.Ltmp3:
0x197: {  	s11 =	simm.s32 @!p0 $0x4200;
	s0 =	sadd.s32 @!p0 s7, s0;
	(pc) =	sbr.rel @p2 .LBB2_6-.Ltmp3, $4  }
0x198: {  	[tilespmem:s11], [sflag:$0x3] =	stream.linear.gather @!p0 [hbm4b:s0+s1], $0x200, $0x38;
	[tilespmem:$0x5600] =	vst v63  }
0x199: {  	_ =	swait.ge [sflag:s28], $0x2000  }
0x19a: {  	[sflag:s28] =	ssyncset.done $0x0  }
0x19b: {  	s11 =	sadd.s32 $0x3, s10;
	[sflag:s28] =	ssyncadd.s32 $0xFFFFE000  }
.Ltmp4:
0x19c: {  	(pc) =	sbr.rel .LBB2_7-.Ltmp4, $4  }
0x19d: {  	_ = 	snop  }
0x19e: {  	_ =	swait.ge [sflag:s29], $0x200  }
0x19f: {  	[sflag:s29] =	ssyncset.done $0x0  }
0x1a0: {  	[sflag:s29] =	ssyncadd.s32 $0xFFFFFE00  }
.LBB2_6:
0x1a1: {  	s0 =	sadd.s32 s6, s11  }
0x1a2: {  	s0 =	sshll.u32 s0, $0x1  }
0x1a3: {  	s0 =	sand.u32 $0x1FFFFFFE, s0  }
0x1a4: {  	s1 =	simm.s32 $0x80;
	s0 =	sadd.s32 s5, s0  }
0x1a5: {  	[tilespmem:s1], [sflag:$0x2] =	stream.linear.gather [hbm4b:s0+s3], $0x10, $0x38;
	[tilespmem:$0x5600] =	vst v63  }
0x1a6: {  	_ =	swait.ge [sflag:s17], $0x10  }
0x1a7: {  	[sflag:s17] =	ssyncset.done $0x0  }
0x1a8: {  	[sflag:s17] =	ssyncadd.s32 $0xFFFFFFF0  }
0x1a9: {  	v4 =	vld [tilespmem:$0x0];
	_ =	sdelay $0x4  }
0x1aa: {  	[tilespmem:v0+s18+$0x0] =	vst.idx.msk $0xffff, v4;
	v5 =	vadd.s32 $0x1, v4  }
0x1ab: {  	[tilespmem:v1+s18+$0x0] =	vst.idx.msk $0xffff, v5;
	v5 =	vadd.s32 $0xC8, v4  }
0x1ac: {  	v4 =	vadd.s32 $0xC9, v4;
	[tilespmem:v2+s18+$0x0] =	vst.idx.msk $0xffff, v5  }
.Ltmp5:
0x1ad: {  	s26 =	simm.s32 $0x200;
	[tilespmem:v3+s18+$0x0] =	vst.idx.msk $0xffff, v4;
	(pc) =	sbr.rel @p1 .LBB2_8-.Ltmp5, $4  }
0x1ae: {  	[tilespmem:s26], [sflag:$0x5] =	stream.indirect.gather [hbm4b:s4+s19], $0x80, s18, s19, $0xb8;
	[tilespmem:$0x5600] =	vst v63  }
0x1af: {  	_ =	swait.ge [sflag:s29], $0x200  }
0x1b0: {  	[sflag:s29] =	ssyncset.done $0x0  }
0x1b1: {  	[sflag:s29] =	ssyncadd.s32 $0xFFFFFE00  }
.LBB2_7:
0x1b2: {  	_ =	swait.ge [sflag:s30], $0x800  }
0x1b3: {  	[sflag:s30] =	ssyncset.done $0x0  }
0x1b4: {  	[sflag:s30] =	ssyncadd.s32 $0xFFFFF800  }
.LBB2_8:
0x1b5: {  	s0 =	simm.s32 $0x1  }
0x1b6: {  	v4 =	vmov s0  }
0x1b7: {  	s13 =	simm.s32 $0x25F0;
	v5 =	vor.u32 $0x80, v4  }
0x1b8: {  	v7 =	vld [tilespmem:s13+$0xFFFFFE10];
	v6 =	vor.u32 $0x100, v4  }
0x1b9: {  	v9 =	vld [tilespmem:s13+$0xFFFFFE90];
	v8 =	vor.u32 $0x180, v4  }
0x1ba: {  	v10 =	vld [tilespmem:s13+$0xFFFFFF10]  }
0x1bb: {  	v23 =	vld.idx.msk [tilespmem:v4+s16+$0x0], $0xffff  }
0x1bc: {  	v24 =	vld.idx.msk [tilespmem:v5+s16+$0x0], $0xffff  }
0x1bd: {  	s15 =	simm.s32 $0x0;
	v25 =	vld.idx.msk [tilespmem:v6+s16+$0x0], $0xffff  }
0x1be: {  	v4 =	vmov s15;
	v26 =	vld.idx.msk [tilespmem:v8+s16+$0x0], $0xffff  }
0x1bf: {  	v5 =	vor.u32 $0x80, v4;
	v8 =	vld [tilespmem:s13+$0xFFFFFF90]  }
0x1c0: {  	v11 =	vor.u32 $0x100, v4  }
0x1c1: {  	v12 =	vor.u32 $0x180, v4;
	_ =	sdelay $0x1  }
0x1c2: {  	v6 =	vld.idx.msk [tilespmem:v4+s16+$0x0], $0xffff;
	v13 =	vmul.bf16 v23, v7;
	v9 =	vmul.bf16 v24, v9  }
0x1c3: {  	v7 =	vld.idx.msk [tilespmem:v5+s16+$0x0], $0xffff;
	v10 =	vmul.bf16 v25, v10;
	v8 =	vmul.bf16 v26, v8  }
0x1c4: {  	v4 =	vld.idx.msk [tilespmem:v11+s16+$0x0], $0xffff  }
0x1c5: {  	v5 =	vld.idx.msk [tilespmem:v12+s16+$0x0], $0xffff;
	v9 =	vadd.bf16 v9, v13;
	v8 =	vadd.bf16 v8, v10  }
0x1c6: {  	v11 =	vld [tilespmem:s13+$0xFFFFFC90]  }
0x1c7: {  	v12 =	vld [tilespmem:s13+$0xFFFFFD90];
	v8 =	vadd.bf16 v8, v9  }
0x1c8: {  	s12 =	simm.s32 $0x4EF0;
	v10 =	vld [tilespmem:s13+$0xFFFFFC10]  }
0x1c9: {  	v9 =	vld [tilespmem:s13+$0xFFFFFD10];
	[tilespmem:s12+$0xFFFFFF90] =	vst v8  }
0x1ca: {  	v8 =	vld [tilespmem:s13+$0xFFFFFE20]  }
0x1cb: {  	v13 =	vld [tilespmem:s13+$0xFFFFFEA0]  }
0x1cc: {  	v14 =	vld [tilespmem:s13+$0xFFFFFF20]  }
0x1cd: {  	v11 =	vmul.bf16 v7, v11;
	v12 =	vmul.bf16 v5, v12;
	v15 =	vld [tilespmem:s13+$0xFFFFFFA0]  }
0x1ce: {  	v10 =	vmul.bf16 v6, v10;
	v9 =	vmul.bf16 v4, v9;
	_ =	sdelay $0x1  }
0x1cf: {  	v10 =	vadd.bf16 v11, v10;
	v9 =	vadd.bf16 v12, v9  }
0x1d0: {  	v8 =	vmul.bf16 v23, v8;
	v11 =	vmul.bf16 v24, v13  }
0x1d1: {  	v12 =	vmul.bf16 v26, v15;
	v9 =	vadd.bf16 v9, v10;
	v10 =	vmul.bf16 v25, v14;
	_ =	sdelay $0x1  }
0x1d2: {  	v8 =	vadd.bf16 v11, v8;
	[tilespmem:s12+$0xFFFFFF10] =	vst v9;
	v9 =	vadd.bf16 v12, v10  }
0x1d3: {  	v10 =	vld [tilespmem:s13+$0xFFFFFC20]  }
0x1d4: {  	v11 =	vld [tilespmem:s13+$0xFFFFFCA0];
	v8 =	vadd.bf16 v9, v8  }
0x1d5: {  	v12 =	vld [tilespmem:s13+$0xFFFFFDA0]  }
0x1d6: {  	v9 =	vld [tilespmem:s13+$0xFFFFFD20];
	[tilespmem:s12+$0xFFFFFFA0] =	vst v8  }
0x1d7: {  	v8 =	vld [tilespmem:s13+$0xFFFFFE30]  }
0x1d8: {  	v13 =	vld [tilespmem:s13+$0xFFFFFEB0]  }
0x1d9: {  	v14 =	vld [tilespmem:s13+$0xFFFFFF30]  }
0x1da: {  	v15 =	vld [tilespmem:s13+$0xFFFFFFB0];
	v10 =	vmul.bf16 v6, v10;
	v11 =	vmul.bf16 v7, v11  }
0x1db: {  	v12 =	vmul.bf16 v5, v12;
	v9 =	vmul.bf16 v4, v9;
	_ =	sdelay $0x1  }
0x1dc: {  	v10 =	vadd.bf16 v11, v10;
	v9 =	vadd.bf16 v12, v9  }
0x1dd: {  	v8 =	vmul.bf16 v23, v8;
	v11 =	vmul.bf16 v24, v13  }
0x1de: {  	v12 =	vmul.bf16 v26, v15;
	v9 =	vadd.bf16 v9, v10;
	v10 =	vmul.bf16 v25, v14;
	_ =	sdelay $0x1  }
0x1df: {  	v8 =	vadd.bf16 v11, v8;
	[tilespmem:s12+$0xFFFFFF20] =	vst v9;
	v9 =	vadd.bf16 v12, v10  }
0x1e0: {  	v10 =	vld [tilespmem:s13+$0xFFFFFC30]  }
0x1e1: {  	v11 =	vld [tilespmem:s13+$0xFFFFFCB0];
	v8 =	vadd.bf16 v9, v8  }
0x1e2: {  	v12 =	vld [tilespmem:s13+$0xFFFFFDB0]  }
0x1e3: {  	v9 =	vld [tilespmem:s13+$0xFFFFFD30];
	[tilespmem:s12+$0xFFFFFFB0] =	vst v8  }
0x1e4: {  	v8 =	vld [tilespmem:s13+$0xFFFFFE40]  }
0x1e5: {  	v13 =	vld [tilespmem:s13+$0xFFFFFEC0]  }
0x1e6: {  	v14 =	vld [tilespmem:s13+$0xFFFFFF40]  }
0x1e7: {  	v15 =	vld [tilespmem:s13+$0xFFFFFFC0];
	_ =	sdelay $0x1  }
0x1e8: {  	v10 =	vmul.bf16 v6, v10;
	v11 =	vmul.bf16 v7, v11  }
0x1e9: {  	v12 =	vmul.bf16 v5, v12;
	v9 =	vmul.bf16 v4, v9  }
0x1ea: {  	v8 =	vmul.bf16 v23, v8;
	v13 =	vmul.bf16 v24, v13  }
0x1eb: {  	s20 =	simm.s32 $0x2;
	v14 =	vmul.bf16 v25, v14;
	v15 =	vmul.bf16 v26, v15  }
0x1ec: {  	v16 =	vmov s20;
	v10 =	vadd.bf16 v11, v10;
	v9 =	vadd.bf16 v12, v9  }
0x1ed: {  	v8 =	vadd.bf16 v13, v8;
	v11 =	vadd.bf16 v15, v14;
	_ =	sdelay $0x1  }
0x1ee: {  	s1 =	simm.s32 $0x29F0;
	v9 =	vadd.bf16 v9, v10;
	v10 =	vadd.bf16 v11, v8  }
0x1ef: {  	v20 =	vld [tilespmem:s1+$0xFFFFFE10]  }
0x1f0: {  	v8 =	vld.idx.msk [tilespmem:v16+s16+$0x0], $0xffff;
	[tilespmem:s12+$0xFFFFFFC0] =	vst v10  }
0x1f1: {  	[tilespmem:s12+$0xFFFFFF30] =	vst v9;
	v9 =	vor.u32 $0x80, v16;
	v12 =	vld [tilespmem:s13+$0xFFFFFE50]  }
0x1f2: {  	v10 =	vor.u32 $0x100, v16;
	v14 =	vld [tilespmem:s13+$0xFFFFFED0]  }
0x1f3: {  	v13 =	vor.u32 $0x180, v16;
	v15 =	vld [tilespmem:s13+$0xFFFFFF50]  }
0x1f4: {  	v16 =	vld [tilespmem:s13+$0xFFFFFFD0]  }
0x1f5: {  	s24 =	simm.s32 $0x3;
	v27 =	vld [tilespmem:s1+$0xFFFFFE90]  }
0x1f6: {  	v18 =	vmov s24;
	v11 =	vld.idx.msk [tilespmem:v9+s16+$0x0], $0xffff  }
0x1f7: {  	v9 =	vld.idx.msk [tilespmem:v10+s16+$0x0], $0xffff  }
0x1f8: {  	v10 =	vld.idx.msk [tilespmem:v13+s16+$0x0], $0xffff;
	v13 =	vor.u32 $0x80, v18;
	v21 =	vmul.bf16 v23, v12;
	v14 =	vmul.bf16 v24, v14  }
0x1f9: {  	v28 =	vld [tilespmem:s1+$0xFFFFFF10];
	v19 =	vor.u32 $0x100, v18;
	v15 =	vmul.bf16 v25, v15;
	v16 =	vmul.bf16 v26, v16  }
0x1fa: {  	v29 =	vld [tilespmem:s1+$0xFFFFFC10];
	v22 =	vor.u32 $0x180, v18  }
0x1fb: {  	v12 =	vld.idx.msk [tilespmem:v18+s16+$0x0], $0xffff;
	v14 =	vadd.bf16 v14, v21;
	v16 =	vadd.bf16 v16, v15  }
0x1fc: {  	v18 =	vld [tilespmem:s1+$0xFFFFFF90]  }
0x1fd: {  	v15 =	vld.idx.msk [tilespmem:v13+s16+$0x0], $0xffff;
	v16 =	vadd.bf16 v16, v14  }
0x1fe: {  	v13 =	vld.idx.msk [tilespmem:v19+s16+$0x0], $0xffff  }
0x1ff: {  	v14 =	vld.idx.msk [tilespmem:v22+s16+$0x0], $0xffff;
	[tilespmem:s12+$0xFFFFFFD0] =	vst v16  }
0x200: {  	v16 =	vld [tilespmem:s13+$0xFFFFFE60]  }
0x201: {  	v19 =	vld [tilespmem:s13+$0xFFFFFEE0]  }
0x202: {  	v21 =	vld [tilespmem:s13+$0xFFFFFF60]  }
0x203: {  	v20 =	vmul.bf16 v12, v20;
	v22 =	vmul.bf16 v15, v27;
	v27 =	vld [tilespmem:s13+$0xFFFFFFE0]  }
0x204: {  	v30 =	vld [tilespmem:s1+$0xFFFFFC90];
	v28 =	vmul.bf16 v13, v28;
	v18 =	vmul.bf16 v14, v18  }
0x205: {  	v31 =	vld [tilespmem:s1+$0xFFFFFD10]  }
0x206: {  	v17 =	vld [tilespmem:s13+$0xFFFFFC40];
	v20 =	vadd.bf16 v22, v20;
	v18 =	vadd.bf16 v18, v28  }
0x207: {  	v22 =	vld [tilespmem:s1+$0xFFFFFD90];
	v16 =	vmul.bf16 v23, v16;
	v19 =	vmul.bf16 v24, v19  }
0x208: {  	v32 =	vld [tilespmem:s13+$0xFFFFFDC0];
	v18 =	vadd.bf16 v18, v20;
	v20 =	vmul.bf16 v25, v21;
	v21 =	vmul.bf16 v26, v27  }
0x209: {  	s0 =	simm.s32 $0x4FF0;
	v28 =	vld [tilespmem:s13+$0xFFFFFCC0]  }
0x20a: {  	v27 =	vld [tilespmem:s13+$0xFFFFFD40];
	v16 =	vadd.bf16 v19, v16;
	[tilespmem:s0+$0xFFFFFF90] =	vst v18;
	v18 =	vadd.bf16 v21, v20  }
0x20b: {  	v19 =	vmul.bf16 v8, v29;
	v29 =	vmul.bf16 v9, v31;
	v21 =	vld [tilespmem:s1+$0xFFFFFE20]  }
0x20c: {  	v20 =	vmul.bf16 v11, v30;
	v22 =	vmul.bf16 v10, v22;
	v30 =	vld [tilespmem:s1+$0xFFFFFEA0];
	v16 =	vadd.bf16 v18, v16  }
0x20d: {  	v18 =	vld [tilespmem:s1+$0xFFFFFF20]  }
0x20e: {  	v19 =	vadd.bf16 v20, v19;
	v20 =	vadd.bf16 v22, v29;
	v22 =	vld [tilespmem:s1+$0xFFFFFFA0];
	[tilespmem:s12+$0xFFFFFFE0] =	vst v16  }
0x20f: {  	v16 =	vmul.bf16 v6, v17;
	v17 =	vmul.bf16 v7, v28;
	v28 =	vld [tilespmem:s13+$0xFFFFFE70]  }
0x210: {  	v29 =	vmul.bf16 v5, v32;
	v27 =	vmul.bf16 v4, v27;
	v19 =	vadd.bf16 v20, v19;
	v20 =	vld [tilespmem:s13+$0xFFFFFEF0]  }
0x211: {  	v31 =	vld [tilespmem:s13+$0xFFFFFF70]  }
0x212: {  	v16 =	vadd.bf16 v17, v16;
	v17 =	vadd.bf16 v29, v27;
	[tilespmem:s0+$0xFFFFFF10] =	vst v19;
	v19 =	vld [tilespmem:s13+$0xFFFFFFF0]  }
0x213: {  	v21 =	vmul.bf16 v12, v21;
	v27 =	vmul.bf16 v15, v30;
	v29 =	vld [tilespmem:s1+$0xFFFFFC20]  }
0x214: {  	v30 =	vld [tilespmem:s1+$0xFFFFFD20];
	v16 =	vadd.bf16 v17, v16;
	v17 =	vmul.bf16 v13, v18;
	v18 =	vmul.bf16 v14, v22  }
0x215: {  	v22 =	vld [tilespmem:s1+$0xFFFFFCA0]  }
0x216: {  	[tilespmem:s12+$0xFFFFFF40] =	vst v16;
	v16 =	vadd.bf16 v27, v21;
	v17 =	vadd.bf16 v18, v17;
	v18 =	vld [tilespmem:s1+$0xFFFFFDA0]  }
0x217: {  	v21 =	vld [tilespmem:s13+$0xFFFFFC50]  }
0x218: {  	v31 =	vmul.bf16 v25, v31;
	v27 =	vld [tilespmem:s13+$0xFFFFFCD0];
	v19 =	vmul.bf16 v26, v19;
	v16 =	vadd.bf16 v17, v16  }
0x219: {  	v28 =	vmul.bf16 v23, v28;
	v20 =	vmul.bf16 v24, v20;
	v48 =	vld [tilespmem:s13+$0xFFFFFDD0]  }
0x21a: {  	v17 =	vld [tilespmem:s13+$0xFFFFFD50];
	v29 =	vmul.bf16 v8, v29;
	v22 =	vmul.bf16 v11, v22;
	v19 =	vadd.bf16 v19, v31;
	[tilespmem:s0+$0xFFFFFFA0] =	vst v16  }
0x21b: {  	v16 =	vadd.bf16 v20, v28;
	v20 =	vmul.bf16 v9, v30;
	v28 =	vld [tilespmem:s1+$0xFFFFFE30];
	v18 =	vmul.bf16 v10, v18  }
0x21c: {  	v22 =	vadd.bf16 v22, v29;
	v29 =	vld [tilespmem:s1+$0xFFFFFEB0]  }
0x21d: {  	v16 =	vadd.bf16 v19, v16;
	v19 =	vld [tilespmem:s1+$0xFFFFFF30];
	v18 =	vadd.bf16 v18, v20  }
0x21e: {  	v20 =	vmul.bf16 v6, v21;
	v21 =	vmul.bf16 v7, v27;
	v27 =	vld [tilespmem:s1+$0xFFFFFFB0]  }
0x21f: {  	v30 =	vmul.bf16 v5, v48;
	v17 =	vmul.bf16 v4, v17;
	[tilespmem:s12+$0xFFFFFFF0] =	vst v16;
	v16 =	vadd.bf16 v18, v22  }
0x220: {  	v31 =	vld [tilespmem:s13+$0xFFFFFE80]  }
0x221: {  	v18 =	vadd.bf16 v21, v20;
	v17 =	vadd.bf16 v30, v17;
	v30 =	vld [tilespmem:s13+$0xFFFFFF00];
	[tilespmem:s0+$0xFFFFFF20] =	vst v16  }
0x222: {  	v20 =	vmul.bf16 v12, v28;
	v21 =	vmul.bf16 v15, v29;
	v16 =	vld [tilespmem:s1+$0xFFFFFC30]  }
0x223: {  	v17 =	vadd.bf16 v17, v18;
	v19 =	vmul.bf16 v13, v19;
	v18 =	vld [tilespmem:s1+$0xFFFFFCB0];
	v22 =	vmul.bf16 v14, v27  }
0x224: {  	v27 =	vld [tilespmem:s1+$0xFFFFFD30]  }
0x225: {  	[tilespmem:s12+$0xFFFFFF50] =	vst v17;
	v17 =	vadd.bf16 v21, v20;
	v20 =	vld [tilespmem:s1+$0xFFFFFDB0];
	v19 =	vadd.bf16 v22, v19  }
0x226: {  	v21 =	vld [tilespmem:s13+$0xFFFFFC60]  }
0x227: {  	v22 =	vld [tilespmem:s13+$0xFFFFFD60];
	v17 =	vadd.bf16 v19, v17  }
0x228: {  	v19 =	vld [tilespmem:s13+$0xFFFFFCE0]  }
0x229: {  	v16 =	vmul.bf16 v8, v16;
	v18 =	vmul.bf16 v11, v18;
	[tilespmem:s0+$0xFFFFFFB0] =	vst v17;
	v17 =	vld [tilespmem:s13+$0xFFFFFDE0]  }
0x22a: {  	v27 =	vmul.bf16 v9, v27;
	v20 =	vmul.bf16 v10, v20;
	v28 =	vld [tilespmem:s1+$0xFFFFFE40]  }
0x22b: {  	s26 =	simm.s32 $0x5;
	v49 =	vld [tilespmem:s1+$0xFFFFFEC0]  }
0x22c: {  	v41 =	vmov s26;
	v16 =	vadd.bf16 v18, v16;
	v18 =	vadd.bf16 v20, v27;
	v20 =	vld [tilespmem:s1+$0xFFFFFF40]  }
0x22d: {  	v45 =	vor.u32 $0x180, v41;
	s15 =	simm.s32 $0x4;
	v27 =	vld [tilespmem:s1+$0xFFFFFFC0]  }
0x22e: {  	v33 =	vld [tilespmem:s13+$0xFFFFFF80];
	v29 =	vmov s15;
	v21 =	vmul.bf16 v6, v21;
	v19 =	vmul.bf16 v7, v19  }
0x22f: {  	v34 =	vld [tilespmem:s13+$0x0];
	s15 =	simm.s32 $0x2DF0;
	v22 =	vmul.bf16 v4, v22;
	v16 =	vadd.bf16 v18, v16;
	v17 =	vmul.bf16 v5, v17  }
0x230: {  	v44 =	vld [tilespmem:s15+$0xFFFFFE10];
	v19 =	vadd.bf16 v19, v21  }
0x231: {  	v46 =	vld [tilespmem:s15+$0xFFFFFE90];
	[tilespmem:s0+$0xFFFFFF30] =	vst v16;
	v21 =	vmul.bf16 v15, v49;
	v16 =	vadd.bf16 v17, v22;
	v17 =	vmul.bf16 v12, v28  }
0x232: {  	v51 =	vld [tilespmem:s15+$0xFFFFFF10];
	v20 =	vmul.bf16 v13, v20;
	v22 =	vmul.bf16 v14, v27  }
0x233: {  	v31 =	vmul.bf16 v23, v31;
	v23 =	vld.idx.msk [tilespmem:v45+s16+$0x0], $0xffff;
	v16 =	vadd.bf16 v16, v19  }
0x234: {  	v24 =	vmul.bf16 v24, v30;
	v30 =	vld [tilespmem:s15+$0xFFFFFF90];
	v17 =	vadd.bf16 v21, v17;
	v19 =	vadd.bf16 v22, v20  }
0x235: {  	v18 =	vld.idx.msk [tilespmem:v29+s16+$0x0], $0xffff  }
0x236: {  	v35 =	vld [tilespmem:s1+$0xFFFFFC40];
	[tilespmem:s12+$0xFFFFFF60] =	vst v16;
	v16 =	vadd.bf16 v19, v17  }
0x237: {  	v28 =	vld [tilespmem:s1+$0xFFFFFCC0]  }
0x238: {  	v27 =	vld [tilespmem:s1+$0xFFFFFD40];
	[tilespmem:s0+$0xFFFFFFC0] =	vst v16  }
0x239: {  	v17 =	vor.u32 $0x80, v29;
	v20 =	vld [tilespmem:s1+$0xFFFFFE50]  }
0x23a: {  	v16 =	vor.u32 $0x100, v29;
	v22 =	vld [tilespmem:s1+$0xFFFFFED0]  }
0x23b: {  	v21 =	vor.u32 $0x180, v29;
	v29 =	vld [tilespmem:s1+$0xFFFFFF50]  }
0x23c: {  	v40 =	vld [tilespmem:s1+$0xFFFFFFD0]  }
0x23d: {  	v50 =	vld [tilespmem:s1+$0xFFFFFDC0]  }
0x23e: {  	v19 =	vld.idx.msk [tilespmem:v17+s16+$0x0], $0xffff  }
0x23f: {  	v17 =	vld.idx.msk [tilespmem:v16+s16+$0x0], $0xffff  }
0x240: {  	v16 =	vld.idx.msk [tilespmem:v21+s16+$0x0], $0xffff;
	v20 =	vmul.bf16 v12, v20;
	v21 =	vmul.bf16 v15, v22  }
0x241: {  	v42 =	vor.u32 $0x80, v41;
	v36 =	vld [tilespmem:s13+$0xFFFFFC70];
	v22 =	vmul.bf16 v13, v29;
	v29 =	vmul.bf16 v14, v40  }
0x242: {  	v43 =	vor.u32 $0x100, v41;
	v37 =	vld [tilespmem:s13+$0xFFFFFCF0]  }
0x243: {  	v38 =	vld [tilespmem:s13+$0xFFFFFD70];
	v47 =	vadd.bf16 v21, v20;
	v22 =	vadd.bf16 v29, v22  }
0x244: {  	v39 =	vld [tilespmem:s13+$0xFFFFFDF0]  }
0x245: {  	v21 =	vld.idx.msk [tilespmem:v41+s16+$0x0], $0xffff;
	v29 =	vadd.bf16 v22, v47  }
0x246: {  	v25 =	vmul.bf16 v25, v33;
	v20 =	vld.idx.msk [tilespmem:v42+s16+$0x0], $0xffff  }
0x247: {  	v26 =	vmul.bf16 v26, v34;
	v30 =	vmul.bf16 v23, v30;
	v22 =	vld.idx.msk [tilespmem:v43+s16+$0x0], $0xffff;
	[tilespmem:s0+$0xFFFFFFD0] =	vst v29  }
0x248: {  	v24 =	vadd.bf16 v24, v31;
	v27 =	vmul.bf16 v9, v27;
	v31 =	vmul.bf16 v10, v50;
	v52 =	vld [tilespmem:s1+$0xFFFFFE60]  }
0x249: {  	v28 =	vmul.bf16 v11, v28;
	v29 =	vmul.bf16 v8, v35;
	v53 =	vld [tilespmem:s1+$0xFFFFFEE0]  }
0x24a: {  	v27 =	vadd.bf16 v31, v27;
	v54 =	vmul.bf16 v7, v37;
	v38 =	vmul.bf16 v4, v38;
	v55 =	vld [tilespmem:s1+$0xFFFFFF60]  }
0x24b: {  	v31 =	vmul.bf16 v21, v44;
	v56 =	vmul.bf16 v20, v46;
	v57 =	vld [tilespmem:s1+$0xFFFFFFE0];
	v28 =	vadd.bf16 v28, v29  }
0x24c: {  	v25 =	vadd.bf16 v26, v25;
	v26 =	vld [tilespmem:s15+$0xFFFFFC10];
	v29 =	vmul.bf16 v6, v36;
	v40 =	vmul.bf16 v22, v51  }
0x24d: {  	v58 =	vld [tilespmem:s15+$0xFFFFFC90];
	v31 =	vadd.bf16 v56, v31;
	v27 =	vadd.bf16 v27, v28;
	v28 =	vmul.bf16 v5, v39  }
0x24e: {  	v60 =	vld [tilespmem:s15+$0xFFFFFD90];
	v29 =	vadd.bf16 v54, v29;
	v30 =	vadd.bf16 v30, v40  }
0x24f: {  	v59 =	vld [tilespmem:s15+$0xFFFFFD10];
	[tilespmem:s0+$0xFFFFFF40] =	vst v27;
	v27 =	vadd.bf16 v28, v38;
	v28 =	vmul.bf16 v12, v52;
	v32 =	vmul.bf16 v15, v53  }
0x250: {  	v62 =	vmul.bf16 v13, v55;
	v63 =	vmul.bf16 v14, v57;
	v30 =	vadd.bf16 v30, v31;
	v61 =	vld [tilespmem:s1+$0xFFFFFC50]  }
0x251: {  	s20 =	simm.s32 $0x50F0;
	v26 =	vmul.bf16 v18, v26;
	v31 =	vadd.bf16 v25, v24;
	v24 =	vld [tilespmem:s1+$0xFFFFFCD0];
	v27 =	vadd.bf16 v27, v29  }
0x252: {  	v25 =	vld [tilespmem:s1+$0xFFFFFD50];
	v29 =	vmul.bf16 v19, v58;
	v35 =	vadd.bf16 v63, v62;
	[tilespmem:s20+$0xFFFFFF90] =	vst v30;
	v30 =	vadd.bf16 v32, v28  }
0x253: {  	v33 =	vmul.bf16 v16, v60;
	[tilespmem:s12+$0x0] =	vst v31;
	v28 =	vld [tilespmem:s15+$0xFFFFFE20]  }
0x254: {  	v32 =	vmul.bf16 v17, v59;
	v31 =	vadd.bf16 v29, v26;
	v29 =	vld [tilespmem:s15+$0xFFFFFEA0];
	[tilespmem:s12+$0xFFFFFF70] =	vst v27;
	v27 =	vadd.bf16 v35, v30  }
0x255: {  	s24 =	simm.s32 $0x6;
	v30 =	vld [tilespmem:s15+$0xFFFFFF20];
	v26 =	vmul.bf16 v8, v61  }
.LBB2_9:
0x256: {  	p1 =	slt.u32 s24, $0xE;
	v32 =	vadd.bf16 v33, v32;
	v33 =	vld [tilespmem:s15+$0xFFFFFFA0];
	v24 =	vmul.bf16 v11, v24;
	[tilespmem:s0+$0xFFFFFFE0] =	vst v27  }
0x257: {  	v25 =	vmul.bf16 v9, v25;
	v27 =	vld [tilespmem:s1+$0xFFFFFE70]  }
0x258: {  	v31 =	vadd.bf16 v32, v31;
	v24 =	vadd.bf16 v24, v26;
	v26 =	vld [tilespmem:s1+$0xFFFFFEF0]  }
0x259: {  	v32 =	vld [tilespmem:s1+$0xFFFFFF70]  }
0x25a: {  	v28 =	vmul.bf16 v21, v28;
	v29 =	vmul.bf16 v20, v29;
	[tilespmem:s20+$0xFFFFFF10] =	vst v31;
	v31 =	vld [tilespmem:s1+$0xFFFFFFF0]  }
0x25b: {  	v30 =	vmul.bf16 v22, v30;
	v34 =	vld [tilespmem:s15+$0xFFFFFC20];
	v33 =	vmul.bf16 v23, v33  }
0x25c: {  	v35 =	vld [tilespmem:s15+$0xFFFFFCA0]  }
0x25d: {  	v28 =	vadd.bf16 v29, v28;
	v36 =	vld [tilespmem:s15+$0xFFFFFD20];
	v29 =	vadd.bf16 v33, v30  }
0x25e: {  	v27 =	vmul.bf16 v12, v27;
	v26 =	vmul.bf16 v15, v26;
	v30 =	vld [tilespmem:s15+$0xFFFFFDA0]  }
0x25f: {  	v32 =	vmul.bf16 v13, v32;
	v28 =	vadd.bf16 v29, v28;
	v29 =	vld [tilespmem:s1+$0xFFFFFDD0];
	v31 =	vmul.bf16 v14, v31  }
0x260: {  	v33 =	vmul.bf16 v18, v34;
	v34 =	vld [tilespmem:s13+$0xFFFFFC80]  }
0x261: {  	v26 =	vadd.bf16 v26, v27;
	v35 =	vmul.bf16 v19, v35;
	[tilespmem:s20+$0xFFFFFFA0] =	vst v28;
	v27 =	vadd.bf16 v31, v32;
	v28 =	vld [tilespmem:s13+$0xFFFFFD00]  }
0x262: {  	v31 =	vmul.bf16 v17, v36;
	v32 =	vld [tilespmem:s15+$0xFFFFFE30]  }
0x263: {  	v33 =	vadd.bf16 v35, v33;
	v30 =	vmul.bf16 v16, v30;
	v35 =	vld [tilespmem:s15+$0xFFFFFEB0];
	v26 =	vadd.bf16 v27, v26  }
0x264: {  	v27 =	vld [tilespmem:s15+$0xFFFFFF30];
	v29 =	vmul.bf16 v10, v29  }
0x265: {  	v30 =	vadd.bf16 v30, v31;
	v31 =	vld [tilespmem:s15+$0xFFFFFFB0];
	[tilespmem:s0+$0xFFFFFFF0] =	vst v26;
	v26 =	vmul.bf16 v6, v34;
	v6 =	vmovc v8;
	v8 =	vmov v18  }
0x266: {  	v18 =	vadd.bf16 v29, v25;
	v25 =	vld [tilespmem:s1+$0xFFFFFE80];
	v28 =	vmul.bf16 v7, v28;
	v7 =	vmovc v11;
	v11 =	vmov v19  }
0x267: {  	v19 =	vadd.bf16 v30, v33;
	v29 =	vld [tilespmem:s1+$0xFFFFFF00]  }
0x268: {  	v18 =	vadd.bf16 v18, v24;
	v24 =	vld [tilespmem:s1+$0xFFFFFF80];
	v26 =	vadd.bf16 v28, v26  }
0x269: {  	[tilespmem:s20+$0xFFFFFF20] =	vst v19;
	v19 =	vld [tilespmem:s1+$0x0]  }
0x26a: {  	v30 =	vmul.bf16 v21, v32;
	v32 =	vmul.bf16 v20, v35;
	v28 =	vld [tilespmem:s15+$0xFFFFFC30];
	[tilespmem:s0+$0xFFFFFF50] =	vst v18  }
0x26b: {  	v27 =	vmul.bf16 v22, v27;
	v31 =	vmul.bf16 v23, v31;
	v18 =	vld [tilespmem:s15+$0xFFFFFCB0]  }
0x26c: {  	v30 =	vadd.bf16 v32, v30;
	v33 =	vld [tilespmem:s15+$0xFFFFFD30]  }
0x26d: {  	v25 =	vmul.bf16 v12, v25;
	v12 =	vmovc v21;
	v27 =	vadd.bf16 v31, v27;
	v29 =	vmul.bf16 v15, v29;
	v32 =	vld [tilespmem:s15+$0xFFFFFDB0]  }
0x26e: {  	v15 =	vmovc v20;
	v24 =	vmul.bf16 v13, v24;
	v13 =	vmovc v22;
	v21 =	vld [tilespmem:s1+$0xFFFFFC60];
	v19 =	vmul.bf16 v14, v19;
	v14 =	vmov v23  }
0x26f: {  	v22 =	vadd.bf16 v27, v30;
	v20 =	vmul.bf16 v8, v28;
	v23 =	vld [tilespmem:s1+$0xFFFFFCE0]  }
0x270: {  	v25 =	vadd.bf16 v29, v25;
	v18 =	vmul.bf16 v11, v18;
	v27 =	vld [tilespmem:s1+$0xFFFFFD60];
	v19 =	vadd.bf16 v19, v24  }
0x271: {  	v24 =	vmul.bf16 v17, v33;
	[tilespmem:s20+$0xFFFFFFB0] =	vst v22;
	v22 =	vld [tilespmem:s1+$0xFFFFFDE0]  }
0x272: {  	v18 =	vadd.bf16 v18, v20;
	v20 =	vmul.bf16 v16, v32;
	v28 =	vld [tilespmem:s15+$0xFFFFFE40];
	v19 =	vadd.bf16 v19, v25  }
0x273: {  	v25 =	vmov s24;
	v29 =	vld [tilespmem:s15+$0xFFFFFEC0];
	v21 =	vmul.bf16 v6, v21  }
0x274: {  	v20 =	vadd.bf16 v20, v24;
	v24 =	vld [tilespmem:s15+$0xFFFFFF40];
	v23 =	vmul.bf16 v7, v23;
	[tilespmem:s0+$0x0] =	vst v19  }
0x275: {  	v19 =	vld [tilespmem:s15+$0xFFFFFFC0];
	v27 =	vmul.bf16 v9, v27  }
0x276: {  	v20 =	vadd.bf16 v20, v18;
	v21 =	vadd.bf16 v23, v21;
	v22 =	vmul.bf16 v10, v22;
	v23 =	vld [tilespmem:s13+$0xFFFFFD80]  }
0x277: {  	v30 =	vld [tilespmem:s13+$0xFFFFFE00];
	s13 =	smov.u32 s1;
	s1 =	smov.u32 s15  }
0x278: {  	v18 =	vld.idx.msk [tilespmem:v25+s16+$0x0], $0xffff;
	[tilespmem:s20+$0xFFFFFF30] =	vst v20;
	v20 =	vadd.bf16 v22, v27  }
0x279: {  	v27 =	vmul.bf16 v12, v28;
	v28 =	vmul.bf16 v15, v29;
	v22 =	vld [tilespmem:s15+$0xFFFFFC40]  }
0x27a: {  	v24 =	vmul.bf16 v13, v24;
	v29 =	vld [tilespmem:s15+$0xFFFFFCC0];
	v19 =	vmul.bf16 v14, v19;
	v20 =	vadd.bf16 v20, v21  }
0x27b: {  	v21 =	vld [tilespmem:s15+$0xFFFFFD40];
	v23 =	vmul.bf16 v4, v23;
	v4 =	vmov v9;
	v9 =	vmov v17  }
0x27c: {  	v27 =	vadd.bf16 v28, v27;
	v17 =	vld [tilespmem:s15+$0xFFFFFDC0];
	v19 =	vadd.bf16 v19, v24;
	[tilespmem:s0+$0xFFFFFF60] =	vst v20;
	v20 =	vmul.bf16 v5, v30  }
0x27d: {  	v5 =	vmov v10;
	v10 =	vmov v16;
	v24 =	vld [tilespmem:s13+$0xFFFFFC70]  }
0x27e: {  	v16 =	vmul.bf16 v8, v22;
	v19 =	vadd.bf16 v19, v27;
	v22 =	vld [tilespmem:s13+$0xFFFFFCF0];
	v20 =	vadd.bf16 v20, v23  }
0x27f: {  	v23 =	vmul.bf16 v11, v29;
	v27 =	vld [tilespmem:s13+$0xFFFFFD70]  }
0x280: {  	v28 =	vor.u32 $0x80, v25;
	v21 =	vmul.bf16 v9, v21;
	[tilespmem:s20+$0xFFFFFFC0] =	vst v19;
	v29 =	vld [tilespmem:s13+$0xFFFFFDF0];
	v19 =	vadd.bf16 v20, v26  }
0x281: {  	v20 =	vor.u32 $0x100, v25;
	v16 =	vadd.bf16 v23, v16;
	v17 =	vmul.bf16 v10, v17;
	v23 =	vld [tilespmem:s15+$0xFFFFFE50]  }
0x282: {  	v25 =	vor.u32 $0x180, v25;
	v26 =	vld [tilespmem:s15+$0xFFFFFED0];
	v24 =	vmul.bf16 v6, v24;
	[tilespmem:s12+$0xFFFFFF80] =	vst v19;
	s12 =	smov.u32 s0;
	s0 =	smov.u32 s20  }
0x283: {  	v17 =	vadd.bf16 v17, v21;
	v21 =	vld [tilespmem:s15+$0xFFFFFF50];
	v22 =	vmul.bf16 v7, v22  }
0x284: {  	v30 =	vld [tilespmem:s15+$0xFFFFFFD0];
	v27 =	vmul.bf16 v4, v27  }
0x285: {  	s26 =	sadd.s32 $0x1, s24;
	v19 =	vld.idx.msk [tilespmem:v28+s16+$0x0], $0xffff;
	v28 =	vadd.bf16 v17, v16;
	v22 =	vadd.bf16 v22, v24;
	v24 =	vmul.bf16 v5, v29  }
0x286: {  	v17 =	vld.idx.msk [tilespmem:v20+s16+$0x0], $0xffff;
	v20 =	vmov s26  }
0x287: {  	s15 =	sadd.s32 $0x400, s15;
	v16 =	vld.idx.msk [tilespmem:v25+s16+$0x0], $0xffff;
	v25 =	vor.u32 $0x80, v20;
	[tilespmem:s20+$0xFFFFFF40] =	vst v28;
	v24 =	vadd.bf16 v24, v27  }
0x288: {  	v23 =	vmul.bf16 v12, v23;
	v27 =	vor.u32 $0x100, v20;
	v26 =	vmul.bf16 v15, v26;
	v28 =	vld [tilespmem:s15+$0xFFFFFE10]  }
0x289: {  	v29 =	vor.u32 $0x180, v20;
	v32 =	vmul.bf16 v13, v21;
	v31 =	vld [tilespmem:s15+$0xFFFFFE90];
	v30 =	vmul.bf16 v14, v30  }
0x28a: {  	v22 =	vadd.bf16 v24, v22;
	v33 =	vld [tilespmem:s15+$0xFFFFFF10]  }
0x28b: {  	v23 =	vadd.bf16 v26, v23;
	v21 =	vld.idx.msk [tilespmem:v20+s16+$0x0], $0xffff;
	v24 =	vadd.bf16 v30, v32  }
0x28c: {  	v20 =	vld.idx.msk [tilespmem:v25+s16+$0x0], $0xffff;
	[tilespmem:s12+$0xFFFFFF70] =	vst v22  }
0x28d: {  	v22 =	vld.idx.msk [tilespmem:v27+s16+$0x0], $0xffff;
	v24 =	vadd.bf16 v24, v23  }
0x28e: {  	v23 =	vld.idx.msk [tilespmem:v29+s16+$0x0], $0xffff  }
0x28f: {  	v25 =	vld [tilespmem:s15+$0xFFFFFF90];
	[tilespmem:s20+$0xFFFFFFD0] =	vst v24  }
0x290: {  	v24 =	vld [tilespmem:s1+$0xFFFFFE60]  }
0x291: {  	v26 =	vld [tilespmem:s1+$0xFFFFFEE0]  }
0x292: {  	v27 =	vld [tilespmem:s1+$0xFFFFFF60]  }
0x293: {  	v28 =	vmul.bf16 v21, v28;
	v29 =	vmul.bf16 v20, v31;
	v30 =	vld [tilespmem:s1+$0xFFFFFFE0]  }
0x294: {  	v32 =	vmul.bf16 v22, v33;
	v31 =	vld [tilespmem:s15+$0xFFFFFC10];
	v25 =	vmul.bf16 v23, v25  }
0x295: {  	v33 =	vld [tilespmem:s15+$0xFFFFFC90]  }
0x296: {  	v28 =	vadd.bf16 v29, v28;
	v34 =	vld [tilespmem:s15+$0xFFFFFD10];
	v25 =	vadd.bf16 v25, v32  }
0x297: {  	v32 =	vmul.bf16 v12, v24;
	v26 =	vmul.bf16 v15, v26;
	v29 =	vld [tilespmem:s15+$0xFFFFFD90]  }
0x298: {  	v27 =	vmul.bf16 v13, v27;
	v25 =	vadd.bf16 v25, v28;
	v35 =	vld [tilespmem:s1+$0xFFFFFC50];
	v28 =	vmul.bf16 v14, v30  }
.Ltmp6:
0x299: {  	s20 =	sadd.s32 $0x100, s20;
	v30 =	vmul.bf16 v18, v31;
	v24 =	vld [tilespmem:s1+$0xFFFFFCD0];
	(pc) =	sbr.rel @p1 .LBB2_9-.Ltmp6, $4  }
0x29a: {  	v26 =	vadd.bf16 v26, v32;
	v31 =	vmul.bf16 v19, v33;
	[tilespmem:s20+$0xFFFFFF90] =	vst v25;
	v25 =	vld [tilespmem:s1+$0xFFFFFD50];
	v27 =	vadd.bf16 v28, v27  }
0x29b: {  	v32 =	vmul.bf16 v17, v34;
	v28 =	vld [tilespmem:s15+$0xFFFFFE20]  }
0x29c: {  	v31 =	vadd.bf16 v31, v30;
	v33 =	vmul.bf16 v16, v29;
	v29 =	vld [tilespmem:s15+$0xFFFFFEA0];
	v27 =	vadd.bf16 v27, v26  }
0x29d: {  	s24 =	sadd.s32 $0x2, s24;
	v30 =	vld [tilespmem:s15+$0xFFFFFF20];
	v26 =	vmul.bf16 v8, v35  }
0x29e: {  	v32 =	vadd.bf16 v33, v32;
	_ =	sdelay $0x1  }
0x29f: {  	v31 =	vadd.bf16 v32, v31  }
0x2a0: {  	v51 =	vld [tilespmem:s15+$0xFFFFFFA0]  }
0x2a1: {  	[tilespmem:s20+$0xFFFFFF10] =	vst v31  }
0x2a2: {  	v31 =	vld [tilespmem:s15+$0xFFFFFC20]  }
0x2a3: {  	v52 =	vld [tilespmem:s15+$0xFFFFFCA0]  }
0x2a4: {  	v28 =	vmul.bf16 v21, v28;
	v29 =	vmul.bf16 v20, v29;
	v34 =	vld [tilespmem:s15+$0xFFFFFD20]  }
0x2a5: {  	v30 =	vmul.bf16 v22, v30;
	v33 =	vmul.bf16 v23, v51;
	v35 =	vld [tilespmem:s15+$0xFFFFFDA0];
	_ =	sdelay $0x1  }
0x2a6: {  	v28 =	vadd.bf16 v29, v28;
	v53 =	vadd.bf16 v33, v30;
	_ =	sdelay $0x1  }
0x2a7: {  	v28 =	vadd.bf16 v53, v28;
	v54 =	vmul.bf16 v18, v31;
	v55 =	vmul.bf16 v19, v52  }
0x2a8: {  	v56 =	vmul.bf16 v17, v34;
	v57 =	vmul.bf16 v16, v35  }
0x2a9: {  	[tilespmem:s20+$0xFFFFFFA0] =	vst v28  }
0x2aa: {  	v58 =	vld [tilespmem:s15+$0xFFFFFE30];
	v29 =	vadd.bf16 v55, v54;
	v28 =	vadd.bf16 v57, v56  }
0x2ab: {  	v59 =	vld [tilespmem:s15+$0xFFFFFEB0]  }
0x2ac: {  	v60 =	vld [tilespmem:s15+$0xFFFFFF30];
	v28 =	vadd.bf16 v28, v29  }
0x2ad: {  	v61 =	vld [tilespmem:s15+$0xFFFFFFB0]  }
0x2ae: {  	[tilespmem:s20+$0xFFFFFF20] =	vst v28  }
0x2af: {  	v28 =	vld [tilespmem:s15+$0xFFFFFC30]  }
0x2b0: {  	v63 =	vld [tilespmem:s15+$0xFFFFFCB0]  }
0x2b1: {  	v62 =	vmul.bf16 v21, v58;
	v30 =	vmul.bf16 v20, v59;
	v36 =	vld [tilespmem:s15+$0xFFFFFD30]  }
0x2b2: {  	v31 =	vmul.bf16 v22, v60;
	v33 =	vmul.bf16 v23, v61;
	v37 =	vld [tilespmem:s15+$0xFFFFFDB0];
	_ =	sdelay $0x1  }
0x2b3: {  	v29 =	vadd.bf16 v30, v62;
	v38 =	vadd.bf16 v33, v31;
	_ =	sdelay $0x1  }
0x2b4: {  	v29 =	vadd.bf16 v38, v29;
	v28 =	vmul.bf16 v18, v28;
	v39 =	vmul.bf16 v19, v63  }
0x2b5: {  	v40 =	vmul.bf16 v17, v36;
	v41 =	vmul.bf16 v16, v37  }
0x2b6: {  	[tilespmem:s20+$0xFFFFFFB0] =	vst v29  }
0x2b7: {  	v42 =	vld [tilespmem:s15+$0xFFFFFE40];
	v28 =	vadd.bf16 v39, v28;
	v29 =	vadd.bf16 v41, v40  }
0x2b8: {  	v43 =	vld [tilespmem:s15+$0xFFFFFEC0]  }
0x2b9: {  	v44 =	vld [tilespmem:s15+$0xFFFFFF40];
	v28 =	vadd.bf16 v29, v28  }
0x2ba: {  	v45 =	vld [tilespmem:s15+$0xFFFFFFC0]  }
0x2bb: {  	[tilespmem:s20+$0xFFFFFF30] =	vst v28  }
0x2bc: {  	v28 =	vld [tilespmem:s15+$0xFFFFFC40]  }
0x2bd: {  	v47 =	vld [tilespmem:s15+$0xFFFFFCC0]  }
0x2be: {  	v46 =	vmul.bf16 v21, v42;
	v30 =	vmul.bf16 v20, v43;
	v48 =	vld [tilespmem:s15+$0xFFFFFD40]  }
0x2bf: {  	v31 =	vmul.bf16 v22, v44;
	v33 =	vmul.bf16 v23, v45;
	v49 =	vld [tilespmem:s15+$0xFFFFFDC0];
	_ =	sdelay $0x1  }
0x2c0: {  	[tilespmem:s0+$0xFFFFFFE0] =	vst v27;
	v53 =	vld [tilespmem:s1+$0xFFFFFDD0];
	v29 =	vadd.bf16 v30, v46;
	v50 =	vadd.bf16 v33, v31  }
0x2c1: {  	v60 =	vld [tilespmem:s1+$0xFFFFFEF0]  }
0x2c2: {  	v61 =	vld [tilespmem:s1+$0xFFFFFF70];
	v51 =	vadd.bf16 v50, v29;
	v28 =	vmul.bf16 v18, v28;
	v52 =	vmul.bf16 v19, v47  }
0x2c3: {  	v36 =	vld [tilespmem:s1+$0xFFFFFFF0];
	v54 =	vmul.bf16 v17, v48;
	v55 =	vmul.bf16 v16, v49  }
0x2c4: {  	v29 =	vld [tilespmem:s1+$0xFFFFFE70];
	[tilespmem:s20+$0xFFFFFFC0] =	vst v51  }
0x2c5: {  	v56 =	vld [tilespmem:s15+$0xFFFFFE50];
	v28 =	vadd.bf16 v52, v28;
	v27 =	vadd.bf16 v55, v54  }
0x2c6: {  	v57 =	vld [tilespmem:s15+$0xFFFFFED0]  }
0x2c7: {  	v24 =	vmul.bf16 v11, v24;
	v58 =	vld [tilespmem:s15+$0xFFFFFF50];
	v27 =	vadd.bf16 v27, v28  }
0x2c8: {  	v25 =	vmul.bf16 v9, v25;
	v31 =	vmul.bf16 v10, v53;
	v59 =	vld [tilespmem:s15+$0xFFFFFFD0]  }
0x2c9: {  	v24 =	vadd.bf16 v24, v26;
	[tilespmem:s20+$0xFFFFFF40] =	vst v27  }
0x2ca: {  	v53 =	vmul.bf16 v13, v61;
	v25 =	vadd.bf16 v31, v25;
	v54 =	vmul.bf16 v14, v36;
	v62 =	vld [tilespmem:s15+$0xFFFFFC50]  }
0x2cb: {  	v29 =	vmul.bf16 v12, v29;
	v28 =	vmul.bf16 v15, v60;
	v40 =	vld [tilespmem:s15+$0xFFFFFCD0]  }
0x2cc: {  	v24 =	vadd.bf16 v25, v24;
	v63 =	vmul.bf16 v21, v56;
	v30 =	vmul.bf16 v20, v57;
	v43 =	vld [tilespmem:s15+$0xFFFFFD50]  }
0x2cd: {  	v41 =	vmul.bf16 v22, v58;
	v42 =	vmul.bf16 v23, v59;
	v44 =	vld [tilespmem:s15+$0xFFFFFDD0]  }
0x2ce: {  	[tilespmem:s0+$0xFFFFFF50] =	vst v24;
	v28 =	vadd.bf16 v28, v29;
	v57 =	vadd.bf16 v54, v53  }
0x2cf: {  	v46 =	vld [tilespmem:s1+$0xFFFFFC60];
	v45 =	vadd.bf16 v30, v63;
	v25 =	vadd.bf16 v42, v41  }
0x2d0: {  	v47 =	vld [tilespmem:s1+$0xFFFFFCE0];
	v28 =	vadd.bf16 v57, v28  }
0x2d1: {  	v48 =	vld [tilespmem:s1+$0xFFFFFD60];
	v24 =	vadd.bf16 v25, v45;
	v26 =	vmul.bf16 v18, v62;
	v31 =	vmul.bf16 v19, v40  }
0x2d2: {  	v49 =	vld [tilespmem:s1+$0xFFFFFDE0];
	[tilespmem:s0+$0xFFFFFFF0] =	vst v28;
	v50 =	vmul.bf16 v17, v43;
	v51 =	vmul.bf16 v16, v44  }
0x2d3: {  	v35 =	vld [tilespmem:s1+$0xFFFFFE80];
	[tilespmem:s20+$0xFFFFFFD0] =	vst v24  }
0x2d4: {  	v52 =	vld [tilespmem:s15+$0xFFFFFE60];
	v26 =	vadd.bf16 v31, v26;
	v24 =	vadd.bf16 v51, v50  }
0x2d5: {  	v37 =	vld [tilespmem:s15+$0xFFFFFEE0]  }
0x2d6: {  	v55 =	vld [tilespmem:s15+$0xFFFFFF60];
	v24 =	vadd.bf16 v24, v26  }
0x2d7: {  	v56 =	vld [tilespmem:s15+$0xFFFFFFE0]  }
0x2d8: {  	v27 =	vmul.bf16 v8, v46;
	v30 =	vmul.bf16 v11, v47;
	v31 =	vld [tilespmem:s13+$0xFFFFFD00];
	[tilespmem:s20+$0xFFFFFF50] =	vst v24  }
0x2d9: {  	v32 =	vmul.bf16 v10, v49;
	v25 =	vmul.bf16 v9, v48;
	v59 =	vld [tilespmem:s15+$0xFFFFFC60]  }
0x2da: {  	v62 =	vld [tilespmem:s15+$0xFFFFFCE0]  }
0x2db: {  	v58 =	vadd.bf16 v30, v27;
	v25 =	vadd.bf16 v32, v25;
	v38 =	vld [tilespmem:s15+$0xFFFFFD60]  }
0x2dc: {  	v60 =	vmul.bf16 v21, v52;
	v61 =	vmul.bf16 v20, v37;
	v39 =	vld [tilespmem:s15+$0xFFFFFDE0]  }
0x2dd: {  	v50 =	vld [tilespmem:s1+$0xFFFFFF00];
	v24 =	vadd.bf16 v25, v58;
	v63 =	vmul.bf16 v22, v55;
	v37 =	vmul.bf16 v23, v56  }
0x2de: {  	v51 =	vld [tilespmem:s1+$0xFFFFFF80]  }
0x2df: {  	v26 =	vld [tilespmem:s13+$0xFFFFFC80];
	[tilespmem:s0+$0xFFFFFF60] =	vst v24;
	v40 =	vadd.bf16 v61, v60;
	v25 =	vadd.bf16 v37, v63  }
0x2e0: {  	v41 =	vld [tilespmem:s1+$0xFFFFFC70];
	v27 =	vmul.bf16 v18, v59;
	v32 =	vmul.bf16 v19, v62  }
0x2e1: {  	v42 =	vld [tilespmem:s1+$0xFFFFFCF0];
	v24 =	vadd.bf16 v25, v40;
	v45 =	vmul.bf16 v17, v38;
	v28 =	vmul.bf16 v16, v39  }
0x2e2: {  	v43 =	vld [tilespmem:s1+$0xFFFFFD70]  }
0x2e3: {  	v44 =	vld [tilespmem:s1+$0xFFFFFDF0];
	[tilespmem:s20+$0xFFFFFFE0] =	vst v24;
	v27 =	vadd.bf16 v32, v27;
	v24 =	vadd.bf16 v28, v45  }
0x2e4: {  	v46 =	vld [tilespmem:s15+$0xFFFFFE70]  }
0x2e5: {  	v47 =	vld [tilespmem:s15+$0xFFFFFEF0];
	v24 =	vadd.bf16 v24, v27  }
0x2e6: {  	v48 =	vld [tilespmem:s15+$0xFFFFFF70]  }
0x2e7: {  	v49 =	vld [tilespmem:s15+$0xFFFFFFF0];
	v29 =	vmul.bf16 v8, v41;
	v30 =	vmul.bf16 v11, v42;
	[tilespmem:s20+$0xFFFFFF60] =	vst v24  }
0x2e8: {  	v25 =	vmul.bf16 v9, v43;
	v33 =	vmul.bf16 v10, v44;
	v53 =	vld [tilespmem:s15+$0xFFFFFC70]  }
0x2e9: {  	v56 =	vld [tilespmem:s15+$0xFFFFFCF0]  }
0x2ea: {  	v52 =	vadd.bf16 v30, v29;
	v25 =	vadd.bf16 v33, v25;
	v57 =	vld [tilespmem:s15+$0xFFFFFD70]  }
0x2eb: {  	v54 =	vmul.bf16 v21, v46;
	v55 =	vmul.bf16 v20, v47;
	v58 =	vld [tilespmem:s15+$0xFFFFFDF0]  }
0x2ec: {  	v60 =	vld [tilespmem:s13+$0xFFFFFE00];
	v24 =	vadd.bf16 v25, v52;
	v28 =	vmul.bf16 v22, v48;
	v32 =	vmul.bf16 v23, v49  }
0x2ed: {  	v38 =	vld [tilespmem:s1+$0x0]  }
0x2ee: {  	v59 =	vld [tilespmem:s13+$0xFFFFFD80];
	[tilespmem:s0+$0xFFFFFF70] =	vst v24;
	v30 =	vadd.bf16 v55, v54;
	v28 =	vadd.bf16 v32, v28  }
0x2ef: {  	v62 =	vld [tilespmem:s1+$0xFFFFFC80];
	v29 =	vmul.bf16 v18, v53;
	v63 =	vmul.bf16 v19, v56  }
0x2f0: {  	v40 =	vld [tilespmem:s1+$0xFFFFFD00];
	v61 =	vadd.bf16 v28, v30;
	v41 =	vmul.bf16 v17, v57;
	v25 =	vmul.bf16 v16, v58  }
0x2f1: {  	v46 =	vld [tilespmem:s1+$0xFFFFFD80]  }
0x2f2: {  	v49 =	vld [tilespmem:s1+$0xFFFFFE00];
	[tilespmem:s20+$0xFFFFFFF0] =	vst v61;
	v29 =	vadd.bf16 v63, v29;
	v24 =	vadd.bf16 v25, v41  }
0x2f3: {  	v42 =	vld [tilespmem:s15+$0xFFFFFE80]  }
0x2f4: {  	v43 =	vld [tilespmem:s15+$0xFFFFFF00];
	v24 =	vadd.bf16 v24, v29  }
0x2f5: {  	v7 =	vmul.bf16 v7, v31;
	v6 =	vmul.bf16 v6, v26;
	v44 =	vld [tilespmem:s15+$0xFFFFFF80]  }
0x2f6: {  	v5 =	vmul.bf16 v5, v60;
	v4 =	vmul.bf16 v4, v59;
	v45 =	vld [tilespmem:s15+$0x0];
	[tilespmem:s20+$0xFFFFFF70] =	vst v24  }
0x2f7: {  	v47 =	vmul.bf16 v12, v35;
	v48 =	vmul.bf16 v15, v50;
	v24 =	vld [tilespmem:s15+$0xFFFFFC80]  }
0x2f8: {  	v6 =	vadd.bf16 v7, v6;
	v50 =	vmul.bf16 v13, v51;
	v51 =	vmul.bf16 v14, v38;
	v52 =	vld [tilespmem:s15+$0xFFFFFD00]  }
0x2f9: {  	v4 =	vadd.bf16 v5, v4;
	v12 =	vadd.bf16 v48, v47;
	v53 =	vld [tilespmem:s15+$0xFFFFFD80]  }
0x2fa: {  	v13 =	vadd.bf16 v51, v50;
	v5 =	vmul.bf16 v8, v62;
	v54 =	vmul.bf16 v11, v40;
	v55 =	vld [tilespmem:s15+$0xFFFFFE00]  }
0x2fb: {  	v4 =	vadd.bf16 v4, v6;
	v60 =	vmul.bf16 v9, v46;
	v61 =	vmul.bf16 v10, v49  }
0x2fc: {  	v5 =	vadd.bf16 v54, v5;
	v56 =	vmul.bf16 v21, v42;
	v57 =	vmul.bf16 v20, v43  }
0x2fd: {  	v9 =	vadd.bf16 v61, v60;
	v58 =	vmul.bf16 v22, v44;
	v59 =	vmul.bf16 v23, v45  }
0x2fe: {  	v12 =	vadd.bf16 v13, v12;
	v62 =	vmul.bf16 v18, v24;
	v7 =	vmul.bf16 v19, v52  }
0x2ff: {  	[tilespmem:s12+$0xFFFFFF80] =	vst v4;
	v4 =	vadd.bf16 v9, v5;
	v63 =	vmul.bf16 v17, v53;
	v11 =	vmul.bf16 v16, v55  }
0x300: {  	v13 =	vadd.bf16 v57, v56;
	v6 =	vadd.bf16 v59, v58  }
0x301: {  	v7 =	vadd.bf16 v7, v62;
	v8 =	vadd.bf16 v11, v63  }
.Ltmp7:
0x302: {  	s24 =	sadd.s32 s10, s8;
	[tilespmem:s0+$0x0] =	vst v12;
	v6 =	vadd.bf16 v6, v13;
	(pc) =	sbr.rel @p0 .LBB2_12-.Ltmp7, $4  }
0x303: {  	s1 =	sshll.u32 s24, $0x8;
	[tilespmem:s0+$0xFFFFFF80] =	vst v4;
	v5 =	vadd.bf16 v8, v7  }
0x304: {  	s26 =	sand.u32 $0x1FFFFF00, s1;
	[tilespmem:s20+$0x0] =	vst v6  }
0x305: {  	s0 =	sadd.s32 s2, s26;
	[tilespmem:s20+$0xFFFFFF80] =	vst v5  }
0x306: {  	[hbm4b:s0+s3] =	stream.linear.scatter [tilespmem:s31], [sflag:$0x8], $0x800, $0x38;
	[tilespmem:$0x5600] =	vst v63  }
.Ltmp8:
0x307: {  	s0 =	sadd.s32 s6, s11;
	(pc) =	sbr.rel .LBB2_2-.Ltmp8, $4  }
0x308: {  	s0 =	sshll.u32 s0, $0x6  }
0x309: {  	s0 =	sand.u32 $0x1FFFFFC0, s0  }
0x30a: {  	s9 =	sadd.s32 $0x1, s9;
	s0 =	sadd.s32 s7, s0  }
0x30b: {  	[tilespmem:s16], [sflag:$0x4] =	stream.linear.gather [hbm4b:s0+s3], $0x200, $0x38;
	[tilespmem:$0x5600] =	vst v63  }
.LBB2_13:
0x30c: {  	_ =	sfence.sel $0x180000  }
0x30d: {  	[bflag:$0x0] =	sbarrier.arrive $0xFFFF  }
0x30e: {  	_ =	strace $0x90000047  }
0x30f: {  	s0 =	stileid.u32;
	[bflag:$0x2] =	sbarrier.arrive $0xFFFF  }
0x310: {  	p0 =	sne.s32 s0, $0x0;
	s0 =	rddreg [dreg:$0x2]  }
0x311: {  	s0 =	sadd.s32 @!p0 $0x100000, s0  }
0x312: {  	[sflag:s0] =	ssyncadd.tile.s32 @!p0 $0x1;
	_ =	shalt  }
.Lfunc_end2:
_tile_overlayer_lowered:
.L_overlay_start_2:
0x313: {  	(tag) =	ssettag $0x2  }
0x314: {  	s0 =	rddreg [dreg:$0x0];
	s2 =	stileid.u32  }
0x315: {  	s1 =	rddreg [dreg:$0x1];
	p0 =	sne.s32 s2, $0x0  }
0x316: {  	s3 =	rddreg [dreg:$0x2];
	[bflag:$0x3] =	sbarrier.arrive $0xFFFF;
	s2 =	simm.s32 @!p0 $0x1C09  }
0x317: {  	[timem:s3], [sflag:s2] =	dma.local @!p0 [hbm:s0], s1  }
0x318: {  	s0 =	simm.s32 @!p0 $0x9  }
0x319: {  	_ =	swait.ge @!p0 [sflag:s0], s1  }
0x31a: {  	s1 =	ssub.s32 @!p0 $0x0, s1;
	[sflag:s0] =	ssyncset.done @!p0 $0x0  }
0x31b: {  	[sflag:s0] =	ssyncadd.s32 @!p0 s1  }
0x31c: {  	[bflag:$0x3] =	sbarrier.arrive $0xFFFF  }
0x31d: {  	_ =	shalt  }

// kernel: sparse-core-data-format-call.cloned.1.call-start
scs
called_computation_lowered:
.L_overlay_start_0:
0x0: {  	s2 =	sld [smem:$0x3FD9]  }
0x1: {  	s3 =	sld [smem:$0x3FFE];
	_ =	sdelay $0x1  }
0x2: {  	s1 =	srdreg.scid  }
0x3: {  	s0 =	sand.u32 $0x1, s1  }
0x4: {  	s18 =	sshll.u32 s0, $0xA;
	s2 =	sadd.s32 s3, s2  }
0x5: {  	s2 =	sadd.s32 s2, s18  }
0x6: {  	[smem:$0x3FC6] =	sst s2  }
0x7: {  	_ = 	snop  }
0x8: {  	s2 =	sld [smem:$0x3FD0];
	(tm) =	ssettm $0x1  }
0x9: {  	s19 =	sld [smem:$0x3FFB];
	_ =	sdelay $0x3  }
0xa: {  	_ =	strace s19  }
0xb: {  	s3 =	sld [smem:$0x3FFC];
	_ =	sdelay $0x3  }
0xc: {  	_ =	strace s3  }
0xd: {  	s3 =	sld [smem:$0x3FFD];
	_ =	sdelay $0x3  }
0xe: {  	_ =	strace s3  }
0xf: {  	_ =	strace $0x8FFFFFFF  }
0x10: {  	s20 =	sld [smem:$0x3FDB];
	_ =	sdelay $0x1  }
0x11: {  	s4 =	simm.s32 $_scs_section_size  }
0x12: {  	s5 =	simm.s32 $_size__tile_overlayer_lowered;
	s6 =	simm.s32 $_tile_overlayer_lowered  }
0x13: {  	s23 =	simm.s32 $0x1BFF;
	s22 =	sshll.u32 s6, $0x1;
	s3 =	sadd.s32 s4, s20  }
0x14: {  	s7 =	simm.s32 $0x0;
	s21 =	sshll.u32 s5, $0x1;
	s5 =	sadd.s32 s22, s3  }
0x15: {  	[timem:s7], [sflag:s23] =	dma.local [hbm:s5], s21  }
0x16: {  	_ =	swait.ge [sflag:s23], s21  }
0x17: {  	s4 =	ssub.s32 $0x0, s21;
	[sflag:s23] =	ssyncset.done $0x0  }
0x18: {  	[sflag:s23] =	ssyncadd.s32 s4;
	_ =	sdelay $0x1  }
0x19: {  	s24 =	simm.s32 $0x1B8B  }
0x1a: {  	_ =	swait.ge [sflag:s24], $0x1  }
0x1b: {  	[sflag:s24] =	ssyncset.done $0x0  }
0x1c: {  	s26 =	simm.s32 $0x1B8E;
	s25 =	sld [smem:$0x3FFE];
	[sflag:s24] =	ssyncadd.s32 $0xFFFFFFFF  }
0x1d: {  	s27 =	simm.s32 $execute0_lowered;
	[smem:$0x3FD2] =	sst s26  }
0x1e: {  	s5 =	sshll.u32 s27, $0x1;
	_ =	strace $0x8000004C;
	[dreg:$0x1] =	wrdreg $0xFFFFFFFF  }
0x1f: {  	s28 =	simm.s32 $_size_execute0_lowered;
	s3 =	sadd.s32 s3, s5;
	[dreg:$0x0] =	wrdreg $0x0  }
0x20: {  	s5 =	sshll.u32 s28, $0x1;
	[dreg:$0x2] =	wrdreg s3  }
0x21: {  	[dreg:$0x3] =	wrdreg s5  }
0x22: {  	[dreg:$0x4] =	wrdreg $0xC0  }
0x23: {  	_ =	task [dreg:s7], $0x5FFFF  }
0x24: {  	[dreg:$0x1] =	wrdreg $0xFFFFFFFF  }
0x25: {  	[dreg:$0x0] =	wrdreg $0x60  }
0x26: {  	[dreg:$0x2] =	wrdreg s25  }
0x27: {  	[dreg:$0x3] =	wrdreg s2  }
0x28: {  	[dreg:$0x4] =	wrdreg $0x9  }
0x29: {  	_ =	task.clear_ibuf [dreg:s7], $0x5FFFF;
	_ =	strace $0x9000004C  }
0x2a: {  	s29 =	simm.s32 $0x9;
	_ =	strace $0x8000004E  }
0x2b: {  	_ =	swait.ge [sflag:s29], $0x1  }
0x2c: {  	[sflag:s29] =	ssyncadd.s32 $0xFFFFFFFF  }
0x2d: {  	_ =	strace $0x9000004E  }
0x2e: {  	_ =	sfence  }
0x2f: {  	s30 =	sld [smem:$0x0];
	_ =	sdelay $0x2  }
0x30: {  	s31 =	sshll.u32 s1, $0xD;
	s1 =	sshrl.u32 s1, $0x2  }
0x31: {  	s3 =	sand.u32 $0x4000, s31;
	s1 =	sadd.s32 s1, s30  }
0x32: {  	s0 =	sor.u32 s3, s0;
	s1 =	sshll.u32 s1, $0x11  }
0x33: {  	s0 =	sor.u32 s1, s0  }
0x34: {  	s0 =	sadd.s32 $0x8F2B, s0  }
0x35: {  	[sflag:s0] =	ssyncadd.remote.s32 $0x1  }
0x36: {  	_ =	sfence.sel $0xFFFF  }
0x37: {  	[dreg:$0x0] =	wrdreg $0xFFFFFFFF;
	(pc) =	sbr.abs _section_cstart, $3  }
0x38: {  	[dreg:$0x1] =	wrdreg $0xFFFFFFFF  }
0x39: {  	_ =	task.clear_ibuf [dreg:s7], $0x2FFFF;
	_ =	strace $0x9FFFFFFF  }
0x3a: {  	(tm) =	ssettm $0x7FFFFFFF  }
0x3b: {  	_ =	shalt  }
tec
execute0_lowered:
.L_overlay_start_1:
0x0: {  	(tag) =	ssettag $0x1  }
0x1: {  	s1 =	srdreg.scid  }
0x2: {  	s0 =	stileid.u32;
	s7 =	rddreg [dreg:$0x0]  }
0x3: {  	s31 =	simm.s32 $0x2;
	s19 =	simm.s32 $0x0;
	s9 =	simm.s32 $0x400  }
0x4: {  	s10 =	simm.s32 $0x800;
	s2 =	sshll.u32 s1, $0x7;
	s1 =	sshll.u32 s0, $0x7  }
0x5: {  	s11 =	simm.s32 $0x0;
	s2 =	sand.u32 $0x80, s2;
	s3 =	ssub.s32 $0x800, s1  }
0x6: {  	s5 =	sshrl.u32 s3, $0xB;
	s3 =	sand.u32 $0x780, s3;
	s4 =	ssub.s32 $0x100, s2  }
0x7: {  	p0 =	sne.s32 s3, $0x0;
	s3 =	simm.s32 $0x1;
	s6 =	sshrl.u32 s4, $0x7  }
0x8: {  	s8 =	sshrl.u32 s4, $0x8;
	s3 =	simm.s32 @!p0 $0x0;
	s6 =	sand.u32 $0x1, s6  }
0x9: {  	s16 =	simm.s32 $0x0;
	s5 =	sadd.s32 s3, s5;
	s6 =	sadd.s32 s8, s6  }
0xa: {  	s18 =	simm.s32 $0x0;
	s17 =	simm.s32 $0x0;
	s6 =	smul.u32 s6, s5  }
.Ltmp0:
0xb: {  	s12 =	simm.s32 $0x0;
	s4 =	rddreg [dreg:$0x1];
	(pc) =	sbr.rel .LBB1_1-.Ltmp0, $4  }
0xc: {  	s13 =	simm.s32 $0x0;
	s15 =	simm.s32 $0x0;
	s3 =	rddreg [dreg:$0x2]  }
0xd: {  	_ =	strace $0x8000004D;
	s5 =	simm.s32 $0x1;
	s6 =	smul.u32 $0x31, s6  }
0xe: {  	s14 =	smov.u32 s1;
	s7 =	sadd.s32 s2, s7;
	[sflag:s5] =	ssyncpa.u1 $0x0  }
0xf: {  	s7 =	sadd.s32 $0x40E200, s7;
	[sflag:s31] =	ssyncpa.u1 $0x0;
	s8 =	sadd.s32 $0x1, s6  }
.LBB1_4:
0x10: {  	_ =	sdelay $0x3  }
0x11: {  	[tilespmem:v0+s22+$0xFFFFFFD0 ss:$0x1] =	vst.idx.msk $0xffff, v6  }
0x12: {  	v56 =	vld.idx.msk [tilespmem:v1+s21+$0x0 ss:$0x1], $0xffff;
	[tilespmem:v0+s22+$0xFFFFFFE0 ss:$0x1] =	vst.idx.msk $0xffff, v4  }
0x13: {  	v57 =	vld.idx.msk [tilespmem:v1+s21+$0xFFFFFF90 ss:$0x1], $0xffff;
	[tilespmem:v0+s22+$0xFFFFFFF0 ss:$0x1] =	vst.idx.msk $0xffff, v2  }
0x14: {  	v58 =	vld.idx.msk [tilespmem:v1+s21+$0xFFFFFFA0 ss:$0x1], $0xffff;
	[tilespmem:v0+s22+$0x0 ss:$0x1] =	vst.idx.msk $0xffff, v3  }
0x15: {  	v59 =	vld.idx.msk [tilespmem:v1+s21+$0xFFFFFFB0 ss:$0x1], $0xffff;
	[tilespmem:v0+s22+$0x10 ss:$0x1] =	vst.idx.msk $0xffff, v5  }
0x16: {  	v60 =	vld.idx.msk [tilespmem:v1+s21+$0xFFFFFFC0 ss:$0x1], $0xffff;
	[tilespmem:v0+s22+$0x20 ss:$0x1] =	vst.idx.msk $0xffff, v7  }
0x17: {  	v61 =	vld.idx.msk [tilespmem:v1+s21+$0xFFFFFFD0 ss:$0x1], $0xffff;
	[tilespmem:v0+s21+$0x30 ss:$0x1] =	vst.idx.msk $0xffff, v56  }
0x18: {  	s28 =	sshll.u32 s17, $0x8;
	v62 =	vld.idx.msk [tilespmem:v1+s21+$0xFFFFFFE0 ss:$0x1], $0xffff;
	s19 =	sshll.u32 s19, $0x3;
	[tilespmem:v0+s21+$0xFFFFFFC0 ss:$0x1] =	vst.idx.msk $0xffff, v57  }
0x19: {  	s23 =	sshll.u32 s17, $0x7;
	v63 =	vld.idx.msk [tilespmem:v1+s21+$0xFFFFFFF0 ss:$0x1], $0xffff;
	s18 =	smul.u32 $0x70000, s18;
	s22 =	sand.u32 $0x7F800, s28;
	[tilespmem:v0+s21+$0xFFFFFFD0 ss:$0x1] =	vst.idx.msk $0xffff, v58  }
0x1a: {  	s16 =	sshll.u32 s16, $0x10;
	s29 =	sand.u32 $0x300, s23;
	s19 =	sor.u32 s22, s19;
	[tilespmem:v0+s21+$0xFFFFFFE0 ss:$0x1] =	vst.idx.msk $0xffff, v59  }
0x1b: {  	s30 =	sshll.u32 s17, $0x4;
	s18 =	sadd.s32 s4, s18;
	s19 =	sor.u32 s29, s19;
	[tilespmem:v0+s21+$0xFFFFFFF0 ss:$0x1] =	vst.idx.msk $0xffff, v60  }
0x1c: {  	s17 =	sand.u32 $0x10, s30;
	s16 =	sadd.s32 s16, s18;
	s19 =	sshrl.u32 s19, $0x3;
	[tilespmem:v0+s21+$0x0 ss:$0x1] =	vst.idx.msk $0xffff, v61  }
0x1d: {  	s16 =	sadd.s32 s17, s16;
	[tilespmem:v0+s21+$0x10 ss:$0x1] =	vst.idx.msk $0xffff, v62;
	s31 =	sand.u32 $0xFFE0, s19  }
0x1e: {  	[tilespmem:v0+s21+$0x20 ss:$0x1] =	vst.idx.msk $0xffff, v63;
	s16 =	sadd.s32 s31, s16  }
0x1f: {  	[hbm4b:s16+s9] =	stream.strided.scatter [tilespmem:s20], [sflag:$0x2], $0x4000, s10, s9, $0x38;
	[tilespmem:$0x10000] =	vst v63  }
.LBB1_5:
0x20: {  	s20 =	sadd.s32 $0x1, s12  }
0x21: {  	s16 =	simm.s32 $0x1;
	p1 =	sgt.s32 s20, $0x6  }
0x22: {  	s16 =	simm.s32 @!p1 $0x0  }
0x23: {  	s21 =	sadd.s32 s16, s13  }
0x24: {  	s22 =	smov.u32 s14;
	s16 =	sadd.s32 $0x800, s14;
	p2 =	sgt.s32 s21, $0x6  }
0x25: {  	s22 =	smov.u32 @p2 s16  }
0x26: {  	p0 =	slt.u32 s15, $0x2;
	s20 =	simm.s32 @p1 $0x0;
	p1 =	sgt.s32 s22, $0x7FF  }
0x27: {  	s19 =	simm.s32 @!p0 $0x2;
	s22 =	smov.u32 @p1 s1;
	p1 =	sne.s32 s15, s8  }
.Ltmp1:
0x28: {  	_ =	swait.ge @!p0 [sflag:s19], $0x4000;
	(pc) =	sbr.rel @!p1 .LBB1_6-.Ltmp1, $4  }
0x29: {  	s18 =	smov.u32 s13;
	s17 =	smov.u32 s14;
	[sflag:s19] =	ssyncset.done @!p0 $0x0  }
0x2a: {  	s11 =	sadd.s32 $0x4000, s11;
	[sflag:s19] =	ssyncadd.s32 @!p0 $0xFFFFC000;
	s19 =	smov.u32 s2  }
0x2b: {  	s21 =	simm.s32 @p2 $0x0;
	s16 =	smov.u32 s12;
	s12 =	smov.u32 s20  }
0x2c: {  	s13 =	smov.u32 s21;
	s15 =	sadd.s32 $0x1, s15;
	s14 =	smov.u32 s22  }
.LBB1_1:
0x2d: {  	p0 =	sge.u32 s15, s6  }
0x2e: {  	s21 =	smul.u32 @!p0 $0x700, s14  }
0x2f: {  	s31 =	sadd.s32 $0xFFFFFFFF, s15;
	s20 =	sxor.u32 @!p0 $0xFFFFFFFF, s15;
	s22 =	sshll.u32 @!p0 s13, $0x8  }
0x30: {  	s23 =	sshll.u32 @!p0 s12, $0x4;
	s20 =	sshll.u32 @!p0 s20, $0xE;
	s21 =	sadd.s32 @!p0 s21, s7  }
0x31: {  	s23 =	sand.u32 @!p0 $0x70, s23;
	s20 =	sand.u32 @!p0 $0x4000, s20;
	s21 =	sadd.s32 @!p0 s22, s21  }
0x32: {  	s22 =	simm.s32 @!p0 $0x80;
	s21 =	sadd.s32 @!p0 s23, s21;
	s23 =	simm.s32 @!p0 $0x3800  }
0x33: {  	[tilespmem:s20], [sflag:$0x1] =	stream.strided.gather @!p0 [hbm4b:s21+s22], $0x4000, s23, s22, $0x38;
	[tilespmem:$0x10000] =	vst v63  }
0x34: {  	p0 =	sge.u32 s31, s6  }
.Ltmp2:
0x35: {  	_ = 	snop;
	(pc) =	sbr.rel @p0 .LBB1_5-.Ltmp2, $1  }
0x36: {  	_ =	sdelay $0x3  }
0x37: {  	s20 =	sand.u32 $0x4000, s11  }
0x38: {  	s21 =	sor.u32 $0x70, s20  }
0x39: {  	v1 =	vmov s21;
	_ =	sdelay $0x1  }
0x3a: {  	_ =	swait.ge [sflag:s5], $0x4000  }
0x3b: {  	[sflag:s5] =	ssyncset.done $0x0  }
0x3c: {  	s22 =	simm.s32 $0x0;
	[sflag:s5] =	ssyncadd.s32 $0xFFFFC000  }
0x3d: {  	s20 =	sor.u32 $0x8040, s20;
	v7 =	vld.idx.msk [tilespmem:v1+s22+$0x0 ss:$0x1], $0xffff  }
0x3e: {  	v0 =	vmov s20;
	v8 =	vld.idx.msk [tilespmem:v1+s22+$0xFFFFFF90 ss:$0x1], $0xffff  }
0x3f: {  	v6 =	vld.idx.msk [tilespmem:v1+s22+$0xFFFFFFA0 ss:$0x1], $0xffff  }
0x40: {  	v4 =	vld.idx.msk [tilespmem:v1+s22+$0xFFFFFFB0 ss:$0x1], $0xffff  }
0x41: {  	v2 =	vld.idx.msk [tilespmem:v1+s22+$0xFFFFFFC0 ss:$0x1], $0xffff  }
0x42: {  	s31 =	sshll.u32 s15, $0xE;
	v3 =	vld.idx.msk [tilespmem:v1+s22+$0xFFFFFFD0 ss:$0x1], $0xffff  }
0x43: {  	s20 =	sand.u32 $0x4000, s31;
	v5 =	vld.idx.msk [tilespmem:v1+s22+$0xFFFFFFE0 ss:$0x1], $0xffff;
	[tilespmem:v0+s22+$0x30 ss:$0x1] =	vst.idx.msk $0xffff, v7  }
0x44: {  	s23 =	simm.s32 $0x400;
	s21 =	simm.s32 $0x80;
	s20 =	sor.u32 $0x8000, s20;
	[tilespmem:v0+s22+$0xFFFFFFC0 ss:$0x1] =	vst.idx.msk $0xffff, v8;
	v7 =	vld.idx.msk [tilespmem:v1+s22+$0xFFFFFFF0 ss:$0x1], $0xffff  }
.LBB1_3:
0x45: {  	p0 =	sne.s32 s23, $0xFE00;
	v8 =	vld.idx.msk [tilespmem:v1+s21+$0x0 ss:$0x1], $0xffff;
	[tilespmem:v0+s22+$0xFFFFFFD0 ss:$0x1] =	vst.idx.msk $0xffff, v6  }
0x46: {  	v9 =	vld.idx.msk [tilespmem:v1+s21+$0xFFFFFF90 ss:$0x1], $0xffff;
	[tilespmem:v0+s22+$0xFFFFFFE0 ss:$0x1] =	vst.idx.msk $0xffff, v4  }
0x47: {  	v6 =	vld.idx.msk [tilespmem:v1+s21+$0xFFFFFFA0 ss:$0x1], $0xffff;
	[tilespmem:v0+s22+$0xFFFFFFF0 ss:$0x1] =	vst.idx.msk $0xffff, v2  }
.Ltmp3:
0x48: {  	v4 =	vld.idx.msk [tilespmem:v1+s21+$0xFFFFFFB0 ss:$0x1], $0xffff;
	[tilespmem:v0+s22+$0x0 ss:$0x1] =	vst.idx.msk $0xffff, v3;
	(pc) =	sbr.rel @p0 .LBB1_3-.Ltmp3, $4  }
0x49: {  	v2 =	vld.idx.msk [tilespmem:v1+s21+$0xFFFFFFC0 ss:$0x1], $0xffff;
	[tilespmem:v0+s22+$0x10 ss:$0x1] =	vst.idx.msk $0xffff, v5  }
0x4a: {  	v3 =	vld.idx.msk [tilespmem:v1+s21+$0xFFFFFFD0 ss:$0x1], $0xffff;
	[tilespmem:v0+s22+$0x20 ss:$0x1] =	vst.idx.msk $0xffff, v7;
	s22 =	smov.u32 s21  }
0x4b: {  	v5 =	vld.idx.msk [tilespmem:v1+s22+$0xFFFFFFE0 ss:$0x1], $0xffff;
	[tilespmem:v0+s22+$0x30 ss:$0x1] =	vst.idx.msk $0xffff, v8  }
0x4c: {  	s21 =	sshra.s32 s23, $0x2;
	s23 =	sadd.s32 $0x200, s23;
	[tilespmem:v0+s22+$0xFFFFFFC0 ss:$0x1] =	vst.idx.msk $0xffff, v9;
	v7 =	vld.idx.msk [tilespmem:v1+s22+$0xFFFFFFF0 ss:$0x1], $0xffff  }
.Ltmp4:
0x4d: {  	_ = 	snop;
	(pc) =	sbr.rel .LBB1_4-.Ltmp4, $1  }
0x4e: {  	_ =	sdelay $0x3  }
.LBB1_6:
0x4f: {  	_ =	sfence.sel $0x180000  }
0x50: {  	s1 =	simm.s32 $0x1;
	[bflag:$0x0] =	sbarrier.arrive $0xFFFF  }
0x51: {  	s31 =	simm.s32 $0x2;
	[sflag:s1] =	ssyncpa.u1 $0x1  }
0x52: {  	[sflag:s31] =	ssyncpa.u1 $0x1  }
0x53: {  	p0 =	sne.s32 s0, $0x0;
	_ =	strace $0x9000004D  }
0x54: {  	s0 =	sadd.s32 @!p0 $0x100000, s3;
	[bflag:$0x2] =	sbarrier.arrive $0xFFFF  }
0x55: {  	[sflag:s0] =	ssyncadd.tile.s32 @!p0 $0x1;
	_ =	shalt  }
.Lfunc_end1:
_tile_overlayer_lowered:
.L_overlay_start_2:
0x56: {  	(tag) =	ssettag $0x2  }
0x57: {  	s0 =	rddreg [dreg:$0x0];
	s2 =	stileid.u32  }
0x58: {  	s1 =	rddreg [dreg:$0x1];
	p0 =	sne.s32 s2, $0x0  }
0x59: {  	s3 =	rddreg [dreg:$0x2];
	[bflag:$0x3] =	sbarrier.arrive $0xFFFF;
	s2 =	simm.s32 @!p0 $0x1C01  }
0x5a: {  	[timem:s3], [sflag:s2] =	dma.local @!p0 [hbm:s0], s1  }
0x5b: {  	s0 =	simm.s32 @!p0 $0x1  }
0x5c: {  	_ =	swait.ge @!p0 [sflag:s0], s1  }
0x5d: {  	s1 =	ssub.s32 @!p0 $0x0, s1;
	[sflag:s0] =	ssyncset.done @!p0 $0x0  }
0x5e: {  	[sflag:s0] =	ssyncadd.s32 @!p0 s1  }
0x5f: {  	[bflag:$0x3] =	sbarrier.arrive $0xFFFF  }
0x60: {  	_ =	shalt  }

</sc_bundles>
